<compile_context>
chip_gen: v7x
topology: tpu7x:2x2x1
jax: 0.10.2.dev20260603
libtpu: 0.0.44.dev20260713+nightly
codegen_flags: <defaults>
</compile_context>

<pallas_src>
import functools

import jax
import jax.numpy as jnp
from jax import lax
from jax.experimental import pallas as pl
from jax.experimental.pallas import tpu as pltpu
from jax.experimental.pallas import tpu_sc as plsc

VOCAB = 1000000
HID = 64
B = 16384
L = 50
POS_ROWS = 128

NC = 2
NS = 16
NW = NC * NS

BB = 128
NBB = B // BB
BB_PW = NBB // NW
VECS = HID // 16
SLAB = 8 * 8 * BB
POS_COPY = 56


def _sc_body(idxt_hbm, w_hbm, pos_hbm, out_hbm, idx_v, wide, sbuf, pos_v,
             gsem0, gsem1, osem0, osem1):
    wid = lax.axis_index("s") * NC + lax.axis_index("c")
    pltpu.sync_copy(pos_hbm.at[pl.ds(0, POS_COPY)], pos_v)
    gsems = (gsem0, gsem1)
    osems = (osem0, osem1)

    iota = lax.iota(jnp.int32, 16)
    hbv = [(2 * q) + (iota >> 3) for q in range(VECS)]
    hiv = iota & 7

    def gather_copy(lc, s):
        return pltpu.make_async_copy(
            w_hbm.at[idx_v.at[lc]], wide.at[s], gsems[s])

    def store_copy(lc, bbx, s):
        return pltpu.make_async_copy(
            sbuf.at[s].at[:, :, pl.ds(0, BB)],
            out_hbm.at[lc, :, bbx, :, :], osems[s])

    def wait_store(s):
        pltpu.make_async_copy(
            sbuf.at[s].at[:, :, pl.ds(0, BB)],
            out_hbm.at[0, :, 0, :, :], osems[s]).wait()

    def shuffle_add(lc, s):
        posv = [pos_v[lc, pl.ds(q * 16, 16)] for q in range(VECS)]

        @plsc.parallel_loop(0, BB, step=1, unroll=4)
        def _bi(bi):
            bivec = jnp.full((16,), 0, jnp.int32) + bi
            for q in range(VECS):
                v = wide[s, bi, pl.ds(q * 16, 16)] + posv[q]
                plsc.store_scatter(sbuf.at[s], [hbv[q], hiv, bivec], v)

    for bbi in range(BB_PW):
        bbx = wid * BB_PW + bbi
        b0 = pl.multiple_of(bbx * BB, BB)
        pltpu.sync_copy(idxt_hbm.at[:, pl.ds(b0, BB)], idx_v)

        gather_copy(0, 0).start()

        @pl.loop(0, L, step=2)
        def _chunks(c0):
            for b in range(2):
                c = c0 + b
                nxt = c + 1

                @pl.when(nxt < L)
                def _prefetch():
                    @pl.when(c >= 1)
                    def _drain_prev_store():
                        wait_store(1 - b)

                    gather_copy(nxt, 1 - b).start()

                gather_copy(c, b).wait()
                shuffle_add(c, b)
                store_copy(c, bbx, b).start()

        wait_store(0)
        wait_store(1)


@jax.jit
def _phrase_embedding_sc(idxt, w, pos):
    mesh = plsc.VectorSubcoreMesh(
        core_axis_name="c", subcore_axis_name="s",
        num_cores=NC, num_subcores=NS)
    call = functools.partial(
        pl.kernel,
        out_type=jax.ShapeDtypeStruct((L, HID // 8, NBB, 8, BB), jnp.float32),
        mesh=mesh,
        scratch_types=[
            pltpu.VMEM((L, BB), jnp.int32),
            pltpu.VMEM((2, BB, HID), jnp.float32),
            pltpu.VMEM((2, 8, 8, BB + 1), jnp.float32),
            pltpu.VMEM((POS_COPY, HID), jnp.float32),
            pltpu.SemaphoreType.DMA,
            pltpu.SemaphoreType.DMA,
            pltpu.SemaphoreType.DMA,
            pltpu.SemaphoreType.DMA,
        ],
        compiler_params=pltpu.CompilerParams(use_tc_tiling_on_sc=False,
                                             needs_layout_passes=False),
    )(_sc_body)
    return call(idxt, w, pos)


def kernel(phrase, W, pos_emb):
    idxt = phrase.astype(jnp.int32).T
    out5 = _phrase_embedding_sc(idxt, W, pos_emb)
    return out5.transpose(2, 4, 0, 1, 3).reshape(B, L, HID)

# --- scband reference (transcript-rebuilt; emitter-appended) ---
"""Pipeline reference for scband-phrase-embedding-17111149707683 (READ-ONLY COPY).

The authoritative reference and input builder live on the scoring server;
editing this copy changes nothing except your own understanding.
"""

import jax, jax.numpy as jnp
import numpy as np

VOCAB = 1000000
HID = 64
B = 16384
L = 50
POS_ROWS = 128

def setup_inputs(seed: int = 0) -> dict:
    key = jax.random.key(seed)
    k1, k2, k3 = jax.random.split(key, 3)
    phrase = jax.random.randint(k1, (B, L), 0, VOCAB, dtype=jnp.int64) if jax.config.jax_enable_x64 else jax.random.randint(k1, (B, L), 0, VOCAB, dtype=jnp.int32)
    W = jax.random.normal(k2, (VOCAB, HID), dtype=jnp.float32) * 0.02
    pos_emb = jax.random.normal(k3, (POS_ROWS, HID), dtype=jnp.float32) * 0.02
    return {"phrase": phrase, "W": W, "pos_emb": pos_emb}

def reference(phrase, W, pos_emb):
    # phrase: int[B, L]; W: float32[VOCAB, HID]; pos_emb: float32[128, HID]
    Lcur = phrase.shape[1]
    emb = jnp.take(W, phrase, axis=0)          # gather: [B, L, HID]
    return emb + pos_emb[:Lcur]                 # broadcast add of positional encoding

if __name__ == "__main__":
    import jax
    _d = setup_inputs()
    print(jax.jit(kernel)(*tuple(_d.values())))

</pallas_src>

<mosaic_0001>
#map = affine_map<(d0, d1) -> (0, 0)>
#map1 = affine_map<(d0, d1) -> (0, 0, 0, 0, 0)>
module attributes {stable_mosaic.version = 14 : i64} {
  func.func @_sc_body(%arg0: i32, %arg1: i32, %arg2: memref<50x16384xi32, #tpu.memory_space<hbm>>, %arg3: memref<1000000x64xf32, #tpu.memory_space<hbm>>, %arg4: memref<128x64xf32, #tpu.memory_space<hbm>>, %arg5: memref<50x8x128x8x128xf32, #tpu.memory_space<hbm>>, %arg6: memref<50x128xi32, #tpu.memory_space<vmem>>, %arg7: memref<2x128x64xf32, #tpu.memory_space<vmem>>, %arg8: memref<2x8x8x129xf32, #tpu.memory_space<vmem>>, %arg9: memref<56x64xf32, #tpu.memory_space<vmem>>, %arg10: memref<!tpu.dma_semaphore, #tpu.memory_space<semaphore_mem>>, %arg11: memref<!tpu.dma_semaphore, #tpu.memory_space<semaphore_mem>>, %arg12: memref<!tpu.dma_semaphore, #tpu.memory_space<semaphore_mem>>, %arg13: memref<!tpu.dma_semaphore, #tpu.memory_space<semaphore_mem>>) attributes {dimension_semantics = [#tpu.dimension_semantics<core_parallel>, #tpu.dimension_semantics<subcore_parallel>], iteration_bounds = array<i64: 2, 16>, scalar_prefetch = 0 : i64, scratch_operands = 8 : i64, tpu.core_type = #tpu.core_type<sc_vector_subcore>, window_params = [{transform_indices = #map}, {transform_indices = #map}, {transform_indices = #map}, {transform_indices = #map1}]} {
    %mul3A = arith.constant 2 : i32
    %mul3A_0 = arith.muli %arg1, %mul3A : i32
    %add3A = arith.addi %mul3A_0, %arg0 : i32
    "tpu.region"() ({
      %run_scoped3A = tpu.sem_alloc : memref<!tpu.dma_semaphore, #tpu.memory_space<semaphore_mem>>
      %dma_start3A_366 = arith.constant 0 : i32
      %dma_start3A_367 = arith.constant 0 : i32
      %dma_start3A_368 = tpu.memref_slice %arg4[%dma_start3A_366, %dma_start3A_367] : memref<128x64xf32, #tpu.memory_space<hbm>> -> memref<56x64xf32, #tpu.memory_space<hbm>>
      %dma_start3A_369 = arith.constant 0 : i32
      %dma_start3A_370 = arith.constant 0 : i32
      %dma_start3A_371 = tpu.memref_slice %arg4[%dma_start3A_369, %dma_start3A_370] : memref<128x64xf32, #tpu.memory_space<hbm>> -> memref<56x64xf32, #tpu.memory_space<hbm>>
      tpu.enqueue_dma source(%dma_start3A_371 : memref<56x64xf32, #tpu.memory_space<hbm>>) target(%arg9 : memref<56x64xf32, #tpu.memory_space<vmem>>) target_semaphore(%run_scoped3A : memref<!tpu.dma_semaphore, #tpu.memory_space<semaphore_mem>>)
      %dma_wait3A_372 = arith.constant 0 : i32
      %dma_wait3A_373 = arith.constant 0 : i32
      %dma_wait3A_374 = tpu.memref_slice %arg4[%dma_wait3A_372, %dma_wait3A_373] : memref<128x64xf32, #tpu.memory_space<hbm>> -> memref<56x64xf32, #tpu.memory_space<hbm>>
      %dma_wait3A_375 = arith.constant 0 : i32
      %dma_wait3A_376 = arith.constant 0 : i32
      %dma_wait3A_377 = tpu.memref_slice %arg4[%dma_wait3A_375, %dma_wait3A_376] : memref<128x64xf32, #tpu.memory_space<hbm>> -> memref<56x64xf32, #tpu.memory_space<hbm>>
      tpu.wait_dma2 semaphore(%run_scoped3A : memref<!tpu.dma_semaphore, #tpu.memory_space<semaphore_mem>>) src(%dma_wait3A_377 : memref<56x64xf32, #tpu.memory_space<hbm>>) dst(%arg9 : memref<56x64xf32, #tpu.memory_space<vmem>>)
      tpu.yield
    }) : () -> ()
    %iota3A = tpu.iota {dimensions = array<i32: 0>} : vector<16xi32>
    %shift_right_arithmetic3A = arith.constant 3 : i32
    %shift_right_arithmetic3A_1 = vector.broadcast %shift_right_arithmetic3A : i32 to vector<16xi32>
    %shift_right_arithmetic3A_2 = arith.shrsi %iota3A, %shift_right_arithmetic3A_1 : vector<16xi32>
    %add3A_3 = arith.constant 0 : i32
    %add3A_4 = vector.broadcast %add3A_3 : i32 to vector<16xi32>
    %add3A_5 = arith.addi %add3A_4, %shift_right_arithmetic3A_2 : vector<16xi32>
    %shift_right_arithmetic3A_6 = arith.constant 3 : i32
    %shift_right_arithmetic3A_7 = vector.broadcast %shift_right_arithmetic3A_6 : i32 to vector<16xi32>
    %shift_right_arithmetic3A_8 = arith.shrsi %iota3A, %shift_right_arithmetic3A_7 : vector<16xi32>
    %add3A_9 = arith.constant 2 : i32
    %add3A_10 = vector.broadcast %add3A_9 : i32 to vector<16xi32>
    %add3A_11 = arith.addi %add3A_10, %shift_right_arithmetic3A_8 : vector<16xi32>
    %shift_right_arithmetic3A_12 = arith.constant 3 : i32
    %shift_right_arithmetic3A_13 = vector.broadcast %shift_right_arithmetic3A_12 : i32 to vector<16xi32>
    %shift_right_arithmetic3A_14 = arith.shrsi %iota3A, %shift_right_arithmetic3A_13 : vector<16xi32>
    %add3A_15 = arith.constant 4 : i32
    %add3A_16 = vector.broadcast %add3A_15 : i32 to vector<16xi32>
    %add3A_17 = arith.addi %add3A_16, %shift_right_arithmetic3A_14 : vector<16xi32>
    %shift_right_arithmetic3A_18 = arith.constant 3 : i32
    %shift_right_arithmetic3A_19 = vector.broadcast %shift_right_arithmetic3A_18 : i32 to vector<16xi32>
    %shift_right_arithmetic3A_20 = arith.shrsi %iota3A, %shift_right_arithmetic3A_19 : vector<16xi32>
    %add3A_21 = arith.constant 6 : i32
    %add3A_22 = vector.broadcast %add3A_21 : i32 to vector<16xi32>
    %add3A_23 = arith.addi %add3A_22, %shift_right_arithmetic3A_20 : vector<16xi32>
    %and3A = arith.constant 7 : i32
    %and3A_24 = vector.broadcast %and3A : i32 to vector<16xi32>
    %and3A_25 = arith.andi %iota3A, %and3A_24 : vector<16xi32>
    %mul3A_26 = arith.constant 4 : i32
    %mul3A_27 = arith.muli %add3A, %mul3A_26 : i32
    %add3A_28 = arith.constant 0 : i32
    %add3A_29 = arith.addi %mul3A_27, %add3A_28 : i32
    %mul3A_30 = arith.constant 128 : i32
    %mul3A_31 = arith.muli %add3A_29, %mul3A_30 : i32
    %multiple_of3A = tpu.assume_multiple %mul3A_31, 128 : i32
    "tpu.region"() ({
      %run_scoped3A = tpu.sem_alloc : memref<!tpu.dma_semaphore, #tpu.memory_space<semaphore_mem>>
      %dma_start3A_366 = arith.constant 0 : i32
      %dma_start3A_367 = tpu.memref_slice %arg2[%dma_start3A_366, %multiple_of3A] : memref<50x16384xi32, #tpu.memory_space<hbm>> -> memref<50x128xi32, #tpu.memory_space<hbm>>
      %dma_start3A_368 = arith.constant 0 : i32
      %dma_start3A_369 = tpu.memref_slice %arg2[%dma_start3A_368, %multiple_of3A] : memref<50x16384xi32, #tpu.memory_space<hbm>> -> memref<50x128xi32, #tpu.memory_space<hbm>>
      tpu.enqueue_dma source(%dma_start3A_369 : memref<50x128xi32, #tpu.memory_space<hbm>>) target(%arg6 : memref<50x128xi32, #tpu.memory_space<vmem>>) target_semaphore(%run_scoped3A : memref<!tpu.dma_semaphore, #tpu.memory_space<semaphore_mem>>)
      %dma_wait3A_370 = arith.constant 0 : i32
      %dma_wait3A_371 = tpu.memref_slice %arg2[%dma_wait3A_370, %multiple_of3A] : memref<50x16384xi32, #tpu.memory_space<hbm>> -> memref<50x128xi32, #tpu.memory_space<hbm>>
      %dma_wait3A_372 = arith.constant 0 : i32
      %dma_wait3A_373 = tpu.memref_slice %arg2[%dma_wait3A_372, %multiple_of3A] : memref<50x16384xi32, #tpu.memory_space<hbm>> -> memref<50x128xi32, #tpu.memory_space<hbm>>
      tpu.wait_dma2 semaphore(%run_scoped3A : memref<!tpu.dma_semaphore, #tpu.memory_space<semaphore_mem>>) src(%dma_wait3A_373 : memref<50x128xi32, #tpu.memory_space<hbm>>) dst(%arg6 : memref<50x128xi32, #tpu.memory_space<vmem>>)
      tpu.yield
    }) : () -> ()
    %dma_start3A = arith.constant 0 : i32
    %dma_start3A_32 = arith.constant 0 : i32
    %dma_start3A_33 = arith.constant 0 : i32
    %dma_start3A_34 = arith.constant 0 : i32
    %dma_start3A_35 = tpu.memref_slice %arg7[%dma_start3A_32, %dma_start3A_33, %dma_start3A_34] : memref<2x128x64xf32, #tpu.memory_space<vmem>> -> memref<1x128x64xf32, #tpu.memory_space<vmem>>
    %dma_start3A_36 = tpu.memref_squeeze %dma_start3A_35 : memref<1x128x64xf32, #tpu.memory_space<vmem>> -> memref<128x64xf32, #tpu.memory_space<vmem>>
    %dma_start3A_37 = arith.constant 0 : i32
    %dma_start3A_38 = tpu.memref_slice %arg6[%dma_start3A, %dma_start3A_37] : memref<50x128xi32, #tpu.memory_space<vmem>> -> memref<1x128xi32, #tpu.memory_space<vmem>>
    %dma_start3A_39 = tpu.memref_squeeze %dma_start3A_38 : memref<1x128xi32, #tpu.memory_space<vmem>> -> memref<128xi32, #tpu.memory_space<vmem>>
    %dma_start3A_40 = arith.constant 0 : i32
    %dma_start3A_41 = arith.constant 0 : i32
    %dma_start3A_42 = tpu.memref_slice %arg3[%dma_start3A_40, %dma_start3A_41] : memref<1000000x64xf32, #tpu.memory_space<hbm>> -> memref<1000000x64xf32, #tpu.memory_space<hbm>>
    tpu.enqueue_indirect_dma source(%dma_start3A_42 : memref<1000000x64xf32, #tpu.memory_space<hbm>>) target(%dma_start3A_36 : memref<128x64xf32, #tpu.memory_space<vmem>>) offsets(%dma_start3A_39 : memref<128xi32, #tpu.memory_space<vmem>>) semaphore(%arg10 : memref<!tpu.dma_semaphore, #tpu.memory_space<semaphore_mem>>)
    %scan3A = arith.constant 0 : i32
    %scan3A_43 = arith.constant 25 : i32
    %scan3A_44 = arith.addi %scan3A, %scan3A_43 : i32
    %scan3A_45 = arith.constant 1 : i32
    scf.for %scan3A_366 = %scan3A to %scan3A_44 step %scan3A_45  : i32 {
      %mul3A_367 = arith.constant 2 : i32
      %mul3A_368 = arith.muli %scan3A_366, %mul3A_367 : i32
      %add3A_369 = arith.constant 0 : i32
      %add3A_370 = arith.addi %add3A_369, %mul3A_368 : i32
      %add3A_371 = arith.constant 0 : i32
      %add3A_372 = arith.addi %add3A_370, %add3A_371 : i32
      %add3A_373 = arith.constant 1 : i32
      %add3A_374 = arith.addi %add3A_372, %add3A_373 : i32
      %lt3A = arith.constant 50 : i32
      %lt3A_375 = arith.cmpi slt, %add3A_374, %lt3A : i32
      %convert_element_type3A = arith.extui %lt3A_375 : i1 to i32
      %cond3A = arith.constant 0 : i32
      %cond3A_376 = arith.cmpi ne, %convert_element_type3A, %cond3A : i32
      scf.if %cond3A_376 {
        %ge3A = arith.constant 1 : i32
        %ge3A_494 = arith.cmpi sge, %add3A_372, %ge3A : i32
        %convert_element_type3A_495 = arith.extui %ge3A_494 : i1 to i32
        %cond3A_496 = arith.constant 0 : i32
        %cond3A_497 = arith.cmpi ne, %convert_element_type3A_495, %cond3A_496 : i32
        scf.if %cond3A_497 {
          %dma_wait3A_509 = arith.constant 1 : i32
          %dma_wait3A_510 = arith.constant 0 : i32
          %dma_wait3A_511 = arith.constant 0 : i32
          %dma_wait3A_512 = arith.constant 0 : i32
          %dma_wait3A_513 = arith.constant 0 : i32
          %dma_wait3A_514 = arith.constant 0 : i32
          %dma_wait3A_515 = tpu.memref_slice %arg8[%dma_wait3A_509, %dma_wait3A_512, %dma_wait3A_513, %dma_wait3A_514] : memref<2x8x8x129xf32, #tpu.memory_space<vmem>> -> memref<1x8x8x129xf32, #tpu.memory_space<vmem>>
          %dma_wait3A_516 = tpu.memref_squeeze %dma_wait3A_515 : memref<1x8x8x129xf32, #tpu.memory_space<vmem>> -> memref<8x8x129xf32, #tpu.memory_space<vmem>>
          %dma_wait3A_517 = arith.constant 0 : i32
          %dma_wait3A_518 = arith.constant 0 : i32
          %dma_wait3A_519 = arith.constant 0 : i32
          %dma_wait3A_520 = tpu.memref_slice %dma_wait3A_516[%dma_wait3A_517, %dma_wait3A_518, %dma_wait3A_519] : memref<8x8x129xf32, #tpu.memory_space<vmem>> -> memref<8x8x128xf32, #tpu.memory_space<vmem>>
          %dma_wait3A_521 = arith.constant 0 : i32
          %dma_wait3A_522 = arith.constant 0 : i32
          %dma_wait3A_523 = arith.constant 0 : i32
          %dma_wait3A_524 = tpu.memref_slice %arg5[%dma_wait3A_510, %dma_wait3A_521, %dma_wait3A_511, %dma_wait3A_522, %dma_wait3A_523] : memref<50x8x128x8x128xf32, #tpu.memory_space<hbm>> -> memref<1x8x1x8x128xf32, #tpu.memory_space<hbm>>
          %dma_wait3A_525 = tpu.memref_squeeze %dma_wait3A_524 : memref<1x8x1x8x128xf32, #tpu.memory_space<hbm>> -> memref<8x8x128xf32, #tpu.memory_space<hbm>>
          %dma_wait3A_526 = arith.constant 0 : i32
          %dma_wait3A_527 = arith.constant 0 : i32
          %dma_wait3A_528 = arith.constant 0 : i32
          %dma_wait3A_529 = tpu.memref_slice %arg5[%dma_wait3A_510, %dma_wait3A_526, %dma_wait3A_511, %dma_wait3A_527, %dma_wait3A_528] : memref<50x8x128x8x128xf32, #tpu.memory_space<hbm>> -> memref<1x8x1x8x128xf32, #tpu.memory_space<hbm>>
          %dma_wait3A_530 = tpu.memref_squeeze %dma_wait3A_529 : memref<1x8x1x8x128xf32, #tpu.memory_space<hbm>> -> memref<8x8x128xf32, #tpu.memory_space<hbm>>
          %dma_wait3A_531 = arith.constant 0 : i32
          %dma_wait3A_532 = arith.constant 0 : i32
          %dma_wait3A_533 = arith.constant 0 : i32
          %dma_wait3A_534 = tpu.memref_slice %arg8[%dma_wait3A_509, %dma_wait3A_531, %dma_wait3A_532, %dma_wait3A_533] : memref<2x8x8x129xf32, #tpu.memory_space<vmem>> -> memref<1x8x8x129xf32, #tpu.memory_space<vmem>>
          %dma_wait3A_535 = tpu.memref_squeeze %dma_wait3A_534 : memref<1x8x8x129xf32, #tpu.memory_space<vmem>> -> memref<8x8x129xf32, #tpu.memory_space<vmem>>
          %dma_wait3A_536 = arith.constant 0 : i32
          %dma_wait3A_537 = arith.constant 0 : i32
          %dma_wait3A_538 = arith.constant 0 : i32
          %dma_wait3A_539 = tpu.memref_slice %dma_wait3A_535[%dma_wait3A_536, %dma_wait3A_537, %dma_wait3A_538] : memref<8x8x129xf32, #tpu.memory_space<vmem>> -> memref<8x8x128xf32, #tpu.memory_space<vmem>>
          tpu.wait_dma2 semaphore(%arg13 : memref<!tpu.dma_semaphore, #tpu.memory_space<semaphore_mem>>) src(%dma_wait3A_539 : memref<8x8x128xf32, #tpu.memory_space<vmem>>) dst(%dma_wait3A_530 : memref<8x8x128xf32, #tpu.memory_space<hbm>>)
        } else {
        }
        %dma_start3A_498 = arith.constant 1 : i32
        %dma_start3A_499 = arith.constant 0 : i32
        %dma_start3A_500 = arith.constant 0 : i32
        %dma_start3A_501 = tpu.memref_slice %arg7[%dma_start3A_498, %dma_start3A_499, %dma_start3A_500] : memref<2x128x64xf32, #tpu.memory_space<vmem>> -> memref<1x128x64xf32, #tpu.memory_space<vmem>>
        %dma_start3A_502 = tpu.memref_squeeze %dma_start3A_501 : memref<1x128x64xf32, #tpu.memory_space<vmem>> -> memref<128x64xf32, #tpu.memory_space<vmem>>
        %dma_start3A_503 = arith.constant 0 : i32
        %dma_start3A_504 = tpu.memref_slice %arg6[%add3A_374, %dma_start3A_503] : memref<50x128xi32, #tpu.memory_space<vmem>> -> memref<1x128xi32, #tpu.memory_space<vmem>>
        %dma_start3A_505 = tpu.memref_squeeze %dma_start3A_504 : memref<1x128xi32, #tpu.memory_space<vmem>> -> memref<128xi32, #tpu.memory_space<vmem>>
        %dma_start3A_506 = arith.constant 0 : i32
        %dma_start3A_507 = arith.constant 0 : i32
        %dma_start3A_508 = tpu.memref_slice %arg3[%dma_start3A_506, %dma_start3A_507] : memref<1000000x64xf32, #tpu.memory_space<hbm>> -> memref<1000000x64xf32, #tpu.memory_space<hbm>>
        tpu.enqueue_indirect_dma source(%dma_start3A_508 : memref<1000000x64xf32, #tpu.memory_space<hbm>>) target(%dma_start3A_502 : memref<128x64xf32, #tpu.memory_space<vmem>>) offsets(%dma_start3A_505 : memref<128xi32, #tpu.memory_space<vmem>>) semaphore(%arg11 : memref<!tpu.dma_semaphore, #tpu.memory_space<semaphore_mem>>)
      } else {
      }
      %dma_wait3A_377 = arith.constant 0 : i32
      %dma_wait3A_378 = arith.constant 0 : i32
      %dma_wait3A_379 = arith.constant 0 : i32
      %dma_wait3A_380 = tpu.memref_slice %arg7[%dma_wait3A_377, %dma_wait3A_378, %dma_wait3A_379] : memref<2x128x64xf32, #tpu.memory_space<vmem>> -> memref<1x128x64xf32, #tpu.memory_space<vmem>>
      %dma_wait3A_381 = tpu.memref_squeeze %dma_wait3A_380 : memref<1x128x64xf32, #tpu.memory_space<vmem>> -> memref<128x64xf32, #tpu.memory_space<vmem>>
      %dma_wait3A_382 = arith.constant 0 : i32
      %dma_wait3A_383 = tpu.memref_slice %arg6[%add3A_372, %dma_wait3A_382] : memref<50x128xi32, #tpu.memory_space<vmem>> -> memref<1x128xi32, #tpu.memory_space<vmem>>
      %dma_wait3A_384 = tpu.memref_squeeze %dma_wait3A_383 : memref<1x128xi32, #tpu.memory_space<vmem>> -> memref<128xi32, #tpu.memory_space<vmem>>
      %dma_wait3A_385 = arith.constant 0 : i32
      %dma_wait3A_386 = arith.constant 0 : i32
      %dma_wait3A_387 = tpu.memref_slice %arg3[%dma_wait3A_385, %dma_wait3A_386] : memref<1000000x64xf32, #tpu.memory_space<hbm>> -> memref<1000000x64xf32, #tpu.memory_space<hbm>>
      tpu.wait_indirect_dma semaphore(%arg10 : memref<!tpu.dma_semaphore, #tpu.memory_space<semaphore_mem>>) src(%dma_wait3A_387 : memref<1000000x64xf32, #tpu.memory_space<hbm>>) dst(%dma_wait3A_381 : memref<128x64xf32, #tpu.memory_space<vmem>>)
      %get3A = arith.index_cast %add3A_372 : i32 to index
      %get3A_388 = arith.constant 0 : index
      %get3A_389 = tpu.vector_load %arg9[%get3A, %get3A_388] {strides = array<i32>} : memref<56x64xf32, #tpu.memory_space<vmem>>, vector<16xf32>,
      %get3A_390 = arith.index_cast %add3A_372 : i32 to index
      %get3A_391 = arith.constant 16 : index
      %get3A_392 = tpu.vector_load %arg9[%get3A_390, %get3A_391] {strides = array<i32>} : memref<56x64xf32, #tpu.memory_space<vmem>>, vector<16xf32>,
      %get3A_393 = arith.index_cast %add3A_372 : i32 to index
      %get3A_394 = arith.constant 32 : index
      %get3A_395 = tpu.vector_load %arg9[%get3A_393, %get3A_394] {strides = array<i32>} : memref<56x64xf32, #tpu.memory_space<vmem>>, vector<16xf32>,
      %get3A_396 = arith.index_cast %add3A_372 : i32 to index
      %get3A_397 = arith.constant 48 : index
      %get3A_398 = tpu.vector_load %arg9[%get3A_396, %get3A_397] {strides = array<i32>} : memref<56x64xf32, #tpu.memory_space<vmem>>, vector<16xf32>,
      %parallel_loop3A = arith.constant 0 : i32
      %parallel_loop3A_399 = arith.constant 128 : i32
      %parallel_loop3A_400 = arith.constant 1 : i32
      scf.for %parallel_loop3A_494 = %parallel_loop3A to %parallel_loop3A_399 step %parallel_loop3A_400  : i32 {
        %parallel_loop3A_495 = arith.constant 0 : i32
        %parallel_loop3A_496 = vector.broadcast %parallel_loop3A_495 : i32 to vector<16xi32>
        %parallel_loop3A_497 = vector.broadcast %parallel_loop3A_494 : i32 to vector<16xi32>
        %parallel_loop3A_498 = arith.addi %parallel_loop3A_496, %parallel_loop3A_497 : vector<16xi32>
        %parallel_loop3A_499 = arith.constant 0 : i32
        %parallel_loop3A_500 = arith.index_cast %parallel_loop3A_499 : i32 to index
        %parallel_loop3A_501 = arith.index_cast %parallel_loop3A_494 : i32 to index
        %parallel_loop3A_502 = arith.constant 0 : index
        %parallel_loop3A_503 = tpu.vector_load %arg7[%parallel_loop3A_500, %parallel_loop3A_501, %parallel_loop3A_502] {strides = array<i32>} : memref<2x128x64xf32, #tpu.memory_space<vmem>>, vector<16xf32>,
        %parallel_loop3A_504 = arith.addf %parallel_loop3A_503, %get3A_389 : vector<16xf32>
        %parallel_loop3A_505 = arith.constant 0 : i32
        %parallel_loop3A_506 = arith.constant 0 : i32
        %parallel_loop3A_507 = arith.constant 0 : i32
        %parallel_loop3A_508 = arith.constant 0 : i32
        %parallel_loop3A_509 = tpu.memref_slice %arg8[%parallel_loop3A_505, %parallel_loop3A_506, %parallel_loop3A_507, %parallel_loop3A_508] : memref<2x8x8x129xf32, #tpu.memory_space<vmem>> -> memref<1x8x8x129xf32, #tpu.memory_space<vmem>>
        %parallel_loop3A_510 = tpu.memref_squeeze %parallel_loop3A_509 : memref<1x8x8x129xf32, #tpu.memory_space<vmem>> -> memref<8x8x129xf32, #tpu.memory_space<vmem>>
        tpu.vector_store_idx %parallel_loop3A_510[%add3A_5, %and3A_25, %parallel_loop3A_498], %parallel_loop3A_504 : memref<8x8x129xf32, #tpu.memory_space<vmem>>[vector<16xi32>, vector<16xi32>, vector<16xi32>], vector<16xf32>,
        %parallel_loop3A_511 = arith.constant 0 : i32
        %parallel_loop3A_512 = arith.index_cast %parallel_loop3A_511 : i32 to index
        %parallel_loop3A_513 = arith.index_cast %parallel_loop3A_494 : i32 to index
        %parallel_loop3A_514 = arith.constant 16 : index
        %parallel_loop3A_515 = tpu.vector_load %arg7[%parallel_loop3A_512, %parallel_loop3A_513, %parallel_loop3A_514] {strides = array<i32>} : memref<2x128x64xf32, #tpu.memory_space<vmem>>, vector<16xf32>,
        %parallel_loop3A_516 = arith.addf %parallel_loop3A_515, %get3A_392 : vector<16xf32>
        %parallel_loop3A_517 = arith.constant 0 : i32
        %parallel_loop3A_518 = arith.constant 0 : i32
        %parallel_loop3A_519 = arith.constant 0 : i32
        %parallel_loop3A_520 = arith.constant 0 : i32
        %parallel_loop3A_521 = tpu.memref_slice %arg8[%parallel_loop3A_517, %parallel_loop3A_518, %parallel_loop3A_519, %parallel_loop3A_520] : memref<2x8x8x129xf32, #tpu.memory_space<vmem>> -> memref<1x8x8x129xf32, #tpu.memory_space<vmem>>
        %parallel_loop3A_522 = tpu.memref_squeeze %parallel_loop3A_521 : memref<1x8x8x129xf32, #tpu.memory_space<vmem>> -> memref<8x8x129xf32, #tpu.memory_space<vmem>>
        tpu.vector_store_idx %parallel_loop3A_522[%add3A_11, %and3A_25, %parallel_loop3A_498], %parallel_loop3A_516 : memref<8x8x129xf32, #tpu.memory_space<vmem>>[vector<16xi32>, vector<16xi32>, vector<16xi32>], vector<16xf32>,
        %parallel_loop3A_523 = arith.constant 0 : i32
        %parallel_loop3A_524 = arith.index_cast %parallel_loop3A_523 : i32 to index
        %parallel_loop3A_525 = arith.index_cast %parallel_loop3A_494 : i32 to index
        %parallel_loop3A_526 = arith.constant 32 : index
        %parallel_loop3A_527 = tpu.vector_load %arg7[%parallel_loop3A_524, %parallel_loop3A_525, %parallel_loop3A_526] {strides = array<i32>} : memref<2x128x64xf32, #tpu.memory_space<vmem>>, vector<16xf32>,
        %parallel_loop3A_528 = arith.addf %parallel_loop3A_527, %get3A_395 : vector<16xf32>
        %parallel_loop3A_529 = arith.constant 0 : i32
        %parallel_loop3A_530 = arith.constant 0 : i32
        %parallel_loop3A_531 = arith.constant 0 : i32
        %parallel_loop3A_532 = arith.constant 0 : i32
        %parallel_loop3A_533 = tpu.memref_slice %arg8[%parallel_loop3A_529, %parallel_loop3A_530, %parallel_loop3A_531, %parallel_loop3A_532] : memref<2x8x8x129xf32, #tpu.memory_space<vmem>> -> memref<1x8x8x129xf32, #tpu.memory_space<vmem>>
        %parallel_loop3A_534 = tpu.memref_squeeze %parallel_loop3A_533 : memref<1x8x8x129xf32, #tpu.memory_space<vmem>> -> memref<8x8x129xf32, #tpu.memory_space<vmem>>
        tpu.vector_store_idx %parallel_loop3A_534[%add3A_17, %and3A_25, %parallel_loop3A_498], %parallel_loop3A_528 : memref<8x8x129xf32, #tpu.memory_space<vmem>>[vector<16xi32>, vector<16xi32>, vector<16xi32>], vector<16xf32>,
        %parallel_loop3A_535 = arith.constant 0 : i32
        %parallel_loop3A_536 = arith.index_cast %parallel_loop3A_535 : i32 to index
        %parallel_loop3A_537 = arith.index_cast %parallel_loop3A_494 : i32 to index
        %parallel_loop3A_538 = arith.constant 48 : index
        %parallel_loop3A_539 = tpu.vector_load %arg7[%parallel_loop3A_536, %parallel_loop3A_537, %parallel_loop3A_538] {strides = array<i32>} : memref<2x128x64xf32, #tpu.memory_space<vmem>>, vector<16xf32>,
        %parallel_loop3A_540 = arith.addf %parallel_loop3A_539, %get3A_398 : vector<16xf32>
        %parallel_loop3A_541 = arith.constant 0 : i32
        %parallel_loop3A_542 = arith.constant 0 : i32
        %parallel_loop3A_543 = arith.constant 0 : i32
        %parallel_loop3A_544 = arith.constant 0 : i32
        %parallel_loop3A_545 = tpu.memref_slice %arg8[%parallel_loop3A_541, %parallel_loop3A_542, %parallel_loop3A_543, %parallel_loop3A_544] : memref<2x8x8x129xf32, #tpu.memory_space<vmem>> -> memref<1x8x8x129xf32, #tpu.memory_space<vmem>>
        %parallel_loop3A_546 = tpu.memref_squeeze %parallel_loop3A_545 : memref<1x8x8x129xf32, #tpu.memory_space<vmem>> -> memref<8x8x129xf32, #tpu.memory_space<vmem>>
        tpu.vector_store_idx %parallel_loop3A_546[%add3A_23, %and3A_25, %parallel_loop3A_498], %parallel_loop3A_540 : memref<8x8x129xf32, #tpu.memory_space<vmem>>[vector<16xi32>, vector<16xi32>, vector<16xi32>], vector<16xf32>,
      } {sc.loop_unroll_factor = 4 : i64, sc.parallel_access}
      %dma_start3A_401 = arith.constant 0 : i32
      %dma_start3A_402 = arith.constant 0 : i32
      %dma_start3A_403 = arith.constant 0 : i32
      %dma_start3A_404 = arith.constant 0 : i32
      %dma_start3A_405 = tpu.memref_slice %arg8[%dma_start3A_401, %dma_start3A_402, %dma_start3A_403, %dma_start3A_404] : memref<2x8x8x129xf32, #tpu.memory_space<vmem>> -> memref<1x8x8x129xf32, #tpu.memory_space<vmem>>
      %dma_start3A_406 = tpu.memref_squeeze %dma_start3A_405 : memref<1x8x8x129xf32, #tpu.memory_space<vmem>> -> memref<8x8x129xf32, #tpu.memory_space<vmem>>
      %dma_start3A_407 = arith.constant 0 : i32
      %dma_start3A_408 = arith.constant 0 : i32
      %dma_start3A_409 = arith.constant 0 : i32
      %dma_start3A_410 = tpu.memref_slice %dma_start3A_406[%dma_start3A_407, %dma_start3A_408, %dma_start3A_409] : memref<8x8x129xf32, #tpu.memory_space<vmem>> -> memref<8x8x128xf32, #tpu.memory_space<vmem>>
      %dma_start3A_411 = arith.constant 0 : i32
      %dma_start3A_412 = arith.constant 0 : i32
      %dma_start3A_413 = arith.constant 0 : i32
      %dma_start3A_414 = tpu.memref_slice %arg5[%add3A_372, %dma_start3A_411, %add3A_29, %dma_start3A_412, %dma_start3A_413] : memref<50x8x128x8x128xf32, #tpu.memory_space<hbm>> -> memref<1x8x1x8x128xf32, #tpu.memory_space<hbm>>
      %dma_start3A_415 = tpu.memref_squeeze %dma_start3A_414 : memref<1x8x1x8x128xf32, #tpu.memory_space<hbm>> -> memref<8x8x128xf32, #tpu.memory_space<hbm>>
      %dma_start3A_416 = arith.constant 0 : i32
      %dma_start3A_417 = arith.constant 0 : i32
      %dma_start3A_418 = arith.constant 0 : i32
      %dma_start3A_419 = tpu.memref_slice %arg5[%add3A_372, %dma_start3A_416, %add3A_29, %dma_start3A_417, %dma_start3A_418] : memref<50x8x128x8x128xf32, #tpu.memory_space<hbm>> -> memref<1x8x1x8x128xf32, #tpu.memory_space<hbm>>
      %dma_start3A_420 = tpu.memref_squeeze %dma_start3A_419 : memref<1x8x1x8x128xf32, #tpu.memory_space<hbm>> -> memref<8x8x128xf32, #tpu.memory_space<hbm>>
      %dma_start3A_421 = arith.constant 0 : i32
      %dma_start3A_422 = arith.constant 0 : i32
      %dma_start3A_423 = arith.constant 0 : i32
      %dma_start3A_424 = tpu.memref_slice %arg8[%dma_start3A_401, %dma_start3A_421, %dma_start3A_422, %dma_start3A_423] : memref<2x8x8x129xf32, #tpu.memory_space<vmem>> -> memref<1x8x8x129xf32, #tpu.memory_space<vmem>>
      %dma_start3A_425 = tpu.memref_squeeze %dma_start3A_424 : memref<1x8x8x129xf32, #tpu.memory_space<vmem>> -> memref<8x8x129xf32, #tpu.memory_space<vmem>>
      %dma_start3A_426 = arith.constant 0 : i32
      %dma_start3A_427 = arith.constant 0 : i32
      %dma_start3A_428 = arith.constant 0 : i32
      %dma_start3A_429 = tpu.memref_slice %dma_start3A_425[%dma_start3A_426, %dma_start3A_427, %dma_start3A_428] : memref<8x8x129xf32, #tpu.memory_space<vmem>> -> memref<8x8x128xf32, #tpu.memory_space<vmem>>
      tpu.enqueue_dma source(%dma_start3A_429 : memref<8x8x128xf32, #tpu.memory_space<vmem>>) target(%dma_start3A_420 : memref<8x8x128xf32, #tpu.memory_space<hbm>>) target_semaphore(%arg12 : memref<!tpu.dma_semaphore, #tpu.memory_space<semaphore_mem>>)
      %add3A_430 = arith.constant 1 : i32
      %add3A_431 = arith.addi %add3A_370, %add3A_430 : i32
      %add3A_432 = arith.constant 1 : i32
      %add3A_433 = arith.addi %add3A_431, %add3A_432 : i32
      %lt3A_434 = arith.constant 50 : i32
      %lt3A_435 = arith.cmpi slt, %add3A_433, %lt3A_434 : i32
      %convert_element_type3A_436 = arith.extui %lt3A_435 : i1 to i32
      %cond3A_437 = arith.constant 0 : i32
      %cond3A_438 = arith.cmpi ne, %convert_element_type3A_436, %cond3A_437 : i32
      scf.if %cond3A_438 {
        %ge3A = arith.constant 1 : i32
        %ge3A_494 = arith.cmpi sge, %add3A_431, %ge3A : i32
        %convert_element_type3A_495 = arith.extui %ge3A_494 : i1 to i32
        %cond3A_496 = arith.constant 0 : i32
        %cond3A_497 = arith.cmpi ne, %convert_element_type3A_495, %cond3A_496 : i32
        scf.if %cond3A_497 {
          %dma_wait3A_509 = arith.constant 0 : i32
          %dma_wait3A_510 = arith.constant 0 : i32
          %dma_wait3A_511 = arith.constant 0 : i32
          %dma_wait3A_512 = arith.constant 0 : i32
          %dma_wait3A_513 = arith.constant 0 : i32
          %dma_wait3A_514 = arith.constant 0 : i32
          %dma_wait3A_515 = tpu.memref_slice %arg8[%dma_wait3A_509, %dma_wait3A_512, %dma_wait3A_513, %dma_wait3A_514] : memref<2x8x8x129xf32, #tpu.memory_space<vmem>> -> memref<1x8x8x129xf32, #tpu.memory_space<vmem>>
          %dma_wait3A_516 = tpu.memref_squeeze %dma_wait3A_515 : memref<1x8x8x129xf32, #tpu.memory_space<vmem>> -> memref<8x8x129xf32, #tpu.memory_space<vmem>>
          %dma_wait3A_517 = arith.constant 0 : i32
          %dma_wait3A_518 = arith.constant 0 : i32
          %dma_wait3A_519 = arith.constant 0 : i32
          %dma_wait3A_520 = tpu.memref_slice %dma_wait3A_516[%dma_wait3A_517, %dma_wait3A_518, %dma_wait3A_519] : memref<8x8x129xf32, #tpu.memory_space<vmem>> -> memref<8x8x128xf32, #tpu.memory_space<vmem>>
          %dma_wait3A_521 = arith.constant 0 : i32
          %dma_wait3A_522 = arith.constant 0 : i32
          %dma_wait3A_523 = arith.constant 0 : i32
          %dma_wait3A_524 = tpu.memref_slice %arg5[%dma_wait3A_510, %dma_wait3A_521, %dma_wait3A_511, %dma_wait3A_522, %dma_wait3A_523] : memref<50x8x128x8x128xf32, #tpu.memory_space<hbm>> -> memref<1x8x1x8x128xf32, #tpu.memory_space<hbm>>
          %dma_wait3A_525 = tpu.memref_squeeze %dma_wait3A_524 : memref<1x8x1x8x128xf32, #tpu.memory_space<hbm>> -> memref<8x8x128xf32, #tpu.memory_space<hbm>>
          %dma_wait3A_526 = arith.constant 0 : i32
          %dma_wait3A_527 = arith.constant 0 : i32
          %dma_wait3A_528 = arith.constant 0 : i32
          %dma_wait3A_529 = tpu.memref_slice %arg5[%dma_wait3A_510, %dma_wait3A_526, %dma_wait3A_511, %dma_wait3A_527, %dma_wait3A_528] : memref<50x8x128x8x128xf32, #tpu.memory_space<hbm>> -> memref<1x8x1x8x128xf32, #tpu.memory_space<hbm>>
          %dma_wait3A_530 = tpu.memref_squeeze %dma_wait3A_529 : memref<1x8x1x8x128xf32, #tpu.memory_space<hbm>> -> memref<8x8x128xf32, #tpu.memory_space<hbm>>
          %dma_wait3A_531 = arith.constant 0 : i32
          %dma_wait3A_532 = arith.constant 0 : i32
          %dma_wait3A_533 = arith.constant 0 : i32
          %dma_wait3A_534 = tpu.memref_slice %arg8[%dma_wait3A_509, %dma_wait3A_531, %dma_wait3A_532, %dma_wait3A_533] : memref<2x8x8x129xf32, #tpu.memory_space<vmem>> -> memref<1x8x8x129xf32, #tpu.memory_space<vmem>>
          %dma_wait3A_535 = tpu.memref_squeeze %dma_wait3A_534 : memref<1x8x8x129xf32, #tpu.memory_space<vmem>> -> memref<8x8x129xf32, #tpu.memory_space<vmem>>
          %dma_wait3A_536 = arith.constant 0 : i32
          %dma_wait3A_537 = arith.constant 0 : i32
          %dma_wait3A_538 = arith.constant 0 : i32
          %dma_wait3A_539 = tpu.memref_slice %dma_wait3A_535[%dma_wait3A_536, %dma_wait3A_537, %dma_wait3A_538] : memref<8x8x129xf32, #tpu.memory_space<vmem>> -> memref<8x8x128xf32, #tpu.memory_space<vmem>>
          tpu.wait_dma2 semaphore(%arg12 : memref<!tpu.dma_semaphore, #tpu.memory_space<semaphore_mem>>) src(%dma_wait3A_539 : memref<8x8x128xf32, #tpu.memory_space<vmem>>) dst(%dma_wait3A_530 : memref<8x8x128xf32, #tpu.memory_space<hbm>>)
        } else {
        }
        %dma_start3A_498 = arith.constant 0 : i32
        %dma_start3A_499 = arith.constant 0 : i32
        %dma_start3A_500 = arith.constant 0 : i32
        %dma_start3A_501 = tpu.memref_slice %arg7[%dma_start3A_498, %dma_start3A_499, %dma_start3A_500] : memref<2x128x64xf32, #tpu.memory_space<vmem>> -> memref<1x128x64xf32, #tpu.memory_space<vmem>>
        %dma_start3A_502 = tpu.memref_squeeze %dma_start3A_501 : memref<1x128x64xf32, #tpu.memory_space<vmem>> -> memref<128x64xf32, #tpu.memory_space<vmem>>
        %dma_start3A_503 = arith.constant 0 : i32
        %dma_start3A_504 = tpu.memref_slice %arg6[%add3A_433, %dma_start3A_503] : memref<50x128xi32, #tpu.memory_space<vmem>> -> memref<1x128xi32, #tpu.memory_space<vmem>>
        %dma_start3A_505 = tpu.memref_squeeze %dma_start3A_504 : memref<1x128xi32, #tpu.memory_space<vmem>> -> memref<128xi32, #tpu.memory_space<vmem>>
        %dma_start3A_506 = arith.constant 0 : i32
        %dma_start3A_507 = arith.constant 0 : i32
        %dma_start3A_508 = tpu.memref_slice %arg3[%dma_start3A_506, %dma_start3A_507] : memref<1000000x64xf32, #tpu.memory_space<hbm>> -> memref<1000000x64xf32, #tpu.memory_space<hbm>>
        tpu.enqueue_indirect_dma source(%dma_start3A_508 : memref<1000000x64xf32, #tpu.memory_space<hbm>>) target(%dma_start3A_502 : memref<128x64xf32, #tpu.memory_space<vmem>>) offsets(%dma_start3A_505 : memref<128xi32, #tpu.memory_space<vmem>>) semaphore(%arg10 : memref<!tpu.dma_semaphore, #tpu.memory_space<semaphore_mem>>)
      } else {
      }
      %dma_wait3A_439 = arith.constant 1 : i32
      %dma_wait3A_440 = arith.constant 0 : i32
      %dma_wait3A_441 = arith.constant 0 : i32
      %dma_wait3A_442 = tpu.memref_slice %arg7[%dma_wait3A_439, %dma_wait3A_440, %dma_wait3A_441] : memref<2x128x64xf32, #tpu.memory_space<vmem>> -> memref<1x128x64xf32, #tpu.memory_space<vmem>>
      %dma_wait3A_443 = tpu.memref_squeeze %dma_wait3A_442 : memref<1x128x64xf32, #tpu.memory_space<vmem>> -> memref<128x64xf32, #tpu.memory_space<vmem>>
      %dma_wait3A_444 = arith.constant 0 : i32
      %dma_wait3A_445 = tpu.memref_slice %arg6[%add3A_431, %dma_wait3A_444] : memref<50x128xi32, #tpu.memory_space<vmem>> -> memref<1x128xi32, #tpu.memory_space<vmem>>
      %dma_wait3A_446 = tpu.memref_squeeze %dma_wait3A_445 : memref<1x128xi32, #tpu.memory_space<vmem>> -> memref<128xi32, #tpu.memory_space<vmem>>
      %dma_wait3A_447 = arith.constant 0 : i32
      %dma_wait3A_448 = arith.constant 0 : i32
      %dma_wait3A_449 = tpu.memref_slice %arg3[%dma_wait3A_447, %dma_wait3A_448] : memref<1000000x64xf32, #tpu.memory_space<hbm>> -> memref<1000000x64xf32, #tpu.memory_space<hbm>>
      tpu.wait_indirect_dma semaphore(%arg11 : memref<!tpu.dma_semaphore, #tpu.memory_space<semaphore_mem>>) src(%dma_wait3A_449 : memref<1000000x64xf32, #tpu.memory_space<hbm>>) dst(%dma_wait3A_443 : memref<128x64xf32, #tpu.memory_space<vmem>>)
      %get3A_450 = arith.index_cast %add3A_431 : i32 to index
      %get3A_451 = arith.constant 0 : index
      %get3A_452 = tpu.vector_load %arg9[%get3A_450, %get3A_451] {strides = array<i32>} : memref<56x64xf32, #tpu.memory_space<vmem>>, vector<16xf32>,
      %get3A_453 = arith.index_cast %add3A_431 : i32 to index
      %get3A_454 = arith.constant 16 : index
      %get3A_455 = tpu.vector_load %arg9[%get3A_453, %get3A_454] {strides = array<i32>} : memref<56x64xf32, #tpu.memory_space<vmem>>, vector<16xf32>,
      %get3A_456 = arith.index_cast %add3A_431 : i32 to index
      %get3A_457 = arith.constant 32 : index
      %get3A_458 = tpu.vector_load %arg9[%get3A_456, %get3A_457] {strides = array<i32>} : memref<56x64xf32, #tpu.memory_space<vmem>>, vector<16xf32>,
      %get3A_459 = arith.index_cast %add3A_431 : i32 to index
      %get3A_460 = arith.constant 48 : index
      %get3A_461 = tpu.vector_load %arg9[%get3A_459, %get3A_460] {strides = array<i32>} : memref<56x64xf32, #tpu.memory_space<vmem>>, vector<16xf32>,
      %parallel_loop3A_462 = arith.constant 0 : i32
      %parallel_loop3A_463 = arith.constant 128 : i32
      %parallel_loop3A_464 = arith.constant 1 : i32
      scf.for %parallel_loop3A_494 = %parallel_loop3A_462 to %parallel_loop3A_463 step %parallel_loop3A_464  : i32 {
        %parallel_loop3A_495 = arith.constant 0 : i32
        %parallel_loop3A_496 = vector.broadcast %parallel_loop3A_495 : i32 to vector<16xi32>
        %parallel_loop3A_497 = vector.broadcast %parallel_loop3A_494 : i32 to vector<16xi32>
        %parallel_loop3A_498 = arith.addi %parallel_loop3A_496, %parallel_loop3A_497 : vector<16xi32>
        %parallel_loop3A_499 = arith.constant 1 : i32
        %parallel_loop3A_500 = arith.index_cast %parallel_loop3A_499 : i32 to index
        %parallel_loop3A_501 = arith.index_cast %parallel_loop3A_494 : i32 to index
        %parallel_loop3A_502 = arith.constant 0 : index
        %parallel_loop3A_503 = tpu.vector_load %arg7[%parallel_loop3A_500, %parallel_loop3A_501, %parallel_loop3A_502] {strides = array<i32>} : memref<2x128x64xf32, #tpu.memory_space<vmem>>, vector<16xf32>,
        %parallel_loop3A_504 = arith.addf %parallel_loop3A_503, %get3A_452 : vector<16xf32>
        %parallel_loop3A_505 = arith.constant 1 : i32
        %parallel_loop3A_506 = arith.constant 0 : i32
        %parallel_loop3A_507 = arith.constant 0 : i32
        %parallel_loop3A_508 = arith.constant 0 : i32
        %parallel_loop3A_509 = tpu.memref_slice %arg8[%parallel_loop3A_505, %parallel_loop3A_506, %parallel_loop3A_507, %parallel_loop3A_508] : memref<2x8x8x129xf32, #tpu.memory_space<vmem>> -> memref<1x8x8x129xf32, #tpu.memory_space<vmem>>
        %parallel_loop3A_510 = tpu.memref_squeeze %parallel_loop3A_509 : memref<1x8x8x129xf32, #tpu.memory_space<vmem>> -> memref<8x8x129xf32, #tpu.memory_space<vmem>>
        tpu.vector_store_idx %parallel_loop3A_510[%add3A_5, %and3A_25, %parallel_loop3A_498], %parallel_loop3A_504 : memref<8x8x129xf32, #tpu.memory_space<vmem>>[vector<16xi32>, vector<16xi32>, vector<16xi32>], vector<16xf32>,
        %parallel_loop3A_511 = arith.constant 1 : i32
        %parallel_loop3A_512 = arith.index_cast %parallel_loop3A_511 : i32 to index
        %parallel_loop3A_513 = arith.index_cast %parallel_loop3A_494 : i32 to index
        %parallel_loop3A_514 = arith.constant 16 : index
        %parallel_loop3A_515 = tpu.vector_load %arg7[%parallel_loop3A_512, %parallel_loop3A_513, %parallel_loop3A_514] {strides = array<i32>} : memref<2x128x64xf32, #tpu.memory_space<vmem>>, vector<16xf32>,
        %parallel_loop3A_516 = arith.addf %parallel_loop3A_515, %get3A_455 : vector<16xf32>
        %parallel_loop3A_517 = arith.constant 1 : i32
        %parallel_loop3A_518 = arith.constant 0 : i32
        %parallel_loop3A_519 = arith.constant 0 : i32
        %parallel_loop3A_520 = arith.constant 0 : i32
        %parallel_loop3A_521 = tpu.memref_slice %arg8[%parallel_loop3A_517, %parallel_loop3A_518, %parallel_loop3A_519, %parallel_loop3A_520] : memref<2x8x8x129xf32, #tpu.memory_space<vmem>> -> memref<1x8x8x129xf32, #tpu.memory_space<vmem>>
        %parallel_loop3A_522 = tpu.memref_squeeze %parallel_loop3A_521 : memref<1x8x8x129xf32, #tpu.memory_space<vmem>> -> memref<8x8x129xf32, #tpu.memory_space<vmem>>
        tpu.vector_store_idx %parallel_loop3A_522[%add3A_11, %and3A_25, %parallel_loop3A_498], %parallel_loop3A_516 : memref<8x8x129xf32, #tpu.memory_space<vmem>>[vector<16xi32>, vector<16xi32>, vector<16xi32>], vector<16xf32>,
        %parallel_loop3A_523 = arith.constant 1 : i32
        %parallel_loop3A_524 = arith.index_cast %parallel_loop3A_523 : i32 to index
        %parallel_loop3A_525 = arith.index_cast %parallel_loop3A_494 : i32 to index
        %parallel_loop3A_526 = arith.constant 32 : index
        %parallel_loop3A_527 = tpu.vector_load %arg7[%parallel_loop3A_524, %parallel_loop3A_525, %parallel_loop3A_526] {strides = array<i32>} : memref<2x128x64xf32, #tpu.memory_space<vmem>>, vector<16xf32>,
        %parallel_loop3A_528 = arith.addf %parallel_loop3A_527, %get3A_458 : vector<16xf32>
        %parallel_loop3A_529 = arith.constant 1 : i32
        %parallel_loop3A_530 = arith.constant 0 : i32
        %parallel_loop3A_531 = arith.constant 0 : i32
        %parallel_loop3A_532 = arith.constant 0 : i32
        %parallel_loop3A_533 = tpu.memref_slice %arg8[%parallel_loop3A_529, %parallel_loop3A_530, %parallel_loop3A_531, %parallel_loop3A_532] : memref<2x8x8x129xf32, #tpu.memory_space<vmem>> -> memref<1x8x8x129xf32, #tpu.memory_space<vmem>>
        %parallel_loop3A_534 = tpu.memref_squeeze %parallel_loop3A_533 : memref<1x8x8x129xf32, #tpu.memory_space<vmem>> -> memref<8x8x129xf32, #tpu.memory_space<vmem>>
        tpu.vector_store_idx %parallel_loop3A_534[%add3A_17, %and3A_25, %parallel_loop3A_498], %parallel_loop3A_528 : memref<8x8x129xf32, #tpu.memory_space<vmem>>[vector<16xi32>, vector<16xi32>, vector<16xi32>], vector<16xf32>,
        %parallel_loop3A_535 = arith.constant 1 : i32
        %parallel_loop3A_536 = arith.index_cast %parallel_loop3A_535 : i32 to index
        %parallel_loop3A_537 = arith.index_cast %parallel_loop3A_494 : i32 to index
        %parallel_loop3A_538 = arith.constant 48 : index
        %parallel_loop3A_539 = tpu.vector_load %arg7[%parallel_loop3A_536, %parallel_loop3A_537, %parallel_loop3A_538] {strides = array<i32>} : memref<2x128x64xf32, #tpu.memory_space<vmem>>, vector<16xf32>,
        %parallel_loop3A_540 = arith.addf %parallel_loop3A_539, %get3A_461 : vector<16xf32>
        %parallel_loop3A_541 = arith.constant 1 : i32
        %parallel_loop3A_542 = arith.constant 0 : i32
        %parallel_loop3A_543 = arith.constant 0 : i32
        %parallel_loop3A_544 = arith.constant 0 : i32
        %parallel_loop3A_545 = tpu.memref_slice %arg8[%parallel_loop3A_541, %parallel_loop3A_542, %parallel_loop3A_543, %parallel_loop3A_544] : memref<2x8x8x129xf32, #tpu.memory_space<vmem>> -> memref<1x8x8x129xf32, #tpu.memory_space<vmem>>
        %parallel_loop3A_546 = tpu.memref_squeeze %parallel_loop3A_545 : memref<1x8x8x129xf32, #tpu.memory_space<vmem>> -> memref<8x8x129xf32, #tpu.memory_space<vmem>>
        tpu.vector_store_idx %parallel_loop3A_546[%add3A_23, %and3A_25, %parallel_loop3A_498], %parallel_loop3A_540 : memref<8x8x129xf32, #tpu.memory_space<vmem>>[vector<16xi32>, vector<16xi32>, vector<16xi32>], vector<16xf32>,
      } {sc.loop_unroll_factor = 4 : i64, sc.parallel_access}
      %dma_start3A_465 = arith.constant 1 : i32
      %dma_start3A_466 = arith.constant 0 : i32
      %dma_start3A_467 = arith.constant 0 : i32
      %dma_start3A_468 = arith.constant 0 : i32
      %dma_start3A_469 = tpu.memref_slice %arg8[%dma_start3A_465, %dma_start3A_466, %dma_start3A_467, %dma_start3A_468] : memref<2x8x8x129xf32, #tpu.memory_space<vmem>> -> memref<1x8x8x129xf32, #tpu.memory_space<vmem>>
      %dma_start3A_470 = tpu.memref_squeeze %dma_start3A_469 : memref<1x8x8x129xf32, #tpu.memory_space<vmem>> -> memref<8x8x129xf32, #tpu.memory_space<vmem>>
      %dma_start3A_471 = arith.constant 0 : i32
      %dma_start3A_472 = arith.constant 0 : i32
      %dma_start3A_473 = arith.constant 0 : i32
      %dma_start3A_474 = tpu.memref_slice %dma_start3A_470[%dma_start3A_471, %dma_start3A_472, %dma_start3A_473] : memref<8x8x129xf32, #tpu.memory_space<vmem>> -> memref<8x8x128xf32, #tpu.memory_space<vmem>>
      %dma_start3A_475 = arith.constant 0 : i32
      %dma_start3A_476 = arith.constant 0 : i32
      %dma_start3A_477 = arith.constant 0 : i32
      %dma_start3A_478 = tpu.memref_slice %arg5[%add3A_431, %dma_start3A_475, %add3A_29, %dma_start3A_476, %dma_start3A_477] : memref<50x8x128x8x128xf32, #tpu.memory_space<hbm>> -> memref<1x8x1x8x128xf32, #tpu.memory_space<hbm>>
      %dma_start3A_479 = tpu.memref_squeeze %dma_start3A_478 : memref<1x8x1x8x128xf32, #tpu.memory_space<hbm>> -> memref<8x8x128xf32, #tpu.memory_space<hbm>>
      %dma_start3A_480 = arith.constant 0 : i32
      %dma_start3A_481 = arith.constant 0 : i32
      %dma_start3A_482 = arith.constant 0 : i32
      %dma_start3A_483 = tpu.memref_slice %arg5[%add3A_431, %dma_start3A_480, %add3A_29, %dma_start3A_481, %dma_start3A_482] : memref<50x8x128x8x128xf32, #tpu.memory_space<hbm>> -> memref<1x8x1x8x128xf32, #tpu.memory_space<hbm>>
      %dma_start3A_484 = tpu.memref_squeeze %dma_start3A_483 : memref<1x8x1x8x128xf32, #tpu.memory_space<hbm>> -> memref<8x8x128xf32, #tpu.memory_space<hbm>>
      %dma_start3A_485 = arith.constant 0 : i32
      %dma_start3A_486 = arith.constant 0 : i32
      %dma_start3A_487 = arith.constant 0 : i32
      %dma_start3A_488 = tpu.memref_slice %arg8[%dma_start3A_465, %dma_start3A_485, %dma_start3A_486, %dma_start3A_487] : memref<2x8x8x129xf32, #tpu.memory_space<vmem>> -> memref<1x8x8x129xf32, #tpu.memory_space<vmem>>
      %dma_start3A_489 = tpu.memref_squeeze %dma_start3A_488 : memref<1x8x8x129xf32, #tpu.memory_space<vmem>> -> memref<8x8x129xf32, #tpu.memory_space<vmem>>
      %dma_start3A_490 = arith.constant 0 : i32
      %dma_start3A_491 = arith.constant 0 : i32
      %dma_start3A_492 = arith.constant 0 : i32
      %dma_start3A_493 = tpu.memref_slice %dma_start3A_489[%dma_start3A_490, %dma_start3A_491, %dma_start3A_492] : memref<8x8x129xf32, #tpu.memory_space<vmem>> -> memref<8x8x128xf32, #tpu.memory_space<vmem>>
      tpu.enqueue_dma source(%dma_start3A_493 : memref<8x8x128xf32, #tpu.memory_space<vmem>>) target(%dma_start3A_484 : memref<8x8x128xf32, #tpu.memory_space<hbm>>) target_semaphore(%arg13 : memref<!tpu.dma_semaphore, #tpu.memory_space<semaphore_mem>>)
    }
    %scan3A_46 = arith.constant 25 : i32
    %dma_wait3A = arith.constant 0 : i32
    %dma_wait3A_47 = arith.constant 0 : i32
    %dma_wait3A_48 = arith.constant 0 : i32
    %dma_wait3A_49 = arith.constant 0 : i32
    %dma_wait3A_50 = arith.constant 0 : i32
    %dma_wait3A_51 = arith.constant 0 : i32
    %dma_wait3A_52 = tpu.memref_slice %arg8[%dma_wait3A, %dma_wait3A_49, %dma_wait3A_50, %dma_wait3A_51] : memref<2x8x8x129xf32, #tpu.memory_space<vmem>> -> memref<1x8x8x129xf32, #tpu.memory_space<vmem>>
    %dma_wait3A_53 = tpu.memref_squeeze %dma_wait3A_52 : memref<1x8x8x129xf32, #tpu.memory_space<vmem>> -> memref<8x8x129xf32, #tpu.memory_space<vmem>>
    %dma_wait3A_54 = arith.constant 0 : i32
    %dma_wait3A_55 = arith.constant 0 : i32
    %dma_wait3A_56 = arith.constant 0 : i32
    %dma_wait3A_57 = tpu.memref_slice %dma_wait3A_53[%dma_wait3A_54, %dma_wait3A_55, %dma_wait3A_56] : memref<8x8x129xf32, #tpu.memory_space<vmem>> -> memref<8x8x128xf32, #tpu.memory_space<vmem>>
    %dma_wait3A_58 = arith.constant 0 : i32
    %dma_wait3A_59 = arith.constant 0 : i32
    %dma_wait3A_60 = arith.constant 0 : i32
    %dma_wait3A_61 = tpu.memref_slice %arg5[%dma_wait3A_47, %dma_wait3A_58, %dma_wait3A_48, %dma_wait3A_59, %dma_wait3A_60] : memref<50x8x128x8x128xf32, #tpu.memory_space<hbm>> -> memref<1x8x1x8x128xf32, #tpu.memory_space<hbm>>
    %dma_wait3A_62 = tpu.memref_squeeze %dma_wait3A_61 : memref<1x8x1x8x128xf32, #tpu.memory_space<hbm>> -> memref<8x8x128xf32, #tpu.memory_space<hbm>>
    %dma_wait3A_63 = arith.constant 0 : i32
    %dma_wait3A_64 = arith.constant 0 : i32
    %dma_wait3A_65 = arith.constant 0 : i32
    %dma_wait3A_66 = tpu.memref_slice %arg5[%dma_wait3A_47, %dma_wait3A_63, %dma_wait3A_48, %dma_wait3A_64, %dma_wait3A_65] : memref<50x8x128x8x128xf32, #tpu.memory_space<hbm>> -> memref<1x8x1x8x128xf32, #tpu.memory_space<hbm>>
    %dma_wait3A_67 = tpu.memref_squeeze %dma_wait3A_66 : memref<1x8x1x8x128xf32, #tpu.memory_space<hbm>> -> memref<8x8x128xf32, #tpu.memory_space<hbm>>
    %dma_wait3A_68 = arith.constant 0 : i32
    %dma_wait3A_69 = arith.constant 0 : i32
    %dma_wait3A_70 = arith.constant 0 : i32
    %dma_wait3A_71 = tpu.memref_slice %arg8[%dma_wait3A, %dma_wait3A_68, %dma_wait3A_69, %dma_wait3A_70] : memref<2x8x8x129xf32, #tpu.memory_space<vmem>> -> memref<1x8x8x129xf32, #tpu.memory_space<vmem>>
    %dma_wait3A_72 = tpu.memref_squeeze %dma_wait3A_71 : memref<1x8x8x129xf32, #tpu.memory_space<vmem>> -> memref<8x8x129xf32, #tpu.memory_space<vmem>>
    %dma_wait3A_73 = arith.constant 0 : i32
    %dma_wait3A_74 = arith.constant 0 : i32
    %dma_wait3A_75 = arith.constant 0 : i32
    %dma_wait3A_76 = tpu.memref_slice %dma_wait3A_72[%dma_wait3A_73, %dma_wait3A_74, %dma_wait3A_75] : memref<8x8x129xf32, #tpu.memory_space<vmem>> -> memref<8x8x128xf32, #tpu.memory_space<vmem>>
    tpu.wait_dma2 semaphore(%arg12 : memref<!tpu.dma_semaphore, #tpu.memory_space<semaphore_mem>>) src(%dma_wait3A_76 : memref<8x8x128xf32, #tpu.memory_space<vmem>>) dst(%dma_wait3A_67 : memref<8x8x128xf32, #tpu.memory_space<hbm>>)
    %dma_wait3A_77 = arith.constant 1 : i32
    %dma_wait3A_78 = arith.constant 0 : i32
    %dma_wait3A_79 = arith.constant 0 : i32
    %dma_wait3A_80 = arith.constant 0 : i32
    %dma_wait3A_81 = arith.constant 0 : i32
    %dma_wait3A_82 = arith.constant 0 : i32
    %dma_wait3A_83 = tpu.memref_slice %arg8[%dma_wait3A_77, %dma_wait3A_80, %dma_wait3A_81, %dma_wait3A_82] : memref<2x8x8x129xf32, #tpu.memory_space<vmem>> -> memref<1x8x8x129xf32, #tpu.memory_space<vmem>>
    %dma_wait3A_84 = tpu.memref_squeeze %dma_wait3A_83 : memref<1x8x8x129xf32, #tpu.memory_space<vmem>> -> memref<8x8x129xf32, #tpu.memory_space<vmem>>
    %dma_wait3A_85 = arith.constant 0 : i32
    %dma_wait3A_86 = arith.constant 0 : i32
    %dma_wait3A_87 = arith.constant 0 : i32
    %dma_wait3A_88 = tpu.memref_slice %dma_wait3A_84[%dma_wait3A_85, %dma_wait3A_86, %dma_wait3A_87] : memref<8x8x129xf32, #tpu.memory_space<vmem>> -> memref<8x8x128xf32, #tpu.memory_space<vmem>>
    %dma_wait3A_89 = arith.constant 0 : i32
    %dma_wait3A_90 = arith.constant 0 : i32
    %dma_wait3A_91 = arith.constant 0 : i32
    %dma_wait3A_92 = tpu.memref_slice %arg5[%dma_wait3A_78, %dma_wait3A_89, %dma_wait3A_79, %dma_wait3A_90, %dma_wait3A_91] : memref<50x8x128x8x128xf32, #tpu.memory_space<hbm>> -> memref<1x8x1x8x128xf32, #tpu.memory_space<hbm>>
    %dma_wait3A_93 = tpu.memref_squeeze %dma_wait3A_92 : memref<1x8x1x8x128xf32, #tpu.memory_space<hbm>> -> memref<8x8x128xf32, #tpu.memory_space<hbm>>
    %dma_wait3A_94 = arith.constant 0 : i32
    %dma_wait3A_95 = arith.constant 0 : i32
    %dma_wait3A_96 = arith.constant 0 : i32
    %dma_wait3A_97 = tpu.memref_slice %arg5[%dma_wait3A_78, %dma_wait3A_94, %dma_wait3A_79, %dma_wait3A_95, %dma_wait3A_96] : memref<50x8x128x8x128xf32, #tpu.memory_space<hbm>> -> memref<1x8x1x8x128xf32, #tpu.memory_space<hbm>>
    %dma_wait3A_98 = tpu.memref_squeeze %dma_wait3A_97 : memref<1x8x1x8x128xf32, #tpu.memory_space<hbm>> -> memref<8x8x128xf32, #tpu.memory_space<hbm>>
    %dma_wait3A_99 = arith.constant 0 : i32
    %dma_wait3A_100 = arith.constant 0 : i32
    %dma_wait3A_101 = arith.constant 0 : i32
    %dma_wait3A_102 = tpu.memref_slice %arg8[%dma_wait3A_77, %dma_wait3A_99, %dma_wait3A_100, %dma_wait3A_101] : memref<2x8x8x129xf32, #tpu.memory_space<vmem>> -> memref<1x8x8x129xf32, #tpu.memory_space<vmem>>
    %dma_wait3A_103 = tpu.memref_squeeze %dma_wait3A_102 : memref<1x8x8x129xf32, #tpu.memory_space<vmem>> -> memref<8x8x129xf32, #tpu.memory_space<vmem>>
    %dma_wait3A_104 = arith.constant 0 : i32
    %dma_wait3A_105 = arith.constant 0 : i32
    %dma_wait3A_106 = arith.constant 0 : i32
    %dma_wait3A_107 = tpu.memref_slice %dma_wait3A_103[%dma_wait3A_104, %dma_wait3A_105, %dma_wait3A_106] : memref<8x8x129xf32, #tpu.memory_space<vmem>> -> memref<8x8x128xf32, #tpu.memory_space<vmem>>
    tpu.wait_dma2 semaphore(%arg13 : memref<!tpu.dma_semaphore, #tpu.memory_space<semaphore_mem>>) src(%dma_wait3A_107 : memref<8x8x128xf32, #tpu.memory_space<vmem>>) dst(%dma_wait3A_98 : memref<8x8x128xf32, #tpu.memory_space<hbm>>)
    %mul3A_108 = arith.constant 4 : i32
    %mul3A_109 = arith.muli %add3A, %mul3A_108 : i32
    %add3A_110 = arith.constant 1 : i32
    %add3A_111 = arith.addi %mul3A_109, %add3A_110 : i32
    %mul3A_112 = arith.constant 128 : i32
    %mul3A_113 = arith.muli %add3A_111, %mul3A_112 : i32
    %multiple_of3A_114 = tpu.assume_multiple %mul3A_113, 128 : i32
    "tpu.region"() ({
      %run_scoped3A = tpu.sem_alloc : memref<!tpu.dma_semaphore, #tpu.memory_space<semaphore_mem>>
      %dma_start3A_366 = arith.constant 0 : i32
      %dma_start3A_367 = tpu.memref_slice %arg2[%dma_start3A_366, %multiple_of3A_114] : memref<50x16384xi32, #tpu.memory_space<hbm>> -> memref<50x128xi32, #tpu.memory_space<hbm>>
      %dma_start3A_368 = arith.constant 0 : i32
      %dma_start3A_369 = tpu.memref_slice %arg2[%dma_start3A_368, %multiple_of3A_114] : memref<50x16384xi32, #tpu.memory_space<hbm>> -> memref<50x128xi32, #tpu.memory_space<hbm>>
      tpu.enqueue_dma source(%dma_start3A_369 : memref<50x128xi32, #tpu.memory_space<hbm>>) target(%arg6 : memref<50x128xi32, #tpu.memory_space<vmem>>) target_semaphore(%run_scoped3A : memref<!tpu.dma_semaphore, #tpu.memory_space<semaphore_mem>>)
      %dma_wait3A_370 = arith.constant 0 : i32
      %dma_wait3A_371 = tpu.memref_slice %arg2[%dma_wait3A_370, %multiple_of3A_114] : memref<50x16384xi32, #tpu.memory_space<hbm>> -> memref<50x128xi32, #tpu.memory_space<hbm>>
      %dma_wait3A_372 = arith.constant 0 : i32
      %dma_wait3A_373 = tpu.memref_slice %arg2[%dma_wait3A_372, %multiple_of3A_114] : memref<50x16384xi32, #tpu.memory_space<hbm>> -> memref<50x128xi32, #tpu.memory_space<hbm>>
      tpu.wait_dma2 semaphore(%run_scoped3A : memref<!tpu.dma_semaphore, #tpu.memory_space<semaphore_mem>>) src(%dma_wait3A_373 : memref<50x128xi32, #tpu.memory_space<hbm>>) dst(%arg6 : memref<50x128xi32, #tpu.memory_space<vmem>>)
      tpu.yield
    }) : () -> ()
    %dma_start3A_115 = arith.constant 0 : i32
    %dma_start3A_116 = arith.constant 0 : i32
    %dma_start3A_117 = arith.constant 0 : i32
    %dma_start3A_118 = arith.constant 0 : i32
    %dma_start3A_119 = tpu.memref_slice %arg7[%dma_start3A_116, %dma_start3A_117, %dma_start3A_118] : memref<2x128x64xf32, #tpu.memory_space<vmem>> -> memref<1x128x64xf32, #tpu.memory_space<vmem>>
    %dma_start3A_120 = tpu.memref_squeeze %dma_start3A_119 : memref<1x128x64xf32, #tpu.memory_space<vmem>> -> memref<128x64xf32, #tpu.memory_space<vmem>>
    %dma_start3A_121 = arith.constant 0 : i32
    %dma_start3A_122 = tpu.memref_slice %arg6[%dma_start3A_115, %dma_start3A_121] : memref<50x128xi32, #tpu.memory_space<vmem>> -> memref<1x128xi32, #tpu.memory_space<vmem>>
    %dma_start3A_123 = tpu.memref_squeeze %dma_start3A_122 : memref<1x128xi32, #tpu.memory_space<vmem>> -> memref<128xi32, #tpu.memory_space<vmem>>
    %dma_start3A_124 = arith.constant 0 : i32
    %dma_start3A_125 = arith.constant 0 : i32
    %dma_start3A_126 = tpu.memref_slice %arg3[%dma_start3A_124, %dma_start3A_125] : memref<1000000x64xf32, #tpu.memory_space<hbm>> -> memref<1000000x64xf32, #tpu.memory_space<hbm>>
    tpu.enqueue_indirect_dma source(%dma_start3A_126 : memref<1000000x64xf32, #tpu.memory_space<hbm>>) target(%dma_start3A_120 : memref<128x64xf32, #tpu.memory_space<vmem>>) offsets(%dma_start3A_123 : memref<128xi32, #tpu.memory_space<vmem>>) semaphore(%arg10 : memref<!tpu.dma_semaphore, #tpu.memory_space<semaphore_mem>>)
    %scan3A_127 = arith.constant 0 : i32
    %scan3A_128 = arith.constant 25 : i32
    %scan3A_129 = arith.addi %scan3A_127, %scan3A_128 : i32
    %scan3A_130 = arith.constant 1 : i32
    scf.for %scan3A_366 = %scan3A_127 to %scan3A_129 step %scan3A_130  : i32 {
      %mul3A_367 = arith.constant 2 : i32
      %mul3A_368 = arith.muli %scan3A_366, %mul3A_367 : i32
      %add3A_369 = arith.constant 0 : i32
      %add3A_370 = arith.addi %add3A_369, %mul3A_368 : i32
      %add3A_371 = arith.constant 0 : i32
      %add3A_372 = arith.addi %add3A_370, %add3A_371 : i32
      %add3A_373 = arith.constant 1 : i32
      %add3A_374 = arith.addi %add3A_372, %add3A_373 : i32
      %lt3A = arith.constant 50 : i32
      %lt3A_375 = arith.cmpi slt, %add3A_374, %lt3A : i32
      %convert_element_type3A = arith.extui %lt3A_375 : i1 to i32
      %cond3A = arith.constant 0 : i32
      %cond3A_376 = arith.cmpi ne, %convert_element_type3A, %cond3A : i32
      scf.if %cond3A_376 {
        %ge3A = arith.constant 1 : i32
        %ge3A_494 = arith.cmpi sge, %add3A_372, %ge3A : i32
        %convert_element_type3A_495 = arith.extui %ge3A_494 : i1 to i32
        %cond3A_496 = arith.constant 0 : i32
        %cond3A_497 = arith.cmpi ne, %convert_element_type3A_495, %cond3A_496 : i32
        scf.if %cond3A_497 {
          %dma_wait3A_509 = arith.constant 1 : i32
          %dma_wait3A_510 = arith.constant 0 : i32
          %dma_wait3A_511 = arith.constant 0 : i32
          %dma_wait3A_512 = arith.constant 0 : i32
          %dma_wait3A_513 = arith.constant 0 : i32
          %dma_wait3A_514 = arith.constant 0 : i32
          %dma_wait3A_515 = tpu.memref_slice %arg8[%dma_wait3A_509, %dma_wait3A_512, %dma_wait3A_513, %dma_wait3A_514] : memref<2x8x8x129xf32, #tpu.memory_space<vmem>> -> memref<1x8x8x129xf32, #tpu.memory_space<vmem>>
          %dma_wait3A_516 = tpu.memref_squeeze %dma_wait3A_515 : memref<1x8x8x129xf32, #tpu.memory_space<vmem>> -> memref<8x8x129xf32, #tpu.memory_space<vmem>>
          %dma_wait3A_517 = arith.constant 0 : i32
          %dma_wait3A_518 = arith.constant 0 : i32
          %dma_wait3A_519 = arith.constant 0 : i32
          %dma_wait3A_520 = tpu.memref_slice %dma_wait3A_516[%dma_wait3A_517, %dma_wait3A_518, %dma_wait3A_519] : memref<8x8x129xf32, #tpu.memory_space<vmem>> -> memref<8x8x128xf32, #tpu.memory_space<vmem>>
          %dma_wait3A_521 = arith.constant 0 : i32
          %dma_wait3A_522 = arith.constant 0 : i32
          %dma_wait3A_523 = arith.constant 0 : i32
          %dma_wait3A_524 = tpu.memref_slice %arg5[%dma_wait3A_510, %dma_wait3A_521, %dma_wait3A_511, %dma_wait3A_522, %dma_wait3A_523] : memref<50x8x128x8x128xf32, #tpu.memory_space<hbm>> -> memref<1x8x1x8x128xf32, #tpu.memory_space<hbm>>
          %dma_wait3A_525 = tpu.memref_squeeze %dma_wait3A_524 : memref<1x8x1x8x128xf32, #tpu.memory_space<hbm>> -> memref<8x8x128xf32, #tpu.memory_space<hbm>>
          %dma_wait3A_526 = arith.constant 0 : i32
          %dma_wait3A_527 = arith.constant 0 : i32
          %dma_wait3A_528 = arith.constant 0 : i32
          %dma_wait3A_529 = tpu.memref_slice %arg5[%dma_wait3A_510, %dma_wait3A_526, %dma_wait3A_511, %dma_wait3A_527, %dma_wait3A_528] : memref<50x8x128x8x128xf32, #tpu.memory_space<hbm>> -> memref<1x8x1x8x128xf32, #tpu.memory_space<hbm>>
          %dma_wait3A_530 = tpu.memref_squeeze %dma_wait3A_529 : memref<1x8x1x8x128xf32, #tpu.memory_space<hbm>> -> memref<8x8x128xf32, #tpu.memory_space<hbm>>
          %dma_wait3A_531 = arith.constant 0 : i32
          %dma_wait3A_532 = arith.constant 0 : i32
          %dma_wait3A_533 = arith.constant 0 : i32
          %dma_wait3A_534 = tpu.memref_slice %arg8[%dma_wait3A_509, %dma_wait3A_531, %dma_wait3A_532, %dma_wait3A_533] : memref<2x8x8x129xf32, #tpu.memory_space<vmem>> -> memref<1x8x8x129xf32, #tpu.memory_space<vmem>>
          %dma_wait3A_535 = tpu.memref_squeeze %dma_wait3A_534 : memref<1x8x8x129xf32, #tpu.memory_space<vmem>> -> memref<8x8x129xf32, #tpu.memory_space<vmem>>
          %dma_wait3A_536 = arith.constant 0 : i32
          %dma_wait3A_537 = arith.constant 0 : i32
          %dma_wait3A_538 = arith.constant 0 : i32
          %dma_wait3A_539 = tpu.memref_slice %dma_wait3A_535[%dma_wait3A_536, %dma_wait3A_537, %dma_wait3A_538] : memref<8x8x129xf32, #tpu.memory_space<vmem>> -> memref<8x8x128xf32, #tpu.memory_space<vmem>>
          tpu.wait_dma2 semaphore(%arg13 : memref<!tpu.dma_semaphore, #tpu.memory_space<semaphore_mem>>) src(%dma_wait3A_539 : memref<8x8x128xf32, #tpu.memory_space<vmem>>) dst(%dma_wait3A_530 : memref<8x8x128xf32, #tpu.memory_space<hbm>>)
        } else {
        }
        %dma_start3A_498 = arith.constant 1 : i32
        %dma_start3A_499 = arith.constant 0 : i32
        %dma_start3A_500 = arith.constant 0 : i32
        %dma_start3A_501 = tpu.memref_slice %arg7[%dma_start3A_498, %dma_start3A_499, %dma_start3A_500] : memref<2x128x64xf32, #tpu.memory_space<vmem>> -> memref<1x128x64xf32, #tpu.memory_space<vmem>>
        %dma_start3A_502 = tpu.memref_squeeze %dma_start3A_501 : memref<1x128x64xf32, #tpu.memory_space<vmem>> -> memref<128x64xf32, #tpu.memory_space<vmem>>
        %dma_start3A_503 = arith.constant 0 : i32
        %dma_start3A_504 = tpu.memref_slice %arg6[%add3A_374, %dma_start3A_503] : memref<50x128xi32, #tpu.memory_space<vmem>> -> memref<1x128xi32, #tpu.memory_space<vmem>>
        %dma_start3A_505 = tpu.memref_squeeze %dma_start3A_504 : memref<1x128xi32, #tpu.memory_space<vmem>> -> memref<128xi32, #tpu.memory_space<vmem>>
        %dma_start3A_506 = arith.constant 0 : i32
        %dma_start3A_507 = arith.constant 0 : i32
        %dma_start3A_508 = tpu.memref_slice %arg3[%dma_start3A_506, %dma_start3A_507] : memref<1000000x64xf32, #tpu.memory_space<hbm>> -> memref<1000000x64xf32, #tpu.memory_space<hbm>>
        tpu.enqueue_indirect_dma source(%dma_start3A_508 : memref<1000000x64xf32, #tpu.memory_space<hbm>>) target(%dma_start3A_502 : memref<128x64xf32, #tpu.memory_space<vmem>>) offsets(%dma_start3A_505 : memref<128xi32, #tpu.memory_space<vmem>>) semaphore(%arg11 : memref<!tpu.dma_semaphore, #tpu.memory_space<semaphore_mem>>)
      } else {
      }
      %dma_wait3A_377 = arith.constant 0 : i32
      %dma_wait3A_378 = arith.constant 0 : i32
      %dma_wait3A_379 = arith.constant 0 : i32
      %dma_wait3A_380 = tpu.memref_slice %arg7[%dma_wait3A_377, %dma_wait3A_378, %dma_wait3A_379] : memref<2x128x64xf32, #tpu.memory_space<vmem>> -> memref<1x128x64xf32, #tpu.memory_space<vmem>>
      %dma_wait3A_381 = tpu.memref_squeeze %dma_wait3A_380 : memref<1x128x64xf32, #tpu.memory_space<vmem>> -> memref<128x64xf32, #tpu.memory_space<vmem>>
      %dma_wait3A_382 = arith.constant 0 : i32
      %dma_wait3A_383 = tpu.memref_slice %arg6[%add3A_372, %dma_wait3A_382] : memref<50x128xi32, #tpu.memory_space<vmem>> -> memref<1x128xi32, #tpu.memory_space<vmem>>
      %dma_wait3A_384 = tpu.memref_squeeze %dma_wait3A_383 : memref<1x128xi32, #tpu.memory_space<vmem>> -> memref<128xi32, #tpu.memory_space<vmem>>
      %dma_wait3A_385 = arith.constant 0 : i32
      %dma_wait3A_386 = arith.constant 0 : i32
      %dma_wait3A_387 = tpu.memref_slice %arg3[%dma_wait3A_385, %dma_wait3A_386] : memref<1000000x64xf32, #tpu.memory_space<hbm>> -> memref<1000000x64xf32, #tpu.memory_space<hbm>>
      tpu.wait_indirect_dma semaphore(%arg10 : memref<!tpu.dma_semaphore, #tpu.memory_space<semaphore_mem>>) src(%dma_wait3A_387 : memref<1000000x64xf32, #tpu.memory_space<hbm>>) dst(%dma_wait3A_381 : memref<128x64xf32, #tpu.memory_space<vmem>>)
      %get3A = arith.index_cast %add3A_372 : i32 to index
      %get3A_388 = arith.constant 0 : index
      %get3A_389 = tpu.vector_load %arg9[%get3A, %get3A_388] {strides = array<i32>} : memref<56x64xf32, #tpu.memory_space<vmem>>, vector<16xf32>,
      %get3A_390 = arith.index_cast %add3A_372 : i32 to index
      %get3A_391 = arith.constant 16 : index
      %get3A_392 = tpu.vector_load %arg9[%get3A_390, %get3A_391] {strides = array<i32>} : memref<56x64xf32, #tpu.memory_space<vmem>>, vector<16xf32>,
      %get3A_393 = arith.index_cast %add3A_372 : i32 to index
      %get3A_394 = arith.constant 32 : index
      %get3A_395 = tpu.vector_load %arg9[%get3A_393, %get3A_394] {strides = array<i32>} : memref<56x64xf32, #tpu.memory_space<vmem>>, vector<16xf32>,
      %get3A_396 = arith.index_cast %add3A_372 : i32 to index
      %get3A_397 = arith.constant 48 : index
      %get3A_398 = tpu.vector_load %arg9[%get3A_396, %get3A_397] {strides = array<i32>} : memref<56x64xf32, #tpu.memory_space<vmem>>, vector<16xf32>,
      %parallel_loop3A = arith.constant 0 : i32
      %parallel_loop3A_399 = arith.constant 128 : i32
      %parallel_loop3A_400 = arith.constant 1 : i32
      scf.for %parallel_loop3A_494 = %parallel_loop3A to %parallel_loop3A_399 step %parallel_loop3A_400  : i32 {
        %parallel_loop3A_495 = arith.constant 0 : i32
        %parallel_loop3A_496 = vector.broadcast %parallel_loop3A_495 : i32 to vector<16xi32>
        %parallel_loop3A_497 = vector.broadcast %parallel_loop3A_494 : i32 to vector<16xi32>
        %parallel_loop3A_498 = arith.addi %parallel_loop3A_496, %parallel_loop3A_497 : vector<16xi32>
        %parallel_loop3A_499 = arith.constant 0 : i32
        %parallel_loop3A_500 = arith.index_cast %parallel_loop3A_499 : i32 to index
        %parallel_loop3A_501 = arith.index_cast %parallel_loop3A_494 : i32 to index
        %parallel_loop3A_502 = arith.constant 0 : index
        %parallel_loop3A_503 = tpu.vector_load %arg7[%parallel_loop3A_500, %parallel_loop3A_501, %parallel_loop3A_502] {strides = array<i32>} : memref<2x128x64xf32, #tpu.memory_space<vmem>>, vector<16xf32>,
        %parallel_loop3A_504 = arith.addf %parallel_loop3A_503, %get3A_389 : vector<16xf32>
        %parallel_loop3A_505 = arith.constant 0 : i32
        %parallel_loop3A_506 = arith.constant 0 : i32
        %parallel_loop3A_507 = arith.constant 0 : i32
        %parallel_loop3A_508 = arith.constant 0 : i32
        %parallel_loop3A_509 = tpu.memref_slice %arg8[%parallel_loop3A_505, %parallel_loop3A_506, %parallel_loop3A_507, %parallel_loop3A_508] : memref<2x8x8x129xf32, #tpu.memory_space<vmem>> -> memref<1x8x8x129xf32, #tpu.memory_space<vmem>>
        %parallel_loop3A_510 = tpu.memref_squeeze %parallel_loop3A_509 : memref<1x8x8x129xf32, #tpu.memory_space<vmem>> -> memref<8x8x129xf32, #tpu.memory_space<vmem>>
        tpu.vector_store_idx %parallel_loop3A_510[%add3A_5, %and3A_25, %parallel_loop3A_498], %parallel_loop3A_504 : memref<8x8x129xf32, #tpu.memory_space<vmem>>[vector<16xi32>, vector<16xi32>, vector<16xi32>], vector<16xf32>,
        %parallel_loop3A_511 = arith.constant 0 : i32
        %parallel_loop3A_512 = arith.index_cast %parallel_loop3A_511 : i32 to index
        %parallel_loop3A_513 = arith.index_cast %parallel_loop3A_494 : i32 to index
        %parallel_loop3A_514 = arith.constant 16 : index
        %parallel_loop3A_515 = tpu.vector_load %arg7[%parallel_loop3A_512, %parallel_loop3A_513, %parallel_loop3A_514] {strides = array<i32>} : memref<2x128x64xf32, #tpu.memory_space<vmem>>, vector<16xf32>,
        %parallel_loop3A_516 = arith.addf %parallel_loop3A_515, %get3A_392 : vector<16xf32>
        %parallel_loop3A_517 = arith.constant 0 : i32
        %parallel_loop3A_518 = arith.constant 0 : i32
        %parallel_loop3A_519 = arith.constant 0 : i32
        %parallel_loop3A_520 = arith.constant 0 : i32
        %parallel_loop3A_521 = tpu.memref_slice %arg8[%parallel_loop3A_517, %parallel_loop3A_518, %parallel_loop3A_519, %parallel_loop3A_520] : memref<2x8x8x129xf32, #tpu.memory_space<vmem>> -> memref<1x8x8x129xf32, #tpu.memory_space<vmem>>
        %parallel_loop3A_522 = tpu.memref_squeeze %parallel_loop3A_521 : memref<1x8x8x129xf32, #tpu.memory_space<vmem>> -> memref<8x8x129xf32, #tpu.memory_space<vmem>>
        tpu.vector_store_idx %parallel_loop3A_522[%add3A_11, %and3A_25, %parallel_loop3A_498], %parallel_loop3A_516 : memref<8x8x129xf32, #tpu.memory_space<vmem>>[vector<16xi32>, vector<16xi32>, vector<16xi32>], vector<16xf32>,
        %parallel_loop3A_523 = arith.constant 0 : i32
        %parallel_loop3A_524 = arith.index_cast %parallel_loop3A_523 : i32 to index
        %parallel_loop3A_525 = arith.index_cast %parallel_loop3A_494 : i32 to index
        %parallel_loop3A_526 = arith.constant 32 : index
        %parallel_loop3A_527 = tpu.vector_load %arg7[%parallel_loop3A_524, %parallel_loop3A_525, %parallel_loop3A_526] {strides = array<i32>} : memref<2x128x64xf32, #tpu.memory_space<vmem>>, vector<16xf32>,
        %parallel_loop3A_528 = arith.addf %parallel_loop3A_527, %get3A_395 : vector<16xf32>
        %parallel_loop3A_529 = arith.constant 0 : i32
        %parallel_loop3A_530 = arith.constant 0 : i32
        %parallel_loop3A_531 = arith.constant 0 : i32
        %parallel_loop3A_532 = arith.constant 0 : i32
        %parallel_loop3A_533 = tpu.memref_slice %arg8[%parallel_loop3A_529, %parallel_loop3A_530, %parallel_loop3A_531, %parallel_loop3A_532] : memref<2x8x8x129xf32, #tpu.memory_space<vmem>> -> memref<1x8x8x129xf32, #tpu.memory_space<vmem>>
        %parallel_loop3A_534 = tpu.memref_squeeze %parallel_loop3A_533 : memref<1x8x8x129xf32, #tpu.memory_space<vmem>> -> memref<8x8x129xf32, #tpu.memory_space<vmem>>
        tpu.vector_store_idx %parallel_loop3A_534[%add3A_17, %and3A_25, %parallel_loop3A_498], %parallel_loop3A_528 : memref<8x8x129xf32, #tpu.memory_space<vmem>>[vector<16xi32>, vector<16xi32>, vector<16xi32>], vector<16xf32>,
        %parallel_loop3A_535 = arith.constant 0 : i32
        %parallel_loop3A_536 = arith.index_cast %parallel_loop3A_535 : i32 to index
        %parallel_loop3A_537 = arith.index_cast %parallel_loop3A_494 : i32 to index
        %parallel_loop3A_538 = arith.constant 48 : index
        %parallel_loop3A_539 = tpu.vector_load %arg7[%parallel_loop3A_536, %parallel_loop3A_537, %parallel_loop3A_538] {strides = array<i32>} : memref<2x128x64xf32, #tpu.memory_space<vmem>>, vector<16xf32>,
        %parallel_loop3A_540 = arith.addf %parallel_loop3A_539, %get3A_398 : vector<16xf32>
        %parallel_loop3A_541 = arith.constant 0 : i32
        %parallel_loop3A_542 = arith.constant 0 : i32
        %parallel_loop3A_543 = arith.constant 0 : i32
        %parallel_loop3A_544 = arith.constant 0 : i32
        %parallel_loop3A_545 = tpu.memref_slice %arg8[%parallel_loop3A_541, %parallel_loop3A_542, %parallel_loop3A_543, %parallel_loop3A_544] : memref<2x8x8x129xf32, #tpu.memory_space<vmem>> -> memref<1x8x8x129xf32, #tpu.memory_space<vmem>>
        %parallel_loop3A_546 = tpu.memref_squeeze %parallel_loop3A_545 : memref<1x8x8x129xf32, #tpu.memory_space<vmem>> -> memref<8x8x129xf32, #tpu.memory_space<vmem>>
        tpu.vector_store_idx %parallel_loop3A_546[%add3A_23, %and3A_25, %parallel_loop3A_498], %parallel_loop3A_540 : memref<8x8x129xf32, #tpu.memory_space<vmem>>[vector<16xi32>, vector<16xi32>, vector<16xi32>], vector<16xf32>,
      } {sc.loop_unroll_factor = 4 : i64, sc.parallel_access}
      %dma_start3A_401 = arith.constant 0 : i32
      %dma_start3A_402 = arith.constant 0 : i32
      %dma_start3A_403 = arith.constant 0 : i32
      %dma_start3A_404 = arith.constant 0 : i32
      %dma_start3A_405 = tpu.memref_slice %arg8[%dma_start3A_401, %dma_start3A_402, %dma_start3A_403, %dma_start3A_404] : memref<2x8x8x129xf32, #tpu.memory_space<vmem>> -> memref<1x8x8x129xf32, #tpu.memory_space<vmem>>
      %dma_start3A_406 = tpu.memref_squeeze %dma_start3A_405 : memref<1x8x8x129xf32, #tpu.memory_space<vmem>> -> memref<8x8x129xf32, #tpu.memory_space<vmem>>
      %dma_start3A_407 = arith.constant 0 : i32
      %dma_start3A_408 = arith.constant 0 : i32
      %dma_start3A_409 = arith.constant 0 : i32
      %dma_start3A_410 = tpu.memref_slice %dma_start3A_406[%dma_start3A_407, %dma_start3A_408, %dma_start3A_409] : memref<8x8x129xf32, #tpu.memory_space<vmem>> -> memref<8x8x128xf32, #tpu.memory_space<vmem>>
      %dma_start3A_411 = arith.constant 0 : i32
      %dma_start3A_412 = arith.constant 0 : i32
      %dma_start3A_413 = arith.constant 0 : i32
      %dma_start3A_414 = tpu.memref_slice %arg5[%add3A_372, %dma_start3A_411, %add3A_111, %dma_start3A_412, %dma_start3A_413] : memref<50x8x128x8x128xf32, #tpu.memory_space<hbm>> -> memref<1x8x1x8x128xf32, #tpu.memory_space<hbm>>
      %dma_start3A_415 = tpu.memref_squeeze %dma_start3A_414 : memref<1x8x1x8x128xf32, #tpu.memory_space<hbm>> -> memref<8x8x128xf32, #tpu.memory_space<hbm>>
      %dma_start3A_416 = arith.constant 0 : i32
      %dma_start3A_417 = arith.constant 0 : i32
      %dma_start3A_418 = arith.constant 0 : i32
      %dma_start3A_419 = tpu.memref_slice %arg5[%add3A_372, %dma_start3A_416, %add3A_111, %dma_start3A_417, %dma_start3A_418] : memref<50x8x128x8x128xf32, #tpu.memory_space<hbm>> -> memref<1x8x1x8x128xf32, #tpu.memory_space<hbm>>
      %dma_start3A_420 = tpu.memref_squeeze %dma_start3A_419 : memref<1x8x1x8x128xf32, #tpu.memory_space<hbm>> -> memref<8x8x128xf32, #tpu.memory_space<hbm>>
      %dma_start3A_421 = arith.constant 0 : i32
      %dma_start3A_422 = arith.constant 0 : i32
      %dma_start3A_423 = arith.constant 0 : i32
      %dma_start3A_424 = tpu.memref_slice %arg8[%dma_start3A_401, %dma_start3A_421, %dma_start3A_422, %dma_start3A_423] : memref<2x8x8x129xf32, #tpu.memory_space<vmem>> -> memref<1x8x8x129xf32, #tpu.memory_space<vmem>>
      %dma_start3A_425 = tpu.memref_squeeze %dma_start3A_424 : memref<1x8x8x129xf32, #tpu.memory_space<vmem>> -> memref<8x8x129xf32, #tpu.memory_space<vmem>>
      %dma_start3A_426 = arith.constant 0 : i32
      %dma_start3A_427 = arith.constant 0 : i32
      %dma_start3A_428 = arith.constant 0 : i32
      %dma_start3A_429 = tpu.memref_slice %dma_start3A_425[%dma_start3A_426, %dma_start3A_427, %dma_start3A_428] : memref<8x8x129xf32, #tpu.memory_space<vmem>> -> memref<8x8x128xf32, #tpu.memory_space<vmem>>
      tpu.enqueue_dma source(%dma_start3A_429 : memref<8x8x128xf32, #tpu.memory_space<vmem>>) target(%dma_start3A_420 : memref<8x8x128xf32, #tpu.memory_space<hbm>>) target_semaphore(%arg12 : memref<!tpu.dma_semaphore, #tpu.memory_space<semaphore_mem>>)
      %add3A_430 = arith.constant 1 : i32
      %add3A_431 = arith.addi %add3A_370, %add3A_430 : i32
      %add3A_432 = arith.constant 1 : i32
      %add3A_433 = arith.addi %add3A_431, %add3A_432 : i32
      %lt3A_434 = arith.constant 50 : i32
      %lt3A_435 = arith.cmpi slt, %add3A_433, %lt3A_434 : i32
      %convert_element_type3A_436 = arith.extui %lt3A_435 : i1 to i32
      %cond3A_437 = arith.constant 0 : i32
      %cond3A_438 = arith.cmpi ne, %convert_element_type3A_436, %cond3A_437 : i32
      scf.if %cond3A_438 {
        %ge3A = arith.constant 1 : i32
        %ge3A_494 = arith.cmpi sge, %add3A_431, %ge3A : i32
        %convert_element_type3A_495 = arith.extui %ge3A_494 : i1 to i32
        %cond3A_496 = arith.constant 0 : i32
        %cond3A_497 = arith.cmpi ne, %convert_element_type3A_495, %cond3A_496 : i32
        scf.if %cond3A_497 {
          %dma_wait3A_509 = arith.constant 0 : i32
          %dma_wait3A_510 = arith.constant 0 : i32
          %dma_wait3A_511 = arith.constant 0 : i32
          %dma_wait3A_512 = arith.constant 0 : i32
          %dma_wait3A_513 = arith.constant 0 : i32
          %dma_wait3A_514 = arith.constant 0 : i32
          %dma_wait3A_515 = tpu.memref_slice %arg8[%dma_wait3A_509, %dma_wait3A_512, %dma_wait3A_513, %dma_wait3A_514] : memref<2x8x8x129xf32, #tpu.memory_space<vmem>> -> memref<1x8x8x129xf32, #tpu.memory_space<vmem>>
          %dma_wait3A_516 = tpu.memref_squeeze %dma_wait3A_515 : memref<1x8x8x129xf32, #tpu.memory_space<vmem>> -> memref<8x8x129xf32, #tpu.memory_space<vmem>>
          %dma_wait3A_517 = arith.constant 0 : i32
          %dma_wait3A_518 = arith.constant 0 : i32
          %dma_wait3A_519 = arith.constant 0 : i32
          %dma_wait3A_520 = tpu.memref_slice %dma_wait3A_516[%dma_wait3A_517, %dma_wait3A_518, %dma_wait3A_519] : memref<8x8x129xf32, #tpu.memory_space<vmem>> -> memref<8x8x128xf32, #tpu.memory_space<vmem>>
          %dma_wait3A_521 = arith.constant 0 : i32
          %dma_wait3A_522 = arith.constant 0 : i32
          %dma_wait3A_523 = arith.constant 0 : i32
          %dma_wait3A_524 = tpu.memref_slice %arg5[%dma_wait3A_510, %dma_wait3A_521, %dma_wait3A_511, %dma_wait3A_522, %dma_wait3A_523] : memref<50x8x128x8x128xf32, #tpu.memory_space<hbm>> -> memref<1x8x1x8x128xf32, #tpu.memory_space<hbm>>
          %dma_wait3A_525 = tpu.memref_squeeze %dma_wait3A_524 : memref<1x8x1x8x128xf32, #tpu.memory_space<hbm>> -> memref<8x8x128xf32, #tpu.memory_space<hbm>>
          %dma_wait3A_526 = arith.constant 0 : i32
          %dma_wait3A_527 = arith.constant 0 : i32
          %dma_wait3A_528 = arith.constant 0 : i32
          %dma_wait3A_529 = tpu.memref_slice %arg5[%dma_wait3A_510, %dma_wait3A_526, %dma_wait3A_511, %dma_wait3A_527, %dma_wait3A_528] : memref<50x8x128x8x128xf32, #tpu.memory_space<hbm>> -> memref<1x8x1x8x128xf32, #tpu.memory_space<hbm>>
          %dma_wait3A_530 = tpu.memref_squeeze %dma_wait3A_529 : memref<1x8x1x8x128xf32, #tpu.memory_space<hbm>> -> memref<8x8x128xf32, #tpu.memory_space<hbm>>
          %dma_wait3A_531 = arith.constant 0 : i32
          %dma_wait3A_532 = arith.constant 0 : i32
          %dma_wait3A_533 = arith.constant 0 : i32
          %dma_wait3A_534 = tpu.memref_slice %arg8[%dma_wait3A_509, %dma_wait3A_531, %dma_wait3A_532, %dma_wait3A_533] : memref<2x8x8x129xf32, #tpu.memory_space<vmem>> -> memref<1x8x8x129xf32, #tpu.memory_space<vmem>>
          %dma_wait3A_535 = tpu.memref_squeeze %dma_wait3A_534 : memref<1x8x8x129xf32, #tpu.memory_space<vmem>> -> memref<8x8x129xf32, #tpu.memory_space<vmem>>
          %dma_wait3A_536 = arith.constant 0 : i32
          %dma_wait3A_537 = arith.constant 0 : i32
          %dma_wait3A_538 = arith.constant 0 : i32
          %dma_wait3A_539 = tpu.memref_slice %dma_wait3A_535[%dma_wait3A_536, %dma_wait3A_537, %dma_wait3A_538] : memref<8x8x129xf32, #tpu.memory_space<vmem>> -> memref<8x8x128xf32, #tpu.memory_space<vmem>>
          tpu.wait_dma2 semaphore(%arg12 : memref<!tpu.dma_semaphore, #tpu.memory_space<semaphore_mem>>) src(%dma_wait3A_539 : memref<8x8x128xf32, #tpu.memory_space<vmem>>) dst(%dma_wait3A_530 : memref<8x8x128xf32, #tpu.memory_space<hbm>>)
        } else {
        }
        %dma_start3A_498 = arith.constant 0 : i32
        %dma_start3A_499 = arith.constant 0 : i32
        %dma_start3A_500 = arith.constant 0 : i32
        %dma_start3A_501 = tpu.memref_slice %arg7[%dma_start3A_498, %dma_start3A_499, %dma_start3A_500] : memref<2x128x64xf32, #tpu.memory_space<vmem>> -> memref<1x128x64xf32, #tpu.memory_space<vmem>>
        %dma_start3A_502 = tpu.memref_squeeze %dma_start3A_501 : memref<1x128x64xf32, #tpu.memory_space<vmem>> -> memref<128x64xf32, #tpu.memory_space<vmem>>
        %dma_start3A_503 = arith.constant 0 : i32
        %dma_start3A_504 = tpu.memref_slice %arg6[%add3A_433, %dma_start3A_503] : memref<50x128xi32, #tpu.memory_space<vmem>> -> memref<1x128xi32, #tpu.memory_space<vmem>>
        %dma_start3A_505 = tpu.memref_squeeze %dma_start3A_504 : memref<1x128xi32, #tpu.memory_space<vmem>> -> memref<128xi32, #tpu.memory_space<vmem>>
        %dma_start3A_506 = arith.constant 0 : i32
        %dma_start3A_507 = arith.constant 0 : i32
        %dma_start3A_508 = tpu.memref_slice %arg3[%dma_start3A_506, %dma_start3A_507] : memref<1000000x64xf32, #tpu.memory_space<hbm>> -> memref<1000000x64xf32, #tpu.memory_space<hbm>>
        tpu.enqueue_indirect_dma source(%dma_start3A_508 : memref<1000000x64xf32, #tpu.memory_space<hbm>>) target(%dma_start3A_502 : memref<128x64xf32, #tpu.memory_space<vmem>>) offsets(%dma_start3A_505 : memref<128xi32, #tpu.memory_space<vmem>>) semaphore(%arg10 : memref<!tpu.dma_semaphore, #tpu.memory_space<semaphore_mem>>)
      } else {
      }
      %dma_wait3A_439 = arith.constant 1 : i32
      %dma_wait3A_440 = arith.constant 0 : i32
      %dma_wait3A_441 = arith.constant 0 : i32
      %dma_wait3A_442 = tpu.memref_slice %arg7[%dma_wait3A_439, %dma_wait3A_440, %dma_wait3A_441] : memref<2x128x64xf32, #tpu.memory_space<vmem>> -> memref<1x128x64xf32, #tpu.memory_space<vmem>>
      %dma_wait3A_443 = tpu.memref_squeeze %dma_wait3A_442 : memref<1x128x64xf32, #tpu.memory_space<vmem>> -> memref<128x64xf32, #tpu.memory_space<vmem>>
      %dma_wait3A_444 = arith.constant 0 : i32
      %dma_wait3A_445 = tpu.memref_slice %arg6[%add3A_431, %dma_wait3A_444] : memref<50x128xi32, #tpu.memory_space<vmem>> -> memref<1x128xi32, #tpu.memory_space<vmem>>
      %dma_wait3A_446 = tpu.memref_squeeze %dma_wait3A_445 : memref<1x128xi32, #tpu.memory_space<vmem>> -> memref<128xi32, #tpu.memory_space<vmem>>
      %dma_wait3A_447 = arith.constant 0 : i32
      %dma_wait3A_448 = arith.constant 0 : i32
      %dma_wait3A_449 = tpu.memref_slice %arg3[%dma_wait3A_447, %dma_wait3A_448] : memref<1000000x64xf32, #tpu.memory_space<hbm>> -> memref<1000000x64xf32, #tpu.memory_space<hbm>>
      tpu.wait_indirect_dma semaphore(%arg11 : memref<!tpu.dma_semaphore, #tpu.memory_space<semaphore_mem>>) src(%dma_wait3A_449 : memref<1000000x64xf32, #tpu.memory_space<hbm>>) dst(%dma_wait3A_443 : memref<128x64xf32, #tpu.memory_space<vmem>>)
      %get3A_450 = arith.index_cast %add3A_431 : i32 to index
      %get3A_451 = arith.constant 0 : index
      %get3A_452 = tpu.vector_load %arg9[%get3A_450, %get3A_451] {strides = array<i32>} : memref<56x64xf32, #tpu.memory_space<vmem>>, vector<16xf32>,
      %get3A_453 = arith.index_cast %add3A_431 : i32 to index
      %get3A_454 = arith.constant 16 : index
      %get3A_455 = tpu.vector_load %arg9[%get3A_453, %get3A_454] {strides = array<i32>} : memref<56x64xf32, #tpu.memory_space<vmem>>, vector<16xf32>,
      %get3A_456 = arith.index_cast %add3A_431 : i32 to index
      %get3A_457 = arith.constant 32 : index
      %get3A_458 = tpu.vector_load %arg9[%get3A_456, %get3A_457] {strides = array<i32>} : memref<56x64xf32, #tpu.memory_space<vmem>>, vector<16xf32>,
      %get3A_459 = arith.index_cast %add3A_431 : i32 to index
      %get3A_460 = arith.constant 48 : index
      %get3A_461 = tpu.vector_load %arg9[%get3A_459, %get3A_460] {strides = array<i32>} : memref<56x64xf32, #tpu.memory_space<vmem>>, vector<16xf32>,
      %parallel_loop3A_462 = arith.constant 0 : i32
      %parallel_loop3A_463 = arith.constant 128 : i32
      %parallel_loop3A_464 = arith.constant 1 : i32
      scf.for %parallel_loop3A_494 = %parallel_loop3A_462 to %parallel_loop3A_463 step %parallel_loop3A_464  : i32 {
        %parallel_loop3A_495 = arith.constant 0 : i32
        %parallel_loop3A_496 = vector.broadcast %parallel_loop3A_495 : i32 to vector<16xi32>
        %parallel_loop3A_497 = vector.broadcast %parallel_loop3A_494 : i32 to vector<16xi32>
        %parallel_loop3A_498 = arith.addi %parallel_loop3A_496, %parallel_loop3A_497 : vector<16xi32>
        %parallel_loop3A_499 = arith.constant 1 : i32
        %parallel_loop3A_500 = arith.index_cast %parallel_loop3A_499 : i32 to index
        %parallel_loop3A_501 = arith.index_cast %parallel_loop3A_494 : i32 to index
        %parallel_loop3A_502 = arith.constant 0 : index
        %parallel_loop3A_503 = tpu.vector_load %arg7[%parallel_loop3A_500, %parallel_loop3A_501, %parallel_loop3A_502] {strides = array<i32>} : memref<2x128x64xf32, #tpu.memory_space<vmem>>, vector<16xf32>,
        %parallel_loop3A_504 = arith.addf %parallel_loop3A_503, %get3A_452 : vector<16xf32>
        %parallel_loop3A_505 = arith.constant 1 : i32
        %parallel_loop3A_506 = arith.constant 0 : i32
        %parallel_loop3A_507 = arith.constant 0 : i32
        %parallel_loop3A_508 = arith.constant 0 : i32
        %parallel_loop3A_509 = tpu.memref_slice %arg8[%parallel_loop3A_505, %parallel_loop3A_506, %parallel_loop3A_507, %parallel_loop3A_508] : memref<2x8x8x129xf32, #tpu.memory_space<vmem>> -> memref<1x8x8x129xf32, #tpu.memory_space<vmem>>
        %parallel_loop3A_510 = tpu.memref_squeeze %parallel_loop3A_509 : memref<1x8x8x129xf32, #tpu.memory_space<vmem>> -> memref<8x8x129xf32, #tpu.memory_space<vmem>>
        tpu.vector_store_idx %parallel_loop3A_510[%add3A_5, %and3A_25, %parallel_loop3A_498], %parallel_loop3A_504 : memref<8x8x129xf32, #tpu.memory_space<vmem>>[vector<16xi32>, vector<16xi32>, vector<16xi32>], vector<16xf32>,
        %parallel_loop3A_511 = arith.constant 1 : i32
        %parallel_loop3A_512 = arith.index_cast %parallel_loop3A_511 : i32 to index
        %parallel_loop3A_513 = arith.index_cast %parallel_loop3A_494 : i32 to index
        %parallel_loop3A_514 = arith.constant 16 : index
        %parallel_loop3A_515 = tpu.vector_load %arg7[%parallel_loop3A_512, %parallel_loop3A_513, %parallel_loop3A_514] {strides = array<i32>} : memref<2x128x64xf32, #tpu.memory_space<vmem>>, vector<16xf32>,
        %parallel_loop3A_516 = arith.addf %parallel_loop3A_515, %get3A_455 : vector<16xf32>
        %parallel_loop3A_517 = arith.constant 1 : i32
        %parallel_loop3A_518 = arith.constant 0 : i32
        %parallel_loop3A_519 = arith.constant 0 : i32
        %parallel_loop3A_520 = arith.constant 0 : i32
        %parallel_loop3A_521 = tpu.memref_slice %arg8[%parallel_loop3A_517, %parallel_loop3A_518, %parallel_loop3A_519, %parallel_loop3A_520] : memref<2x8x8x129xf32, #tpu.memory_space<vmem>> -> memref<1x8x8x129xf32, #tpu.memory_space<vmem>>
        %parallel_loop3A_522 = tpu.memref_squeeze %parallel_loop3A_521 : memref<1x8x8x129xf32, #tpu.memory_space<vmem>> -> memref<8x8x129xf32, #tpu.memory_space<vmem>>
        tpu.vector_store_idx %parallel_loop3A_522[%add3A_11, %and3A_25, %parallel_loop3A_498], %parallel_loop3A_516 : memref<8x8x129xf32, #tpu.memory_space<vmem>>[vector<16xi32>, vector<16xi32>, vector<16xi32>], vector<16xf32>,
        %parallel_loop3A_523 = arith.constant 1 : i32
        %parallel_loop3A_524 = arith.index_cast %parallel_loop3A_523 : i32 to index
        %parallel_loop3A_525 = arith.index_cast %parallel_loop3A_494 : i32 to index
        %parallel_loop3A_526 = arith.constant 32 : index
        %parallel_loop3A_527 = tpu.vector_load %arg7[%parallel_loop3A_524, %parallel_loop3A_525, %parallel_loop3A_526] {strides = array<i32>} : memref<2x128x64xf32, #tpu.memory_space<vmem>>, vector<16xf32>,
        %parallel_loop3A_528 = arith.addf %parallel_loop3A_527, %get3A_458 : vector<16xf32>
        %parallel_loop3A_529 = arith.constant 1 : i32
        %parallel_loop3A_530 = arith.constant 0 : i32
        %parallel_loop3A_531 = arith.constant 0 : i32
        %parallel_loop3A_532 = arith.constant 0 : i32
        %parallel_loop3A_533 = tpu.memref_slice %arg8[%parallel_loop3A_529, %parallel_loop3A_530, %parallel_loop3A_531, %parallel_loop3A_532] : memref<2x8x8x129xf32, #tpu.memory_space<vmem>> -> memref<1x8x8x129xf32, #tpu.memory_space<vmem>>
        %parallel_loop3A_534 = tpu.memref_squeeze %parallel_loop3A_533 : memref<1x8x8x129xf32, #tpu.memory_space<vmem>> -> memref<8x8x129xf32, #tpu.memory_space<vmem>>
        tpu.vector_store_idx %parallel_loop3A_534[%add3A_17, %and3A_25, %parallel_loop3A_498], %parallel_loop3A_528 : memref<8x8x129xf32, #tpu.memory_space<vmem>>[vector<16xi32>, vector<16xi32>, vector<16xi32>], vector<16xf32>,
        %parallel_loop3A_535 = arith.constant 1 : i32
        %parallel_loop3A_536 = arith.index_cast %parallel_loop3A_535 : i32 to index
        %parallel_loop3A_537 = arith.index_cast %parallel_loop3A_494 : i32 to index
        %parallel_loop3A_538 = arith.constant 48 : index
        %parallel_loop3A_539 = tpu.vector_load %arg7[%parallel_loop3A_536, %parallel_loop3A_537, %parallel_loop3A_538] {strides = array<i32>} : memref<2x128x64xf32, #tpu.memory_space<vmem>>, vector<16xf32>,
        %parallel_loop3A_540 = arith.addf %parallel_loop3A_539, %get3A_461 : vector<16xf32>
        %parallel_loop3A_541 = arith.constant 1 : i32
        %parallel_loop3A_542 = arith.constant 0 : i32
        %parallel_loop3A_543 = arith.constant 0 : i32
        %parallel_loop3A_544 = arith.constant 0 : i32
        %parallel_loop3A_545 = tpu.memref_slice %arg8[%parallel_loop3A_541, %parallel_loop3A_542, %parallel_loop3A_543, %parallel_loop3A_544] : memref<2x8x8x129xf32, #tpu.memory_space<vmem>> -> memref<1x8x8x129xf32, #tpu.memory_space<vmem>>
        %parallel_loop3A_546 = tpu.memref_squeeze %parallel_loop3A_545 : memref<1x8x8x129xf32, #tpu.memory_space<vmem>> -> memref<8x8x129xf32, #tpu.memory_space<vmem>>
        tpu.vector_store_idx %parallel_loop3A_546[%add3A_23, %and3A_25, %parallel_loop3A_498], %parallel_loop3A_540 : memref<8x8x129xf32, #tpu.memory_space<vmem>>[vector<16xi32>, vector<16xi32>, vector<16xi32>], vector<16xf32>,
      } {sc.loop_unroll_factor = 4 : i64, sc.parallel_access}
      %dma_start3A_465 = arith.constant 1 : i32
      %dma_start3A_466 = arith.constant 0 : i32
      %dma_start3A_467 = arith.constant 0 : i32
      %dma_start3A_468 = arith.constant 0 : i32
      %dma_start3A_469 = tpu.memref_slice %arg8[%dma_start3A_465, %dma_start3A_466, %dma_start3A_467, %dma_start3A_468] : memref<2x8x8x129xf32, #tpu.memory_space<vmem>> -> memref<1x8x8x129xf32, #tpu.memory_space<vmem>>
      %dma_start3A_470 = tpu.memref_squeeze %dma_start3A_469 : memref<1x8x8x129xf32, #tpu.memory_space<vmem>> -> memref<8x8x129xf32, #tpu.memory_space<vmem>>
      %dma_start3A_471 = arith.constant 0 : i32
      %dma_start3A_472 = arith.constant 0 : i32
      %dma_start3A_473 = arith.constant 0 : i32
      %dma_start3A_474 = tpu.memref_slice %dma_start3A_470[%dma_start3A_471, %dma_start3A_472, %dma_start3A_473] : memref<8x8x129xf32, #tpu.memory_space<vmem>> -> memref<8x8x128xf32, #tpu.memory_space<vmem>>
      %dma_start3A_475 = arith.constant 0 : i32
      %dma_start3A_476 = arith.constant 0 : i32
      %dma_start3A_477 = arith.constant 0 : i32
      %dma_start3A_478 = tpu.memref_slice %arg5[%add3A_431, %dma_start3A_475, %add3A_111, %dma_start3A_476, %dma_start3A_477] : memref<50x8x128x8x128xf32, #tpu.memory_space<hbm>> -> memref<1x8x1x8x128xf32, #tpu.memory_space<hbm>>
      %dma_start3A_479 = tpu.memref_squeeze %dma_start3A_478 : memref<1x8x1x8x128xf32, #tpu.memory_space<hbm>> -> memref<8x8x128xf32, #tpu.memory_space<hbm>>
      %dma_start3A_480 = arith.constant 0 : i32
      %dma_start3A_481 = arith.constant 0 : i32
      %dma_start3A_482 = arith.constant 0 : i32
      %dma_start3A_483 = tpu.memref_slice %arg5[%add3A_431, %dma_start3A_480, %add3A_111, %dma_start3A_481, %dma_start3A_482] : memref<50x8x128x8x128xf32, #tpu.memory_space<hbm>> -> memref<1x8x1x8x128xf32, #tpu.memory_space<hbm>>
      %dma_start3A_484 = tpu.memref_squeeze %dma_start3A_483 : memref<1x8x1x8x128xf32, #tpu.memory_space<hbm>> -> memref<8x8x128xf32, #tpu.memory_space<hbm>>
      %dma_start3A_485 = arith.constant 0 : i32
      %dma_start3A_486 = arith.constant 0 : i32
      %dma_start3A_487 = arith.constant 0 : i32
      %dma_start3A_488 = tpu.memref_slice %arg8[%dma_start3A_465, %dma_start3A_485, %dma_start3A_486, %dma_start3A_487] : memref<2x8x8x129xf32, #tpu.memory_space<vmem>> -> memref<1x8x8x129xf32, #tpu.memory_space<vmem>>
      %dma_start3A_489 = tpu.memref_squeeze %dma_start3A_488 : memref<1x8x8x129xf32, #tpu.memory_space<vmem>> -> memref<8x8x129xf32, #tpu.memory_space<vmem>>
      %dma_start3A_490 = arith.constant 0 : i32
      %dma_start3A_491 = arith.constant 0 : i32
      %dma_start3A_492 = arith.constant 0 : i32
      %dma_start3A_493 = tpu.memref_slice %dma_start3A_489[%dma_start3A_490, %dma_start3A_491, %dma_start3A_492] : memref<8x8x129xf32, #tpu.memory_space<vmem>> -> memref<8x8x128xf32, #tpu.memory_space<vmem>>
      tpu.enqueue_dma source(%dma_start3A_493 : memref<8x8x128xf32, #tpu.memory_space<vmem>>) target(%dma_start3A_484 : memref<8x8x128xf32, #tpu.memory_space<hbm>>) target_semaphore(%arg13 : memref<!tpu.dma_semaphore, #tpu.memory_space<semaphore_mem>>)
    }
    %scan3A_131 = arith.constant 25 : i32
    %dma_wait3A_132 = arith.constant 0 : i32
    %dma_wait3A_133 = arith.constant 0 : i32
    %dma_wait3A_134 = arith.constant 0 : i32
    %dma_wait3A_135 = arith.constant 0 : i32
    %dma_wait3A_136 = arith.constant 0 : i32
    %dma_wait3A_137 = arith.constant 0 : i32
    %dma_wait3A_138 = tpu.memref_slice %arg8[%dma_wait3A_132, %dma_wait3A_135, %dma_wait3A_136, %dma_wait3A_137] : memref<2x8x8x129xf32, #tpu.memory_space<vmem>> -> memref<1x8x8x129xf32, #tpu.memory_space<vmem>>
    %dma_wait3A_139 = tpu.memref_squeeze %dma_wait3A_138 : memref<1x8x8x129xf32, #tpu.memory_space<vmem>> -> memref<8x8x129xf32, #tpu.memory_space<vmem>>
    %dma_wait3A_140 = arith.constant 0 : i32
    %dma_wait3A_141 = arith.constant 0 : i32
    %dma_wait3A_142 = arith.constant 0 : i32
    %dma_wait3A_143 = tpu.memref_slice %dma_wait3A_139[%dma_wait3A_140, %dma_wait3A_141, %dma_wait3A_142] : memref<8x8x129xf32, #tpu.memory_space<vmem>> -> memref<8x8x128xf32, #tpu.memory_space<vmem>>
    %dma_wait3A_144 = arith.constant 0 : i32
    %dma_wait3A_145 = arith.constant 0 : i32
    %dma_wait3A_146 = arith.constant 0 : i32
    %dma_wait3A_147 = tpu.memref_slice %arg5[%dma_wait3A_133, %dma_wait3A_144, %dma_wait3A_134, %dma_wait3A_145, %dma_wait3A_146] : memref<50x8x128x8x128xf32, #tpu.memory_space<hbm>> -> memref<1x8x1x8x128xf32, #tpu.memory_space<hbm>>
    %dma_wait3A_148 = tpu.memref_squeeze %dma_wait3A_147 : memref<1x8x1x8x128xf32, #tpu.memory_space<hbm>> -> memref<8x8x128xf32, #tpu.memory_space<hbm>>
    %dma_wait3A_149 = arith.constant 0 : i32
    %dma_wait3A_150 = arith.constant 0 : i32
    %dma_wait3A_151 = arith.constant 0 : i32
    %dma_wait3A_152 = tpu.memref_slice %arg5[%dma_wait3A_133, %dma_wait3A_149, %dma_wait3A_134, %dma_wait3A_150, %dma_wait3A_151] : memref<50x8x128x8x128xf32, #tpu.memory_space<hbm>> -> memref<1x8x1x8x128xf32, #tpu.memory_space<hbm>>
    %dma_wait3A_153 = tpu.memref_squeeze %dma_wait3A_152 : memref<1x8x1x8x128xf32, #tpu.memory_space<hbm>> -> memref<8x8x128xf32, #tpu.memory_space<hbm>>
    %dma_wait3A_154 = arith.constant 0 : i32
    %dma_wait3A_155 = arith.constant 0 : i32
    %dma_wait3A_156 = arith.constant 0 : i32
    %dma_wait3A_157 = tpu.memref_slice %arg8[%dma_wait3A_132, %dma_wait3A_154, %dma_wait3A_155, %dma_wait3A_156] : memref<2x8x8x129xf32, #tpu.memory_space<vmem>> -> memref<1x8x8x129xf32, #tpu.memory_space<vmem>>
    %dma_wait3A_158 = tpu.memref_squeeze %dma_wait3A_157 : memref<1x8x8x129xf32, #tpu.memory_space<vmem>> -> memref<8x8x129xf32, #tpu.memory_space<vmem>>
    %dma_wait3A_159 = arith.constant 0 : i32
    %dma_wait3A_160 = arith.constant 0 : i32
    %dma_wait3A_161 = arith.constant 0 : i32
    %dma_wait3A_162 = tpu.memref_slice %dma_wait3A_158[%dma_wait3A_159, %dma_wait3A_160, %dma_wait3A_161] : memref<8x8x129xf32, #tpu.memory_space<vmem>> -> memref<8x8x128xf32, #tpu.memory_space<vmem>>
    tpu.wait_dma2 semaphore(%arg12 : memref<!tpu.dma_semaphore, #tpu.memory_space<semaphore_mem>>) src(%dma_wait3A_162 : memref<8x8x128xf32, #tpu.memory_space<vmem>>) dst(%dma_wait3A_153 : memref<8x8x128xf32, #tpu.memory_space<hbm>>)
    %dma_wait3A_163 = arith.constant 1 : i32
    %dma_wait3A_164 = arith.constant 0 : i32
    %dma_wait3A_165 = arith.constant 0 : i32
    %dma_wait3A_166 = arith.constant 0 : i32
    %dma_wait3A_167 = arith.constant 0 : i32
    %dma_wait3A_168 = arith.constant 0 : i32
    %dma_wait3A_169 = tpu.memref_slice %arg8[%dma_wait3A_163, %dma_wait3A_166, %dma_wait3A_167, %dma_wait3A_168] : memref<2x8x8x129xf32, #tpu.memory_space<vmem>> -> memref<1x8x8x129xf32, #tpu.memory_space<vmem>>
    %dma_wait3A_170 = tpu.memref_squeeze %dma_wait3A_169 : memref<1x8x8x129xf32, #tpu.memory_space<vmem>> -> memref<8x8x129xf32, #tpu.memory_space<vmem>>
    %dma_wait3A_171 = arith.constant 0 : i32
    %dma_wait3A_172 = arith.constant 0 : i32
    %dma_wait3A_173 = arith.constant 0 : i32
    %dma_wait3A_174 = tpu.memref_slice %dma_wait3A_170[%dma_wait3A_171, %dma_wait3A_172, %dma_wait3A_173] : memref<8x8x129xf32, #tpu.memory_space<vmem>> -> memref<8x8x128xf32, #tpu.memory_space<vmem>>
    %dma_wait3A_175 = arith.constant 0 : i32
    %dma_wait3A_176 = arith.constant 0 : i32
    %dma_wait3A_177 = arith.constant 0 : i32
    %dma_wait3A_178 = tpu.memref_slice %arg5[%dma_wait3A_164, %dma_wait3A_175, %dma_wait3A_165, %dma_wait3A_176, %dma_wait3A_177] : memref<50x8x128x8x128xf32, #tpu.memory_space<hbm>> -> memref<1x8x1x8x128xf32, #tpu.memory_space<hbm>>
    %dma_wait3A_179 = tpu.memref_squeeze %dma_wait3A_178 : memref<1x8x1x8x128xf32, #tpu.memory_space<hbm>> -> memref<8x8x128xf32, #tpu.memory_space<hbm>>
    %dma_wait3A_180 = arith.constant 0 : i32
    %dma_wait3A_181 = arith.constant 0 : i32
    %dma_wait3A_182 = arith.constant 0 : i32
    %dma_wait3A_183 = tpu.memref_slice %arg5[%dma_wait3A_164, %dma_wait3A_180, %dma_wait3A_165, %dma_wait3A_181, %dma_wait3A_182] : memref<50x8x128x8x128xf32, #tpu.memory_space<hbm>> -> memref<1x8x1x8x128xf32, #tpu.memory_space<hbm>>
    %dma_wait3A_184 = tpu.memref_squeeze %dma_wait3A_183 : memref<1x8x1x8x128xf32, #tpu.memory_space<hbm>> -> memref<8x8x128xf32, #tpu.memory_space<hbm>>
    %dma_wait3A_185 = arith.constant 0 : i32
    %dma_wait3A_186 = arith.constant 0 : i32
    %dma_wait3A_187 = arith.constant 0 : i32
    %dma_wait3A_188 = tpu.memref_slice %arg8[%dma_wait3A_163, %dma_wait3A_185, %dma_wait3A_186, %dma_wait3A_187] : memref<2x8x8x129xf32, #tpu.memory_space<vmem>> -> memref<1x8x8x129xf32, #tpu.memory_space<vmem>>
    %dma_wait3A_189 = tpu.memref_squeeze %dma_wait3A_188 : memref<1x8x8x129xf32, #tpu.memory_space<vmem>> -> memref<8x8x129xf32, #tpu.memory_space<vmem>>
    %dma_wait3A_190 = arith.constant 0 : i32
    %dma_wait3A_191 = arith.constant 0 : i32
    %dma_wait3A_192 = arith.constant 0 : i32
    %dma_wait3A_193 = tpu.memref_slice %dma_wait3A_189[%dma_wait3A_190, %dma_wait3A_191, %dma_wait3A_192] : memref<8x8x129xf32, #tpu.memory_space<vmem>> -> memref<8x8x128xf32, #tpu.memory_space<vmem>>
    tpu.wait_dma2 semaphore(%arg13 : memref<!tpu.dma_semaphore, #tpu.memory_space<semaphore_mem>>) src(%dma_wait3A_193 : memref<8x8x128xf32, #tpu.memory_space<vmem>>) dst(%dma_wait3A_184 : memref<8x8x128xf32, #tpu.memory_space<hbm>>)
    %mul3A_194 = arith.constant 4 : i32
    %mul3A_195 = arith.muli %add3A, %mul3A_194 : i32
    %add3A_196 = arith.constant 2 : i32
    %add3A_197 = arith.addi %mul3A_195, %add3A_196 : i32
    %mul3A_198 = arith.constant 128 : i32
    %mul3A_199 = arith.muli %add3A_197, %mul3A_198 : i32
    %multiple_of3A_200 = tpu.assume_multiple %mul3A_199, 128 : i32
    "tpu.region"() ({
      %run_scoped3A = tpu.sem_alloc : memref<!tpu.dma_semaphore, #tpu.memory_space<semaphore_mem>>
      %dma_start3A_366 = arith.constant 0 : i32
      %dma_start3A_367 = tpu.memref_slice %arg2[%dma_start3A_366, %multiple_of3A_200] : memref<50x16384xi32, #tpu.memory_space<hbm>> -> memref<50x128xi32, #tpu.memory_space<hbm>>
      %dma_start3A_368 = arith.constant 0 : i32
      %dma_start3A_369 = tpu.memref_slice %arg2[%dma_start3A_368, %multiple_of3A_200] : memref<50x16384xi32, #tpu.memory_space<hbm>> -> memref<50x128xi32, #tpu.memory_space<hbm>>
      tpu.enqueue_dma source(%dma_start3A_369 : memref<50x128xi32, #tpu.memory_space<hbm>>) target(%arg6 : memref<50x128xi32, #tpu.memory_space<vmem>>) target_semaphore(%run_scoped3A : memref<!tpu.dma_semaphore, #tpu.memory_space<semaphore_mem>>)
      %dma_wait3A_370 = arith.constant 0 : i32
      %dma_wait3A_371 = tpu.memref_slice %arg2[%dma_wait3A_370, %multiple_of3A_200] : memref<50x16384xi32, #tpu.memory_space<hbm>> -> memref<50x128xi32, #tpu.memory_space<hbm>>
      %dma_wait3A_372 = arith.constant 0 : i32
      %dma_wait3A_373 = tpu.memref_slice %arg2[%dma_wait3A_372, %multiple_of3A_200] : memref<50x16384xi32, #tpu.memory_space<hbm>> -> memref<50x128xi32, #tpu.memory_space<hbm>>
      tpu.wait_dma2 semaphore(%run_scoped3A : memref<!tpu.dma_semaphore, #tpu.memory_space<semaphore_mem>>) src(%dma_wait3A_373 : memref<50x128xi32, #tpu.memory_space<hbm>>) dst(%arg6 : memref<50x128xi32, #tpu.memory_space<vmem>>)
      tpu.yield
    }) : () -> ()
    %dma_start3A_201 = arith.constant 0 : i32
    %dma_start3A_202 = arith.constant 0 : i32
    %dma_start3A_203 = arith.constant 0 : i32
    %dma_start3A_204 = arith.constant 0 : i32
    %dma_start3A_205 = tpu.memref_slice %arg7[%dma_start3A_202, %dma_start3A_203, %dma_start3A_204] : memref<2x128x64xf32, #tpu.memory_space<vmem>> -> memref<1x128x64xf32, #tpu.memory_space<vmem>>
    %dma_start3A_206 = tpu.memref_squeeze %dma_start3A_205 : memref<1x128x64xf32, #tpu.memory_space<vmem>> -> memref<128x64xf32, #tpu.memory_space<vmem>>
    %dma_start3A_207 = arith.constant 0 : i32
    %dma_start3A_208 = tpu.memref_slice %arg6[%dma_start3A_201, %dma_start3A_207] : memref<50x128xi32, #tpu.memory_space<vmem>> -> memref<1x128xi32, #tpu.memory_space<vmem>>
    %dma_start3A_209 = tpu.memref_squeeze %dma_start3A_208 : memref<1x128xi32, #tpu.memory_space<vmem>> -> memref<128xi32, #tpu.memory_space<vmem>>
    %dma_start3A_210 = arith.constant 0 : i32
    %dma_start3A_211 = arith.constant 0 : i32
    %dma_start3A_212 = tpu.memref_slice %arg3[%dma_start3A_210, %dma_start3A_211] : memref<1000000x64xf32, #tpu.memory_space<hbm>> -> memref<1000000x64xf32, #tpu.memory_space<hbm>>
    tpu.enqueue_indirect_dma source(%dma_start3A_212 : memref<1000000x64xf32, #tpu.memory_space<hbm>>) target(%dma_start3A_206 : memref<128x64xf32, #tpu.memory_space<vmem>>) offsets(%dma_start3A_209 : memref<128xi32, #tpu.memory_space<vmem>>) semaphore(%arg10 : memref<!tpu.dma_semaphore, #tpu.memory_space<semaphore_mem>>)
    %scan3A_213 = arith.constant 0 : i32
    %scan3A_214 = arith.constant 25 : i32
    %scan3A_215 = arith.addi %scan3A_213, %scan3A_214 : i32
    %scan3A_216 = arith.constant 1 : i32
    scf.for %scan3A_366 = %scan3A_213 to %scan3A_215 step %scan3A_216  : i32 {
      %mul3A_367 = arith.constant 2 : i32
      %mul3A_368 = arith.muli %scan3A_366, %mul3A_367 : i32
      %add3A_369 = arith.constant 0 : i32
      %add3A_370 = arith.addi %add3A_369, %mul3A_368 : i32
      %add3A_371 = arith.constant 0 : i32
      %add3A_372 = arith.addi %add3A_370, %add3A_371 : i32
      %add3A_373 = arith.constant 1 : i32
      %add3A_374 = arith.addi %add3A_372, %add3A_373 : i32
      %lt3A = arith.constant 50 : i32
      %lt3A_375 = arith.cmpi slt, %add3A_374, %lt3A : i32
      %convert_element_type3A = arith.extui %lt3A_375 : i1 to i32
      %cond3A = arith.constant 0 : i32
      %cond3A_376 = arith.cmpi ne, %convert_element_type3A, %cond3A : i32
      scf.if %cond3A_376 {
        %ge3A = arith.constant 1 : i32
        %ge3A_494 = arith.cmpi sge, %add3A_372, %ge3A : i32
        %convert_element_type3A_495 = arith.extui %ge3A_494 : i1 to i32
        %cond3A_496 = arith.constant 0 : i32
        %cond3A_497 = arith.cmpi ne, %convert_element_type3A_495, %cond3A_496 : i32
        scf.if %cond3A_497 {
          %dma_wait3A_509 = arith.constant 1 : i32
          %dma_wait3A_510 = arith.constant 0 : i32
          %dma_wait3A_511 = arith.constant 0 : i32
          %dma_wait3A_512 = arith.constant 0 : i32
          %dma_wait3A_513 = arith.constant 0 : i32
          %dma_wait3A_514 = arith.constant 0 : i32
          %dma_wait3A_515 = tpu.memref_slice %arg8[%dma_wait3A_509, %dma_wait3A_512, %dma_wait3A_513, %dma_wait3A_514] : memref<2x8x8x129xf32, #tpu.memory_space<vmem>> -> memref<1x8x8x129xf32, #tpu.memory_space<vmem>>
          %dma_wait3A_516 = tpu.memref_squeeze %dma_wait3A_515 : memref<1x8x8x129xf32, #tpu.memory_space<vmem>> -> memref<8x8x129xf32, #tpu.memory_space<vmem>>
          %dma_wait3A_517 = arith.constant 0 : i32
          %dma_wait3A_518 = arith.constant 0 : i32
          %dma_wait3A_519 = arith.constant 0 : i32
          %dma_wait3A_520 = tpu.memref_slice %dma_wait3A_516[%dma_wait3A_517, %dma_wait3A_518, %dma_wait3A_519] : memref<8x8x129xf32, #tpu.memory_space<vmem>> -> memref<8x8x128xf32, #tpu.memory_space<vmem>>
          %dma_wait3A_521 = arith.constant 0 : i32
          %dma_wait3A_522 = arith.constant 0 : i32
          %dma_wait3A_523 = arith.constant 0 : i32
          %dma_wait3A_524 = tpu.memref_slice %arg5[%dma_wait3A_510, %dma_wait3A_521, %dma_wait3A_511, %dma_wait3A_522, %dma_wait3A_523] : memref<50x8x128x8x128xf32, #tpu.memory_space<hbm>> -> memref<1x8x1x8x128xf32, #tpu.memory_space<hbm>>
          %dma_wait3A_525 = tpu.memref_squeeze %dma_wait3A_524 : memref<1x8x1x8x128xf32, #tpu.memory_space<hbm>> -> memref<8x8x128xf32, #tpu.memory_space<hbm>>
          %dma_wait3A_526 = arith.constant 0 : i32
          %dma_wait3A_527 = arith.constant 0 : i32
          %dma_wait3A_528 = arith.constant 0 : i32
          %dma_wait3A_529 = tpu.memref_slice %arg5[%dma_wait3A_510, %dma_wait3A_526, %dma_wait3A_511, %dma_wait3A_527, %dma_wait3A_528] : memref<50x8x128x8x128xf32, #tpu.memory_space<hbm>> -> memref<1x8x1x8x128xf32, #tpu.memory_space<hbm>>
          %dma_wait3A_530 = tpu.memref_squeeze %dma_wait3A_529 : memref<1x8x1x8x128xf32, #tpu.memory_space<hbm>> -> memref<8x8x128xf32, #tpu.memory_space<hbm>>
          %dma_wait3A_531 = arith.constant 0 : i32
          %dma_wait3A_532 = arith.constant 0 : i32
          %dma_wait3A_533 = arith.constant 0 : i32
          %dma_wait3A_534 = tpu.memref_slice %arg8[%dma_wait3A_509, %dma_wait3A_531, %dma_wait3A_532, %dma_wait3A_533] : memref<2x8x8x129xf32, #tpu.memory_space<vmem>> -> memref<1x8x8x129xf32, #tpu.memory_space<vmem>>
          %dma_wait3A_535 = tpu.memref_squeeze %dma_wait3A_534 : memref<1x8x8x129xf32, #tpu.memory_space<vmem>> -> memref<8x8x129xf32, #tpu.memory_space<vmem>>
          %dma_wait3A_536 = arith.constant 0 : i32
          %dma_wait3A_537 = arith.constant 0 : i32
          %dma_wait3A_538 = arith.constant 0 : i32
          %dma_wait3A_539 = tpu.memref_slice %dma_wait3A_535[%dma_wait3A_536, %dma_wait3A_537, %dma_wait3A_538] : memref<8x8x129xf32, #tpu.memory_space<vmem>> -> memref<8x8x128xf32, #tpu.memory_space<vmem>>
          tpu.wait_dma2 semaphore(%arg13 : memref<!tpu.dma_semaphore, #tpu.memory_space<semaphore_mem>>) src(%dma_wait3A_539 : memref<8x8x128xf32, #tpu.memory_space<vmem>>) dst(%dma_wait3A_530 : memref<8x8x128xf32, #tpu.memory_space<hbm>>)
        } else {
        }
        %dma_start3A_498 = arith.constant 1 : i32
        %dma_start3A_499 = arith.constant 0 : i32
        %dma_start3A_500 = arith.constant 0 : i32
        %dma_start3A_501 = tpu.memref_slice %arg7[%dma_start3A_498, %dma_start3A_499, %dma_start3A_500] : memref<2x128x64xf32, #tpu.memory_space<vmem>> -> memref<1x128x64xf32, #tpu.memory_space<vmem>>
        %dma_start3A_502 = tpu.memref_squeeze %dma_start3A_501 : memref<1x128x64xf32, #tpu.memory_space<vmem>> -> memref<128x64xf32, #tpu.memory_space<vmem>>
        %dma_start3A_503 = arith.constant 0 : i32
        %dma_start3A_504 = tpu.memref_slice %arg6[%add3A_374, %dma_start3A_503] : memref<50x128xi32, #tpu.memory_space<vmem>> -> memref<1x128xi32, #tpu.memory_space<vmem>>
        %dma_start3A_505 = tpu.memref_squeeze %dma_start3A_504 : memref<1x128xi32, #tpu.memory_space<vmem>> -> memref<128xi32, #tpu.memory_space<vmem>>
        %dma_start3A_506 = arith.constant 0 : i32
        %dma_start3A_507 = arith.constant 0 : i32
        %dma_start3A_508 = tpu.memref_slice %arg3[%dma_start3A_506, %dma_start3A_507] : memref<1000000x64xf32, #tpu.memory_space<hbm>> -> memref<1000000x64xf32, #tpu.memory_space<hbm>>
        tpu.enqueue_indirect_dma source(%dma_start3A_508 : memref<1000000x64xf32, #tpu.memory_space<hbm>>) target(%dma_start3A_502 : memref<128x64xf32, #tpu.memory_space<vmem>>) offsets(%dma_start3A_505 : memref<128xi32, #tpu.memory_space<vmem>>) semaphore(%arg11 : memref<!tpu.dma_semaphore, #tpu.memory_space<semaphore_mem>>)
      } else {
      }
      %dma_wait3A_377 = arith.constant 0 : i32
      %dma_wait3A_378 = arith.constant 0 : i32
      %dma_wait3A_379 = arith.constant 0 : i32
      %dma_wait3A_380 = tpu.memref_slice %arg7[%dma_wait3A_377, %dma_wait3A_378, %dma_wait3A_379] : memref<2x128x64xf32, #tpu.memory_space<vmem>> -> memref<1x128x64xf32, #tpu.memory_space<vmem>>
      %dma_wait3A_381 = tpu.memref_squeeze %dma_wait3A_380 : memref<1x128x64xf32, #tpu.memory_space<vmem>> -> memref<128x64xf32, #tpu.memory_space<vmem>>
      %dma_wait3A_382 = arith.constant 0 : i32
      %dma_wait3A_383 = tpu.memref_slice %arg6[%add3A_372, %dma_wait3A_382] : memref<50x128xi32, #tpu.memory_space<vmem>> -> memref<1x128xi32, #tpu.memory_space<vmem>>
      %dma_wait3A_384 = tpu.memref_squeeze %dma_wait3A_383 : memref<1x128xi32, #tpu.memory_space<vmem>> -> memref<128xi32, #tpu.memory_space<vmem>>
      %dma_wait3A_385 = arith.constant 0 : i32
      %dma_wait3A_386 = arith.constant 0 : i32
      %dma_wait3A_387 = tpu.memref_slice %arg3[%dma_wait3A_385, %dma_wait3A_386] : memref<1000000x64xf32, #tpu.memory_space<hbm>> -> memref<1000000x64xf32, #tpu.memory_space<hbm>>
      tpu.wait_indirect_dma semaphore(%arg10 : memref<!tpu.dma_semaphore, #tpu.memory_space<semaphore_mem>>) src(%dma_wait3A_387 : memref<1000000x64xf32, #tpu.memory_space<hbm>>) dst(%dma_wait3A_381 : memref<128x64xf32, #tpu.memory_space<vmem>>)
      %get3A = arith.index_cast %add3A_372 : i32 to index
      %get3A_388 = arith.constant 0 : index
      %get3A_389 = tpu.vector_load %arg9[%get3A, %get3A_388] {strides = array<i32>} : memref<56x64xf32, #tpu.memory_space<vmem>>, vector<16xf32>,
      %get3A_390 = arith.index_cast %add3A_372 : i32 to index
      %get3A_391 = arith.constant 16 : index
      %get3A_392 = tpu.vector_load %arg9[%get3A_390, %get3A_391] {strides = array<i32>} : memref<56x64xf32, #tpu.memory_space<vmem>>, vector<16xf32>,
      %get3A_393 = arith.index_cast %add3A_372 : i32 to index
      %get3A_394 = arith.constant 32 : index
      %get3A_395 = tpu.vector_load %arg9[%get3A_393, %get3A_394] {strides = array<i32>} : memref<56x64xf32, #tpu.memory_space<vmem>>, vector<16xf32>,
      %get3A_396 = arith.index_cast %add3A_372 : i32 to index
      %get3A_397 = arith.constant 48 : index
      %get3A_398 = tpu.vector_load %arg9[%get3A_396, %get3A_397] {strides = array<i32>} : memref<56x64xf32, #tpu.memory_space<vmem>>, vector<16xf32>,
      %parallel_loop3A = arith.constant 0 : i32
      %parallel_loop3A_399 = arith.constant 128 : i32
      %parallel_loop3A_400 = arith.constant 1 : i32
      scf.for %parallel_loop3A_494 = %parallel_loop3A to %parallel_loop3A_399 step %parallel_loop3A_400  : i32 {
        %parallel_loop3A_495 = arith.constant 0 : i32
        %parallel_loop3A_496 = vector.broadcast %parallel_loop3A_495 : i32 to vector<16xi32>
        %parallel_loop3A_497 = vector.broadcast %parallel_loop3A_494 : i32 to vector<16xi32>
        %parallel_loop3A_498 = arith.addi %parallel_loop3A_496, %parallel_loop3A_497 : vector<16xi32>
        %parallel_loop3A_499 = arith.constant 0 : i32
        %parallel_loop3A_500 = arith.index_cast %parallel_loop3A_499 : i32 to index
        %parallel_loop3A_501 = arith.index_cast %parallel_loop3A_494 : i32 to index
        %parallel_loop3A_502 = arith.constant 0 : index
        %parallel_loop3A_503 = tpu.vector_load %arg7[%parallel_loop3A_500, %parallel_loop3A_501, %parallel_loop3A_502] {strides = array<i32>} : memref<2x128x64xf32, #tpu.memory_space<vmem>>, vector<16xf32>,
        %parallel_loop3A_504 = arith.addf %parallel_loop3A_503, %get3A_389 : vector<16xf32>
        %parallel_loop3A_505 = arith.constant 0 : i32
        %parallel_loop3A_506 = arith.constant 0 : i32
        %parallel_loop3A_507 = arith.constant 0 : i32
        %parallel_loop3A_508 = arith.constant 0 : i32
        %parallel_loop3A_509 = tpu.memref_slice %arg8[%parallel_loop3A_505, %parallel_loop3A_506, %parallel_loop3A_507, %parallel_loop3A_508] : memref<2x8x8x129xf32, #tpu.memory_space<vmem>> -> memref<1x8x8x129xf32, #tpu.memory_space<vmem>>
        %parallel_loop3A_510 = tpu.memref_squeeze %parallel_loop3A_509 : memref<1x8x8x129xf32, #tpu.memory_space<vmem>> -> memref<8x8x129xf32, #tpu.memory_space<vmem>>
        tpu.vector_store_idx %parallel_loop3A_510[%add3A_5, %and3A_25, %parallel_loop3A_498], %parallel_loop3A_504 : memref<8x8x129xf32, #tpu.memory_space<vmem>>[vector<16xi32>, vector<16xi32>, vector<16xi32>], vector<16xf32>,
        %parallel_loop3A_511 = arith.constant 0 : i32
        %parallel_loop3A_512 = arith.index_cast %parallel_loop3A_511 : i32 to index
        %parallel_loop3A_513 = arith.index_cast %parallel_loop3A_494 : i32 to index
        %parallel_loop3A_514 = arith.constant 16 : index
        %parallel_loop3A_515 = tpu.vector_load %arg7[%parallel_loop3A_512, %parallel_loop3A_513, %parallel_loop3A_514] {strides = array<i32>} : memref<2x128x64xf32, #tpu.memory_space<vmem>>, vector<16xf32>,
        %parallel_loop3A_516 = arith.addf %parallel_loop3A_515, %get3A_392 : vector<16xf32>
        %parallel_loop3A_517 = arith.constant 0 : i32
        %parallel_loop3A_518 = arith.constant 0 : i32
        %parallel_loop3A_519 = arith.constant 0 : i32
        %parallel_loop3A_520 = arith.constant 0 : i32
        %parallel_loop3A_521 = tpu.memref_slice %arg8[%parallel_loop3A_517, %parallel_loop3A_518, %parallel_loop3A_519, %parallel_loop3A_520] : memref<2x8x8x129xf32, #tpu.memory_space<vmem>> -> memref<1x8x8x129xf32, #tpu.memory_space<vmem>>
        %parallel_loop3A_522 = tpu.memref_squeeze %parallel_loop3A_521 : memref<1x8x8x129xf32, #tpu.memory_space<vmem>> -> memref<8x8x129xf32, #tpu.memory_space<vmem>>
        tpu.vector_store_idx %parallel_loop3A_522[%add3A_11, %and3A_25, %parallel_loop3A_498], %parallel_loop3A_516 : memref<8x8x129xf32, #tpu.memory_space<vmem>>[vector<16xi32>, vector<16xi32>, vector<16xi32>], vector<16xf32>,
        %parallel_loop3A_523 = arith.constant 0 : i32
        %parallel_loop3A_524 = arith.index_cast %parallel_loop3A_523 : i32 to index
        %parallel_loop3A_525 = arith.index_cast %parallel_loop3A_494 : i32 to index
        %parallel_loop3A_526 = arith.constant 32 : index
        %parallel_loop3A_527 = tpu.vector_load %arg7[%parallel_loop3A_524, %parallel_loop3A_525, %parallel_loop3A_526] {strides = array<i32>} : memref<2x128x64xf32, #tpu.memory_space<vmem>>, vector<16xf32>,
        %parallel_loop3A_528 = arith.addf %parallel_loop3A_527, %get3A_395 : vector<16xf32>
        %parallel_loop3A_529 = arith.constant 0 : i32
        %parallel_loop3A_530 = arith.constant 0 : i32
        %parallel_loop3A_531 = arith.constant 0 : i32
        %parallel_loop3A_532 = arith.constant 0 : i32
        %parallel_loop3A_533 = tpu.memref_slice %arg8[%parallel_loop3A_529, %parallel_loop3A_530, %parallel_loop3A_531, %parallel_loop3A_532] : memref<2x8x8x129xf32, #tpu.memory_space<vmem>> -> memref<1x8x8x129xf32, #tpu.memory_space<vmem>>
        %parallel_loop3A_534 = tpu.memref_squeeze %parallel_loop3A_533 : memref<1x8x8x129xf32, #tpu.memory_space<vmem>> -> memref<8x8x129xf32, #tpu.memory_space<vmem>>
        tpu.vector_store_idx %parallel_loop3A_534[%add3A_17, %and3A_25, %parallel_loop3A_498], %parallel_loop3A_528 : memref<8x8x129xf32, #tpu.memory_space<vmem>>[vector<16xi32>, vector<16xi32>, vector<16xi32>], vector<16xf32>,
        %parallel_loop3A_535 = arith.constant 0 : i32
        %parallel_loop3A_536 = arith.index_cast %parallel_loop3A_535 : i32 to index
        %parallel_loop3A_537 = arith.index_cast %parallel_loop3A_494 : i32 to index
        %parallel_loop3A_538 = arith.constant 48 : index
        %parallel_loop3A_539 = tpu.vector_load %arg7[%parallel_loop3A_536, %parallel_loop3A_537, %parallel_loop3A_538] {strides = array<i32>} : memref<2x128x64xf32, #tpu.memory_space<vmem>>, vector<16xf32>,
        %parallel_loop3A_540 = arith.addf %parallel_loop3A_539, %get3A_398 : vector<16xf32>
        %parallel_loop3A_541 = arith.constant 0 : i32
        %parallel_loop3A_542 = arith.constant 0 : i32
        %parallel_loop3A_543 = arith.constant 0 : i32
        %parallel_loop3A_544 = arith.constant 0 : i32
        %parallel_loop3A_545 = tpu.memref_slice %arg8[%parallel_loop3A_541, %parallel_loop3A_542, %parallel_loop3A_543, %parallel_loop3A_544] : memref<2x8x8x129xf32, #tpu.memory_space<vmem>> -> memref<1x8x8x129xf32, #tpu.memory_space<vmem>>
        %parallel_loop3A_546 = tpu.memref_squeeze %parallel_loop3A_545 : memref<1x8x8x129xf32, #tpu.memory_space<vmem>> -> memref<8x8x129xf32, #tpu.memory_space<vmem>>
        tpu.vector_store_idx %parallel_loop3A_546[%add3A_23, %and3A_25, %parallel_loop3A_498], %parallel_loop3A_540 : memref<8x8x129xf32, #tpu.memory_space<vmem>>[vector<16xi32>, vector<16xi32>, vector<16xi32>], vector<16xf32>,
      } {sc.loop_unroll_factor = 4 : i64, sc.parallel_access}
      %dma_start3A_401 = arith.constant 0 : i32
      %dma_start3A_402 = arith.constant 0 : i32
      %dma_start3A_403 = arith.constant 0 : i32
      %dma_start3A_404 = arith.constant 0 : i32
      %dma_start3A_405 = tpu.memref_slice %arg8[%dma_start3A_401, %dma_start3A_402, %dma_start3A_403, %dma_start3A_404] : memref<2x8x8x129xf32, #tpu.memory_space<vmem>> -> memref<1x8x8x129xf32, #tpu.memory_space<vmem>>
      %dma_start3A_406 = tpu.memref_squeeze %dma_start3A_405 : memref<1x8x8x129xf32, #tpu.memory_space<vmem>> -> memref<8x8x129xf32, #tpu.memory_space<vmem>>
      %dma_start3A_407 = arith.constant 0 : i32
      %dma_start3A_408 = arith.constant 0 : i32
      %dma_start3A_409 = arith.constant 0 : i32
      %dma_start3A_410 = tpu.memref_slice %dma_start3A_406[%dma_start3A_407, %dma_start3A_408, %dma_start3A_409] : memref<8x8x129xf32, #tpu.memory_space<vmem>> -> memref<8x8x128xf32, #tpu.memory_space<vmem>>
      %dma_start3A_411 = arith.constant 0 : i32
      %dma_start3A_412 = arith.constant 0 : i32
      %dma_start3A_413 = arith.constant 0 : i32
      %dma_start3A_414 = tpu.memref_slice %arg5[%add3A_372, %dma_start3A_411, %add3A_197, %dma_start3A_412, %dma_start3A_413] : memref<50x8x128x8x128xf32, #tpu.memory_space<hbm>> -> memref<1x8x1x8x128xf32, #tpu.memory_space<hbm>>
      %dma_start3A_415 = tpu.memref_squeeze %dma_start3A_414 : memref<1x8x1x8x128xf32, #tpu.memory_space<hbm>> -> memref<8x8x128xf32, #tpu.memory_space<hbm>>
      %dma_start3A_416 = arith.constant 0 : i32
      %dma_start3A_417 = arith.constant 0 : i32
      %dma_start3A_418 = arith.constant 0 : i32
      %dma_start3A_419 = tpu.memref_slice %arg5[%add3A_372, %dma_start3A_416, %add3A_197, %dma_start3A_417, %dma_start3A_418] : memref<50x8x128x8x128xf32, #tpu.memory_space<hbm>> -> memref<1x8x1x8x128xf32, #tpu.memory_space<hbm>>
      %dma_start3A_420 = tpu.memref_squeeze %dma_start3A_419 : memref<1x8x1x8x128xf32, #tpu.memory_space<hbm>> -> memref<8x8x128xf32, #tpu.memory_space<hbm>>
      %dma_start3A_421 = arith.constant 0 : i32
      %dma_start3A_422 = arith.constant 0 : i32
      %dma_start3A_423 = arith.constant 0 : i32
      %dma_start3A_424 = tpu.memref_slice %arg8[%dma_start3A_401, %dma_start3A_421, %dma_start3A_422, %dma_start3A_423] : memref<2x8x8x129xf32, #tpu.memory_space<vmem>> -> memref<1x8x8x129xf32, #tpu.memory_space<vmem>>
      %dma_start3A_425 = tpu.memref_squeeze %dma_start3A_424 : memref<1x8x8x129xf32, #tpu.memory_space<vmem>> -> memref<8x8x129xf32, #tpu.memory_space<vmem>>
      %dma_start3A_426 = arith.constant 0 : i32
      %dma_start3A_427 = arith.constant 0 : i32
      %dma_start3A_428 = arith.constant 0 : i32
      %dma_start3A_429 = tpu.memref_slice %dma_start3A_425[%dma_start3A_426, %dma_start3A_427, %dma_start3A_428] : memref<8x8x129xf32, #tpu.memory_space<vmem>> -> memref<8x8x128xf32, #tpu.memory_space<vmem>>
      tpu.enqueue_dma source(%dma_start3A_429 : memref<8x8x128xf32, #tpu.memory_space<vmem>>) target(%dma_start3A_420 : memref<8x8x128xf32, #tpu.memory_space<hbm>>) target_semaphore(%arg12 : memref<!tpu.dma_semaphore, #tpu.memory_space<semaphore_mem>>)
      %add3A_430 = arith.constant 1 : i32
      %add3A_431 = arith.addi %add3A_370, %add3A_430 : i32
      %add3A_432 = arith.constant 1 : i32
      %add3A_433 = arith.addi %add3A_431, %add3A_432 : i32
      %lt3A_434 = arith.constant 50 : i32
      %lt3A_435 = arith.cmpi slt, %add3A_433, %lt3A_434 : i32
      %convert_element_type3A_436 = arith.extui %lt3A_435 : i1 to i32
      %cond3A_437 = arith.constant 0 : i32
      %cond3A_438 = arith.cmpi ne, %convert_element_type3A_436, %cond3A_437 : i32
      scf.if %cond3A_438 {
        %ge3A = arith.constant 1 : i32
        %ge3A_494 = arith.cmpi sge, %add3A_431, %ge3A : i32
        %convert_element_type3A_495 = arith.extui %ge3A_494 : i1 to i32
        %cond3A_496 = arith.constant 0 : i32
        %cond3A_497 = arith.cmpi ne, %convert_element_type3A_495, %cond3A_496 : i32
        scf.if %cond3A_497 {
          %dma_wait3A_509 = arith.constant 0 : i32
          %dma_wait3A_510 = arith.constant 0 : i32
          %dma_wait3A_511 = arith.constant 0 : i32
          %dma_wait3A_512 = arith.constant 0 : i32
          %dma_wait3A_513 = arith.constant 0 : i32
          %dma_wait3A_514 = arith.constant 0 : i32
          %dma_wait3A_515 = tpu.memref_slice %arg8[%dma_wait3A_509, %dma_wait3A_512, %dma_wait3A_513, %dma_wait3A_514] : memref<2x8x8x129xf32, #tpu.memory_space<vmem>> -> memref<1x8x8x129xf32, #tpu.memory_space<vmem>>
          %dma_wait3A_516 = tpu.memref_squeeze %dma_wait3A_515 : memref<1x8x8x129xf32, #tpu.memory_space<vmem>> -> memref<8x8x129xf32, #tpu.memory_space<vmem>>
          %dma_wait3A_517 = arith.constant 0 : i32
          %dma_wait3A_518 = arith.constant 0 : i32
          %dma_wait3A_519 = arith.constant 0 : i32
          %dma_wait3A_520 = tpu.memref_slice %dma_wait3A_516[%dma_wait3A_517, %dma_wait3A_518, %dma_wait3A_519] : memref<8x8x129xf32, #tpu.memory_space<vmem>> -> memref<8x8x128xf32, #tpu.memory_space<vmem>>
          %dma_wait3A_521 = arith.constant 0 : i32
          %dma_wait3A_522 = arith.constant 0 : i32
          %dma_wait3A_523 = arith.constant 0 : i32
          %dma_wait3A_524 = tpu.memref_slice %arg5[%dma_wait3A_510, %dma_wait3A_521, %dma_wait3A_511, %dma_wait3A_522, %dma_wait3A_523] : memref<50x8x128x8x128xf32, #tpu.memory_space<hbm>> -> memref<1x8x1x8x128xf32, #tpu.memory_space<hbm>>
          %dma_wait3A_525 = tpu.memref_squeeze %dma_wait3A_524 : memref<1x8x1x8x128xf32, #tpu.memory_space<hbm>> -> memref<8x8x128xf32, #tpu.memory_space<hbm>>
          %dma_wait3A_526 = arith.constant 0 : i32
          %dma_wait3A_527 = arith.constant 0 : i32
          %dma_wait3A_528 = arith.constant 0 : i32
          %dma_wait3A_529 = tpu.memref_slice %arg5[%dma_wait3A_510, %dma_wait3A_526, %dma_wait3A_511, %dma_wait3A_527, %dma_wait3A_528] : memref<50x8x128x8x128xf32, #tpu.memory_space<hbm>> -> memref<1x8x1x8x128xf32, #tpu.memory_space<hbm>>
          %dma_wait3A_530 = tpu.memref_squeeze %dma_wait3A_529 : memref<1x8x1x8x128xf32, #tpu.memory_space<hbm>> -> memref<8x8x128xf32, #tpu.memory_space<hbm>>
          %dma_wait3A_531 = arith.constant 0 : i32
          %dma_wait3A_532 = arith.constant 0 : i32
          %dma_wait3A_533 = arith.constant 0 : i32
          %dma_wait3A_534 = tpu.memref_slice %arg8[%dma_wait3A_509, %dma_wait3A_531, %dma_wait3A_532, %dma_wait3A_533] : memref<2x8x8x129xf32, #tpu.memory_space<vmem>> -> memref<1x8x8x129xf32, #tpu.memory_space<vmem>>
          %dma_wait3A_535 = tpu.memref_squeeze %dma_wait3A_534 : memref<1x8x8x129xf32, #tpu.memory_space<vmem>> -> memref<8x8x129xf32, #tpu.memory_space<vmem>>
          %dma_wait3A_536 = arith.constant 0 : i32
          %dma_wait3A_537 = arith.constant 0 : i32
          %dma_wait3A_538 = arith.constant 0 : i32
          %dma_wait3A_539 = tpu.memref_slice %dma_wait3A_535[%dma_wait3A_536, %dma_wait3A_537, %dma_wait3A_538] : memref<8x8x129xf32, #tpu.memory_space<vmem>> -> memref<8x8x128xf32, #tpu.memory_space<vmem>>
          tpu.wait_dma2 semaphore(%arg12 : memref<!tpu.dma_semaphore, #tpu.memory_space<semaphore_mem>>) src(%dma_wait3A_539 : memref<8x8x128xf32, #tpu.memory_space<vmem>>) dst(%dma_wait3A_530 : memref<8x8x128xf32, #tpu.memory_space<hbm>>)
        } else {
        }
        %dma_start3A_498 = arith.constant 0 : i32
        %dma_start3A_499 = arith.constant 0 : i32
        %dma_start3A_500 = arith.constant 0 : i32
        %dma_start3A_501 = tpu.memref_slice %arg7[%dma_start3A_498, %dma_start3A_499, %dma_start3A_500] : memref<2x128x64xf32, #tpu.memory_space<vmem>> -> memref<1x128x64xf32, #tpu.memory_space<vmem>>
        %dma_start3A_502 = tpu.memref_squeeze %dma_start3A_501 : memref<1x128x64xf32, #tpu.memory_space<vmem>> -> memref<128x64xf32, #tpu.memory_space<vmem>>
        %dma_start3A_503 = arith.constant 0 : i32
        %dma_start3A_504 = tpu.memref_slice %arg6[%add3A_433, %dma_start3A_503] : memref<50x128xi32, #tpu.memory_space<vmem>> -> memref<1x128xi32, #tpu.memory_space<vmem>>
        %dma_start3A_505 = tpu.memref_squeeze %dma_start3A_504 : memref<1x128xi32, #tpu.memory_space<vmem>> -> memref<128xi32, #tpu.memory_space<vmem>>
        %dma_start3A_506 = arith.constant 0 : i32
        %dma_start3A_507 = arith.constant 0 : i32
        %dma_start3A_508 = tpu.memref_slice %arg3[%dma_start3A_506, %dma_start3A_507] : memref<1000000x64xf32, #tpu.memory_space<hbm>> -> memref<1000000x64xf32, #tpu.memory_space<hbm>>
        tpu.enqueue_indirect_dma source(%dma_start3A_508 : memref<1000000x64xf32, #tpu.memory_space<hbm>>) target(%dma_start3A_502 : memref<128x64xf32, #tpu.memory_space<vmem>>) offsets(%dma_start3A_505 : memref<128xi32, #tpu.memory_space<vmem>>) semaphore(%arg10 : memref<!tpu.dma_semaphore, #tpu.memory_space<semaphore_mem>>)
      } else {
      }
      %dma_wait3A_439 = arith.constant 1 : i32
      %dma_wait3A_440 = arith.constant 0 : i32
      %dma_wait3A_441 = arith.constant 0 : i32
      %dma_wait3A_442 = tpu.memref_slice %arg7[%dma_wait3A_439, %dma_wait3A_440, %dma_wait3A_441] : memref<2x128x64xf32, #tpu.memory_space<vmem>> -> memref<1x128x64xf32, #tpu.memory_space<vmem>>
      %dma_wait3A_443 = tpu.memref_squeeze %dma_wait3A_442 : memref<1x128x64xf32, #tpu.memory_space<vmem>> -> memref<128x64xf32, #tpu.memory_space<vmem>>
      %dma_wait3A_444 = arith.constant 0 : i32
      %dma_wait3A_445 = tpu.memref_slice %arg6[%add3A_431, %dma_wait3A_444] : memref<50x128xi32, #tpu.memory_space<vmem>> -> memref<1x128xi32, #tpu.memory_space<vmem>>
      %dma_wait3A_446 = tpu.memref_squeeze %dma_wait3A_445 : memref<1x128xi32, #tpu.memory_space<vmem>> -> memref<128xi32, #tpu.memory_space<vmem>>
      %dma_wait3A_447 = arith.constant 0 : i32
      %dma_wait3A_448 = arith.constant 0 : i32
      %dma_wait3A_449 = tpu.memref_slice %arg3[%dma_wait3A_447, %dma_wait3A_448] : memref<1000000x64xf32, #tpu.memory_space<hbm>> -> memref<1000000x64xf32, #tpu.memory_space<hbm>>
      tpu.wait_indirect_dma semaphore(%arg11 : memref<!tpu.dma_semaphore, #tpu.memory_space<semaphore_mem>>) src(%dma_wait3A_449 : memref<1000000x64xf32, #tpu.memory_space<hbm>>) dst(%dma_wait3A_443 : memref<128x64xf32, #tpu.memory_space<vmem>>)
      %get3A_450 = arith.index_cast %add3A_431 : i32 to index
      %get3A_451 = arith.constant 0 : index
      %get3A_452 = tpu.vector_load %arg9[%get3A_450, %get3A_451] {strides = array<i32>} : memref<56x64xf32, #tpu.memory_space<vmem>>, vector<16xf32>,
      %get3A_453 = arith.index_cast %add3A_431 : i32 to index
      %get3A_454 = arith.constant 16 : index
      %get3A_455 = tpu.vector_load %arg9[%get3A_453, %get3A_454] {strides = array<i32>} : memref<56x64xf32, #tpu.memory_space<vmem>>, vector<16xf32>,
      %get3A_456 = arith.index_cast %add3A_431 : i32 to index
      %get3A_457 = arith.constant 32 : index
      %get3A_458 = tpu.vector_load %arg9[%get3A_456, %get3A_457] {strides = array<i32>} : memref<56x64xf32, #tpu.memory_space<vmem>>, vector<16xf32>,
      %get3A_459 = arith.index_cast %add3A_431 : i32 to index
      %get3A_460 = arith.constant 48 : index
      %get3A_461 = tpu.vector_load %arg9[%get3A_459, %get3A_460] {strides = array<i32>} : memref<56x64xf32, #tpu.memory_space<vmem>>, vector<16xf32>,
      %parallel_loop3A_462 = arith.constant 0 : i32
      %parallel_loop3A_463 = arith.constant 128 : i32
      %parallel_loop3A_464 = arith.constant 1 : i32
      scf.for %parallel_loop3A_494 = %parallel_loop3A_462 to %parallel_loop3A_463 step %parallel_loop3A_464  : i32 {
        %parallel_loop3A_495 = arith.constant 0 : i32
        %parallel_loop3A_496 = vector.broadcast %parallel_loop3A_495 : i32 to vector<16xi32>
        %parallel_loop3A_497 = vector.broadcast %parallel_loop3A_494 : i32 to vector<16xi32>
        %parallel_loop3A_498 = arith.addi %parallel_loop3A_496, %parallel_loop3A_497 : vector<16xi32>
        %parallel_loop3A_499 = arith.constant 1 : i32
        %parallel_loop3A_500 = arith.index_cast %parallel_loop3A_499 : i32 to index
        %parallel_loop3A_501 = arith.index_cast %parallel_loop3A_494 : i32 to index
        %parallel_loop3A_502 = arith.constant 0 : index
        %parallel_loop3A_503 = tpu.vector_load %arg7[%parallel_loop3A_500, %parallel_loop3A_501, %parallel_loop3A_502] {strides = array<i32>} : memref<2x128x64xf32, #tpu.memory_space<vmem>>, vector<16xf32>,
        %parallel_loop3A_504 = arith.addf %parallel_loop3A_503, %get3A_452 : vector<16xf32>
        %parallel_loop3A_505 = arith.constant 1 : i32
        %parallel_loop3A_506 = arith.constant 0 : i32
        %parallel_loop3A_507 = arith.constant 0 : i32
        %parallel_loop3A_508 = arith.constant 0 : i32
        %parallel_loop3A_509 = tpu.memref_slice %arg8[%parallel_loop3A_505, %parallel_loop3A_506, %parallel_loop3A_507, %parallel_loop3A_508] : memref<2x8x8x129xf32, #tpu.memory_space<vmem>> -> memref<1x8x8x129xf32, #tpu.memory_space<vmem>>
        %parallel_loop3A_510 = tpu.memref_squeeze %parallel_loop3A_509 : memref<1x8x8x129xf32, #tpu.memory_space<vmem>> -> memref<8x8x129xf32, #tpu.memory_space<vmem>>
        tpu.vector_store_idx %parallel_loop3A_510[%add3A_5, %and3A_25, %parallel_loop3A_498], %parallel_loop3A_504 : memref<8x8x129xf32, #tpu.memory_space<vmem>>[vector<16xi32>, vector<16xi32>, vector<16xi32>], vector<16xf32>,
        %parallel_loop3A_511 = arith.constant 1 : i32
        %parallel_loop3A_512 = arith.index_cast %parallel_loop3A_511 : i32 to index
        %parallel_loop3A_513 = arith.index_cast %parallel_loop3A_494 : i32 to index
        %parallel_loop3A_514 = arith.constant 16 : index
        %parallel_loop3A_515 = tpu.vector_load %arg7[%parallel_loop3A_512, %parallel_loop3A_513, %parallel_loop3A_514] {strides = array<i32>} : memref<2x128x64xf32, #tpu.memory_space<vmem>>, vector<16xf32>,
        %parallel_loop3A_516 = arith.addf %parallel_loop3A_515, %get3A_455 : vector<16xf32>
        %parallel_loop3A_517 = arith.constant 1 : i32
        %parallel_loop3A_518 = arith.constant 0 : i32
        %parallel_loop3A_519 = arith.constant 0 : i32
        %parallel_loop3A_520 = arith.constant 0 : i32
        %parallel_loop3A_521 = tpu.memref_slice %arg8[%parallel_loop3A_517, %parallel_loop3A_518, %parallel_loop3A_519, %parallel_loop3A_520] : memref<2x8x8x129xf32, #tpu.memory_space<vmem>> -> memref<1x8x8x129xf32, #tpu.memory_space<vmem>>
        %parallel_loop3A_522 = tpu.memref_squeeze %parallel_loop3A_521 : memref<1x8x8x129xf32, #tpu.memory_space<vmem>> -> memref<8x8x129xf32, #tpu.memory_space<vmem>>
        tpu.vector_store_idx %parallel_loop3A_522[%add3A_11, %and3A_25, %parallel_loop3A_498], %parallel_loop3A_516 : memref<8x8x129xf32, #tpu.memory_space<vmem>>[vector<16xi32>, vector<16xi32>, vector<16xi32>], vector<16xf32>,
        %parallel_loop3A_523 = arith.constant 1 : i32
        %parallel_loop3A_524 = arith.index_cast %parallel_loop3A_523 : i32 to index
        %parallel_loop3A_525 = arith.index_cast %parallel_loop3A_494 : i32 to index
        %parallel_loop3A_526 = arith.constant 32 : index
        %parallel_loop3A_527 = tpu.vector_load %arg7[%parallel_loop3A_524, %parallel_loop3A_525, %parallel_loop3A_526] {strides = array<i32>} : memref<2x128x64xf32, #tpu.memory_space<vmem>>, vector<16xf32>,
        %parallel_loop3A_528 = arith.addf %parallel_loop3A_527, %get3A_458 : vector<16xf32>
        %parallel_loop3A_529 = arith.constant 1 : i32
        %parallel_loop3A_530 = arith.constant 0 : i32
        %parallel_loop3A_531 = arith.constant 0 : i32
        %parallel_loop3A_532 = arith.constant 0 : i32
        %parallel_loop3A_533 = tpu.memref_slice %arg8[%parallel_loop3A_529, %parallel_loop3A_530, %parallel_loop3A_531, %parallel_loop3A_532] : memref<2x8x8x129xf32, #tpu.memory_space<vmem>> -> memref<1x8x8x129xf32, #tpu.memory_space<vmem>>
        %parallel_loop3A_534 = tpu.memref_squeeze %parallel_loop3A_533 : memref<1x8x8x129xf32, #tpu.memory_space<vmem>> -> memref<8x8x129xf32, #tpu.memory_space<vmem>>
        tpu.vector_store_idx %parallel_loop3A_534[%add3A_17, %and3A_25, %parallel_loop3A_498], %parallel_loop3A_528 : memref<8x8x129xf32, #tpu.memory_space<vmem>>[vector<16xi32>, vector<16xi32>, vector<16xi32>], vector<16xf32>,
        %parallel_loop3A_535 = arith.constant 1 : i32
        %parallel_loop3A_536 = arith.index_cast %parallel_loop3A_535 : i32 to index
        %parallel_loop3A_537 = arith.index_cast %parallel_loop3A_494 : i32 to index
        %parallel_loop3A_538 = arith.constant 48 : index
        %parallel_loop3A_539 = tpu.vector_load %arg7[%parallel_loop3A_536, %parallel_loop3A_537, %parallel_loop3A_538] {strides = array<i32>} : memref<2x128x64xf32, #tpu.memory_space<vmem>>, vector<16xf32>,
        %parallel_loop3A_540 = arith.addf %parallel_loop3A_539, %get3A_461 : vector<16xf32>
        %parallel_loop3A_541 = arith.constant 1 : i32
        %parallel_loop3A_542 = arith.constant 0 : i32
        %parallel_loop3A_543 = arith.constant 0 : i32
        %parallel_loop3A_544 = arith.constant 0 : i32
        %parallel_loop3A_545 = tpu.memref_slice %arg8[%parallel_loop3A_541, %parallel_loop3A_542, %parallel_loop3A_543, %parallel_loop3A_544] : memref<2x8x8x129xf32, #tpu.memory_space<vmem>> -> memref<1x8x8x129xf32, #tpu.memory_space<vmem>>
        %parallel_loop3A_546 = tpu.memref_squeeze %parallel_loop3A_545 : memref<1x8x8x129xf32, #tpu.memory_space<vmem>> -> memref<8x8x129xf32, #tpu.memory_space<vmem>>
        tpu.vector_store_idx %parallel_loop3A_546[%add3A_23, %and3A_25, %parallel_loop3A_498], %parallel_loop3A_540 : memref<8x8x129xf32, #tpu.memory_space<vmem>>[vector<16xi32>, vector<16xi32>, vector<16xi32>], vector<16xf32>,
      } {sc.loop_unroll_factor = 4 : i64, sc.parallel_access}
      %dma_start3A_465 = arith.constant 1 : i32
      %dma_start3A_466 = arith.constant 0 : i32
      %dma_start3A_467 = arith.constant 0 : i32
      %dma_start3A_468 = arith.constant 0 : i32
      %dma_start3A_469 = tpu.memref_slice %arg8[%dma_start3A_465, %dma_start3A_466, %dma_start3A_467, %dma_start3A_468] : memref<2x8x8x129xf32, #tpu.memory_space<vmem>> -> memref<1x8x8x129xf32, #tpu.memory_space<vmem>>
      %dma_start3A_470 = tpu.memref_squeeze %dma_start3A_469 : memref<1x8x8x129xf32, #tpu.memory_space<vmem>> -> memref<8x8x129xf32, #tpu.memory_space<vmem>>
      %dma_start3A_471 = arith.constant 0 : i32
      %dma_start3A_472 = arith.constant 0 : i32
      %dma_start3A_473 = arith.constant 0 : i32
      %dma_start3A_474 = tpu.memref_slice %dma_start3A_470[%dma_start3A_471, %dma_start3A_472, %dma_start3A_473] : memref<8x8x129xf32, #tpu.memory_space<vmem>> -> memref<8x8x128xf32, #tpu.memory_space<vmem>>
      %dma_start3A_475 = arith.constant 0 : i32
      %dma_start3A_476 = arith.constant 0 : i32
      %dma_start3A_477 = arith.constant 0 : i32
      %dma_start3A_478 = tpu.memref_slice %arg5[%add3A_431, %dma_start3A_475, %add3A_197, %dma_start3A_476, %dma_start3A_477] : memref<50x8x128x8x128xf32, #tpu.memory_space<hbm>> -> memref<1x8x1x8x128xf32, #tpu.memory_space<hbm>>
      %dma_start3A_479 = tpu.memref_squeeze %dma_start3A_478 : memref<1x8x1x8x128xf32, #tpu.memory_space<hbm>> -> memref<8x8x128xf32, #tpu.memory_space<hbm>>
      %dma_start3A_480 = arith.constant 0 : i32
      %dma_start3A_481 = arith.constant 0 : i32
      %dma_start3A_482 = arith.constant 0 : i32
      %dma_start3A_483 = tpu.memref_slice %arg5[%add3A_431, %dma_start3A_480, %add3A_197, %dma_start3A_481, %dma_start3A_482] : memref<50x8x128x8x128xf32, #tpu.memory_space<hbm>> -> memref<1x8x1x8x128xf32, #tpu.memory_space<hbm>>
      %dma_start3A_484 = tpu.memref_squeeze %dma_start3A_483 : memref<1x8x1x8x128xf32, #tpu.memory_space<hbm>> -> memref<8x8x128xf32, #tpu.memory_space<hbm>>
      %dma_start3A_485 = arith.constant 0 : i32
      %dma_start3A_486 = arith.constant 0 : i32
      %dma_start3A_487 = arith.constant 0 : i32
      %dma_start3A_488 = tpu.memref_slice %arg8[%dma_start3A_465, %dma_start3A_485, %dma_start3A_486, %dma_start3A_487] : memref<2x8x8x129xf32, #tpu.memory_space<vmem>> -> memref<1x8x8x129xf32, #tpu.memory_space<vmem>>
      %dma_start3A_489 = tpu.memref_squeeze %dma_start3A_488 : memref<1x8x8x129xf32, #tpu.memory_space<vmem>> -> memref<8x8x129xf32, #tpu.memory_space<vmem>>
      %dma_start3A_490 = arith.constant 0 : i32
      %dma_start3A_491 = arith.constant 0 : i32
      %dma_start3A_492 = arith.constant 0 : i32
      %dma_start3A_493 = tpu.memref_slice %dma_start3A_489[%dma_start3A_490, %dma_start3A_491, %dma_start3A_492] : memref<8x8x129xf32, #tpu.memory_space<vmem>> -> memref<8x8x128xf32, #tpu.memory_space<vmem>>
      tpu.enqueue_dma source(%dma_start3A_493 : memref<8x8x128xf32, #tpu.memory_space<vmem>>) target(%dma_start3A_484 : memref<8x8x128xf32, #tpu.memory_space<hbm>>) target_semaphore(%arg13 : memref<!tpu.dma_semaphore, #tpu.memory_space<semaphore_mem>>)
    }
    %scan3A_217 = arith.constant 25 : i32
    %dma_wait3A_218 = arith.constant 0 : i32
    %dma_wait3A_219 = arith.constant 0 : i32
    %dma_wait3A_220 = arith.constant 0 : i32
    %dma_wait3A_221 = arith.constant 0 : i32
    %dma_wait3A_222 = arith.constant 0 : i32
    %dma_wait3A_223 = arith.constant 0 : i32
    %dma_wait3A_224 = tpu.memref_slice %arg8[%dma_wait3A_218, %dma_wait3A_221, %dma_wait3A_222, %dma_wait3A_223] : memref<2x8x8x129xf32, #tpu.memory_space<vmem>> -> memref<1x8x8x129xf32, #tpu.memory_space<vmem>>
    %dma_wait3A_225 = tpu.memref_squeeze %dma_wait3A_224 : memref<1x8x8x129xf32, #tpu.memory_space<vmem>> -> memref<8x8x129xf32, #tpu.memory_space<vmem>>
    %dma_wait3A_226 = arith.constant 0 : i32
    %dma_wait3A_227 = arith.constant 0 : i32
    %dma_wait3A_228 = arith.constant 0 : i32
    %dma_wait3A_229 = tpu.memref_slice %dma_wait3A_225[%dma_wait3A_226, %dma_wait3A_227, %dma_wait3A_228] : memref<8x8x129xf32, #tpu.memory_space<vmem>> -> memref<8x8x128xf32, #tpu.memory_space<vmem>>
    %dma_wait3A_230 = arith.constant 0 : i32
    %dma_wait3A_231 = arith.constant 0 : i32
    %dma_wait3A_232 = arith.constant 0 : i32
    %dma_wait3A_233 = tpu.memref_slice %arg5[%dma_wait3A_219, %dma_wait3A_230, %dma_wait3A_220, %dma_wait3A_231, %dma_wait3A_232] : memref<50x8x128x8x128xf32, #tpu.memory_space<hbm>> -> memref<1x8x1x8x128xf32, #tpu.memory_space<hbm>>
    %dma_wait3A_234 = tpu.memref_squeeze %dma_wait3A_233 : memref<1x8x1x8x128xf32, #tpu.memory_space<hbm>> -> memref<8x8x128xf32, #tpu.memory_space<hbm>>
    %dma_wait3A_235 = arith.constant 0 : i32
    %dma_wait3A_236 = arith.constant 0 : i32
    %dma_wait3A_237 = arith.constant 0 : i32
    %dma_wait3A_238 = tpu.memref_slice %arg5[%dma_wait3A_219, %dma_wait3A_235, %dma_wait3A_220, %dma_wait3A_236, %dma_wait3A_237] : memref<50x8x128x8x128xf32, #tpu.memory_space<hbm>> -> memref<1x8x1x8x128xf32, #tpu.memory_space<hbm>>
    %dma_wait3A_239 = tpu.memref_squeeze %dma_wait3A_238 : memref<1x8x1x8x128xf32, #tpu.memory_space<hbm>> -> memref<8x8x128xf32, #tpu.memory_space<hbm>>
    %dma_wait3A_240 = arith.constant 0 : i32
    %dma_wait3A_241 = arith.constant 0 : i32
    %dma_wait3A_242 = arith.constant 0 : i32
    %dma_wait3A_243 = tpu.memref_slice %arg8[%dma_wait3A_218, %dma_wait3A_240, %dma_wait3A_241, %dma_wait3A_242] : memref<2x8x8x129xf32, #tpu.memory_space<vmem>> -> memref<1x8x8x129xf32, #tpu.memory_space<vmem>>
    %dma_wait3A_244 = tpu.memref_squeeze %dma_wait3A_243 : memref<1x8x8x129xf32, #tpu.memory_space<vmem>> -> memref<8x8x129xf32, #tpu.memory_space<vmem>>
    %dma_wait3A_245 = arith.constant 0 : i32
    %dma_wait3A_246 = arith.constant 0 : i32
    %dma_wait3A_247 = arith.constant 0 : i32
    %dma_wait3A_248 = tpu.memref_slice %dma_wait3A_244[%dma_wait3A_245, %dma_wait3A_246, %dma_wait3A_247] : memref<8x8x129xf32, #tpu.memory_space<vmem>> -> memref<8x8x128xf32, #tpu.memory_space<vmem>>
    tpu.wait_dma2 semaphore(%arg12 : memref<!tpu.dma_semaphore, #tpu.memory_space<semaphore_mem>>) src(%dma_wait3A_248 : memref<8x8x128xf32, #tpu.memory_space<vmem>>) dst(%dma_wait3A_239 : memref<8x8x128xf32, #tpu.memory_space<hbm>>)
    %dma_wait3A_249 = arith.constant 1 : i32
    %dma_wait3A_250 = arith.constant 0 : i32
    %dma_wait3A_251 = arith.constant 0 : i32
    %dma_wait3A_252 = arith.constant 0 : i32
    %dma_wait3A_253 = arith.constant 0 : i32
    %dma_wait3A_254 = arith.constant 0 : i32
    %dma_wait3A_255 = tpu.memref_slice %arg8[%dma_wait3A_249, %dma_wait3A_252, %dma_wait3A_253, %dma_wait3A_254] : memref<2x8x8x129xf32, #tpu.memory_space<vmem>> -> memref<1x8x8x129xf32, #tpu.memory_space<vmem>>
    %dma_wait3A_256 = tpu.memref_squeeze %dma_wait3A_255 : memref<1x8x8x129xf32, #tpu.memory_space<vmem>> -> memref<8x8x129xf32, #tpu.memory_space<vmem>>
    %dma_wait3A_257 = arith.constant 0 : i32
    %dma_wait3A_258 = arith.constant 0 : i32
    %dma_wait3A_259 = arith.constant 0 : i32
    %dma_wait3A_260 = tpu.memref_slice %dma_wait3A_256[%dma_wait3A_257, %dma_wait3A_258, %dma_wait3A_259] : memref<8x8x129xf32, #tpu.memory_space<vmem>> -> memref<8x8x128xf32, #tpu.memory_space<vmem>>
    %dma_wait3A_261 = arith.constant 0 : i32
    %dma_wait3A_262 = arith.constant 0 : i32
    %dma_wait3A_263 = arith.constant 0 : i32
    %dma_wait3A_264 = tpu.memref_slice %arg5[%dma_wait3A_250, %dma_wait3A_261, %dma_wait3A_251, %dma_wait3A_262, %dma_wait3A_263] : memref<50x8x128x8x128xf32, #tpu.memory_space<hbm>> -> memref<1x8x1x8x128xf32, #tpu.memory_space<hbm>>
    %dma_wait3A_265 = tpu.memref_squeeze %dma_wait3A_264 : memref<1x8x1x8x128xf32, #tpu.memory_space<hbm>> -> memref<8x8x128xf32, #tpu.memory_space<hbm>>
    %dma_wait3A_266 = arith.constant 0 : i32
    %dma_wait3A_267 = arith.constant 0 : i32
    %dma_wait3A_268 = arith.constant 0 : i32
    %dma_wait3A_269 = tpu.memref_slice %arg5[%dma_wait3A_250, %dma_wait3A_266, %dma_wait3A_251, %dma_wait3A_267, %dma_wait3A_268] : memref<50x8x128x8x128xf32, #tpu.memory_space<hbm>> -> memref<1x8x1x8x128xf32, #tpu.memory_space<hbm>>
    %dma_wait3A_270 = tpu.memref_squeeze %dma_wait3A_269 : memref<1x8x1x8x128xf32, #tpu.memory_space<hbm>> -> memref<8x8x128xf32, #tpu.memory_space<hbm>>
    %dma_wait3A_271 = arith.constant 0 : i32
    %dma_wait3A_272 = arith.constant 0 : i32
    %dma_wait3A_273 = arith.constant 0 : i32
    %dma_wait3A_274 = tpu.memref_slice %arg8[%dma_wait3A_249, %dma_wait3A_271, %dma_wait3A_272, %dma_wait3A_273] : memref<2x8x8x129xf32, #tpu.memory_space<vmem>> -> memref<1x8x8x129xf32, #tpu.memory_space<vmem>>
    %dma_wait3A_275 = tpu.memref_squeeze %dma_wait3A_274 : memref<1x8x8x129xf32, #tpu.memory_space<vmem>> -> memref<8x8x129xf32, #tpu.memory_space<vmem>>
    %dma_wait3A_276 = arith.constant 0 : i32
    %dma_wait3A_277 = arith.constant 0 : i32
    %dma_wait3A_278 = arith.constant 0 : i32
    %dma_wait3A_279 = tpu.memref_slice %dma_wait3A_275[%dma_wait3A_276, %dma_wait3A_277, %dma_wait3A_278] : memref<8x8x129xf32, #tpu.memory_space<vmem>> -> memref<8x8x128xf32, #tpu.memory_space<vmem>>
    tpu.wait_dma2 semaphore(%arg13 : memref<!tpu.dma_semaphore, #tpu.memory_space<semaphore_mem>>) src(%dma_wait3A_279 : memref<8x8x128xf32, #tpu.memory_space<vmem>>) dst(%dma_wait3A_270 : memref<8x8x128xf32, #tpu.memory_space<hbm>>)
    %mul3A_280 = arith.constant 4 : i32
    %mul3A_281 = arith.muli %add3A, %mul3A_280 : i32
    %add3A_282 = arith.constant 3 : i32
    %add3A_283 = arith.addi %mul3A_281, %add3A_282 : i32
    %mul3A_284 = arith.constant 128 : i32
    %mul3A_285 = arith.muli %add3A_283, %mul3A_284 : i32
    %multiple_of3A_286 = tpu.assume_multiple %mul3A_285, 128 : i32
    "tpu.region"() ({
      %run_scoped3A = tpu.sem_alloc : memref<!tpu.dma_semaphore, #tpu.memory_space<semaphore_mem>>
      %dma_start3A_366 = arith.constant 0 : i32
      %dma_start3A_367 = tpu.memref_slice %arg2[%dma_start3A_366, %multiple_of3A_286] : memref<50x16384xi32, #tpu.memory_space<hbm>> -> memref<50x128xi32, #tpu.memory_space<hbm>>
      %dma_start3A_368 = arith.constant 0 : i32
      %dma_start3A_369 = tpu.memref_slice %arg2[%dma_start3A_368, %multiple_of3A_286] : memref<50x16384xi32, #tpu.memory_space<hbm>> -> memref<50x128xi32, #tpu.memory_space<hbm>>
      tpu.enqueue_dma source(%dma_start3A_369 : memref<50x128xi32, #tpu.memory_space<hbm>>) target(%arg6 : memref<50x128xi32, #tpu.memory_space<vmem>>) target_semaphore(%run_scoped3A : memref<!tpu.dma_semaphore, #tpu.memory_space<semaphore_mem>>)
      %dma_wait3A_370 = arith.constant 0 : i32
      %dma_wait3A_371 = tpu.memref_slice %arg2[%dma_wait3A_370, %multiple_of3A_286] : memref<50x16384xi32, #tpu.memory_space<hbm>> -> memref<50x128xi32, #tpu.memory_space<hbm>>
      %dma_wait3A_372 = arith.constant 0 : i32
      %dma_wait3A_373 = tpu.memref_slice %arg2[%dma_wait3A_372, %multiple_of3A_286] : memref<50x16384xi32, #tpu.memory_space<hbm>> -> memref<50x128xi32, #tpu.memory_space<hbm>>
      tpu.wait_dma2 semaphore(%run_scoped3A : memref<!tpu.dma_semaphore, #tpu.memory_space<semaphore_mem>>) src(%dma_wait3A_373 : memref<50x128xi32, #tpu.memory_space<hbm>>) dst(%arg6 : memref<50x128xi32, #tpu.memory_space<vmem>>)
      tpu.yield
    }) : () -> ()
    %dma_start3A_287 = arith.constant 0 : i32
    %dma_start3A_288 = arith.constant 0 : i32
    %dma_start3A_289 = arith.constant 0 : i32
    %dma_start3A_290 = arith.constant 0 : i32
    %dma_start3A_291 = tpu.memref_slice %arg7[%dma_start3A_288, %dma_start3A_289, %dma_start3A_290] : memref<2x128x64xf32, #tpu.memory_space<vmem>> -> memref<1x128x64xf32, #tpu.memory_space<vmem>>
    %dma_start3A_292 = tpu.memref_squeeze %dma_start3A_291 : memref<1x128x64xf32, #tpu.memory_space<vmem>> -> memref<128x64xf32, #tpu.memory_space<vmem>>
    %dma_start3A_293 = arith.constant 0 : i32
    %dma_start3A_294 = tpu.memref_slice %arg6[%dma_start3A_287, %dma_start3A_293] : memref<50x128xi32, #tpu.memory_space<vmem>> -> memref<1x128xi32, #tpu.memory_space<vmem>>
    %dma_start3A_295 = tpu.memref_squeeze %dma_start3A_294 : memref<1x128xi32, #tpu.memory_space<vmem>> -> memref<128xi32, #tpu.memory_space<vmem>>
    %dma_start3A_296 = arith.constant 0 : i32
    %dma_start3A_297 = arith.constant 0 : i32
    %dma_start3A_298 = tpu.memref_slice %arg3[%dma_start3A_296, %dma_start3A_297] : memref<1000000x64xf32, #tpu.memory_space<hbm>> -> memref<1000000x64xf32, #tpu.memory_space<hbm>>
    tpu.enqueue_indirect_dma source(%dma_start3A_298 : memref<1000000x64xf32, #tpu.memory_space<hbm>>) target(%dma_start3A_292 : memref<128x64xf32, #tpu.memory_space<vmem>>) offsets(%dma_start3A_295 : memref<128xi32, #tpu.memory_space<vmem>>) semaphore(%arg10 : memref<!tpu.dma_semaphore, #tpu.memory_space<semaphore_mem>>)
    %scan3A_299 = arith.constant 0 : i32
    %scan3A_300 = arith.constant 25 : i32
    %scan3A_301 = arith.addi %scan3A_299, %scan3A_300 : i32
    %scan3A_302 = arith.constant 1 : i32
    scf.for %scan3A_366 = %scan3A_299 to %scan3A_301 step %scan3A_302  : i32 {
      %mul3A_367 = arith.constant 2 : i32
      %mul3A_368 = arith.muli %scan3A_366, %mul3A_367 : i32
      %add3A_369 = arith.constant 0 : i32
      %add3A_370 = arith.addi %add3A_369, %mul3A_368 : i32
      %add3A_371 = arith.constant 0 : i32
      %add3A_372 = arith.addi %add3A_370, %add3A_371 : i32
      %add3A_373 = arith.constant 1 : i32
      %add3A_374 = arith.addi %add3A_372, %add3A_373 : i32
      %lt3A = arith.constant 50 : i32
      %lt3A_375 = arith.cmpi slt, %add3A_374, %lt3A : i32
      %convert_element_type3A = arith.extui %lt3A_375 : i1 to i32
      %cond3A = arith.constant 0 : i32
      %cond3A_376 = arith.cmpi ne, %convert_element_type3A, %cond3A : i32
      scf.if %cond3A_376 {
        %ge3A = arith.constant 1 : i32
        %ge3A_494 = arith.cmpi sge, %add3A_372, %ge3A : i32
        %convert_element_type3A_495 = arith.extui %ge3A_494 : i1 to i32
        %cond3A_496 = arith.constant 0 : i32
        %cond3A_497 = arith.cmpi ne, %convert_element_type3A_495, %cond3A_496 : i32
        scf.if %cond3A_497 {
          %dma_wait3A_509 = arith.constant 1 : i32
          %dma_wait3A_510 = arith.constant 0 : i32
          %dma_wait3A_511 = arith.constant 0 : i32
          %dma_wait3A_512 = arith.constant 0 : i32
          %dma_wait3A_513 = arith.constant 0 : i32
          %dma_wait3A_514 = arith.constant 0 : i32
          %dma_wait3A_515 = tpu.memref_slice %arg8[%dma_wait3A_509, %dma_wait3A_512, %dma_wait3A_513, %dma_wait3A_514] : memref<2x8x8x129xf32, #tpu.memory_space<vmem>> -> memref<1x8x8x129xf32, #tpu.memory_space<vmem>>
          %dma_wait3A_516 = tpu.memref_squeeze %dma_wait3A_515 : memref<1x8x8x129xf32, #tpu.memory_space<vmem>> -> memref<8x8x129xf32, #tpu.memory_space<vmem>>
          %dma_wait3A_517 = arith.constant 0 : i32
          %dma_wait3A_518 = arith.constant 0 : i32
          %dma_wait3A_519 = arith.constant 0 : i32
          %dma_wait3A_520 = tpu.memref_slice %dma_wait3A_516[%dma_wait3A_517, %dma_wait3A_518, %dma_wait3A_519] : memref<8x8x129xf32, #tpu.memory_space<vmem>> -> memref<8x8x128xf32, #tpu.memory_space<vmem>>
          %dma_wait3A_521 = arith.constant 0 : i32
          %dma_wait3A_522 = arith.constant 0 : i32
          %dma_wait3A_523 = arith.constant 0 : i32
          %dma_wait3A_524 = tpu.memref_slice %arg5[%dma_wait3A_510, %dma_wait3A_521, %dma_wait3A_511, %dma_wait3A_522, %dma_wait3A_523] : memref<50x8x128x8x128xf32, #tpu.memory_space<hbm>> -> memref<1x8x1x8x128xf32, #tpu.memory_space<hbm>>
          %dma_wait3A_525 = tpu.memref_squeeze %dma_wait3A_524 : memref<1x8x1x8x128xf32, #tpu.memory_space<hbm>> -> memref<8x8x128xf32, #tpu.memory_space<hbm>>
          %dma_wait3A_526 = arith.constant 0 : i32
          %dma_wait3A_527 = arith.constant 0 : i32
          %dma_wait3A_528 = arith.constant 0 : i32
          %dma_wait3A_529 = tpu.memref_slice %arg5[%dma_wait3A_510, %dma_wait3A_526, %dma_wait3A_511, %dma_wait3A_527, %dma_wait3A_528] : memref<50x8x128x8x128xf32, #tpu.memory_space<hbm>> -> memref<1x8x1x8x128xf32, #tpu.memory_space<hbm>>
          %dma_wait3A_530 = tpu.memref_squeeze %dma_wait3A_529 : memref<1x8x1x8x128xf32, #tpu.memory_space<hbm>> -> memref<8x8x128xf32, #tpu.memory_space<hbm>>
          %dma_wait3A_531 = arith.constant 0 : i32
          %dma_wait3A_532 = arith.constant 0 : i32
          %dma_wait3A_533 = arith.constant 0 : i32
          %dma_wait3A_534 = tpu.memref_slice %arg8[%dma_wait3A_509, %dma_wait3A_531, %dma_wait3A_532, %dma_wait3A_533] : memref<2x8x8x129xf32, #tpu.memory_space<vmem>> -> memref<1x8x8x129xf32, #tpu.memory_space<vmem>>
          %dma_wait3A_535 = tpu.memref_squeeze %dma_wait3A_534 : memref<1x8x8x129xf32, #tpu.memory_space<vmem>> -> memref<8x8x129xf32, #tpu.memory_space<vmem>>
          %dma_wait3A_536 = arith.constant 0 : i32
          %dma_wait3A_537 = arith.constant 0 : i32
          %dma_wait3A_538 = arith.constant 0 : i32
          %dma_wait3A_539 = tpu.memref_slice %dma_wait3A_535[%dma_wait3A_536, %dma_wait3A_537, %dma_wait3A_538] : memref<8x8x129xf32, #tpu.memory_space<vmem>> -> memref<8x8x128xf32, #tpu.memory_space<vmem>>
          tpu.wait_dma2 semaphore(%arg13 : memref<!tpu.dma_semaphore, #tpu.memory_space<semaphore_mem>>) src(%dma_wait3A_539 : memref<8x8x128xf32, #tpu.memory_space<vmem>>) dst(%dma_wait3A_530 : memref<8x8x128xf32, #tpu.memory_space<hbm>>)
        } else {
        }
        %dma_start3A_498 = arith.constant 1 : i32
        %dma_start3A_499 = arith.constant 0 : i32
        %dma_start3A_500 = arith.constant 0 : i32
        %dma_start3A_501 = tpu.memref_slice %arg7[%dma_start3A_498, %dma_start3A_499, %dma_start3A_500] : memref<2x128x64xf32, #tpu.memory_space<vmem>> -> memref<1x128x64xf32, #tpu.memory_space<vmem>>
        %dma_start3A_502 = tpu.memref_squeeze %dma_start3A_501 : memref<1x128x64xf32, #tpu.memory_space<vmem>> -> memref<128x64xf32, #tpu.memory_space<vmem>>
        %dma_start3A_503 = arith.constant 0 : i32
        %dma_start3A_504 = tpu.memref_slice %arg6[%add3A_374, %dma_start3A_503] : memref<50x128xi32, #tpu.memory_space<vmem>> -> memref<1x128xi32, #tpu.memory_space<vmem>>
        %dma_start3A_505 = tpu.memref_squeeze %dma_start3A_504 : memref<1x128xi32, #tpu.memory_space<vmem>> -> memref<128xi32, #tpu.memory_space<vmem>>
        %dma_start3A_506 = arith.constant 0 : i32
        %dma_start3A_507 = arith.constant 0 : i32
        %dma_start3A_508 = tpu.memref_slice %arg3[%dma_start3A_506, %dma_start3A_507] : memref<1000000x64xf32, #tpu.memory_space<hbm>> -> memref<1000000x64xf32, #tpu.memory_space<hbm>>
        tpu.enqueue_indirect_dma source(%dma_start3A_508 : memref<1000000x64xf32, #tpu.memory_space<hbm>>) target(%dma_start3A_502 : memref<128x64xf32, #tpu.memory_space<vmem>>) offsets(%dma_start3A_505 : memref<128xi32, #tpu.memory_space<vmem>>) semaphore(%arg11 : memref<!tpu.dma_semaphore, #tpu.memory_space<semaphore_mem>>)
      } else {
      }
      %dma_wait3A_377 = arith.constant 0 : i32
      %dma_wait3A_378 = arith.constant 0 : i32
      %dma_wait3A_379 = arith.constant 0 : i32
      %dma_wait3A_380 = tpu.memref_slice %arg7[%dma_wait3A_377, %dma_wait3A_378, %dma_wait3A_379] : memref<2x128x64xf32, #tpu.memory_space<vmem>> -> memref<1x128x64xf32, #tpu.memory_space<vmem>>
      %dma_wait3A_381 = tpu.memref_squeeze %dma_wait3A_380 : memref<1x128x64xf32, #tpu.memory_space<vmem>> -> memref<128x64xf32, #tpu.memory_space<vmem>>
      %dma_wait3A_382 = arith.constant 0 : i32
      %dma_wait3A_383 = tpu.memref_slice %arg6[%add3A_372, %dma_wait3A_382] : memref<50x128xi32, #tpu.memory_space<vmem>> -> memref<1x128xi32, #tpu.memory_space<vmem>>
      %dma_wait3A_384 = tpu.memref_squeeze %dma_wait3A_383 : memref<1x128xi32, #tpu.memory_space<vmem>> -> memref<128xi32, #tpu.memory_space<vmem>>
      %dma_wait3A_385 = arith.constant 0 : i32
      %dma_wait3A_386 = arith.constant 0 : i32
      %dma_wait3A_387 = tpu.memref_slice %arg3[%dma_wait3A_385, %dma_wait3A_386] : memref<1000000x64xf32, #tpu.memory_space<hbm>> -> memref<1000000x64xf32, #tpu.memory_space<hbm>>
      tpu.wait_indirect_dma semaphore(%arg10 : memref<!tpu.dma_semaphore, #tpu.memory_space<semaphore_mem>>) src(%dma_wait3A_387 : memref<1000000x64xf32, #tpu.memory_space<hbm>>) dst(%dma_wait3A_381 : memref<128x64xf32, #tpu.memory_space<vmem>>)
      %get3A = arith.index_cast %add3A_372 : i32 to index
      %get3A_388 = arith.constant 0 : index
      %get3A_389 = tpu.vector_load %arg9[%get3A, %get3A_388] {strides = array<i32>} : memref<56x64xf32, #tpu.memory_space<vmem>>, vector<16xf32>,
      %get3A_390 = arith.index_cast %add3A_372 : i32 to index
      %get3A_391 = arith.constant 16 : index
      %get3A_392 = tpu.vector_load %arg9[%get3A_390, %get3A_391] {strides = array<i32>} : memref<56x64xf32, #tpu.memory_space<vmem>>, vector<16xf32>,
      %get3A_393 = arith.index_cast %add3A_372 : i32 to index
      %get3A_394 = arith.constant 32 : index
      %get3A_395 = tpu.vector_load %arg9[%get3A_393, %get3A_394] {strides = array<i32>} : memref<56x64xf32, #tpu.memory_space<vmem>>, vector<16xf32>,
      %get3A_396 = arith.index_cast %add3A_372 : i32 to index
      %get3A_397 = arith.constant 48 : index
      %get3A_398 = tpu.vector_load %arg9[%get3A_396, %get3A_397] {strides = array<i32>} : memref<56x64xf32, #tpu.memory_space<vmem>>, vector<16xf32>,
      %parallel_loop3A = arith.constant 0 : i32
      %parallel_loop3A_399 = arith.constant 128 : i32
      %parallel_loop3A_400 = arith.constant 1 : i32
      scf.for %parallel_loop3A_494 = %parallel_loop3A to %parallel_loop3A_399 step %parallel_loop3A_400  : i32 {
        %parallel_loop3A_495 = arith.constant 0 : i32
        %parallel_loop3A_496 = vector.broadcast %parallel_loop3A_495 : i32 to vector<16xi32>
        %parallel_loop3A_497 = vector.broadcast %parallel_loop3A_494 : i32 to vector<16xi32>
        %parallel_loop3A_498 = arith.addi %parallel_loop3A_496, %parallel_loop3A_497 : vector<16xi32>
        %parallel_loop3A_499 = arith.constant 0 : i32
        %parallel_loop3A_500 = arith.index_cast %parallel_loop3A_499 : i32 to index
        %parallel_loop3A_501 = arith.index_cast %parallel_loop3A_494 : i32 to index
        %parallel_loop3A_502 = arith.constant 0 : index
        %parallel_loop3A_503 = tpu.vector_load %arg7[%parallel_loop3A_500, %parallel_loop3A_501, %parallel_loop3A_502] {strides = array<i32>} : memref<2x128x64xf32, #tpu.memory_space<vmem>>, vector<16xf32>,
        %parallel_loop3A_504 = arith.addf %parallel_loop3A_503, %get3A_389 : vector<16xf32>
        %parallel_loop3A_505 = arith.constant 0 : i32
        %parallel_loop3A_506 = arith.constant 0 : i32
        %parallel_loop3A_507 = arith.constant 0 : i32
        %parallel_loop3A_508 = arith.constant 0 : i32
        %parallel_loop3A_509 = tpu.memref_slice %arg8[%parallel_loop3A_505, %parallel_loop3A_506, %parallel_loop3A_507, %parallel_loop3A_508] : memref<2x8x8x129xf32, #tpu.memory_space<vmem>> -> memref<1x8x8x129xf32, #tpu.memory_space<vmem>>
        %parallel_loop3A_510 = tpu.memref_squeeze %parallel_loop3A_509 : memref<1x8x8x129xf32, #tpu.memory_space<vmem>> -> memref<8x8x129xf32, #tpu.memory_space<vmem>>
        tpu.vector_store_idx %parallel_loop3A_510[%add3A_5, %and3A_25, %parallel_loop3A_498], %parallel_loop3A_504 : memref<8x8x129xf32, #tpu.memory_space<vmem>>[vector<16xi32>, vector<16xi32>, vector<16xi32>], vector<16xf32>,
        %parallel_loop3A_511 = arith.constant 0 : i32
        %parallel_loop3A_512 = arith.index_cast %parallel_loop3A_511 : i32 to index
        %parallel_loop3A_513 = arith.index_cast %parallel_loop3A_494 : i32 to index
        %parallel_loop3A_514 = arith.constant 16 : index
        %parallel_loop3A_515 = tpu.vector_load %arg7[%parallel_loop3A_512, %parallel_loop3A_513, %parallel_loop3A_514] {strides = array<i32>} : memref<2x128x64xf32, #tpu.memory_space<vmem>>, vector<16xf32>,
        %parallel_loop3A_516 = arith.addf %parallel_loop3A_515, %get3A_392 : vector<16xf32>
        %parallel_loop3A_517 = arith.constant 0 : i32
        %parallel_loop3A_518 = arith.constant 0 : i32
        %parallel_loop3A_519 = arith.constant 0 : i32
        %parallel_loop3A_520 = arith.constant 0 : i32
        %parallel_loop3A_521 = tpu.memref_slice %arg8[%parallel_loop3A_517, %parallel_loop3A_518, %parallel_loop3A_519, %parallel_loop3A_520] : memref<2x8x8x129xf32, #tpu.memory_space<vmem>> -> memref<1x8x8x129xf32, #tpu.memory_space<vmem>>
        %parallel_loop3A_522 = tpu.memref_squeeze %parallel_loop3A_521 : memref<1x8x8x129xf32, #tpu.memory_space<vmem>> -> memref<8x8x129xf32, #tpu.memory_space<vmem>>
        tpu.vector_store_idx %parallel_loop3A_522[%add3A_11, %and3A_25, %parallel_loop3A_498], %parallel_loop3A_516 : memref<8x8x129xf32, #tpu.memory_space<vmem>>[vector<16xi32>, vector<16xi32>, vector<16xi32>], vector<16xf32>,
        %parallel_loop3A_523 = arith.constant 0 : i32
        %parallel_loop3A_524 = arith.index_cast %parallel_loop3A_523 : i32 to index
        %parallel_loop3A_525 = arith.index_cast %parallel_loop3A_494 : i32 to index
        %parallel_loop3A_526 = arith.constant 32 : index
        %parallel_loop3A_527 = tpu.vector_load %arg7[%parallel_loop3A_524, %parallel_loop3A_525, %parallel_loop3A_526] {strides = array<i32>} : memref<2x128x64xf32, #tpu.memory_space<vmem>>, vector<16xf32>,
        %parallel_loop3A_528 = arith.addf %parallel_loop3A_527, %get3A_395 : vector<16xf32>
        %parallel_loop3A_529 = arith.constant 0 : i32
        %parallel_loop3A_530 = arith.constant 0 : i32
        %parallel_loop3A_531 = arith.constant 0 : i32
        %parallel_loop3A_532 = arith.constant 0 : i32
        %parallel_loop3A_533 = tpu.memref_slice %arg8[%parallel_loop3A_529, %parallel_loop3A_530, %parallel_loop3A_531, %parallel_loop3A_532] : memref<2x8x8x129xf32, #tpu.memory_space<vmem>> -> memref<1x8x8x129xf32, #tpu.memory_space<vmem>>
        %parallel_loop3A_534 = tpu.memref_squeeze %parallel_loop3A_533 : memref<1x8x8x129xf32, #tpu.memory_space<vmem>> -> memref<8x8x129xf32, #tpu.memory_space<vmem>>
        tpu.vector_store_idx %parallel_loop3A_534[%add3A_17, %and3A_25, %parallel_loop3A_498], %parallel_loop3A_528 : memref<8x8x129xf32, #tpu.memory_space<vmem>>[vector<16xi32>, vector<16xi32>, vector<16xi32>], vector<16xf32>,
        %parallel_loop3A_535 = arith.constant 0 : i32
        %parallel_loop3A_536 = arith.index_cast %parallel_loop3A_535 : i32 to index
        %parallel_loop3A_537 = arith.index_cast %parallel_loop3A_494 : i32 to index
        %parallel_loop3A_538 = arith.constant 48 : index
        %parallel_loop3A_539 = tpu.vector_load %arg7[%parallel_loop3A_536, %parallel_loop3A_537, %parallel_loop3A_538] {strides = array<i32>} : memref<2x128x64xf32, #tpu.memory_space<vmem>>, vector<16xf32>,
        %parallel_loop3A_540 = arith.addf %parallel_loop3A_539, %get3A_398 : vector<16xf32>
        %parallel_loop3A_541 = arith.constant 0 : i32
        %parallel_loop3A_542 = arith.constant 0 : i32
        %parallel_loop3A_543 = arith.constant 0 : i32
        %parallel_loop3A_544 = arith.constant 0 : i32
        %parallel_loop3A_545 = tpu.memref_slice %arg8[%parallel_loop3A_541, %parallel_loop3A_542, %parallel_loop3A_543, %parallel_loop3A_544] : memref<2x8x8x129xf32, #tpu.memory_space<vmem>> -> memref<1x8x8x129xf32, #tpu.memory_space<vmem>>
        %parallel_loop3A_546 = tpu.memref_squeeze %parallel_loop3A_545 : memref<1x8x8x129xf32, #tpu.memory_space<vmem>> -> memref<8x8x129xf32, #tpu.memory_space<vmem>>
        tpu.vector_store_idx %parallel_loop3A_546[%add3A_23, %and3A_25, %parallel_loop3A_498], %parallel_loop3A_540 : memref<8x8x129xf32, #tpu.memory_space<vmem>>[vector<16xi32>, vector<16xi32>, vector<16xi32>], vector<16xf32>,
      } {sc.loop_unroll_factor = 4 : i64, sc.parallel_access}
      %dma_start3A_401 = arith.constant 0 : i32
      %dma_start3A_402 = arith.constant 0 : i32
      %dma_start3A_403 = arith.constant 0 : i32
      %dma_start3A_404 = arith.constant 0 : i32
      %dma_start3A_405 = tpu.memref_slice %arg8[%dma_start3A_401, %dma_start3A_402, %dma_start3A_403, %dma_start3A_404] : memref<2x8x8x129xf32, #tpu.memory_space<vmem>> -> memref<1x8x8x129xf32, #tpu.memory_space<vmem>>
      %dma_start3A_406 = tpu.memref_squeeze %dma_start3A_405 : memref<1x8x8x129xf32, #tpu.memory_space<vmem>> -> memref<8x8x129xf32, #tpu.memory_space<vmem>>
      %dma_start3A_407 = arith.constant 0 : i32
      %dma_start3A_408 = arith.constant 0 : i32
      %dma_start3A_409 = arith.constant 0 : i32
      %dma_start3A_410 = tpu.memref_slice %dma_start3A_406[%dma_start3A_407, %dma_start3A_408, %dma_start3A_409] : memref<8x8x129xf32, #tpu.memory_space<vmem>> -> memref<8x8x128xf32, #tpu.memory_space<vmem>>
      %dma_start3A_411 = arith.constant 0 : i32
      %dma_start3A_412 = arith.constant 0 : i32
      %dma_start3A_413 = arith.constant 0 : i32
      %dma_start3A_414 = tpu.memref_slice %arg5[%add3A_372, %dma_start3A_411, %add3A_283, %dma_start3A_412, %dma_start3A_413] : memref<50x8x128x8x128xf32, #tpu.memory_space<hbm>> -> memref<1x8x1x8x128xf32, #tpu.memory_space<hbm>>
      %dma_start3A_415 = tpu.memref_squeeze %dma_start3A_414 : memref<1x8x1x8x128xf32, #tpu.memory_space<hbm>> -> memref<8x8x128xf32, #tpu.memory_space<hbm>>
      %dma_start3A_416 = arith.constant 0 : i32
      %dma_start3A_417 = arith.constant 0 : i32
      %dma_start3A_418 = arith.constant 0 : i32
      %dma_start3A_419 = tpu.memref_slice %arg5[%add3A_372, %dma_start3A_416, %add3A_283, %dma_start3A_417, %dma_start3A_418] : memref<50x8x128x8x128xf32, #tpu.memory_space<hbm>> -> memref<1x8x1x8x128xf32, #tpu.memory_space<hbm>>
      %dma_start3A_420 = tpu.memref_squeeze %dma_start3A_419 : memref<1x8x1x8x128xf32, #tpu.memory_space<hbm>> -> memref<8x8x128xf32, #tpu.memory_space<hbm>>
      %dma_start3A_421 = arith.constant 0 : i32
      %dma_start3A_422 = arith.constant 0 : i32
      %dma_start3A_423 = arith.constant 0 : i32
      %dma_start3A_424 = tpu.memref_slice %arg8[%dma_start3A_401, %dma_start3A_421, %dma_start3A_422, %dma_start3A_423] : memref<2x8x8x129xf32, #tpu.memory_space<vmem>> -> memref<1x8x8x129xf32, #tpu.memory_space<vmem>>
      %dma_start3A_425 = tpu.memref_squeeze %dma_start3A_424 : memref<1x8x8x129xf32, #tpu.memory_space<vmem>> -> memref<8x8x129xf32, #tpu.memory_space<vmem>>
      %dma_start3A_426 = arith.constant 0 : i32
      %dma_start3A_427 = arith.constant 0 : i32
      %dma_start3A_428 = arith.constant 0 : i32
      %dma_start3A_429 = tpu.memref_slice %dma_start3A_425[%dma_start3A_426, %dma_start3A_427, %dma_start3A_428] : memref<8x8x129xf32, #tpu.memory_space<vmem>> -> memref<8x8x128xf32, #tpu.memory_space<vmem>>
      tpu.enqueue_dma source(%dma_start3A_429 : memref<8x8x128xf32, #tpu.memory_space<vmem>>) target(%dma_start3A_420 : memref<8x8x128xf32, #tpu.memory_space<hbm>>) target_semaphore(%arg12 : memref<!tpu.dma_semaphore, #tpu.memory_space<semaphore_mem>>)
      %add3A_430 = arith.constant 1 : i32
      %add3A_431 = arith.addi %add3A_370, %add3A_430 : i32
      %add3A_432 = arith.constant 1 : i32
      %add3A_433 = arith.addi %add3A_431, %add3A_432 : i32
      %lt3A_434 = arith.constant 50 : i32
      %lt3A_435 = arith.cmpi slt, %add3A_433, %lt3A_434 : i32
      %convert_element_type3A_436 = arith.extui %lt3A_435 : i1 to i32
      %cond3A_437 = arith.constant 0 : i32
      %cond3A_438 = arith.cmpi ne, %convert_element_type3A_436, %cond3A_437 : i32
      scf.if %cond3A_438 {
        %ge3A = arith.constant 1 : i32
        %ge3A_494 = arith.cmpi sge, %add3A_431, %ge3A : i32
        %convert_element_type3A_495 = arith.extui %ge3A_494 : i1 to i32
        %cond3A_496 = arith.constant 0 : i32
        %cond3A_497 = arith.cmpi ne, %convert_element_type3A_495, %cond3A_496 : i32
        scf.if %cond3A_497 {
          %dma_wait3A_509 = arith.constant 0 : i32
          %dma_wait3A_510 = arith.constant 0 : i32
          %dma_wait3A_511 = arith.constant 0 : i32
          %dma_wait3A_512 = arith.constant 0 : i32
          %dma_wait3A_513 = arith.constant 0 : i32
          %dma_wait3A_514 = arith.constant 0 : i32
          %dma_wait3A_515 = tpu.memref_slice %arg8[%dma_wait3A_509, %dma_wait3A_512, %dma_wait3A_513, %dma_wait3A_514] : memref<2x8x8x129xf32, #tpu.memory_space<vmem>> -> memref<1x8x8x129xf32, #tpu.memory_space<vmem>>
          %dma_wait3A_516 = tpu.memref_squeeze %dma_wait3A_515 : memref<1x8x8x129xf32, #tpu.memory_space<vmem>> -> memref<8x8x129xf32, #tpu.memory_space<vmem>>
          %dma_wait3A_517 = arith.constant 0 : i32
          %dma_wait3A_518 = arith.constant 0 : i32
          %dma_wait3A_519 = arith.constant 0 : i32
          %dma_wait3A_520 = tpu.memref_slice %dma_wait3A_516[%dma_wait3A_517, %dma_wait3A_518, %dma_wait3A_519] : memref<8x8x129xf32, #tpu.memory_space<vmem>> -> memref<8x8x128xf32, #tpu.memory_space<vmem>>
          %dma_wait3A_521 = arith.constant 0 : i32
          %dma_wait3A_522 = arith.constant 0 : i32
          %dma_wait3A_523 = arith.constant 0 : i32
          %dma_wait3A_524 = tpu.memref_slice %arg5[%dma_wait3A_510, %dma_wait3A_521, %dma_wait3A_511, %dma_wait3A_522, %dma_wait3A_523] : memref<50x8x128x8x128xf32, #tpu.memory_space<hbm>> -> memref<1x8x1x8x128xf32, #tpu.memory_space<hbm>>
          %dma_wait3A_525 = tpu.memref_squeeze %dma_wait3A_524 : memref<1x8x1x8x128xf32, #tpu.memory_space<hbm>> -> memref<8x8x128xf32, #tpu.memory_space<hbm>>
          %dma_wait3A_526 = arith.constant 0 : i32
          %dma_wait3A_527 = arith.constant 0 : i32
          %dma_wait3A_528 = arith.constant 0 : i32
          %dma_wait3A_529 = tpu.memref_slice %arg5[%dma_wait3A_510, %dma_wait3A_526, %dma_wait3A_511, %dma_wait3A_527, %dma_wait3A_528] : memref<50x8x128x8x128xf32, #tpu.memory_space<hbm>> -> memref<1x8x1x8x128xf32, #tpu.memory_space<hbm>>
          %dma_wait3A_530 = tpu.memref_squeeze %dma_wait3A_529 : memref<1x8x1x8x128xf32, #tpu.memory_space<hbm>> -> memref<8x8x128xf32, #tpu.memory_space<hbm>>
          %dma_wait3A_531 = arith.constant 0 : i32
          %dma_wait3A_532 = arith.constant 0 : i32
          %dma_wait3A_533 = arith.constant 0 : i32
          %dma_wait3A_534 = tpu.memref_slice %arg8[%dma_wait3A_509, %dma_wait3A_531, %dma_wait3A_532, %dma_wait3A_533] : memref<2x8x8x129xf32, #tpu.memory_space<vmem>> -> memref<1x8x8x129xf32, #tpu.memory_space<vmem>>
          %dma_wait3A_535 = tpu.memref_squeeze %dma_wait3A_534 : memref<1x8x8x129xf32, #tpu.memory_space<vmem>> -> memref<8x8x129xf32, #tpu.memory_space<vmem>>
          %dma_wait3A_536 = arith.constant 0 : i32
          %dma_wait3A_537 = arith.constant 0 : i32
          %dma_wait3A_538 = arith.constant 0 : i32
          %dma_wait3A_539 = tpu.memref_slice %dma_wait3A_535[%dma_wait3A_536, %dma_wait3A_537, %dma_wait3A_538] : memref<8x8x129xf32, #tpu.memory_space<vmem>> -> memref<8x8x128xf32, #tpu.memory_space<vmem>>
          tpu.wait_dma2 semaphore(%arg12 : memref<!tpu.dma_semaphore, #tpu.memory_space<semaphore_mem>>) src(%dma_wait3A_539 : memref<8x8x128xf32, #tpu.memory_space<vmem>>) dst(%dma_wait3A_530 : memref<8x8x128xf32, #tpu.memory_space<hbm>>)
        } else {
        }
        %dma_start3A_498 = arith.constant 0 : i32
        %dma_start3A_499 = arith.constant 0 : i32
        %dma_start3A_500 = arith.constant 0 : i32
        %dma_start3A_501 = tpu.memref_slice %arg7[%dma_start3A_498, %dma_start3A_499, %dma_start3A_500] : memref<2x128x64xf32, #tpu.memory_space<vmem>> -> memref<1x128x64xf32, #tpu.memory_space<vmem>>
        %dma_start3A_502 = tpu.memref_squeeze %dma_start3A_501 : memref<1x128x64xf32, #tpu.memory_space<vmem>> -> memref<128x64xf32, #tpu.memory_space<vmem>>
        %dma_start3A_503 = arith.constant 0 : i32
        %dma_start3A_504 = tpu.memref_slice %arg6[%add3A_433, %dma_start3A_503] : memref<50x128xi32, #tpu.memory_space<vmem>> -> memref<1x128xi32, #tpu.memory_space<vmem>>
        %dma_start3A_505 = tpu.memref_squeeze %dma_start3A_504 : memref<1x128xi32, #tpu.memory_space<vmem>> -> memref<128xi32, #tpu.memory_space<vmem>>
        %dma_start3A_506 = arith.constant 0 : i32
        %dma_start3A_507 = arith.constant 0 : i32
        %dma_start3A_508 = tpu.memref_slice %arg3[%dma_start3A_506, %dma_start3A_507] : memref<1000000x64xf32, #tpu.memory_space<hbm>> -> memref<1000000x64xf32, #tpu.memory_space<hbm>>
        tpu.enqueue_indirect_dma source(%dma_start3A_508 : memref<1000000x64xf32, #tpu.memory_space<hbm>>) target(%dma_start3A_502 : memref<128x64xf32, #tpu.memory_space<vmem>>) offsets(%dma_start3A_505 : memref<128xi32, #tpu.memory_space<vmem>>) semaphore(%arg10 : memref<!tpu.dma_semaphore, #tpu.memory_space<semaphore_mem>>)
      } else {
      }
      %dma_wait3A_439 = arith.constant 1 : i32
      %dma_wait3A_440 = arith.constant 0 : i32
      %dma_wait3A_441 = arith.constant 0 : i32
      %dma_wait3A_442 = tpu.memref_slice %arg7[%dma_wait3A_439, %dma_wait3A_440, %dma_wait3A_441] : memref<2x128x64xf32, #tpu.memory_space<vmem>> -> memref<1x128x64xf32, #tpu.memory_space<vmem>>
      %dma_wait3A_443 = tpu.memref_squeeze %dma_wait3A_442 : memref<1x128x64xf32, #tpu.memory_space<vmem>> -> memref<128x64xf32, #tpu.memory_space<vmem>>
      %dma_wait3A_444 = arith.constant 0 : i32
      %dma_wait3A_445 = tpu.memref_slice %arg6[%add3A_431, %dma_wait3A_444] : memref<50x128xi32, #tpu.memory_space<vmem>> -> memref<1x128xi32, #tpu.memory_space<vmem>>
      %dma_wait3A_446 = tpu.memref_squeeze %dma_wait3A_445 : memref<1x128xi32, #tpu.memory_space<vmem>> -> memref<128xi32, #tpu.memory_space<vmem>>
      %dma_wait3A_447 = arith.constant 0 : i32
      %dma_wait3A_448 = arith.constant 0 : i32
      %dma_wait3A_449 = tpu.memref_slice %arg3[%dma_wait3A_447, %dma_wait3A_448] : memref<1000000x64xf32, #tpu.memory_space<hbm>> -> memref<1000000x64xf32, #tpu.memory_space<hbm>>
      tpu.wait_indirect_dma semaphore(%arg11 : memref<!tpu.dma_semaphore, #tpu.memory_space<semaphore_mem>>) src(%dma_wait3A_449 : memref<1000000x64xf32, #tpu.memory_space<hbm>>) dst(%dma_wait3A_443 : memref<128x64xf32, #tpu.memory_space<vmem>>)
      %get3A_450 = arith.index_cast %add3A_431 : i32 to index
      %get3A_451 = arith.constant 0 : index
      %get3A_452 = tpu.vector_load %arg9[%get3A_450, %get3A_451] {strides = array<i32>} : memref<56x64xf32, #tpu.memory_space<vmem>>, vector<16xf32>,
      %get3A_453 = arith.index_cast %add3A_431 : i32 to index
      %get3A_454 = arith.constant 16 : index
      %get3A_455 = tpu.vector_load %arg9[%get3A_453, %get3A_454] {strides = array<i32>} : memref<56x64xf32, #tpu.memory_space<vmem>>, vector<16xf32>,
      %get3A_456 = arith.index_cast %add3A_431 : i32 to index
      %get3A_457 = arith.constant 32 : index
      %get3A_458 = tpu.vector_load %arg9[%get3A_456, %get3A_457] {strides = array<i32>} : memref<56x64xf32, #tpu.memory_space<vmem>>, vector<16xf32>,
      %get3A_459 = arith.index_cast %add3A_431 : i32 to index
      %get3A_460 = arith.constant 48 : index
      %get3A_461 = tpu.vector_load %arg9[%get3A_459, %get3A_460] {strides = array<i32>} : memref<56x64xf32, #tpu.memory_space<vmem>>, vector<16xf32>,
      %parallel_loop3A_462 = arith.constant 0 : i32
      %parallel_loop3A_463 = arith.constant 128 : i32
      %parallel_loop3A_464 = arith.constant 1 : i32
      scf.for %parallel_loop3A_494 = %parallel_loop3A_462 to %parallel_loop3A_463 step %parallel_loop3A_464  : i32 {
        %parallel_loop3A_495 = arith.constant 0 : i32
        %parallel_loop3A_496 = vector.broadcast %parallel_loop3A_495 : i32 to vector<16xi32>
        %parallel_loop3A_497 = vector.broadcast %parallel_loop3A_494 : i32 to vector<16xi32>
        %parallel_loop3A_498 = arith.addi %parallel_loop3A_496, %parallel_loop3A_497 : vector<16xi32>
        %parallel_loop3A_499 = arith.constant 1 : i32
        %parallel_loop3A_500 = arith.index_cast %parallel_loop3A_499 : i32 to index
        %parallel_loop3A_501 = arith.index_cast %parallel_loop3A_494 : i32 to index
        %parallel_loop3A_502 = arith.constant 0 : index
        %parallel_loop3A_503 = tpu.vector_load %arg7[%parallel_loop3A_500, %parallel_loop3A_501, %parallel_loop3A_502] {strides = array<i32>} : memref<2x128x64xf32, #tpu.memory_space<vmem>>, vector<16xf32>,
        %parallel_loop3A_504 = arith.addf %parallel_loop3A_503, %get3A_452 : vector<16xf32>
        %parallel_loop3A_505 = arith.constant 1 : i32
        %parallel_loop3A_506 = arith.constant 0 : i32
        %parallel_loop3A_507 = arith.constant 0 : i32
        %parallel_loop3A_508 = arith.constant 0 : i32
        %parallel_loop3A_509 = tpu.memref_slice %arg8[%parallel_loop3A_505, %parallel_loop3A_506, %parallel_loop3A_507, %parallel_loop3A_508] : memref<2x8x8x129xf32, #tpu.memory_space<vmem>> -> memref<1x8x8x129xf32, #tpu.memory_space<vmem>>
        %parallel_loop3A_510 = tpu.memref_squeeze %parallel_loop3A_509 : memref<1x8x8x129xf32, #tpu.memory_space<vmem>> -> memref<8x8x129xf32, #tpu.memory_space<vmem>>
        tpu.vector_store_idx %parallel_loop3A_510[%add3A_5, %and3A_25, %parallel_loop3A_498], %parallel_loop3A_504 : memref<8x8x129xf32, #tpu.memory_space<vmem>>[vector<16xi32>, vector<16xi32>, vector<16xi32>], vector<16xf32>,
        %parallel_loop3A_511 = arith.constant 1 : i32
        %parallel_loop3A_512 = arith.index_cast %parallel_loop3A_511 : i32 to index
        %parallel_loop3A_513 = arith.index_cast %parallel_loop3A_494 : i32 to index
        %parallel_loop3A_514 = arith.constant 16 : index
        %parallel_loop3A_515 = tpu.vector_load %arg7[%parallel_loop3A_512, %parallel_loop3A_513, %parallel_loop3A_514] {strides = array<i32>} : memref<2x128x64xf32, #tpu.memory_space<vmem>>, vector<16xf32>,
        %parallel_loop3A_516 = arith.addf %parallel_loop3A_515, %get3A_455 : vector<16xf32>
        %parallel_loop3A_517 = arith.constant 1 : i32
        %parallel_loop3A_518 = arith.constant 0 : i32
        %parallel_loop3A_519 = arith.constant 0 : i32
        %parallel_loop3A_520 = arith.constant 0 : i32
        %parallel_loop3A_521 = tpu.memref_slice %arg8[%parallel_loop3A_517, %parallel_loop3A_518, %parallel_loop3A_519, %parallel_loop3A_520] : memref<2x8x8x129xf32, #tpu.memory_space<vmem>> -> memref<1x8x8x129xf32, #tpu.memory_space<vmem>>
        %parallel_loop3A_522 = tpu.memref_squeeze %parallel_loop3A_521 : memref<1x8x8x129xf32, #tpu.memory_space<vmem>> -> memref<8x8x129xf32, #tpu.memory_space<vmem>>
        tpu.vector_store_idx %parallel_loop3A_522[%add3A_11, %and3A_25, %parallel_loop3A_498], %parallel_loop3A_516 : memref<8x8x129xf32, #tpu.memory_space<vmem>>[vector<16xi32>, vector<16xi32>, vector<16xi32>], vector<16xf32>,
        %parallel_loop3A_523 = arith.constant 1 : i32
        %parallel_loop3A_524 = arith.index_cast %parallel_loop3A_523 : i32 to index
        %parallel_loop3A_525 = arith.index_cast %parallel_loop3A_494 : i32 to index
        %parallel_loop3A_526 = arith.constant 32 : index
        %parallel_loop3A_527 = tpu.vector_load %arg7[%parallel_loop3A_524, %parallel_loop3A_525, %parallel_loop3A_526] {strides = array<i32>} : memref<2x128x64xf32, #tpu.memory_space<vmem>>, vector<16xf32>,
        %parallel_loop3A_528 = arith.addf %parallel_loop3A_527, %get3A_458 : vector<16xf32>
        %parallel_loop3A_529 = arith.constant 1 : i32
        %parallel_loop3A_530 = arith.constant 0 : i32
        %parallel_loop3A_531 = arith.constant 0 : i32
        %parallel_loop3A_532 = arith.constant 0 : i32
        %parallel_loop3A_533 = tpu.memref_slice %arg8[%parallel_loop3A_529, %parallel_loop3A_530, %parallel_loop3A_531, %parallel_loop3A_532] : memref<2x8x8x129xf32, #tpu.memory_space<vmem>> -> memref<1x8x8x129xf32, #tpu.memory_space<vmem>>
        %parallel_loop3A_534 = tpu.memref_squeeze %parallel_loop3A_533 : memref<1x8x8x129xf32, #tpu.memory_space<vmem>> -> memref<8x8x129xf32, #tpu.memory_space<vmem>>
        tpu.vector_store_idx %parallel_loop3A_534[%add3A_17, %and3A_25, %parallel_loop3A_498], %parallel_loop3A_528 : memref<8x8x129xf32, #tpu.memory_space<vmem>>[vector<16xi32>, vector<16xi32>, vector<16xi32>], vector<16xf32>,
        %parallel_loop3A_535 = arith.constant 1 : i32
        %parallel_loop3A_536 = arith.index_cast %parallel_loop3A_535 : i32 to index
        %parallel_loop3A_537 = arith.index_cast %parallel_loop3A_494 : i32 to index
        %parallel_loop3A_538 = arith.constant 48 : index
        %parallel_loop3A_539 = tpu.vector_load %arg7[%parallel_loop3A_536, %parallel_loop3A_537, %parallel_loop3A_538] {strides = array<i32>} : memref<2x128x64xf32, #tpu.memory_space<vmem>>, vector<16xf32>,
        %parallel_loop3A_540 = arith.addf %parallel_loop3A_539, %get3A_461 : vector<16xf32>
        %parallel_loop3A_541 = arith.constant 1 : i32
        %parallel_loop3A_542 = arith.constant 0 : i32
        %parallel_loop3A_543 = arith.constant 0 : i32
        %parallel_loop3A_544 = arith.constant 0 : i32
        %parallel_loop3A_545 = tpu.memref_slice %arg8[%parallel_loop3A_541, %parallel_loop3A_542, %parallel_loop3A_543, %parallel_loop3A_544] : memref<2x8x8x129xf32, #tpu.memory_space<vmem>> -> memref<1x8x8x129xf32, #tpu.memory_space<vmem>>
        %parallel_loop3A_546 = tpu.memref_squeeze %parallel_loop3A_545 : memref<1x8x8x129xf32, #tpu.memory_space<vmem>> -> memref<8x8x129xf32, #tpu.memory_space<vmem>>
        tpu.vector_store_idx %parallel_loop3A_546[%add3A_23, %and3A_25, %parallel_loop3A_498], %parallel_loop3A_540 : memref<8x8x129xf32, #tpu.memory_space<vmem>>[vector<16xi32>, vector<16xi32>, vector<16xi32>], vector<16xf32>,
      } {sc.loop_unroll_factor = 4 : i64, sc.parallel_access}
      %dma_start3A_465 = arith.constant 1 : i32
      %dma_start3A_466 = arith.constant 0 : i32
      %dma_start3A_467 = arith.constant 0 : i32
      %dma_start3A_468 = arith.constant 0 : i32
      %dma_start3A_469 = tpu.memref_slice %arg8[%dma_start3A_465, %dma_start3A_466, %dma_start3A_467, %dma_start3A_468] : memref<2x8x8x129xf32, #tpu.memory_space<vmem>> -> memref<1x8x8x129xf32, #tpu.memory_space<vmem>>
      %dma_start3A_470 = tpu.memref_squeeze %dma_start3A_469 : memref<1x8x8x129xf32, #tpu.memory_space<vmem>> -> memref<8x8x129xf32, #tpu.memory_space<vmem>>
      %dma_start3A_471 = arith.constant 0 : i32
      %dma_start3A_472 = arith.constant 0 : i32
      %dma_start3A_473 = arith.constant 0 : i32
      %dma_start3A_474 = tpu.memref_slice %dma_start3A_470[%dma_start3A_471, %dma_start3A_472, %dma_start3A_473] : memref<8x8x129xf32, #tpu.memory_space<vmem>> -> memref<8x8x128xf32, #tpu.memory_space<vmem>>
      %dma_start3A_475 = arith.constant 0 : i32
      %dma_start3A_476 = arith.constant 0 : i32
      %dma_start3A_477 = arith.constant 0 : i32
      %dma_start3A_478 = tpu.memref_slice %arg5[%add3A_431, %dma_start3A_475, %add3A_283, %dma_start3A_476, %dma_start3A_477] : memref<50x8x128x8x128xf32, #tpu.memory_space<hbm>> -> memref<1x8x1x8x128xf32, #tpu.memory_space<hbm>>
      %dma_start3A_479 = tpu.memref_squeeze %dma_start3A_478 : memref<1x8x1x8x128xf32, #tpu.memory_space<hbm>> -> memref<8x8x128xf32, #tpu.memory_space<hbm>>
      %dma_start3A_480 = arith.constant 0 : i32
      %dma_start3A_481 = arith.constant 0 : i32
      %dma_start3A_482 = arith.constant 0 : i32
      %dma_start3A_483 = tpu.memref_slice %arg5[%add3A_431, %dma_start3A_480, %add3A_283, %dma_start3A_481, %dma_start3A_482] : memref<50x8x128x8x128xf32, #tpu.memory_space<hbm>> -> memref<1x8x1x8x128xf32, #tpu.memory_space<hbm>>
      %dma_start3A_484 = tpu.memref_squeeze %dma_start3A_483 : memref<1x8x1x8x128xf32, #tpu.memory_space<hbm>> -> memref<8x8x128xf32, #tpu.memory_space<hbm>>
      %dma_start3A_485 = arith.constant 0 : i32
      %dma_start3A_486 = arith.constant 0 : i32
      %dma_start3A_487 = arith.constant 0 : i32
      %dma_start3A_488 = tpu.memref_slice %arg8[%dma_start3A_465, %dma_start3A_485, %dma_start3A_486, %dma_start3A_487] : memref<2x8x8x129xf32, #tpu.memory_space<vmem>> -> memref<1x8x8x129xf32, #tpu.memory_space<vmem>>
      %dma_start3A_489 = tpu.memref_squeeze %dma_start3A_488 : memref<1x8x8x129xf32, #tpu.memory_space<vmem>> -> memref<8x8x129xf32, #tpu.memory_space<vmem>>
      %dma_start3A_490 = arith.constant 0 : i32
      %dma_start3A_491 = arith.constant 0 : i32
      %dma_start3A_492 = arith.constant 0 : i32
      %dma_start3A_493 = tpu.memref_slice %dma_start3A_489[%dma_start3A_490, %dma_start3A_491, %dma_start3A_492] : memref<8x8x129xf32, #tpu.memory_space<vmem>> -> memref<8x8x128xf32, #tpu.memory_space<vmem>>
      tpu.enqueue_dma source(%dma_start3A_493 : memref<8x8x128xf32, #tpu.memory_space<vmem>>) target(%dma_start3A_484 : memref<8x8x128xf32, #tpu.memory_space<hbm>>) target_semaphore(%arg13 : memref<!tpu.dma_semaphore, #tpu.memory_space<semaphore_mem>>)
    }
    %scan3A_303 = arith.constant 25 : i32
    %dma_wait3A_304 = arith.constant 0 : i32
    %dma_wait3A_305 = arith.constant 0 : i32
    %dma_wait3A_306 = arith.constant 0 : i32
    %dma_wait3A_307 = arith.constant 0 : i32
    %dma_wait3A_308 = arith.constant 0 : i32
    %dma_wait3A_309 = arith.constant 0 : i32
    %dma_wait3A_310 = tpu.memref_slice %arg8[%dma_wait3A_304, %dma_wait3A_307, %dma_wait3A_308, %dma_wait3A_309] : memref<2x8x8x129xf32, #tpu.memory_space<vmem>> -> memref<1x8x8x129xf32, #tpu.memory_space<vmem>>
    %dma_wait3A_311 = tpu.memref_squeeze %dma_wait3A_310 : memref<1x8x8x129xf32, #tpu.memory_space<vmem>> -> memref<8x8x129xf32, #tpu.memory_space<vmem>>
    %dma_wait3A_312 = arith.constant 0 : i32
    %dma_wait3A_313 = arith.constant 0 : i32
    %dma_wait3A_314 = arith.constant 0 : i32
    %dma_wait3A_315 = tpu.memref_slice %dma_wait3A_311[%dma_wait3A_312, %dma_wait3A_313, %dma_wait3A_314] : memref<8x8x129xf32, #tpu.memory_space<vmem>> -> memref<8x8x128xf32, #tpu.memory_space<vmem>>
    %dma_wait3A_316 = arith.constant 0 : i32
    %dma_wait3A_317 = arith.constant 0 : i32
    %dma_wait3A_318 = arith.constant 0 : i32
    %dma_wait3A_319 = tpu.memref_slice %arg5[%dma_wait3A_305, %dma_wait3A_316, %dma_wait3A_306, %dma_wait3A_317, %dma_wait3A_318] : memref<50x8x128x8x128xf32, #tpu.memory_space<hbm>> -> memref<1x8x1x8x128xf32, #tpu.memory_space<hbm>>
    %dma_wait3A_320 = tpu.memref_squeeze %dma_wait3A_319 : memref<1x8x1x8x128xf32, #tpu.memory_space<hbm>> -> memref<8x8x128xf32, #tpu.memory_space<hbm>>
    %dma_wait3A_321 = arith.constant 0 : i32
    %dma_wait3A_322 = arith.constant 0 : i32
    %dma_wait3A_323 = arith.constant 0 : i32
    %dma_wait3A_324 = tpu.memref_slice %arg5[%dma_wait3A_305, %dma_wait3A_321, %dma_wait3A_306, %dma_wait3A_322, %dma_wait3A_323] : memref<50x8x128x8x128xf32, #tpu.memory_space<hbm>> -> memref<1x8x1x8x128xf32, #tpu.memory_space<hbm>>
    %dma_wait3A_325 = tpu.memref_squeeze %dma_wait3A_324 : memref<1x8x1x8x128xf32, #tpu.memory_space<hbm>> -> memref<8x8x128xf32, #tpu.memory_space<hbm>>
    %dma_wait3A_326 = arith.constant 0 : i32
    %dma_wait3A_327 = arith.constant 0 : i32
    %dma_wait3A_328 = arith.constant 0 : i32
    %dma_wait3A_329 = tpu.memref_slice %arg8[%dma_wait3A_304, %dma_wait3A_326, %dma_wait3A_327, %dma_wait3A_328] : memref<2x8x8x129xf32, #tpu.memory_space<vmem>> -> memref<1x8x8x129xf32, #tpu.memory_space<vmem>>
    %dma_wait3A_330 = tpu.memref_squeeze %dma_wait3A_329 : memref<1x8x8x129xf32, #tpu.memory_space<vmem>> -> memref<8x8x129xf32, #tpu.memory_space<vmem>>
    %dma_wait3A_331 = arith.constant 0 : i32
    %dma_wait3A_332 = arith.constant 0 : i32
    %dma_wait3A_333 = arith.constant 0 : i32
    %dma_wait3A_334 = tpu.memref_slice %dma_wait3A_330[%dma_wait3A_331, %dma_wait3A_332, %dma_wait3A_333] : memref<8x8x129xf32, #tpu.memory_space<vmem>> -> memref<8x8x128xf32, #tpu.memory_space<vmem>>
    tpu.wait_dma2 semaphore(%arg12 : memref<!tpu.dma_semaphore, #tpu.memory_space<semaphore_mem>>) src(%dma_wait3A_334 : memref<8x8x128xf32, #tpu.memory_space<vmem>>) dst(%dma_wait3A_325 : memref<8x8x128xf32, #tpu.memory_space<hbm>>)
    %dma_wait3A_335 = arith.constant 1 : i32
    %dma_wait3A_336 = arith.constant 0 : i32
    %dma_wait3A_337 = arith.constant 0 : i32
    %dma_wait3A_338 = arith.constant 0 : i32
    %dma_wait3A_339 = arith.constant 0 : i32
    %dma_wait3A_340 = arith.constant 0 : i32
    %dma_wait3A_341 = tpu.memref_slice %arg8[%dma_wait3A_335, %dma_wait3A_338, %dma_wait3A_339, %dma_wait3A_340] : memref<2x8x8x129xf32, #tpu.memory_space<vmem>> -> memref<1x8x8x129xf32, #tpu.memory_space<vmem>>
    %dma_wait3A_342 = tpu.memref_squeeze %dma_wait3A_341 : memref<1x8x8x129xf32, #tpu.memory_space<vmem>> -> memref<8x8x129xf32, #tpu.memory_space<vmem>>
    %dma_wait3A_343 = arith.constant 0 : i32
    %dma_wait3A_344 = arith.constant 0 : i32
    %dma_wait3A_345 = arith.constant 0 : i32
    %dma_wait3A_346 = tpu.memref_slice %dma_wait3A_342[%dma_wait3A_343, %dma_wait3A_344, %dma_wait3A_345] : memref<8x8x129xf32, #tpu.memory_space<vmem>> -> memref<8x8x128xf32, #tpu.memory_space<vmem>>
    %dma_wait3A_347 = arith.constant 0 : i32
    %dma_wait3A_348 = arith.constant 0 : i32
    %dma_wait3A_349 = arith.constant 0 : i32
    %dma_wait3A_350 = tpu.memref_slice %arg5[%dma_wait3A_336, %dma_wait3A_347, %dma_wait3A_337, %dma_wait3A_348, %dma_wait3A_349] : memref<50x8x128x8x128xf32, #tpu.memory_space<hbm>> -> memref<1x8x1x8x128xf32, #tpu.memory_space<hbm>>
    %dma_wait3A_351 = tpu.memref_squeeze %dma_wait3A_350 : memref<1x8x1x8x128xf32, #tpu.memory_space<hbm>> -> memref<8x8x128xf32, #tpu.memory_space<hbm>>
    %dma_wait3A_352 = arith.constant 0 : i32
    %dma_wait3A_353 = arith.constant 0 : i32
    %dma_wait3A_354 = arith.constant 0 : i32
    %dma_wait3A_355 = tpu.memref_slice %arg5[%dma_wait3A_336, %dma_wait3A_352, %dma_wait3A_337, %dma_wait3A_353, %dma_wait3A_354] : memref<50x8x128x8x128xf32, #tpu.memory_space<hbm>> -> memref<1x8x1x8x128xf32, #tpu.memory_space<hbm>>
    %dma_wait3A_356 = tpu.memref_squeeze %dma_wait3A_355 : memref<1x8x1x8x128xf32, #tpu.memory_space<hbm>> -> memref<8x8x128xf32, #tpu.memory_space<hbm>>
    %dma_wait3A_357 = arith.constant 0 : i32
    %dma_wait3A_358 = arith.constant 0 : i32
    %dma_wait3A_359 = arith.constant 0 : i32
    %dma_wait3A_360 = tpu.memref_slice %arg8[%dma_wait3A_335, %dma_wait3A_357, %dma_wait3A_358, %dma_wait3A_359] : memref<2x8x8x129xf32, #tpu.memory_space<vmem>> -> memref<1x8x8x129xf32, #tpu.memory_space<vmem>>
    %dma_wait3A_361 = tpu.memref_squeeze %dma_wait3A_360 : memref<1x8x8x129xf32, #tpu.memory_space<vmem>> -> memref<8x8x129xf32, #tpu.memory_space<vmem>>
    %dma_wait3A_362 = arith.constant 0 : i32
    %dma_wait3A_363 = arith.constant 0 : i32
    %dma_wait3A_364 = arith.constant 0 : i32
    %dma_wait3A_365 = tpu.memref_slice %dma_wait3A_361[%dma_wait3A_362, %dma_wait3A_363, %dma_wait3A_364] : memref<8x8x129xf32, #tpu.memory_space<vmem>> -> memref<8x8x128xf32, #tpu.memory_space<vmem>>
    tpu.wait_dma2 semaphore(%arg13 : memref<!tpu.dma_semaphore, #tpu.memory_space<semaphore_mem>>) src(%dma_wait3A_365 : memref<8x8x128xf32, #tpu.memory_space<vmem>>) dst(%dma_wait3A_356 : memref<8x8x128xf32, #tpu.memory_space<hbm>>)
    return
  }
}

</mosaic_0001>

<sc_bundles>
// kernel: _phrase_embedding_sc.3.cloned.1.call-start
scs
__scs_entry_jumppad:
0x0: {  	(pc) =	sbr.rel $0x88, $3  }
0x1: {  	(tag) =	ssettag $0x0;
	lr =	simm.s32 $0x1  }
0x2: {  	[smem:$0x3F9E] =	sst lr;
	_ =	strace $0xD0000000  }
0x3: {  	_ = 	snop  }
0x4: {  	_ = 	snop  }
0x5: {  	_ = 	snop  }
0x6: {  	_ = 	snop  }
0x7: {  	_ = 	snop  }
__scs_overlays_trampoline_lowered:
0x8: {  	[smem:$0x3FAD] =	sst s0  }
0x9: {  	[smem:$0x3FAE] =	sst s1  }
0xa: {  	[smem:$0x3FAF] =	sst s2  }
0xb: {  	[smem:$0x3FB0] =	sst s3  }
0xc: {  	[smem:$0x3FB1] =	sst s4  }
0xd: {  	[smem:$0x3FB2] =	sst s5  }
0xe: {  	[smem:$0x3FB3] =	sst s6  }
0xf: {  	[smem:$0x3FB4] =	sst s7  }
0x10: {  	[smem:$0x3FB5] =	sst s8  }
0x11: {  	[smem:$0x3FB6] =	sst s9;
	s0 =	simm.s32 @!p0 $0x0  }
0x12: {  	s1 =	sld [smem:$0x3F9C];
	s0 =	simm.s32 @p0 $0x1  }
0x13: {  	[smem:$0x3FB7] =	sst s0;
	s0 =	simm.s32 @!p1 $0x0  }
0x14: {  	s2 =	sld [smem:$0x3F9B];
	s0 =	simm.s32 @p1 $0x1  }
0x15: {  	[smem:$0x3FB8] =	sst s0;
	s0 =	simm.s32 @!p2 $0x0  }
0x16: {  	s3 =	sld [smem:$0x3FDB];
	s0 =	simm.s32 @p2 $0x1  }
0x17: {  	s4 =	simm.s32 $0x1BF5;
	[smem:$0x3FBA] =	sst s0  }
0x18: {  	s0 =	sld [smem:$0x3F9D];
	_ =	swait.ge [sflag:s4], $0x0  }
0x19: {  	s7 =	sld [smem:$0x3F9E]  }
0x1a: {  	s8 =	sadd.s32 $0xFFFFE003, lr  }
0x1b: {  	s9 =	sadd.s32 $0xFFFFFEF7, lr;
	s5 =	simm.s32 $0xFFFFFFFF;
	p2 =	slt.u32 s8, $0xFFFFF086  }
0x1c: {  	p1 =	slt.u32 s9, $0xF7A;
	s5 =	simm.s32 @!p2 $0x0  }
0x1d: {  	s5 =	simm.s32 @p1 $0x1;
	p0 =	seq.s32 s7, s2  }
0x1e: {  	s7 =	smul.u32 @!p0 $0xF7A, s2;
	p2 =	seq.s32 @!p0 s5, $0x0  }
0x1f: {  	s9 =	smul.u32 $0xF7A, s1;
	s8 =	simm.s32 @!p0 $0x1BF5;
	p2 =	por !p2, p0  }
0x20: {  	[sflag:s8] =	ssyncset.s32 @!p0 $0xFFFFF086;
	s6 =	sadd.s32 @!p0 s3, s7;
	s7 =	simm.s32 @!p0 $0x108  }
0x21: {  	s3 =	sadd.s32 s3, s9;
	s6 =	sadd.s32 @!p0 $0x88, s6;
	s7 =	simm.s32 @p2 $0x1082  }
0x22: {  	[simem:s7], [sflag:s8] =	dma.local @!p0 [hbm:s6], $0xF7A  }
0x23: {  	s9 =	sor.u32 $0xD0000000, s2;
	s6 =	simm.s32 $0x108;
	_ =	swait.ge @!p0 [sflag:s8], $0x0  }
0x24: {  	s3 =	sadd.s32 $0x88, s3;
	s6 =	simm.s32 @!p1 $0x1082;
	[sflag:s4] =	ssyncset.s32 $0xFFFFF086  }
0x25: {  	[simem:s6], [sflag:s4] =	dma.local [hbm:s3], $0xF7A  }
0x26: {  	[smem:$0x3F9E] =	sst s1;
	(tag) =	ssettag s2;
	_ =	strace s9  }
0x27: {  	s1 =	sld [smem:$0x3FAE]  }
0x28: {  	s2 =	sld [smem:$0x3FAF]  }
0x29: {  	s4 =	sld [smem:$0x3FB1]  }
0x2a: {  	p0 =	seq.s32 s5, $0x0;
	s5 =	sld [smem:$0x3FB2]  }
0x2b: {  	s6 =	sld [smem:$0x3FB3]  }
0x2c: {  	s7 =	sld [smem:$0x3FB4]  }
0x2d: {  	s3 =	simm.s32 $0x108;
	s8 =	sld [smem:$0x3FB5]  }
0x2e: {  	s3 =	simm.s32 @!p0 $0x1082;
	s9 =	sld [smem:$0x3FB6]  }
0x2f: {  	lr =	sadd.s32 s0, s3;
	s0 =	sld [smem:$0x3FAD]  }
0x30: {  	s3 =	sld [smem:$0x3FB0]  }
0x31: {  	[smem:$0x3FB9] =	sst s10  }
0x32: {  	s10 =	sld [smem:$0x3FB7];
	_ =	sdelay $0x3  }
0x33: {  	p0 =	seq.s32 s10, $0x1;
	s10 =	sld [smem:$0x3FB9];
	_ =	sdelay $0x3  }
0x34: {  	[smem:$0x3FB9] =	sst s10  }
0x35: {  	s10 =	sld [smem:$0x3FB8];
	_ =	sdelay $0x3  }
0x36: {  	p1 =	seq.s32 s10, $0x1;
	s10 =	sld [smem:$0x3FB9];
	_ =	sdelay $0x3  }
0x37: {  	[smem:$0x3FB9] =	sst s10  }
0x38: {  	s10 =	sld [smem:$0x3FBA]  }
0x39: {  	_ = 	snop;
	(pc) =	sbr.ind lr, $3  }
0x3a: {  	_ = 	snop  }
0x3b: {  	_ = 	snop  }
0x3c: {  	p2 =	seq.s32 s10, $0x1;
	s10 =	sld [smem:$0x3FB9]  }
0x3d: {  	_ =	shalt  }
0x3e: {  	_ =	shalt  }
0x3f: {  	_ =	shalt  }
0x40: {  	_ =	shalt  }
0x41: {  	_ =	shalt  }
0x42: {  	_ =	shalt  }
0x43: {  	_ =	shalt  }
0x44: {  	_ =	shalt  }
0x45: {  	_ =	shalt  }
0x46: {  	_ =	shalt  }
0x47: {  	_ =	shalt  }
0x48: {  	_ =	shalt  }
0x49: {  	_ =	shalt  }
0x4a: {  	_ =	shalt  }
0x4b: {  	_ =	shalt  }
0x4c: {  	_ =	shalt  }
0x4d: {  	_ =	shalt  }
0x4e: {  	_ =	shalt  }
0x4f: {  	_ =	shalt  }
0x50: {  	_ =	shalt  }
0x51: {  	_ =	shalt  }
0x52: {  	_ =	shalt  }
0x53: {  	_ =	shalt  }
0x54: {  	_ =	shalt  }
0x55: {  	_ =	shalt  }
0x56: {  	_ =	shalt  }
0x57: {  	_ =	shalt  }
0x58: {  	_ =	shalt  }
0x59: {  	_ =	shalt  }
0x5a: {  	_ =	shalt  }
0x5b: {  	_ =	shalt  }
0x5c: {  	_ =	shalt  }
0x5d: {  	_ =	shalt  }
0x5e: {  	_ =	shalt  }
0x5f: {  	_ =	shalt  }
0x60: {  	_ =	shalt  }
0x61: {  	_ =	shalt  }
0x62: {  	_ =	shalt  }
0x63: {  	_ =	shalt  }
0x64: {  	_ =	shalt  }
0x65: {  	_ =	shalt  }
0x66: {  	_ =	shalt  }
0x67: {  	_ =	shalt  }
0x68: {  	_ =	shalt  }
0x69: {  	_ =	shalt  }
0x6a: {  	_ =	shalt  }
0x6b: {  	_ =	shalt  }
0x6c: {  	_ =	shalt  }
0x6d: {  	_ =	shalt  }
0x6e: {  	_ =	shalt  }
0x6f: {  	_ =	shalt  }
0x70: {  	_ =	shalt  }
0x71: {  	_ =	shalt  }
0x72: {  	_ =	shalt  }
0x73: {  	_ =	shalt  }
0x74: {  	_ =	shalt  }
0x75: {  	_ =	shalt  }
0x76: {  	_ =	shalt  }
0x77: {  	_ =	shalt  }
0x78: {  	_ =	shalt  }
0x79: {  	_ =	shalt  }
0x7a: {  	_ =	shalt  }
0x7b: {  	_ =	shalt  }
0x7c: {  	_ =	shalt  }
0x7d: {  	_ =	shalt  }
0x7e: {  	_ =	shalt  }
0x7f: {  	_ =	shalt  }
0x80: {  	_ =	shalt  }
0x81: {  	_ =	shalt  }
0x82: {  	_ =	shalt  }
0x83: {  	_ =	shalt  }
0x84: {  	_ =	shalt  }
0x85: {  	_ =	shalt  }
0x86: {  	_ =	shalt  }
0x87: {  	_ =	shalt  }
.Lfunc_end0:
.L_simem_size_0:
called_computation_lowered:
.L_overlay_start_0:
0x88: {  	s2 =	sld [smem:$0x3FD9]  }
0x89: {  	s3 =	sld [smem:$0x3FFE];
	_ =	sdelay $0x1  }
0x8a: {  	s1 =	srdreg.scid  }
0x8b: {  	s0 =	sand.u32 $0x1, s1  }
0x8c: {  	s17 =	sshll.u32 s0, $0xA;
	s2 =	sadd.s32 s3, s2  }
0x8d: {  	s2 =	sadd.s32 s2, s17  }
0x8e: {  	[smem:$0x3FC5] =	sst s2  }
0x8f: {  	_ = 	snop  }
0x90: {  	s2 =	sld [smem:$0x3FD0];
	(tm) =	ssettm $0x1  }
0x91: {  	s18 =	sld [smem:$0x3FFB];
	_ =	sdelay $0x3  }
0x92: {  	_ =	strace s18  }
0x93: {  	s3 =	sld [smem:$0x3FFC];
	_ =	sdelay $0x3  }
0x94: {  	_ =	strace s3  }
0x95: {  	s3 =	sld [smem:$0x3FFD];
	_ =	sdelay $0x3  }
0x96: {  	_ =	strace s3  }
0x97: {  	_ =	strace $0x8FFFFFFF  }
0x98: {  	s19 =	sld [smem:$0x3FDB];
	_ =	sdelay $0x1  }
0x99: {  	s4 =	simm.s32 $_scs_section_size  }
0x9a: {  	s5 =	simm.s32 $_size__tile_overlayer_lowered;
	s6 =	simm.s32 $_tile_overlayer_lowered  }
0x9b: {  	s22 =	simm.s32 $0x1BFF;
	s21 =	sshll.u32 s6, $0x1;
	s3 =	sadd.s32 s4, s19  }
0x9c: {  	s7 =	simm.s32 $0x0;
	s20 =	sshll.u32 s5, $0x1;
	s5 =	sadd.s32 s21, s3  }
0x9d: {  	[timem:s7], [sflag:s22] =	dma.local [hbm:s5], s20  }
0x9e: {  	_ =	swait.ge [sflag:s22], s20  }
0x9f: {  	s4 =	ssub.s32 $0x0, s20;
	[sflag:s22] =	ssyncset.done $0x0  }
0xa0: {  	[sflag:s22] =	ssyncadd.s32 s4;
	_ =	sdelay $0x1  }
0xa1: {  	s23 =	simm.s32 $0x1B8B  }
0xa2: {  	_ =	swait.ge [sflag:s23], $0x1  }
0xa3: {  	[sflag:s23] =	ssyncset.done $0x0  }
0xa4: {  	s25 =	simm.s32 $0x1B8E;
	s24 =	sld [smem:$0x3FFE];
	[sflag:s23] =	ssyncadd.s32 $0xFFFFFFFF  }
0xa5: {  	s26 =	simm.s32 $execute0_lowered;
	[smem:$0x3FD2] =	sst s25  }
0xa6: {  	s5 =	sshll.u32 s26, $0x1;
	_ =	strace $0x80000046;
	[dreg:$0x1] =	wrdreg $0xFFFFFFFF  }
0xa7: {  	s28 =	simm.s32 $_size_execute0_lowered;
	s3 =	sadd.s32 s3, s5;
	[dreg:$0x0] =	wrdreg $0x0  }
0xa8: {  	s5 =	sshll.u32 s28, $0x1;
	[dreg:$0x2] =	wrdreg s3  }
0xa9: {  	[dreg:$0x3] =	wrdreg s5  }
0xaa: {  	[dreg:$0x4] =	wrdreg $0xC0  }
0xab: {  	_ =	task [dreg:s7], $0x5FFFF  }
0xac: {  	[dreg:$0x1] =	wrdreg $0xFFFFFFFF  }
0xad: {  	[dreg:$0x0] =	wrdreg $0x60  }
0xae: {  	[dreg:$0x2] =	wrdreg s24  }
0xaf: {  	[dreg:$0x3] =	wrdreg s2  }
0xb0: {  	[dreg:$0x4] =	wrdreg $0x9  }
0xb1: {  	_ =	task.clear_ibuf [dreg:s7], $0x5FFFF;
	_ =	strace $0x90000046  }
0xb2: {  	s29 =	simm.s32 $0x9;
	_ =	strace $0x80000048  }
0xb3: {  	_ =	swait.ge [sflag:s29], $0x1  }
0xb4: {  	[sflag:s29] =	ssyncadd.s32 $0xFFFFFFFF  }
0xb5: {  	_ =	strace $0x90000048  }
0xb6: {  	_ =	sfence  }
0xb7: {  	s30 =	sld [smem:$0x0];
	_ =	sdelay $0x2  }
0xb8: {  	s31 =	sshll.u32 s1, $0xD;
	s1 =	sshrl.u32 s1, $0x2  }
0xb9: {  	s3 =	sand.u32 $0x4000, s31;
	s1 =	sadd.s32 s1, s30  }
0xba: {  	s0 =	sor.u32 s3, s0;
	s1 =	sshll.u32 s1, $0x11  }
0xbb: {  	s0 =	sor.u32 s1, s0  }
0xbc: {  	s0 =	sadd.s32 $0x8F2B, s0  }
0xbd: {  	[sflag:s0] =	ssyncadd.remote.s32 $0x1  }
0xbe: {  	_ =	sfence.sel $0xFFFF  }
0xbf: {  	[dreg:$0x0] =	wrdreg $0xFFFFFFFF;
	(pc) =	sbr.abs _section_cstart, $3  }
0xc0: {  	[dreg:$0x1] =	wrdreg $0xFFFFFFFF  }
0xc1: {  	_ =	task.clear_ibuf [dreg:s7], $0x2FFFF;
	_ =	strace $0x9FFFFFFF  }
0xc2: {  	(tm) =	ssettm $0x7FFFFFFF  }
0xc3: {  	_ =	shalt  }
tec
execute0_lowered:
.L_overlay_start_1:
0x0: {  	(tag) =	ssettag $0x1  }
0x1: {  	s0 =	rddreg [dreg:$0x0]  }
0x2: {  	s1 =	rddreg [dreg:$0x1];
	s3 =	simm.s32 $0x0  }
0x3: {  	s2 =	srdreg.scid;
	s4 =	stileid.u32;
	s16 =	simm.s32 $0x5  }
0x4: {  	s17 =	simm.s32 $0x80;
	s18 =	simm.s32 $0x4000;
	s19 =	simm.s32 $0x1900  }
0x5: {  	s20 =	simm.s32 $0x3900;
	s21 =	simm.s32 $0x1;
	s22 =	simm.s32 $0x5900  }
0x6: {  	s23 =	simm.s32 $0x2;
	s24 =	simm.s32 $0x7B00;
	s25 =	simm.s32 $0x3  }
0x7: {  	s26 =	simm.s32 $0x4;
	s28 =	simm.s32 $0x0;
	[smem:$0x7FF] =	sst s3  }
0x8: {  	s5 =	sadd.s32 $0x800, s0;
	s6 =	sshll.u32 s4, $0x1;
	s4 =	sadd.s32 $0xF42C00, s0  }
0x9: {  	s2 =	sand.u32 $0x1, s2;
	s0 =	sadd.s32 $0x19800, s0;
	_ =	strace $0x80000047  }
0xa: {  	s7 =	ssub.s32 $0x2, s2;
	s2 =	sor.u32 s2, s6;
	[dreg:$0x3] =	wrdreg s0  }
0xb: {  	s30 =	sshrl.u32 s7, $0x1;
	s6 =	sshll.u32 s2, $0x2;
	s31 =	sshll.u32 s2, $0x6  }
0xc: {  	s0 =	ssub.s32 s7, s30;
	s9 =	sor.u32 $0x1, s6;
	s7 =	sadd.s32 s5, s31  }
0xd: {  	s6 =	sor.u32 $0x2, s6;
	[dreg:$0x4] =	wrdreg s7;
	s7 =	sshll.u32 s2, $0xC  }
0xe: {  	v0 =	vlaneseq.u32;
	s8 =	sshll.u32 s9, $0x4;
	s2 =	sshllo.u32 s2, $0x2;
	s9 =	sshll.u32 s9, $0xA  }
0xf: {  	v0 =	vmul.u32 $0x88, v0;
	s10 =	sshll.u32 s6, $0x4;
	s11 =	sshll.u32 s6, $0xA;
	s14 =	smax.u32 s0, $0x1  }
0x10: {  	s8 =	sadd.s32 s5, s8;
	s12 =	sshll.u32 s2, $0x4;
	s10 =	sadd.s32 s5, s10  }
0x11: {  	v1 =	vadd.s32 $0x880, v0;
	v2 =	vadd.s32 $0x1100, v0;
	v3 =	vadd.s32 $0x1980, v0;
	s13 =	sshll.u32 s2, $0xA;
	[dreg:$0x5] =	wrdreg s8;
	s12 =	sadd.s32 s5, s12  }
.LBB2_1:
0x12: {  	s0 =	rddreg [dreg:$0x3];
	s2 =	simm.s32 $0x9D00  }
0x13: {  	[tilespmem:s2], [sflag:$0x5] =	stream.linear.gather [hbm4b:s0+s3], $0xE00, $0x38;
	[tilespmem:$0xAB00] =	vst v63  }
0x14: {  	_ =	swait.ge [sflag:s16], $0xE00  }
0x15: {  	[sflag:s16] =	ssyncset.done $0x0  }
0x16: {  	s31 =	rddreg [dreg:$0x4];
	[sflag:s16] =	ssyncadd.s32 $0xFFFFF200  }
0x17: {  	[tilespmem:s3], [sflag:$0x5] =	stream.strided.gather [hbm4b:s31+s17], $0x1900, s18, s17, $0x38;
	[tilespmem:$0xAB00] =	vst v63  }
0x18: {  	_ =	swait.ge [sflag:s16], $0x1900  }
0x19: {  	[sflag:s16] =	ssyncset.done $0x0  }
0x1a: {  	s29 =	simm.s32 $0x0;
	[sflag:s16] =	ssyncadd.s32 $0xFFFFE700  }
0x1b: {  	[tilespmem:s19], [sflag:$0x1] =	stream.indirect.gather [hbm4b:s4+s17], $0x40, s3, s17, $0xb8;
	[tilespmem:$0xAB00] =	vst v63  }
.LBB2_2:
0x1c: {  	p0 =	seq.s32 s29, $0x0  }
0x1d: {  	s0 =	simm.s32 @!p0 $0x4  }
0x1e: {  	s30 =	sshllo.u32 s29, $0x1;
	_ =	swait.ge @!p0 [sflag:s0], $0x2000  }
0x1f: {  	s2 =	sshll.u32 s30, $0x7;
	[sflag:s0] =	ssyncset.done @!p0 $0x0  }
0x20: {  	s15 =	sand.u32 $0x3FFFFF80, s2;
	[sflag:s0] =	ssyncadd.s32 @!p0 $0xFFFFE000  }
0x21: {  	[tilespmem:s20], [sflag:$0x2] =	stream.indirect.gather [hbm4b:s4+s17], $0x40, s15, s17, $0xb8;
	[tilespmem:$0xAB00] =	vst v63  }
0x22: {  	_ =	swait.ge [sflag:s21], $0x2000  }
0x23: {  	s2 =	sshll.u32 s29, $0x7;
	[sflag:s21] =	ssyncset.done $0x0  }
0x24: {  	s0 =	sand.u32 $0x3FFFFF80, s2;
	[sflag:s21] =	ssyncadd.s32 $0xFFFFE000  }
0x25: {  	s5 =	simm.s32 $0x3;
	s15 =	simm.s32 $0x1980;
	v9 =	vld [tilespmem:s0+$0x9D00]  }
0x26: {  	v4 =	vmov s5;
	v7 =	vld [tilespmem:s15+$0x40]  }
0x27: {  	v13 =	vand.u32 $0x7F, v4  }
0x28: {  	s6 =	simm.s32 $0x0;
	v8 =	vadd.s32 v0, v13;
	v6 =	vld [tilespmem:s0+$0x9D10]  }
0x29: {  	s8 =	simm.s32 $0x1;
	s5 =	simm.s32 $0x2;
	v4 =	vmov s6;
	v10 =	vld [tilespmem:s15+$0xFFFFFF80]  }
0x2a: {  	v14 =	vmov s5;
	v12 =	vand.u32 $0x7C, v4;
	v4 =	vmov s8;
	v11 =	vld [tilespmem:s15+$0xFFFFFFC0]  }
0x2b: {  	v15 =	vadd.s32 v0, v12;
	v19 =	vand.u32 $0x7D, v4;
	v16 =	vld [tilespmem:s15+$0x0];
	v7 =	vadd.f32 v7, v9  }
0x2c: {  	v20 =	vand.u32 $0x7E, v14;
	v17 =	vadd.s32 v0, v19;
	v5 =	vld [tilespmem:s0+$0x9D20]  }
0x2d: {  	v14 =	vadd.s32 v0, v20;
	v4 =	vld [tilespmem:s0+$0x9D30];
	[tilespmem:v8+s22+$0x0] =	vst.idx.msk $0xffff, v7  }
0x2e: {  	v7 =	vadd.f32 v10, v9;
	v8 =	vld [tilespmem:s15+$0x50]  }
0x2f: {  	v10 =	vadd.f32 v11, v9  }
0x30: {  	v11 =	vadd.s32 v1, v13;
	[tilespmem:v15+s22+$0x0] =	vst.idx.msk $0xffff, v7;
	v7 =	vadd.f32 v16, v9  }
0x31: {  	[tilespmem:v17+s22+$0x0] =	vst.idx.msk $0xffff, v10;
	v15 =	vld [tilespmem:s15+$0xFFFFFF90]  }
0x32: {  	v10 =	vld [tilespmem:s15+$0xFFFFFFD0];
	[tilespmem:v14+s22+$0x0] =	vst.idx.msk $0xffff, v7  }
0x33: {  	v14 =	vld [tilespmem:s15+$0x10];
	v7 =	vadd.f32 v8, v6  }
0x34: {  	s31 =	simm.s32 $0x1A80;
	s8 =	simm.s32 $0x7;
	v16 =	vadd.s32 v1, v19  }
0x35: {  	s6 =	simm.s32 $0x4;
	v26 =	vadd.s32 v2, v13;
	v18 =	vld [tilespmem:s31+$0x40];
	v17 =	vadd.s32 v1, v20;
	[tilespmem:v11+s22+$0x0] =	vst.idx.msk $0xffff, v7;
	v7 =	vmov s8  }
0x36: {  	v21 =	vadd.s32 v1, v12;
	v8 =	vmov s6;
	v7 =	vand.u32 $0x7F, v7;
	v22 =	vld [tilespmem:s15+$0x60]  }
0x37: {  	s5 =	simm.s32 $0x5;
	v23 =	vld [tilespmem:s31+$0xFFFFFF80];
	v8 =	vand.u32 $0x7C, v8;
	v10 =	vadd.f32 v10, v6;
	v24 =	vadd.s32 v0, v7  }
0x38: {  	v25 =	vld [tilespmem:s31+$0xFFFFFFC0];
	s6 =	simm.s32 $0x6;
	v15 =	vadd.f32 v15, v6;
	v11 =	vadd.f32 v14, v6;
	v14 =	vmov s5  }
0x39: {  	v27 =	vadd.s32 v0, v8;
	[tilespmem:v16+s22+$0x0] =	vst.idx.msk $0xffff, v10;
	v16 =	vmov s6;
	v10 =	vand.u32 $0x7D, v14;
	v14 =	vld [tilespmem:s31+$0x0]  }
0x3a: {  	[tilespmem:v17+s22+$0x0] =	vst.idx.msk $0xffff, v11;
	v17 =	vadd.s32 v0, v10;
	v11 =	vand.u32 $0x7E, v16;
	v16 =	vadd.f32 v18, v9;
	v18 =	vld [tilespmem:s15+$0xFFFFFFE0]  }
0x3b: {  	[tilespmem:v21+s22+$0x0] =	vst.idx.msk $0xffff, v15;
	v15 =	vadd.s32 v0, v11;
	v21 =	vld [tilespmem:s15+$0x20];
	v22 =	vadd.f32 v22, v5  }
0x3c: {  	v23 =	vadd.f32 v23, v9;
	[tilespmem:v24+s22+$0x0] =	vst.idx.msk $0xffff, v16;
	v16 =	vld [tilespmem:s15+$0xFFFFFFA0];
	v24 =	vadd.s32 v2, v19  }
0x3d: {  	v29 =	vadd.s32 v2, v20;
	v25 =	vadd.f32 v25, v9;
	v28 =	vld [tilespmem:s31+$0x50];
	[tilespmem:v26+s22+$0x0] =	vst.idx.msk $0xffff, v22  }
0x3e: {  	[tilespmem:v27+s22+$0x0] =	vst.idx.msk $0xffff, v23;
	v23 =	vadd.s32 v2, v12;
	v14 =	vadd.f32 v14, v9;
	v26 =	vld [tilespmem:s15+$0x70]  }
0x3f: {  	v27 =	vld [tilespmem:s31+$0xFFFFFF90];
	[tilespmem:v17+s22+$0x0] =	vst.idx.msk $0xffff, v25;
	v25 =	vadd.s32 v1, v7;
	v18 =	vadd.f32 v18, v5  }
0x40: {  	v31 =	vadd.s32 v3, v13;
	v30 =	vld [tilespmem:s31+$0xFFFFFFD0];
	[tilespmem:v15+s22+$0x0] =	vst.idx.msk $0xffff, v14;
	v14 =	vadd.f32 v21, v5  }
0x41: {  	v22 =	vadd.s32 v1, v8;
	v17 =	vld [tilespmem:s31+$0x10];
	v13 =	vadd.f32 v16, v5;
	[tilespmem:v24+s22+$0x0] =	vst.idx.msk $0xffff, v18  }
0x42: {  	s2 =	simm.s32 $0x8;
	v21 =	vadd.s32 v1, v10;
	[tilespmem:v29+s22+$0x0] =	vst.idx.msk $0xffff, v14;
	v18 =	vadd.f32 v28, v6;
	v16 =	vld [tilespmem:s15+$0xFFFFFFF0]  }
0x43: {  	v24 =	vmov s2;
	v14 =	vadd.s32 v1, v11;
	v15 =	vld [tilespmem:s15+$0x30];
	[tilespmem:v23+s22+$0x0] =	vst.idx.msk $0xffff, v13;
	v63 =	vadd.f32 v26, v4  }
0x44: {  	s0 =	simm.s32 $0x1B80;
	s8 =	simm.s32 $0xB;
	v19 =	vadd.s32 v3, v19;
	v13 =	vand.u32 $0x7C, v24;
	v24 =	vadd.f32 v27, v6;
	[tilespmem:v25+s22+$0x0] =	vst.idx.msk $0xffff, v18;
	v18 =	vld [tilespmem:s15+$0xFFFFFFB0]  }
0x45: {  	v20 =	vadd.s32 v3, v20;
	s5 =	simm.s32 $0xC;
	v26 =	vmov s8;
	v23 =	vld [tilespmem:s0+$0x40];
	v25 =	vadd.f32 v30, v6;
	[tilespmem:v31+s22+$0x0] =	vst.idx.msk $0xffff, v63  }
.LBB2_3:
0x46: {  	p0 =	slt.u32 s5, $0x7C;
	s6 =	sadd.s32 $0x1, s2;
	v26 =	vand.u32 $0x7F, v26;
	[tilespmem:v22+s22+$0x0] =	vst.idx.msk $0xffff, v24;
	v17 =	vadd.f32 v17, v6;
	v22 =	vld [tilespmem:s31+$0x60];
	v24 =	vadd.s32 v3, v12  }
0x47: {  	v30 =	vmovc v11;
	v27 =	vld [tilespmem:s0+$0xFFFFFF80];
	v28 =	vmov s6;
	s6 =	sadd.s32 $0x2, s2;
	v29 =	vadd.s32 v0, v26;
	[tilespmem:v21+s22+$0x0] =	vst.idx.msk $0xffff, v25;
	v16 =	vadd.f32 v16, v4;
	s2 =	smov.u32 s5  }
0x48: {  	v12 =	vmovc v8;
	v21 =	vld [tilespmem:s0+$0xFFFFFFC0];
	v11 =	vmov s6;
	[tilespmem:v14+s22+$0x0] =	vst.idx.msk $0xffff, v17;
	v14 =	vadd.s32 v2, v7;
	v15 =	vadd.f32 v15, v4  }
0x49: {  	v17 =	vadd.s32 v0, v13;
	v28 =	vand.u32 $0x7D, v28;
	v25 =	vld [tilespmem:s0+$0x0];
	v31 =	vadd.f32 v18, v4;
	[tilespmem:v19+s22+$0x0] =	vst.idx.msk $0xffff, v16  }
0x4a: {  	v16 =	vadd.s32 v0, v28;
	v11 =	vand.u32 $0x7E, v11;
	v18 =	vadd.f32 v23, v9;
	v19 =	vld [tilespmem:s31+$0xFFFFFFE0];
	[tilespmem:v20+s22+$0x0] =	vst.idx.msk $0xffff, v15  }
0x4b: {  	v8 =	vmov v13;
	v15 =	vadd.s32 v0, v11;
	v20 =	vld [tilespmem:s31+$0x20];
	v22 =	vadd.f32 v22, v5;
	[tilespmem:v24+s22+$0x0] =	vst.idx.msk $0xffff, v31  }
0x4c: {  	v23 =	vadd.s32 v2, v10;
	v13 =	vadd.f32 v27, v9;
	[tilespmem:v29+s22+$0x0] =	vst.idx.msk $0xffff, v18;
	v18 =	vld [tilespmem:s31+$0xFFFFFFA0]  }
0x4d: {  	v27 =	vadd.s32 v2, v30;
	v21 =	vadd.f32 v21, v9;
	v24 =	vld [tilespmem:s0+$0x50];
	[tilespmem:v14+s22+$0x0] =	vst.idx.msk $0xffff, v22  }
0x4e: {  	[tilespmem:v17+s22+$0x0] =	vst.idx.msk $0xffff, v13;
	v13 =	vadd.f32 v25, v9;
	v25 =	vadd.s32 v2, v12;
	v29 =	vld [tilespmem:s31+$0x70]  }
0x4f: {  	v32 =	vadd.s32 v1, v26;
	v31 =	vld [tilespmem:s0+$0xFFFFFF90];
	[tilespmem:v16+s22+$0x0] =	vst.idx.msk $0xffff, v21;
	v14 =	vadd.f32 v19, v5  }
0x50: {  	v34 =	vadd.s32 v3, v7;
	v7 =	vmov v26;
	v33 =	vld [tilespmem:s0+$0xFFFFFFD0];
	[tilespmem:v15+s22+$0x0] =	vst.idx.msk $0xffff, v13;
	v13 =	vadd.f32 v20, v5  }
.Ltmp0:
0x51: {  	v22 =	vadd.s32 v1, v8;
	v17 =	vld [tilespmem:s0+$0x10];
	v15 =	vadd.f32 v18, v5;
	[tilespmem:v23+s22+$0x0] =	vst.idx.msk $0xffff, v14;
	(pc) =	sbr.rel @p0 .LBB2_3-.Ltmp0, $4  }
0x52: {  	v21 =	vadd.s32 v1, v28;
	v18 =	vadd.f32 v24, v6;
	v16 =	vld [tilespmem:s31+$0xFFFFFFF0];
	[tilespmem:v27+s22+$0x0] =	vst.idx.msk $0xffff, v13  }
0x53: {  	v14 =	vadd.s32 v1, v11;
	v13 =	vmov s5;
	[tilespmem:v25+s22+$0x0] =	vst.idx.msk $0xffff, v15;
	v15 =	vld [tilespmem:s31+$0x30];
	v27 =	vadd.f32 v29, v4  }
0x54: {  	s6 =	sadd.s32 $0x3, s5;
	v19 =	vadd.s32 v3, v10;
	v13 =	vand.u32 $0x7C, v13;
	v24 =	vadd.f32 v31, v6;
	[tilespmem:v32+s22+$0x0] =	vst.idx.msk $0xffff, v18;
	v18 =	vld [tilespmem:s31+$0xFFFFFFB0];
	s31 =	smov.u32 s0;
	s0 =	sadd.s32 $0x100, s0  }
0x55: {  	v26 =	vmov s6;
	v10 =	vmovc v28;
	v20 =	vadd.s32 v3, v30;
	s5 =	sadd.s32 $0x4, s5;
	v23 =	vld [tilespmem:s0+$0x40];
	v25 =	vadd.f32 v33, v6;
	[tilespmem:v34+s22+$0x0] =	vst.idx.msk $0xffff, v27  }
0x56: {  	s5 =	sadd.s32 $0x1, s2  }
0x57: {  	v26 =	vand.u32 $0x7F, v26;
	s6 =	sadd.s32 $0x2, s2;
	v28 =	vld [tilespmem:s0+$0xFFFFFFC0];
	v27 =	vmov s5  }
0x58: {  	v31 =	vld [tilespmem:s0+$0x0];
	v29 =	vadd.s32 v0, v26;
	v30 =	vmov s6;
	v27 =	vand.u32 $0x7D, v27  }
0x59: {  	v32 =	vld [tilespmem:s0+$0xFFFFFF80];
	v30 =	vand.u32 $0x7E, v30;
	v33 =	vadd.s32 v0, v27  }
0x5a: {  	v34 =	vadd.s32 v0, v30  }
0x5b: {  	[tilespmem:v22+s22+$0x0] =	vst.idx.msk $0xffff, v24;
	v44 =	vadd.s32 v0, v13;
	v23 =	vadd.f32 v23, v9  }
0x5c: {  	[tilespmem:v21+s22+$0x0] =	vst.idx.msk $0xffff, v25;
	v45 =	vadd.f32 v28, v9  }
0x5d: {  	v46 =	vadd.f32 v31, v9;
	[tilespmem:v29+s22+$0x0] =	vst.idx.msk $0xffff, v23  }
0x5e: {  	v47 =	vadd.f32 v32, v9;
	v48 =	vld [tilespmem:s0+$0x50];
	[tilespmem:v33+s22+$0x0] =	vst.idx.msk $0xffff, v45  }
0x5f: {  	v17 =	vadd.f32 v17, v6;
	v12 =	vadd.s32 v3, v12;
	[tilespmem:v34+s22+$0x0] =	vst.idx.msk $0xffff, v46;
	v21 =	vld [tilespmem:s0+$0xFFFFFFD0]  }
0x60: {  	v16 =	vadd.f32 v16, v4;
	v49 =	vadd.s32 v1, v26;
	[tilespmem:v44+s22+$0x0] =	vst.idx.msk $0xffff, v47;
	v50 =	vld [tilespmem:s0+$0x10]  }
0x61: {  	[tilespmem:v14+s22+$0x0] =	vst.idx.msk $0xffff, v17;
	v51 =	vadd.f32 v15, v4;
	v53 =	vadd.s32 v1, v27;
	v52 =	vld [tilespmem:s0+$0xFFFFFF90]  }
0x62: {  	v54 =	vld [tilespmem:s31+$0x60];
	v18 =	vadd.f32 v18, v4;
	[tilespmem:v19+s22+$0x0] =	vst.idx.msk $0xffff, v16;
	v55 =	vadd.s32 v1, v30  }
0x63: {  	v57 =	vadd.s32 v1, v13;
	v60 =	vld [tilespmem:s31+$0x20];
	[tilespmem:v20+s22+$0x0] =	vst.idx.msk $0xffff, v51;
	v58 =	vadd.f32 v48, v6  }
0x64: {  	v59 =	vadd.s32 v2, v7;
	v56 =	vld [tilespmem:s31+$0xFFFFFFE0];
	[tilespmem:v12+s22+$0x0] =	vst.idx.msk $0xffff, v18;
	v61 =	vadd.f32 v21, v6  }
0x65: {  	v62 =	vld [tilespmem:s31+$0xFFFFFFA0];
	v29 =	vadd.s32 v2, v11;
	[tilespmem:v49+s22+$0x0] =	vst.idx.msk $0xffff, v58;
	v28 =	vadd.f32 v50, v6  }
0x66: {  	v63 =	vadd.s32 v2, v10;
	v31 =	vadd.f32 v52, v6;
	v32 =	vld [tilespmem:s0+$0x60];
	[tilespmem:v53+s22+$0x0] =	vst.idx.msk $0xffff, v61  }
0x67: {  	v33 =	vadd.f32 v54, v5;
	v34 =	vadd.s32 v2, v8;
	[tilespmem:v55+s22+$0x0] =	vst.idx.msk $0xffff, v28;
	v35 =	vld [tilespmem:s0+$0xFFFFFFE0]  }
0x68: {  	v37 =	vadd.s32 v2, v26;
	v39 =	vadd.f32 v60, v5;
	[tilespmem:v57+s22+$0x0] =	vst.idx.msk $0xffff, v31;
	v38 =	vld [tilespmem:s0+$0x20]  }
0x69: {  	v41 =	vadd.s32 v2, v27;
	v36 =	vadd.f32 v56, v5;
	[tilespmem:v59+s22+$0x0] =	vst.idx.msk $0xffff, v33;
	v40 =	vld [tilespmem:s0+$0xFFFFFFA0]  }
0x6a: {  	v43 =	vadd.s32 v2, v30;
	v18 =	vadd.f32 v62, v5;
	v42 =	vld [tilespmem:s31+$0x70];
	[tilespmem:v29+s22+$0x0] =	vst.idx.msk $0xffff, v39  }
0x6b: {  	v45 =	vadd.s32 v2, v13;
	[tilespmem:v63+s22+$0x0] =	vst.idx.msk $0xffff, v36;
	v47 =	vld [tilespmem:s31+$0x30];
	v44 =	vadd.f32 v32, v5  }
0x6c: {  	v46 =	vadd.s32 v3, v7;
	[tilespmem:v34+s22+$0x0] =	vst.idx.msk $0xffff, v18;
	v21 =	vld [tilespmem:s31+$0xFFFFFFF0];
	v9 =	vadd.f32 v35, v5  }
0x6d: {  	v18 =	vld [tilespmem:s31+$0xFFFFFFB0];
	v50 =	vadd.s32 v3, v11;
	[tilespmem:v37+s22+$0x0] =	vst.idx.msk $0xffff, v44;
	v49 =	vadd.f32 v38, v5  }
0x6e: {  	v48 =	vadd.s32 v3, v10;
	v5 =	vadd.f32 v40, v5;
	v12 =	vld [tilespmem:s0+$0x70];
	[tilespmem:v41+s22+$0x0] =	vst.idx.msk $0xffff, v9  }
0x6f: {  	v52 =	vadd.s32 v3, v8;
	v51 =	vadd.f32 v42, v4;
	[tilespmem:v43+s22+$0x0] =	vst.idx.msk $0xffff, v49;
	v53 =	vld [tilespmem:s0+$0xFFFFFFF0]  }
0x70: {  	v55 =	vadd.s32 v3, v26;
	v56 =	vadd.f32 v47, v4;
	[tilespmem:v45+s22+$0x0] =	vst.idx.msk $0xffff, v5;
	v5 =	vld [tilespmem:s0+$0x30]  }
0x71: {  	v58 =	vadd.s32 v3, v27;
	[tilespmem:v46+s22+$0x0] =	vst.idx.msk $0xffff, v51;
	v54 =	vadd.f32 v21, v4;
	v57 =	vld [tilespmem:s0+$0xFFFFFFB0]  }
0x72: {  	v60 =	vadd.s32 v3, v30;
	v59 =	vadd.f32 v18, v4;
	[tilespmem:v50+s22+$0x0] =	vst.idx.msk $0xffff, v56  }
0x73: {  	v62 =	vadd.s32 v3, v13;
	[tilespmem:v48+s22+$0x0] =	vst.idx.msk $0xffff, v54;
	v61 =	vadd.f32 v12, v4  }
0x74: {  	[tilespmem:v52+s22+$0x0] =	vst.idx.msk $0xffff, v59;
	v63 =	vadd.f32 v53, v4  }
0x75: {  	s8 =	sshll.u32 s29, $0x15;
	[tilespmem:v55+s22+$0x0] =	vst.idx.msk $0xffff, v61;
	v5 =	vadd.f32 v5, v4  }
0x76: {  	s0 =	sor.u32 s7, s8;
	v4 =	vadd.f32 v57, v4;
	[tilespmem:v58+s22+$0x0] =	vst.idx.msk $0xffff, v63  }
0x77: {  	s0 =	sshrl.u32 s0, $0x3;
	[tilespmem:v60+s22+$0x0] =	vst.idx.msk $0xffff, v5  }
0x78: {  	s15 =	simm.s32 $0x5900;
	s2 =	sadd.s32 s1, s0;
	[tilespmem:v62+s22+$0x0] =	vst.idx.msk $0xffff, v4  }
0x79: {  	[hbm4b:s2+s3] =	stream.linear.scatter [tilespmem:s15], [sflag:$0x3], $0x80, $0x38;
	[tilespmem:$0xAB00] =	vst v63  }
0x7a: {  	s5 =	simm.s32 $0x5988;
	s6 =	sadd.s32 $0x10, s2  }
0x7b: {  	[hbm4b:s6+s3] =	stream.linear.scatter [tilespmem:s5], [sflag:$0x3], $0x80, $0x38;
	[tilespmem:$0xAB00] =	vst v63  }
0x7c: {  	s8 =	simm.s32 $0x5A10;
	s15 =	sadd.s32 $0x20, s2  }
0x7d: {  	[hbm4b:s15+s3] =	stream.linear.scatter [tilespmem:s8], [sflag:$0x3], $0x80, $0x38;
	[tilespmem:$0xAB00] =	vst v63  }
0x7e: {  	s5 =	simm.s32 $0x5A98;
	s6 =	sadd.s32 $0x30, s2  }
0x7f: {  	[hbm4b:s6+s3] =	stream.linear.scatter [tilespmem:s5], [sflag:$0x3], $0x80, $0x38;
	[tilespmem:$0xAB00] =	vst v63  }
0x80: {  	s8 =	simm.s32 $0x5B20;
	s15 =	sadd.s32 $0x40, s2  }
0x81: {  	[hbm4b:s15+s3] =	stream.linear.scatter [tilespmem:s8], [sflag:$0x3], $0x80, $0x38;
	[tilespmem:$0xAB00] =	vst v63  }
0x82: {  	s0 =	simm.s32 $0x440;
	s5 =	simm.s32 $0x5BA8;
	s6 =	sadd.s32 $0x50, s2  }
0x83: {  	[hbm4b:s6+s3] =	stream.linear.scatter [tilespmem:s5], [sflag:$0x3], $0x80, $0x38;
	[tilespmem:$0xAB00] =	vst v63  }
0x84: {  	s31 =	sadd.s32 $0x70, s2;
	s8 =	simm.s32 $0x5C30;
	s15 =	sadd.s32 $0x60, s2  }
0x85: {  	[hbm4b:s15+s3] =	stream.linear.scatter [tilespmem:s8], [sflag:$0x3], $0x80, $0x38;
	[tilespmem:$0xAB00] =	vst v63  }
0x86: {  	s2 =	sadd.s32 $0x4000, s2;
	s5 =	simm.s32 $0x2200;
	s15 =	simm.s32 $0x5CB8  }
.LBB2_5:
0x87: {  	[hbm4b:s31+s3] =	stream.linear.scatter [tilespmem:s15], [sflag:$0x3], $0x80, $0x38;
	[tilespmem:$0xAB00] =	vst v63  }
0x88: {  	s6 =	smov.u32 s0;
	s0 =	smov.u32 s5  }
0x89: {  	s8 =	sadd.s32 $0x1100, s5;
	s0 =	sshra.s32 s0, $0x2;
	s15 =	sadd.s32 $0x5900, s6  }
0x8a: {  	[hbm4b:s2+s3] =	stream.linear.scatter [tilespmem:s15], [sflag:$0x3], $0x80, $0x38;
	[tilespmem:$0xAB00] =	vst v63  }
0x8b: {  	p0 =	sne.s32 s5, $0x7700;
	s5 =	sadd.s32 $0x5988, s6;
	s15 =	sadd.s32 $0x10, s2  }
0x8c: {  	[hbm4b:s15+s3] =	stream.linear.scatter [tilespmem:s5], [sflag:$0x3], $0x80, $0x38;
	[tilespmem:$0xAB00] =	vst v63  }
0x8d: {  	s5 =	sadd.s32 $0x5A10, s6;
	s15 =	sadd.s32 $0x20, s2  }
0x8e: {  	[hbm4b:s15+s3] =	stream.linear.scatter [tilespmem:s5], [sflag:$0x3], $0x80, $0x38;
	[tilespmem:$0xAB00] =	vst v63  }
0x8f: {  	s5 =	sadd.s32 $0x5A98, s6;
	s15 =	sadd.s32 $0x30, s2  }
0x90: {  	[hbm4b:s15+s3] =	stream.linear.scatter [tilespmem:s5], [sflag:$0x3], $0x80, $0x38;
	[tilespmem:$0xAB00] =	vst v63  }
0x91: {  	s5 =	sadd.s32 $0x5B20, s6;
	s15 =	sadd.s32 $0x40, s2  }
0x92: {  	[hbm4b:s15+s3] =	stream.linear.scatter [tilespmem:s5], [sflag:$0x3], $0x80, $0x38;
	[tilespmem:$0xAB00] =	vst v63  }
.Ltmp1:
0x93: {  	s5 =	sadd.s32 $0x5BA8, s6;
	s15 =	sadd.s32 $0x50, s2;
	(pc) =	sbr.rel @p0 .LBB2_5-.Ltmp1, $4  }
0x94: {  	[hbm4b:s15+s3] =	stream.linear.scatter [tilespmem:s5], [sflag:$0x3], $0x80, $0x38;
	[tilespmem:$0xAB00] =	vst v63  }
0x95: {  	s31 =	sadd.s32 $0x70, s2;
	s5 =	sadd.s32 $0x5C30, s6;
	s15 =	sadd.s32 $0x60, s2  }
0x96: {  	[hbm4b:s15+s3] =	stream.linear.scatter [tilespmem:s5], [sflag:$0x3], $0x80, $0x38;
	[tilespmem:$0xAB00] =	vst v63  }
0x97: {  	s2 =	sadd.s32 $0x4000, s2;
	s15 =	sadd.s32 $0x5CB8, s6;
	s5 =	smov.u32 s8  }
0x98: {  	[hbm4b:s31+s3] =	stream.linear.scatter [tilespmem:s15], [sflag:$0x3], $0x80, $0x38;
	[tilespmem:$0xAB00] =	vst v63  }
0x99: {  	s5 =	sadd.s32 $0x5900, s0  }
0x9a: {  	[hbm4b:s2+s3] =	stream.linear.scatter [tilespmem:s5], [sflag:$0x3], $0x80, $0x38;
	[tilespmem:$0xAB00] =	vst v63  }
0x9b: {  	s15 =	sadd.s32 $0x5988, s0;
	s6 =	sadd.s32 $0x10, s2  }
0x9c: {  	[hbm4b:s6+s3] =	stream.linear.scatter [tilespmem:s15], [sflag:$0x3], $0x80, $0x38;
	[tilespmem:$0xAB00] =	vst v63  }
0x9d: {  	s8 =	sadd.s32 $0x5A10, s0;
	s15 =	sadd.s32 $0x20, s2  }
0x9e: {  	[hbm4b:s15+s3] =	stream.linear.scatter [tilespmem:s8], [sflag:$0x3], $0x80, $0x38;
	[tilespmem:$0xAB00] =	vst v63  }
0x9f: {  	s8 =	sadd.s32 $0x5A98, s0;
	s15 =	sadd.s32 $0x30, s2  }
0xa0: {  	[hbm4b:s15+s3] =	stream.linear.scatter [tilespmem:s8], [sflag:$0x3], $0x80, $0x38;
	[tilespmem:$0xAB00] =	vst v63  }
0xa1: {  	s8 =	sadd.s32 $0x5B20, s0;
	s15 =	sadd.s32 $0x40, s2  }
0xa2: {  	[hbm4b:s15+s3] =	stream.linear.scatter [tilespmem:s8], [sflag:$0x3], $0x80, $0x38;
	[tilespmem:$0xAB00] =	vst v63  }
0xa3: {  	s8 =	sadd.s32 $0x5BA8, s0;
	s15 =	sadd.s32 $0x50, s2  }
0xa4: {  	[hbm4b:s15+s3] =	stream.linear.scatter [tilespmem:s8], [sflag:$0x3], $0x80, $0x38;
	[tilespmem:$0xAB00] =	vst v63  }
0xa5: {  	p0 =	seq.s32 s29, $0x18;
	s6 =	sadd.s32 $0x5C30, s0;
	s8 =	sadd.s32 $0x60, s2  }
0xa6: {  	[hbm4b:s8+s3] =	stream.linear.scatter [tilespmem:s6], [sflag:$0x3], $0x80, $0x38;
	[tilespmem:$0xAB00] =	vst v63  }
0xa7: {  	s5 =	sadd.s32 $0x70, s2;
	s15 =	sadd.s32 $0x5CB8, s0;
	s0 =	simm.s32 @!p0 $0x3  }
0xa8: {  	[hbm4b:s5+s3] =	stream.linear.scatter [tilespmem:s15], [sflag:$0x3], $0x80, $0x38;
	[tilespmem:$0xAB00] =	vst v63  }
0xa9: {  	_ =	swait.ge @!p0 [sflag:s0], $0x2000  }
0xaa: {  	s2 =	sshll.u32 @!p0 s29, $0x8;
	[sflag:s0] =	ssyncset.done @!p0 $0x0  }
0xab: {  	[sflag:s0] =	ssyncadd.s32 @!p0 $0xFFFFE000;
	s0 =	sand.u32 @!p0 $0x3FFFFF00, s2  }
0xac: {  	s5 =	simm.s32 @!p0 $0x1900;
	s2 =	simm.s32 @!p0 $0x80;
	s0 =	sadd.s32 @!p0 $0x100, s0  }
0xad: {  	[tilespmem:s5], [sflag:$0x1] =	stream.indirect.gather @!p0 [hbm4b:s4+s2], $0x40, s0, s2, $0xb8;
	[tilespmem:$0xAB00] =	vst v63  }
0xae: {  	_ =	swait.ge [sflag:s23], $0x2000  }
0xaf: {  	s6 =	sshll.u32 s30, $0x6;
	[sflag:s23] =	ssyncset.done $0x0  }
0xb0: {  	s0 =	sand.u32 $0x3FFFFFC0, s6;
	[sflag:s23] =	ssyncadd.s32 $0xFFFFE000  }
0xb1: {  	s8 =	simm.s32 $0x3;
	s15 =	simm.s32 $0x39F0;
	v9 =	vld [tilespmem:s0+$0x9D00]  }
0xb2: {  	v4 =	vmov s8;
	v7 =	vld [tilespmem:s15+$0xFFFFFFD0]  }
0xb3: {  	v13 =	vand.u32 $0x7F, v4  }
0xb4: {  	v8 =	vadd.s32 v0, v13;
	s5 =	simm.s32 $0x0;
	v6 =	vld [tilespmem:s0+$0x9D10]  }
0xb5: {  	s8 =	simm.s32 $0x2;
	s6 =	simm.s32 $0x1;
	v4 =	vmov s5;
	v10 =	vld [tilespmem:s15+$0xFFFFFF10]  }
0xb6: {  	v14 =	vmov s8;
	v12 =	vand.u32 $0x7C, v4;
	v4 =	vmov s6;
	v11 =	vld [tilespmem:s15+$0xFFFFFF50]  }
0xb7: {  	v15 =	vadd.s32 v0, v12;
	v19 =	vand.u32 $0x7D, v4;
	v16 =	vld [tilespmem:s15+$0xFFFFFF90];
	v7 =	vadd.f32 v7, v9  }
0xb8: {  	v20 =	vand.u32 $0x7E, v14;
	v5 =	vld [tilespmem:s0+$0x9D20];
	v17 =	vadd.s32 v0, v19  }
0xb9: {  	v14 =	vadd.s32 v0, v20;
	v4 =	vld [tilespmem:s0+$0x9D30];
	[tilespmem:v8+s24+$0x0] =	vst.idx.msk $0xffff, v7  }
0xba: {  	v7 =	vadd.f32 v10, v9;
	v8 =	vld [tilespmem:s15+$0xFFFFFFE0]  }
0xbb: {  	v10 =	vadd.f32 v11, v9  }
0xbc: {  	v11 =	vadd.s32 v1, v13;
	[tilespmem:v15+s24+$0x0] =	vst.idx.msk $0xffff, v7;
	v7 =	vadd.f32 v16, v9  }
0xbd: {  	[tilespmem:v17+s24+$0x0] =	vst.idx.msk $0xffff, v10;
	v15 =	vld [tilespmem:s15+$0xFFFFFF20]  }
0xbe: {  	v10 =	vld [tilespmem:s15+$0xFFFFFF60];
	[tilespmem:v14+s24+$0x0] =	vst.idx.msk $0xffff, v7  }
0xbf: {  	v14 =	vld [tilespmem:s15+$0xFFFFFFA0];
	v7 =	vadd.f32 v8, v6  }
0xc0: {  	s31 =	simm.s32 $0x3AF0;
	s8 =	simm.s32 $0x7;
	v16 =	vadd.s32 v1, v19  }
0xc1: {  	v26 =	vadd.s32 v2, v13;
	s6 =	simm.s32 $0x4;
	v18 =	vld [tilespmem:s31+$0xFFFFFFD0];
	v17 =	vadd.s32 v1, v20;
	[tilespmem:v11+s24+$0x0] =	vst.idx.msk $0xffff, v7;
	v7 =	vmov s8  }
0xc2: {  	v21 =	vadd.s32 v1, v12;
	v8 =	vmov s6;
	v7 =	vand.u32 $0x7F, v7;
	v22 =	vld [tilespmem:s15+$0xFFFFFFF0]  }
0xc3: {  	s5 =	simm.s32 $0x5;
	v23 =	vld [tilespmem:s31+$0xFFFFFF10];
	v8 =	vand.u32 $0x7C, v8;
	v10 =	vadd.f32 v10, v6;
	v24 =	vadd.s32 v0, v7  }
0xc4: {  	v25 =	vld [tilespmem:s31+$0xFFFFFF50];
	s6 =	simm.s32 $0x6;
	v15 =	vadd.f32 v15, v6;
	v11 =	vadd.f32 v14, v6;
	v14 =	vmov s5  }
0xc5: {  	v27 =	vadd.s32 v0, v8;
	[tilespmem:v16+s24+$0x0] =	vst.idx.msk $0xffff, v10;
	v16 =	vmov s6;
	v10 =	vand.u32 $0x7D, v14;
	v14 =	vld [tilespmem:s31+$0xFFFFFF90]  }
0xc6: {  	[tilespmem:v17+s24+$0x0] =	vst.idx.msk $0xffff, v11;
	v17 =	vadd.s32 v0, v10;
	v11 =	vand.u32 $0x7E, v16;
	v16 =	vadd.f32 v18, v9;
	v18 =	vld [tilespmem:s15+$0xFFFFFF70]  }
0xc7: {  	[tilespmem:v21+s24+$0x0] =	vst.idx.msk $0xffff, v15;
	v15 =	vadd.s32 v0, v11;
	v21 =	vld [tilespmem:s15+$0xFFFFFFB0];
	v22 =	vadd.f32 v22, v5  }
0xc8: {  	v23 =	vadd.f32 v23, v9;
	[tilespmem:v24+s24+$0x0] =	vst.idx.msk $0xffff, v16;
	v16 =	vld [tilespmem:s15+$0xFFFFFF30];
	v24 =	vadd.s32 v2, v19  }
0xc9: {  	v29 =	vadd.s32 v2, v20;
	v25 =	vadd.f32 v25, v9;
	v28 =	vld [tilespmem:s31+$0xFFFFFFE0];
	[tilespmem:v26+s24+$0x0] =	vst.idx.msk $0xffff, v22  }
0xca: {  	[tilespmem:v27+s24+$0x0] =	vst.idx.msk $0xffff, v23;
	v23 =	vadd.s32 v2, v12;
	v14 =	vadd.f32 v14, v9;
	v26 =	vld [tilespmem:s15+$0x0]  }
0xcb: {  	v27 =	vld [tilespmem:s31+$0xFFFFFF20];
	[tilespmem:v17+s24+$0x0] =	vst.idx.msk $0xffff, v25;
	v25 =	vadd.s32 v1, v7;
	v18 =	vadd.f32 v18, v5  }
0xcc: {  	v31 =	vadd.s32 v3, v13;
	v30 =	vld [tilespmem:s31+$0xFFFFFF60];
	[tilespmem:v15+s24+$0x0] =	vst.idx.msk $0xffff, v14;
	v14 =	vadd.f32 v21, v5  }
0xcd: {  	v22 =	vadd.s32 v1, v8;
	v17 =	vld [tilespmem:s31+$0xFFFFFFA0];
	v13 =	vadd.f32 v16, v5;
	[tilespmem:v24+s24+$0x0] =	vst.idx.msk $0xffff, v18  }
0xce: {  	s2 =	simm.s32 $0x8;
	v21 =	vadd.s32 v1, v10;
	[tilespmem:v29+s24+$0x0] =	vst.idx.msk $0xffff, v14;
	v18 =	vadd.f32 v28, v6;
	v16 =	vld [tilespmem:s15+$0xFFFFFF80]  }
0xcf: {  	v24 =	vmov s2;
	v14 =	vadd.s32 v1, v11;
	v15 =	vld [tilespmem:s15+$0xFFFFFFC0];
	[tilespmem:v23+s24+$0x0] =	vst.idx.msk $0xffff, v13;
	v63 =	vadd.f32 v26, v4  }
0xd0: {  	s0 =	simm.s32 $0x3BF0;
	s8 =	simm.s32 $0xB;
	v19 =	vadd.s32 v3, v19;
	v13 =	vand.u32 $0x7C, v24;
	v24 =	vadd.f32 v27, v6;
	[tilespmem:v25+s24+$0x0] =	vst.idx.msk $0xffff, v18;
	v18 =	vld [tilespmem:s15+$0xFFFFFF40]  }
0xd1: {  	v20 =	vadd.s32 v3, v20;
	s5 =	simm.s32 $0xC;
	v26 =	vmov s8;
	v23 =	vld [tilespmem:s0+$0xFFFFFFD0];
	v25 =	vadd.f32 v30, v6;
	[tilespmem:v31+s24+$0x0] =	vst.idx.msk $0xffff, v63  }
.LBB2_7:
0xd2: {  	p0 =	slt.u32 s5, $0x7C;
	s6 =	sadd.s32 $0x1, s2;
	v26 =	vand.u32 $0x7F, v26;
	[tilespmem:v22+s24+$0x0] =	vst.idx.msk $0xffff, v24;
	v17 =	vadd.f32 v17, v6;
	v22 =	vld [tilespmem:s31+$0xFFFFFFF0];
	v24 =	vadd.s32 v3, v12  }
0xd3: {  	v30 =	vmovc v11;
	v27 =	vld [tilespmem:s0+$0xFFFFFF10];
	v28 =	vmov s6;
	s6 =	sadd.s32 $0x2, s2;
	v29 =	vadd.s32 v0, v26;
	[tilespmem:v21+s24+$0x0] =	vst.idx.msk $0xffff, v25;
	v16 =	vadd.f32 v16, v4;
	s2 =	smov.u32 s5  }
0xd4: {  	v12 =	vmovc v8;
	v21 =	vld [tilespmem:s0+$0xFFFFFF50];
	v11 =	vmov s6;
	[tilespmem:v14+s24+$0x0] =	vst.idx.msk $0xffff, v17;
	v14 =	vadd.s32 v2, v7;
	v15 =	vadd.f32 v15, v4  }
0xd5: {  	v17 =	vadd.s32 v0, v13;
	v28 =	vand.u32 $0x7D, v28;
	v25 =	vld [tilespmem:s0+$0xFFFFFF90];
	v31 =	vadd.f32 v18, v4;
	[tilespmem:v19+s24+$0x0] =	vst.idx.msk $0xffff, v16  }
0xd6: {  	v16 =	vadd.s32 v0, v28;
	v11 =	vand.u32 $0x7E, v11;
	v18 =	vadd.f32 v23, v9;
	v19 =	vld [tilespmem:s31+$0xFFFFFF70];
	[tilespmem:v20+s24+$0x0] =	vst.idx.msk $0xffff, v15  }
0xd7: {  	v8 =	vmov v13;
	v15 =	vadd.s32 v0, v11;
	v20 =	vld [tilespmem:s31+$0xFFFFFFB0];
	v22 =	vadd.f32 v22, v5;
	[tilespmem:v24+s24+$0x0] =	vst.idx.msk $0xffff, v31  }
0xd8: {  	v23 =	vadd.s32 v2, v10;
	v13 =	vadd.f32 v27, v9;
	[tilespmem:v29+s24+$0x0] =	vst.idx.msk $0xffff, v18;
	v18 =	vld [tilespmem:s31+$0xFFFFFF30]  }
0xd9: {  	v27 =	vadd.s32 v2, v30;
	v21 =	vadd.f32 v21, v9;
	v24 =	vld [tilespmem:s0+$0xFFFFFFE0];
	[tilespmem:v14+s24+$0x0] =	vst.idx.msk $0xffff, v22  }
0xda: {  	[tilespmem:v17+s24+$0x0] =	vst.idx.msk $0xffff, v13;
	v13 =	vadd.f32 v25, v9;
	v25 =	vadd.s32 v2, v12;
	v29 =	vld [tilespmem:s31+$0x0]  }
0xdb: {  	v32 =	vadd.s32 v1, v26;
	v31 =	vld [tilespmem:s0+$0xFFFFFF20];
	[tilespmem:v16+s24+$0x0] =	vst.idx.msk $0xffff, v21;
	v14 =	vadd.f32 v19, v5  }
0xdc: {  	v34 =	vadd.s32 v3, v7;
	v7 =	vmov v26;
	v33 =	vld [tilespmem:s0+$0xFFFFFF60];
	[tilespmem:v15+s24+$0x0] =	vst.idx.msk $0xffff, v13;
	v13 =	vadd.f32 v20, v5  }
.Ltmp2:
0xdd: {  	v22 =	vadd.s32 v1, v8;
	v17 =	vld [tilespmem:s0+$0xFFFFFFA0];
	v15 =	vadd.f32 v18, v5;
	[tilespmem:v23+s24+$0x0] =	vst.idx.msk $0xffff, v14;
	(pc) =	sbr.rel @p0 .LBB2_7-.Ltmp2, $4  }
0xde: {  	v21 =	vadd.s32 v1, v28;
	v18 =	vadd.f32 v24, v6;
	v16 =	vld [tilespmem:s31+$0xFFFFFF80];
	[tilespmem:v27+s24+$0x0] =	vst.idx.msk $0xffff, v13  }
0xdf: {  	v14 =	vadd.s32 v1, v11;
	v13 =	vmov s5;
	[tilespmem:v25+s24+$0x0] =	vst.idx.msk $0xffff, v15;
	v15 =	vld [tilespmem:s31+$0xFFFFFFC0];
	v27 =	vadd.f32 v29, v4  }
0xe0: {  	s6 =	sadd.s32 $0x3, s5;
	v19 =	vadd.s32 v3, v10;
	v13 =	vand.u32 $0x7C, v13;
	v24 =	vadd.f32 v31, v6;
	[tilespmem:v32+s24+$0x0] =	vst.idx.msk $0xffff, v18;
	v18 =	vld [tilespmem:s31+$0xFFFFFF40];
	s31 =	smov.u32 s0;
	s0 =	sadd.s32 $0x100, s0  }
0xe1: {  	v26 =	vmov s6;
	v10 =	vmovc v28;
	v20 =	vadd.s32 v3, v30;
	s5 =	sadd.s32 $0x4, s5;
	v23 =	vld [tilespmem:s0+$0xFFFFFFD0];
	v25 =	vadd.f32 v33, v6;
	[tilespmem:v34+s24+$0x0] =	vst.idx.msk $0xffff, v27  }
0xe2: {  	s5 =	sadd.s32 $0x1, s2  }
0xe3: {  	v26 =	vand.u32 $0x7F, v26;
	s15 =	sadd.s32 $0x2, s2;
	v28 =	vld [tilespmem:s0+$0xFFFFFF50];
	v27 =	vmov s5  }
0xe4: {  	v31 =	vld [tilespmem:s0+$0xFFFFFF90];
	v29 =	vadd.s32 v0, v26;
	v30 =	vmov s15;
	v27 =	vand.u32 $0x7D, v27  }
0xe5: {  	v32 =	vld [tilespmem:s0+$0xFFFFFF10];
	v30 =	vand.u32 $0x7E, v30;
	v33 =	vadd.s32 v0, v27  }
0xe6: {  	v34 =	vadd.s32 v0, v30  }
0xe7: {  	[tilespmem:v22+s24+$0x0] =	vst.idx.msk $0xffff, v24;
	v44 =	vadd.s32 v0, v13;
	v23 =	vadd.f32 v23, v9  }
0xe8: {  	[tilespmem:v21+s24+$0x0] =	vst.idx.msk $0xffff, v25;
	v45 =	vadd.f32 v28, v9  }
0xe9: {  	v46 =	vadd.f32 v31, v9;
	[tilespmem:v29+s24+$0x0] =	vst.idx.msk $0xffff, v23  }
0xea: {  	v47 =	vadd.f32 v32, v9;
	v48 =	vld [tilespmem:s0+$0xFFFFFFE0];
	[tilespmem:v33+s24+$0x0] =	vst.idx.msk $0xffff, v45  }
0xeb: {  	v17 =	vadd.f32 v17, v6;
	v12 =	vadd.s32 v3, v12;
	[tilespmem:v34+s24+$0x0] =	vst.idx.msk $0xffff, v46;
	v21 =	vld [tilespmem:s0+$0xFFFFFF60]  }
0xec: {  	v16 =	vadd.f32 v16, v4;
	v49 =	vadd.s32 v1, v26;
	[tilespmem:v44+s24+$0x0] =	vst.idx.msk $0xffff, v47;
	v50 =	vld [tilespmem:s0+$0xFFFFFFA0]  }
0xed: {  	[tilespmem:v14+s24+$0x0] =	vst.idx.msk $0xffff, v17;
	v51 =	vadd.f32 v15, v4;
	v53 =	vadd.s32 v1, v27;
	v52 =	vld [tilespmem:s0+$0xFFFFFF20]  }
0xee: {  	v54 =	vld [tilespmem:s31+$0xFFFFFFF0];
	v18 =	vadd.f32 v18, v4;
	[tilespmem:v19+s24+$0x0] =	vst.idx.msk $0xffff, v16;
	v55 =	vadd.s32 v1, v30  }
0xef: {  	v57 =	vadd.s32 v1, v13;
	v60 =	vld [tilespmem:s31+$0xFFFFFFB0];
	[tilespmem:v20+s24+$0x0] =	vst.idx.msk $0xffff, v51;
	v58 =	vadd.f32 v48, v6  }
0xf0: {  	v59 =	vadd.s32 v2, v7;
	v56 =	vld [tilespmem:s31+$0xFFFFFF70];
	[tilespmem:v12+s24+$0x0] =	vst.idx.msk $0xffff, v18;
	v61 =	vadd.f32 v21, v6  }
0xf1: {  	v62 =	vld [tilespmem:s31+$0xFFFFFF30];
	v29 =	vadd.s32 v2, v11;
	[tilespmem:v49+s24+$0x0] =	vst.idx.msk $0xffff, v58;
	v28 =	vadd.f32 v50, v6  }
0xf2: {  	v63 =	vadd.s32 v2, v10;
	v31 =	vadd.f32 v52, v6;
	v32 =	vld [tilespmem:s0+$0xFFFFFFF0];
	[tilespmem:v53+s24+$0x0] =	vst.idx.msk $0xffff, v61  }
0xf3: {  	v33 =	vadd.f32 v54, v5;
	v34 =	vadd.s32 v2, v8;
	[tilespmem:v55+s24+$0x0] =	vst.idx.msk $0xffff, v28;
	v35 =	vld [tilespmem:s0+$0xFFFFFF70]  }
0xf4: {  	v37 =	vadd.s32 v2, v26;
	v39 =	vadd.f32 v60, v5;
	[tilespmem:v57+s24+$0x0] =	vst.idx.msk $0xffff, v31;
	v38 =	vld [tilespmem:s0+$0xFFFFFFB0]  }
0xf5: {  	v41 =	vadd.s32 v2, v27;
	v36 =	vadd.f32 v56, v5;
	[tilespmem:v59+s24+$0x0] =	vst.idx.msk $0xffff, v33;
	v40 =	vld [tilespmem:s0+$0xFFFFFF30]  }
0xf6: {  	v43 =	vadd.s32 v2, v30;
	v18 =	vadd.f32 v62, v5;
	v42 =	vld [tilespmem:s31+$0x0];
	[tilespmem:v29+s24+$0x0] =	vst.idx.msk $0xffff, v39  }
0xf7: {  	v45 =	vadd.s32 v2, v13;
	[tilespmem:v63+s24+$0x0] =	vst.idx.msk $0xffff, v36;
	v47 =	vld [tilespmem:s31+$0xFFFFFFC0];
	v44 =	vadd.f32 v32, v5  }
0xf8: {  	v46 =	vadd.s32 v3, v7;
	[tilespmem:v34+s24+$0x0] =	vst.idx.msk $0xffff, v18;
	v21 =	vld [tilespmem:s31+$0xFFFFFF80];
	v9 =	vadd.f32 v35, v5  }
0xf9: {  	v18 =	vld [tilespmem:s31+$0xFFFFFF40];
	v50 =	vadd.s32 v3, v11;
	[tilespmem:v37+s24+$0x0] =	vst.idx.msk $0xffff, v44;
	v49 =	vadd.f32 v38, v5  }
0xfa: {  	v48 =	vadd.s32 v3, v10;
	v5 =	vadd.f32 v40, v5;
	v12 =	vld [tilespmem:s0+$0x0];
	[tilespmem:v41+s24+$0x0] =	vst.idx.msk $0xffff, v9  }
0xfb: {  	v52 =	vadd.s32 v3, v8;
	v51 =	vadd.f32 v42, v4;
	[tilespmem:v43+s24+$0x0] =	vst.idx.msk $0xffff, v49;
	v53 =	vld [tilespmem:s0+$0xFFFFFF80]  }
0xfc: {  	v55 =	vadd.s32 v3, v26;
	v56 =	vadd.f32 v47, v4;
	[tilespmem:v45+s24+$0x0] =	vst.idx.msk $0xffff, v5;
	v5 =	vld [tilespmem:s0+$0xFFFFFFC0]  }
0xfd: {  	v58 =	vadd.s32 v3, v27;
	[tilespmem:v46+s24+$0x0] =	vst.idx.msk $0xffff, v51;
	v54 =	vadd.f32 v21, v4;
	v57 =	vld [tilespmem:s0+$0xFFFFFF40]  }
0xfe: {  	v60 =	vadd.s32 v3, v30;
	v59 =	vadd.f32 v18, v4;
	[tilespmem:v50+s24+$0x0] =	vst.idx.msk $0xffff, v56  }
0xff: {  	v62 =	vadd.s32 v3, v13;
	[tilespmem:v48+s24+$0x0] =	vst.idx.msk $0xffff, v54;
	v61 =	vadd.f32 v12, v4  }
0x100: {  	[tilespmem:v52+s24+$0x0] =	vst.idx.msk $0xffff, v59;
	v63 =	vadd.f32 v53, v4  }
0x101: {  	s2 =	sshll.u32 s30, $0x14;
	[tilespmem:v55+s24+$0x0] =	vst.idx.msk $0xffff, v61;
	v5 =	vadd.f32 v5, v4  }
0x102: {  	s0 =	sor.u32 s7, s2;
	v4 =	vadd.f32 v57, v4;
	[tilespmem:v58+s24+$0x0] =	vst.idx.msk $0xffff, v63  }
0x103: {  	s0 =	sshrl.u32 s0, $0x3;
	[tilespmem:v60+s24+$0x0] =	vst.idx.msk $0xffff, v5  }
0x104: {  	s5 =	simm.s32 $0x7B00;
	s2 =	sadd.s32 s1, s0;
	[tilespmem:v62+s24+$0x0] =	vst.idx.msk $0xffff, v4  }
0x105: {  	[hbm4b:s2+s3] =	stream.linear.scatter [tilespmem:s5], [sflag:$0x4], $0x80, $0x38;
	[tilespmem:$0xAB00] =	vst v63  }
0x106: {  	s6 =	simm.s32 $0x7B88;
	s8 =	sadd.s32 $0x10, s2  }
0x107: {  	[hbm4b:s8+s3] =	stream.linear.scatter [tilespmem:s6], [sflag:$0x4], $0x80, $0x38;
	[tilespmem:$0xAB00] =	vst v63  }
0x108: {  	s15 =	simm.s32 $0x7C10;
	s31 =	sadd.s32 $0x20, s2  }
0x109: {  	[hbm4b:s31+s3] =	stream.linear.scatter [tilespmem:s15], [sflag:$0x4], $0x80, $0x38;
	[tilespmem:$0xAB00] =	vst v63  }
0x10a: {  	s6 =	simm.s32 $0x7C98;
	s8 =	sadd.s32 $0x30, s2  }
0x10b: {  	[hbm4b:s8+s3] =	stream.linear.scatter [tilespmem:s6], [sflag:$0x4], $0x80, $0x38;
	[tilespmem:$0xAB00] =	vst v63  }
0x10c: {  	s15 =	simm.s32 $0x7D20;
	s31 =	sadd.s32 $0x40, s2  }
0x10d: {  	[hbm4b:s31+s3] =	stream.linear.scatter [tilespmem:s15], [sflag:$0x4], $0x80, $0x38;
	[tilespmem:$0xAB00] =	vst v63  }
0x10e: {  	s0 =	simm.s32 $0x440;
	s6 =	simm.s32 $0x7DA8;
	s8 =	sadd.s32 $0x50, s2  }
0x10f: {  	[hbm4b:s8+s3] =	stream.linear.scatter [tilespmem:s6], [sflag:$0x4], $0x80, $0x38;
	[tilespmem:$0xAB00] =	vst v63  }
0x110: {  	s30 =	sadd.s32 $0x70, s2;
	s15 =	simm.s32 $0x7E30;
	s31 =	sadd.s32 $0x60, s2  }
0x111: {  	[hbm4b:s31+s3] =	stream.linear.scatter [tilespmem:s15], [sflag:$0x4], $0x80, $0x38;
	[tilespmem:$0xAB00] =	vst v63  }
0x112: {  	s5 =	simm.s32 $0x2200;
	s2 =	sadd.s32 $0x4000, s2;
	s15 =	simm.s32 $0x7EB8  }
.LBB2_9:
0x113: {  	[hbm4b:s30+s3] =	stream.linear.scatter [tilespmem:s15], [sflag:$0x4], $0x80, $0x38;
	[tilespmem:$0xAB00] =	vst v63  }
0x114: {  	s6 =	smov.u32 s0;
	s0 =	smov.u32 s5  }
0x115: {  	s8 =	sadd.s32 $0x1100, s5;
	s0 =	sshra.s32 s0, $0x2;
	s15 =	sadd.s32 $0x7B00, s6  }
0x116: {  	[hbm4b:s2+s3] =	stream.linear.scatter [tilespmem:s15], [sflag:$0x4], $0x80, $0x38;
	[tilespmem:$0xAB00] =	vst v63  }
0x117: {  	p0 =	sne.s32 s5, $0x7700;
	s5 =	sadd.s32 $0x7B88, s6;
	s15 =	sadd.s32 $0x10, s2  }
0x118: {  	[hbm4b:s15+s3] =	stream.linear.scatter [tilespmem:s5], [sflag:$0x4], $0x80, $0x38;
	[tilespmem:$0xAB00] =	vst v63  }
0x119: {  	s5 =	sadd.s32 $0x7C10, s6;
	s15 =	sadd.s32 $0x20, s2  }
0x11a: {  	[hbm4b:s15+s3] =	stream.linear.scatter [tilespmem:s5], [sflag:$0x4], $0x80, $0x38;
	[tilespmem:$0xAB00] =	vst v63  }
0x11b: {  	s5 =	sadd.s32 $0x7C98, s6;
	s15 =	sadd.s32 $0x30, s2  }
0x11c: {  	[hbm4b:s15+s3] =	stream.linear.scatter [tilespmem:s5], [sflag:$0x4], $0x80, $0x38;
	[tilespmem:$0xAB00] =	vst v63  }
0x11d: {  	s5 =	sadd.s32 $0x7D20, s6;
	s15 =	sadd.s32 $0x40, s2  }
0x11e: {  	[hbm4b:s15+s3] =	stream.linear.scatter [tilespmem:s5], [sflag:$0x4], $0x80, $0x38;
	[tilespmem:$0xAB00] =	vst v63  }
.Ltmp3:
0x11f: {  	s5 =	sadd.s32 $0x7DA8, s6;
	s15 =	sadd.s32 $0x50, s2;
	(pc) =	sbr.rel @p0 .LBB2_9-.Ltmp3, $4  }
0x120: {  	[hbm4b:s15+s3] =	stream.linear.scatter [tilespmem:s5], [sflag:$0x4], $0x80, $0x38;
	[tilespmem:$0xAB00] =	vst v63  }
0x121: {  	s30 =	sadd.s32 $0x70, s2;
	s5 =	sadd.s32 $0x7E30, s6;
	s15 =	sadd.s32 $0x60, s2  }
0x122: {  	[hbm4b:s15+s3] =	stream.linear.scatter [tilespmem:s5], [sflag:$0x4], $0x80, $0x38;
	[tilespmem:$0xAB00] =	vst v63  }
0x123: {  	s2 =	sadd.s32 $0x4000, s2;
	s15 =	sadd.s32 $0x7EB8, s6;
	s5 =	smov.u32 s8  }
0x124: {  	[hbm4b:s30+s3] =	stream.linear.scatter [tilespmem:s15], [sflag:$0x4], $0x80, $0x38;
	[tilespmem:$0xAB00] =	vst v63  }
0x125: {  	s5 =	sadd.s32 $0x7B00, s0  }
0x126: {  	[hbm4b:s2+s3] =	stream.linear.scatter [tilespmem:s5], [sflag:$0x4], $0x80, $0x38;
	[tilespmem:$0xAB00] =	vst v63  }
0x127: {  	s31 =	sadd.s32 $0x7B88, s0;
	s6 =	sadd.s32 $0x10, s2  }
0x128: {  	[hbm4b:s6+s3] =	stream.linear.scatter [tilespmem:s31], [sflag:$0x4], $0x80, $0x38;
	[tilespmem:$0xAB00] =	vst v63  }
0x129: {  	s8 =	sadd.s32 $0x7C10, s0;
	s15 =	sadd.s32 $0x20, s2  }
0x12a: {  	[hbm4b:s15+s3] =	stream.linear.scatter [tilespmem:s8], [sflag:$0x4], $0x80, $0x38;
	[tilespmem:$0xAB00] =	vst v63  }
0x12b: {  	s30 =	sadd.s32 $0x7C98, s0;
	s31 =	sadd.s32 $0x30, s2  }
0x12c: {  	[hbm4b:s31+s3] =	stream.linear.scatter [tilespmem:s30], [sflag:$0x4], $0x80, $0x38;
	[tilespmem:$0xAB00] =	vst v63  }
0x12d: {  	s29 =	sadd.s32 $0x1, s29;
	s8 =	sadd.s32 $0x7D20, s0;
	s15 =	sadd.s32 $0x40, s2  }
0x12e: {  	[hbm4b:s15+s3] =	stream.linear.scatter [tilespmem:s8], [sflag:$0x4], $0x80, $0x38;
	[tilespmem:$0xAB00] =	vst v63  }
0x12f: {  	p0 =	sne.s32 s29, $0x19;
	s30 =	sadd.s32 $0x7DA8, s0;
	s31 =	sadd.s32 $0x50, s2  }
0x130: {  	[hbm4b:s31+s3] =	stream.linear.scatter [tilespmem:s30], [sflag:$0x4], $0x80, $0x38;
	[tilespmem:$0xAB00] =	vst v63  }
.Ltmp4:
0x131: {  	_ = 	snop;
	(pc) =	sbr.rel @p0 .LBB2_2-.Ltmp4, $4  }
0x132: {  	s8 =	sadd.s32 $0x7E30, s0;
	s15 =	sadd.s32 $0x60, s2  }
0x133: {  	[hbm4b:s15+s3] =	stream.linear.scatter [tilespmem:s8], [sflag:$0x4], $0x80, $0x38;
	[tilespmem:$0xAB00] =	vst v63  }
0x134: {  	s30 =	sadd.s32 $0x7EB8, s0;
	s31 =	sadd.s32 $0x70, s2  }
0x135: {  	[hbm4b:s31+s3] =	stream.linear.scatter [tilespmem:s30], [sflag:$0x4], $0x80, $0x38;
	[tilespmem:$0xAB00] =	vst v63  }
0x136: {  	_ =	swait.ge [sflag:s25], $0x2000  }
0x137: {  	[sflag:s25] =	ssyncset.done $0x0  }
0x138: {  	[sflag:s25] =	ssyncadd.s32 $0xFFFFE000  }
0x139: {  	_ =	swait.ge [sflag:s26], $0x2000  }
0x13a: {  	[sflag:s26] =	ssyncset.done $0x0  }
0x13b: {  	s29 =	simm.s32 $0x0;
	s0 =	rddreg [dreg:$0x5];
	[sflag:s26] =	ssyncadd.s32 $0xFFFFE000  }
0x13c: {  	[tilespmem:s29], [sflag:$0x5] =	stream.strided.gather [hbm4b:s0+s17], $0x1900, s18, s17, $0x38;
	[tilespmem:$0xAB00] =	vst v63  }
0x13d: {  	_ =	swait.ge [sflag:s16], $0x1900  }
0x13e: {  	[sflag:s16] =	ssyncset.done $0x0  }
0x13f: {  	s30 =	simm.s32 $0x0;
	[sflag:s16] =	ssyncadd.s32 $0xFFFFE700  }
0x140: {  	[tilespmem:s19], [sflag:$0x1] =	stream.indirect.gather [hbm4b:s4+s17], $0x40, s29, s17, $0xb8;
	[tilespmem:$0xAB00] =	vst v63  }
.LBB2_12:
0x141: {  	p0 =	seq.s32 s30, $0x0  }
0x142: {  	s0 =	simm.s32 @!p0 $0x4  }
0x143: {  	s31 =	sshllo.u32 s30, $0x1;
	_ =	swait.ge @!p0 [sflag:s0], $0x2000  }
0x144: {  	s2 =	sshll.u32 s31, $0x7;
	[sflag:s0] =	ssyncset.done @!p0 $0x0  }
0x145: {  	s5 =	sand.u32 $0x3FFFFF80, s2;
	[sflag:s0] =	ssyncadd.s32 @!p0 $0xFFFFE000  }
0x146: {  	[tilespmem:s20], [sflag:$0x2] =	stream.indirect.gather [hbm4b:s4+s17], $0x40, s5, s17, $0xb8;
	[tilespmem:$0xAB00] =	vst v63  }
0x147: {  	_ =	swait.ge [sflag:s21], $0x2000  }
0x148: {  	s6 =	sshll.u32 s30, $0x7;
	[sflag:s21] =	ssyncset.done $0x0  }
0x149: {  	s0 =	sand.u32 $0x3FFFFF80, s6;
	[sflag:s21] =	ssyncadd.s32 $0xFFFFE000  }
0x14a: {  	s8 =	simm.s32 $0x3;
	s5 =	simm.s32 $0x1980;
	v9 =	vld [tilespmem:s0+$0x9D00]  }
0x14b: {  	v4 =	vmov s8;
	v7 =	vld [tilespmem:s5+$0x40]  }
0x14c: {  	v13 =	vand.u32 $0x7F, v4  }
0x14d: {  	v4 =	vmov s29;
	v8 =	vadd.s32 v0, v13;
	v6 =	vld [tilespmem:s0+$0x9D10]  }
0x14e: {  	s15 =	simm.s32 $0x1;
	v12 =	vand.u32 $0x7C, v4;
	v10 =	vld [tilespmem:s5+$0xFFFFFF80]  }
0x14f: {  	v4 =	vmov s15;
	s6 =	simm.s32 $0x2;
	v15 =	vadd.s32 v0, v12;
	v11 =	vld [tilespmem:s5+$0xFFFFFFC0]  }
0x150: {  	v19 =	vand.u32 $0x7D, v4;
	v14 =	vmov s6;
	v16 =	vld [tilespmem:s5+$0x0];
	v7 =	vadd.f32 v7, v9  }
0x151: {  	v17 =	vadd.s32 v0, v19;
	v20 =	vand.u32 $0x7E, v14;
	v5 =	vld [tilespmem:s0+$0x9D20]  }
0x152: {  	v14 =	vadd.s32 v0, v20;
	v4 =	vld [tilespmem:s0+$0x9D30];
	[tilespmem:v8+s22+$0x0] =	vst.idx.msk $0xffff, v7  }
0x153: {  	v7 =	vadd.f32 v10, v9;
	v8 =	vld [tilespmem:s5+$0x50]  }
0x154: {  	v10 =	vadd.f32 v11, v9  }
0x155: {  	v11 =	vadd.s32 v1, v13;
	[tilespmem:v15+s22+$0x0] =	vst.idx.msk $0xffff, v7;
	v7 =	vadd.f32 v16, v9  }
0x156: {  	[tilespmem:v17+s22+$0x0] =	vst.idx.msk $0xffff, v10;
	v15 =	vld [tilespmem:s5+$0xFFFFFF90]  }
0x157: {  	v10 =	vld [tilespmem:s5+$0xFFFFFFD0];
	[tilespmem:v14+s22+$0x0] =	vst.idx.msk $0xffff, v7  }
0x158: {  	v14 =	vld [tilespmem:s5+$0x10];
	v7 =	vadd.f32 v8, v6  }
0x159: {  	s8 =	simm.s32 $0x7;
	s0 =	simm.s32 $0x1A80;
	v16 =	vadd.s32 v1, v19  }
0x15a: {  	v26 =	vadd.s32 v2, v13;
	s6 =	simm.s32 $0x4;
	v18 =	vld [tilespmem:s0+$0x40];
	v17 =	vadd.s32 v1, v20;
	[tilespmem:v11+s22+$0x0] =	vst.idx.msk $0xffff, v7;
	v7 =	vmov s8  }
0x15b: {  	v21 =	vadd.s32 v1, v12;
	v8 =	vmov s6;
	v7 =	vand.u32 $0x7F, v7;
	v22 =	vld [tilespmem:s5+$0x60]  }
0x15c: {  	s15 =	simm.s32 $0x5;
	v23 =	vld [tilespmem:s0+$0xFFFFFF80];
	v8 =	vand.u32 $0x7C, v8;
	v10 =	vadd.f32 v10, v6;
	v24 =	vadd.s32 v0, v7  }
0x15d: {  	v25 =	vld [tilespmem:s0+$0xFFFFFFC0];
	s6 =	simm.s32 $0x6;
	v15 =	vadd.f32 v15, v6;
	v11 =	vadd.f32 v14, v6;
	v14 =	vmov s15  }
0x15e: {  	v27 =	vadd.s32 v0, v8;
	[tilespmem:v16+s22+$0x0] =	vst.idx.msk $0xffff, v10;
	v16 =	vmov s6;
	v10 =	vand.u32 $0x7D, v14;
	v14 =	vld [tilespmem:s0+$0x0]  }
0x15f: {  	[tilespmem:v17+s22+$0x0] =	vst.idx.msk $0xffff, v11;
	v17 =	vadd.s32 v0, v10;
	v11 =	vand.u32 $0x7E, v16;
	v16 =	vadd.f32 v18, v9;
	v18 =	vld [tilespmem:s5+$0xFFFFFFE0]  }
0x160: {  	[tilespmem:v21+s22+$0x0] =	vst.idx.msk $0xffff, v15;
	v15 =	vadd.s32 v0, v11;
	v21 =	vld [tilespmem:s5+$0x20];
	v22 =	vadd.f32 v22, v5  }
0x161: {  	v23 =	vadd.f32 v23, v9;
	[tilespmem:v24+s22+$0x0] =	vst.idx.msk $0xffff, v16;
	v16 =	vld [tilespmem:s5+$0xFFFFFFA0];
	v24 =	vadd.s32 v2, v19  }
0x162: {  	v29 =	vadd.s32 v2, v20;
	v25 =	vadd.f32 v25, v9;
	v28 =	vld [tilespmem:s0+$0x50];
	[tilespmem:v26+s22+$0x0] =	vst.idx.msk $0xffff, v22  }
0x163: {  	[tilespmem:v27+s22+$0x0] =	vst.idx.msk $0xffff, v23;
	v23 =	vadd.s32 v2, v12;
	v14 =	vadd.f32 v14, v9;
	v26 =	vld [tilespmem:s5+$0x70]  }
0x164: {  	v27 =	vld [tilespmem:s0+$0xFFFFFF90];
	[tilespmem:v17+s22+$0x0] =	vst.idx.msk $0xffff, v25;
	v25 =	vadd.s32 v1, v7;
	v18 =	vadd.f32 v18, v5  }
0x165: {  	v31 =	vadd.s32 v3, v13;
	v30 =	vld [tilespmem:s0+$0xFFFFFFD0];
	[tilespmem:v15+s22+$0x0] =	vst.idx.msk $0xffff, v14;
	v14 =	vadd.f32 v21, v5  }
0x166: {  	v22 =	vadd.s32 v1, v8;
	v17 =	vld [tilespmem:s0+$0x10];
	v13 =	vadd.f32 v16, v5;
	[tilespmem:v24+s22+$0x0] =	vst.idx.msk $0xffff, v18  }
0x167: {  	s15 =	simm.s32 $0x8;
	v21 =	vadd.s32 v1, v10;
	[tilespmem:v29+s22+$0x0] =	vst.idx.msk $0xffff, v14;
	v18 =	vadd.f32 v28, v6;
	v16 =	vld [tilespmem:s5+$0xFFFFFFF0]  }
0x168: {  	v24 =	vmov s15;
	v14 =	vadd.s32 v1, v11;
	v15 =	vld [tilespmem:s5+$0x30];
	[tilespmem:v23+s22+$0x0] =	vst.idx.msk $0xffff, v13;
	v63 =	vadd.f32 v26, v4  }
0x169: {  	s2 =	simm.s32 $0x1B80;
	s8 =	simm.s32 $0xB;
	v19 =	vadd.s32 v3, v19;
	v13 =	vand.u32 $0x7C, v24;
	v24 =	vadd.f32 v27, v6;
	[tilespmem:v25+s22+$0x0] =	vst.idx.msk $0xffff, v18;
	v18 =	vld [tilespmem:s5+$0xFFFFFFB0]  }
0x16a: {  	v20 =	vadd.s32 v3, v20;
	v26 =	vmov s8;
	v23 =	vld [tilespmem:s2+$0x40];
	s5 =	simm.s32 $0xC;
	v25 =	vadd.f32 v30, v6;
	[tilespmem:v31+s22+$0x0] =	vst.idx.msk $0xffff, v63  }
.LBB2_13:
0x16b: {  	p0 =	slt.u32 s5, $0x7C;
	s6 =	sadd.s32 $0x1, s15;
	v26 =	vand.u32 $0x7F, v26;
	[tilespmem:v22+s22+$0x0] =	vst.idx.msk $0xffff, v24;
	v17 =	vadd.f32 v17, v6;
	v22 =	vld [tilespmem:s0+$0x60];
	v24 =	vadd.s32 v3, v12  }
0x16c: {  	v30 =	vmovc v11;
	v27 =	vld [tilespmem:s2+$0xFFFFFF80];
	v28 =	vmov s6;
	s6 =	sadd.s32 $0x2, s15;
	v29 =	vadd.s32 v0, v26;
	[tilespmem:v21+s22+$0x0] =	vst.idx.msk $0xffff, v25;
	v16 =	vadd.f32 v16, v4;
	s15 =	smov.u32 s5  }
0x16d: {  	v12 =	vmovc v8;
	v21 =	vld [tilespmem:s2+$0xFFFFFFC0];
	v11 =	vmov s6;
	[tilespmem:v14+s22+$0x0] =	vst.idx.msk $0xffff, v17;
	v14 =	vadd.s32 v2, v7;
	v15 =	vadd.f32 v15, v4  }
0x16e: {  	v17 =	vadd.s32 v0, v13;
	v28 =	vand.u32 $0x7D, v28;
	v25 =	vld [tilespmem:s2+$0x0];
	v31 =	vadd.f32 v18, v4;
	[tilespmem:v19+s22+$0x0] =	vst.idx.msk $0xffff, v16  }
0x16f: {  	v16 =	vadd.s32 v0, v28;
	v11 =	vand.u32 $0x7E, v11;
	v18 =	vadd.f32 v23, v9;
	v19 =	vld [tilespmem:s0+$0xFFFFFFE0];
	[tilespmem:v20+s22+$0x0] =	vst.idx.msk $0xffff, v15  }
0x170: {  	v8 =	vmov v13;
	v15 =	vadd.s32 v0, v11;
	v20 =	vld [tilespmem:s0+$0x20];
	v22 =	vadd.f32 v22, v5;
	[tilespmem:v24+s22+$0x0] =	vst.idx.msk $0xffff, v31  }
0x171: {  	v23 =	vadd.s32 v2, v10;
	v13 =	vadd.f32 v27, v9;
	[tilespmem:v29+s22+$0x0] =	vst.idx.msk $0xffff, v18;
	v18 =	vld [tilespmem:s0+$0xFFFFFFA0]  }
0x172: {  	v27 =	vadd.s32 v2, v30;
	v21 =	vadd.f32 v21, v9;
	v24 =	vld [tilespmem:s2+$0x50];
	[tilespmem:v14+s22+$0x0] =	vst.idx.msk $0xffff, v22  }
0x173: {  	[tilespmem:v17+s22+$0x0] =	vst.idx.msk $0xffff, v13;
	v13 =	vadd.f32 v25, v9;
	v25 =	vadd.s32 v2, v12;
	v29 =	vld [tilespmem:s0+$0x70]  }
0x174: {  	v32 =	vadd.s32 v1, v26;
	v31 =	vld [tilespmem:s2+$0xFFFFFF90];
	[tilespmem:v16+s22+$0x0] =	vst.idx.msk $0xffff, v21;
	v14 =	vadd.f32 v19, v5  }
0x175: {  	v34 =	vadd.s32 v3, v7;
	v7 =	vmov v26;
	v33 =	vld [tilespmem:s2+$0xFFFFFFD0];
	[tilespmem:v15+s22+$0x0] =	vst.idx.msk $0xffff, v13;
	v13 =	vadd.f32 v20, v5  }
.Ltmp5:
0x176: {  	v22 =	vadd.s32 v1, v8;
	v17 =	vld [tilespmem:s2+$0x10];
	v15 =	vadd.f32 v18, v5;
	[tilespmem:v23+s22+$0x0] =	vst.idx.msk $0xffff, v14;
	(pc) =	sbr.rel @p0 .LBB2_13-.Ltmp5, $4  }
0x177: {  	v21 =	vadd.s32 v1, v28;
	v18 =	vadd.f32 v24, v6;
	v16 =	vld [tilespmem:s0+$0xFFFFFFF0];
	[tilespmem:v27+s22+$0x0] =	vst.idx.msk $0xffff, v13  }
0x178: {  	v14 =	vadd.s32 v1, v11;
	v13 =	vmov s5;
	[tilespmem:v25+s22+$0x0] =	vst.idx.msk $0xffff, v15;
	v15 =	vld [tilespmem:s0+$0x30];
	v27 =	vadd.f32 v29, v4  }
0x179: {  	s6 =	sadd.s32 $0x3, s5;
	v19 =	vadd.s32 v3, v10;
	v13 =	vand.u32 $0x7C, v13;
	v24 =	vadd.f32 v31, v6;
	[tilespmem:v32+s22+$0x0] =	vst.idx.msk $0xffff, v18;
	v18 =	vld [tilespmem:s0+$0xFFFFFFB0];
	s0 =	smov.u32 s2;
	s2 =	sadd.s32 $0x100, s2  }
0x17a: {  	v26 =	vmov s6;
	v10 =	vmovc v28;
	v20 =	vadd.s32 v3, v30;
	s5 =	sadd.s32 $0x4, s5;
	v23 =	vld [tilespmem:s2+$0x40];
	v25 =	vadd.f32 v33, v6;
	[tilespmem:v34+s22+$0x0] =	vst.idx.msk $0xffff, v27  }
0x17b: {  	s5 =	sadd.s32 $0x1, s15  }
0x17c: {  	v26 =	vand.u32 $0x7F, v26;
	s6 =	sadd.s32 $0x2, s15;
	v28 =	vld [tilespmem:s2+$0xFFFFFFC0];
	v27 =	vmov s5  }
0x17d: {  	v31 =	vld [tilespmem:s2+$0x0];
	v29 =	vadd.s32 v0, v26;
	v30 =	vmov s6;
	v27 =	vand.u32 $0x7D, v27  }
0x17e: {  	v32 =	vld [tilespmem:s2+$0xFFFFFF80];
	v30 =	vand.u32 $0x7E, v30;
	v33 =	vadd.s32 v0, v27  }
0x17f: {  	v34 =	vadd.s32 v0, v30  }
0x180: {  	[tilespmem:v22+s22+$0x0] =	vst.idx.msk $0xffff, v24;
	v44 =	vadd.s32 v0, v13;
	v23 =	vadd.f32 v23, v9  }
0x181: {  	[tilespmem:v21+s22+$0x0] =	vst.idx.msk $0xffff, v25;
	v45 =	vadd.f32 v28, v9  }
0x182: {  	v46 =	vadd.f32 v31, v9;
	[tilespmem:v29+s22+$0x0] =	vst.idx.msk $0xffff, v23  }
0x183: {  	v47 =	vadd.f32 v32, v9;
	v48 =	vld [tilespmem:s2+$0x50];
	[tilespmem:v33+s22+$0x0] =	vst.idx.msk $0xffff, v45  }
0x184: {  	v17 =	vadd.f32 v17, v6;
	v12 =	vadd.s32 v3, v12;
	[tilespmem:v34+s22+$0x0] =	vst.idx.msk $0xffff, v46;
	v21 =	vld [tilespmem:s2+$0xFFFFFFD0]  }
0x185: {  	v16 =	vadd.f32 v16, v4;
	v49 =	vadd.s32 v1, v26;
	[tilespmem:v44+s22+$0x0] =	vst.idx.msk $0xffff, v47;
	v50 =	vld [tilespmem:s2+$0x10]  }
0x186: {  	[tilespmem:v14+s22+$0x0] =	vst.idx.msk $0xffff, v17;
	v51 =	vadd.f32 v15, v4;
	v53 =	vadd.s32 v1, v27;
	v52 =	vld [tilespmem:s2+$0xFFFFFF90]  }
0x187: {  	v54 =	vld [tilespmem:s0+$0x60];
	v18 =	vadd.f32 v18, v4;
	[tilespmem:v19+s22+$0x0] =	vst.idx.msk $0xffff, v16;
	v55 =	vadd.s32 v1, v30  }
0x188: {  	v57 =	vadd.s32 v1, v13;
	v60 =	vld [tilespmem:s0+$0x20];
	[tilespmem:v20+s22+$0x0] =	vst.idx.msk $0xffff, v51;
	v58 =	vadd.f32 v48, v6  }
0x189: {  	v59 =	vadd.s32 v2, v7;
	v56 =	vld [tilespmem:s0+$0xFFFFFFE0];
	[tilespmem:v12+s22+$0x0] =	vst.idx.msk $0xffff, v18;
	v61 =	vadd.f32 v21, v6  }
0x18a: {  	v62 =	vld [tilespmem:s0+$0xFFFFFFA0];
	v29 =	vadd.s32 v2, v11;
	[tilespmem:v49+s22+$0x0] =	vst.idx.msk $0xffff, v58;
	v28 =	vadd.f32 v50, v6  }
0x18b: {  	v63 =	vadd.s32 v2, v10;
	v31 =	vadd.f32 v52, v6;
	v32 =	vld [tilespmem:s2+$0x60];
	[tilespmem:v53+s22+$0x0] =	vst.idx.msk $0xffff, v61  }
0x18c: {  	v33 =	vadd.f32 v54, v5;
	v34 =	vadd.s32 v2, v8;
	[tilespmem:v55+s22+$0x0] =	vst.idx.msk $0xffff, v28;
	v35 =	vld [tilespmem:s2+$0xFFFFFFE0]  }
0x18d: {  	v37 =	vadd.s32 v2, v26;
	v39 =	vadd.f32 v60, v5;
	[tilespmem:v57+s22+$0x0] =	vst.idx.msk $0xffff, v31;
	v38 =	vld [tilespmem:s2+$0x20]  }
0x18e: {  	v41 =	vadd.s32 v2, v27;
	v36 =	vadd.f32 v56, v5;
	[tilespmem:v59+s22+$0x0] =	vst.idx.msk $0xffff, v33;
	v40 =	vld [tilespmem:s2+$0xFFFFFFA0]  }
0x18f: {  	v43 =	vadd.s32 v2, v30;
	v18 =	vadd.f32 v62, v5;
	v42 =	vld [tilespmem:s0+$0x70];
	[tilespmem:v29+s22+$0x0] =	vst.idx.msk $0xffff, v39  }
0x190: {  	v45 =	vadd.s32 v2, v13;
	[tilespmem:v63+s22+$0x0] =	vst.idx.msk $0xffff, v36;
	v47 =	vld [tilespmem:s0+$0x30];
	v44 =	vadd.f32 v32, v5  }
0x191: {  	v46 =	vadd.s32 v3, v7;
	[tilespmem:v34+s22+$0x0] =	vst.idx.msk $0xffff, v18;
	v21 =	vld [tilespmem:s0+$0xFFFFFFF0];
	v9 =	vadd.f32 v35, v5  }
0x192: {  	v18 =	vld [tilespmem:s0+$0xFFFFFFB0];
	v50 =	vadd.s32 v3, v11;
	[tilespmem:v37+s22+$0x0] =	vst.idx.msk $0xffff, v44;
	v49 =	vadd.f32 v38, v5  }
0x193: {  	v48 =	vadd.s32 v3, v10;
	v5 =	vadd.f32 v40, v5;
	v12 =	vld [tilespmem:s2+$0x70];
	[tilespmem:v41+s22+$0x0] =	vst.idx.msk $0xffff, v9  }
0x194: {  	v52 =	vadd.s32 v3, v8;
	v51 =	vadd.f32 v42, v4;
	[tilespmem:v43+s22+$0x0] =	vst.idx.msk $0xffff, v49;
	v53 =	vld [tilespmem:s2+$0xFFFFFFF0]  }
0x195: {  	v55 =	vadd.s32 v3, v26;
	v56 =	vadd.f32 v47, v4;
	[tilespmem:v45+s22+$0x0] =	vst.idx.msk $0xffff, v5;
	v5 =	vld [tilespmem:s2+$0x30]  }
0x196: {  	v58 =	vadd.s32 v3, v27;
	[tilespmem:v46+s22+$0x0] =	vst.idx.msk $0xffff, v51;
	v54 =	vadd.f32 v21, v4;
	v57 =	vld [tilespmem:s2+$0xFFFFFFB0]  }
0x197: {  	v60 =	vadd.s32 v3, v30;
	v59 =	vadd.f32 v18, v4;
	[tilespmem:v50+s22+$0x0] =	vst.idx.msk $0xffff, v56  }
0x198: {  	v62 =	vadd.s32 v3, v13;
	[tilespmem:v48+s22+$0x0] =	vst.idx.msk $0xffff, v54;
	v61 =	vadd.f32 v12, v4  }
0x199: {  	[tilespmem:v52+s22+$0x0] =	vst.idx.msk $0xffff, v59;
	v63 =	vadd.f32 v53, v4  }
0x19a: {  	s8 =	sshll.u32 s30, $0x15;
	[tilespmem:v55+s22+$0x0] =	vst.idx.msk $0xffff, v61;
	v5 =	vadd.f32 v5, v4  }
0x19b: {  	s0 =	sor.u32 s9, s8;
	v4 =	vadd.f32 v57, v4;
	[tilespmem:v58+s22+$0x0] =	vst.idx.msk $0xffff, v63  }
0x19c: {  	s0 =	sshrl.u32 s0, $0x3;
	[tilespmem:v60+s22+$0x0] =	vst.idx.msk $0xffff, v5  }
0x19d: {  	s15 =	simm.s32 $0x5900;
	s2 =	sadd.s32 s1, s0;
	[tilespmem:v62+s22+$0x0] =	vst.idx.msk $0xffff, v4  }
0x19e: {  	[hbm4b:s2+s3] =	stream.linear.scatter [tilespmem:s15], [sflag:$0x3], $0x80, $0x38;
	[tilespmem:$0xAB00] =	vst v63  }
0x19f: {  	s5 =	simm.s32 $0x5988;
	s6 =	sadd.s32 $0x10, s2  }
0x1a0: {  	[hbm4b:s6+s3] =	stream.linear.scatter [tilespmem:s5], [sflag:$0x3], $0x80, $0x38;
	[tilespmem:$0xAB00] =	vst v63  }
0x1a1: {  	s8 =	simm.s32 $0x5A10;
	s15 =	sadd.s32 $0x20, s2  }
0x1a2: {  	[hbm4b:s15+s3] =	stream.linear.scatter [tilespmem:s8], [sflag:$0x3], $0x80, $0x38;
	[tilespmem:$0xAB00] =	vst v63  }
0x1a3: {  	s5 =	simm.s32 $0x5A98;
	s6 =	sadd.s32 $0x30, s2  }
0x1a4: {  	[hbm4b:s6+s3] =	stream.linear.scatter [tilespmem:s5], [sflag:$0x3], $0x80, $0x38;
	[tilespmem:$0xAB00] =	vst v63  }
0x1a5: {  	s8 =	simm.s32 $0x5B20;
	s15 =	sadd.s32 $0x40, s2  }
0x1a6: {  	[hbm4b:s15+s3] =	stream.linear.scatter [tilespmem:s8], [sflag:$0x3], $0x80, $0x38;
	[tilespmem:$0xAB00] =	vst v63  }
0x1a7: {  	s0 =	simm.s32 $0x440;
	s5 =	simm.s32 $0x5BA8;
	s6 =	sadd.s32 $0x50, s2  }
0x1a8: {  	[hbm4b:s6+s3] =	stream.linear.scatter [tilespmem:s5], [sflag:$0x3], $0x80, $0x38;
	[tilespmem:$0xAB00] =	vst v63  }
0x1a9: {  	s8 =	simm.s32 $0x5C30;
	s15 =	sadd.s32 $0x60, s2;
	s5 =	simm.s32 $0x2200  }
0x1aa: {  	[hbm4b:s15+s3] =	stream.linear.scatter [tilespmem:s8], [sflag:$0x3], $0x80, $0x38;
	[tilespmem:$0xAB00] =	vst v63  }
0x1ab: {  	s6 =	sadd.s32 $0x70, s2;
	s2 =	sadd.s32 $0x4000, s2;
	s15 =	simm.s32 $0x5CB8  }
.LBB2_15:
0x1ac: {  	[hbm4b:s6+s3] =	stream.linear.scatter [tilespmem:s15], [sflag:$0x3], $0x80, $0x38;
	[tilespmem:$0xAB00] =	vst v63  }
0x1ad: {  	s6 =	smov.u32 s0;
	s0 =	smov.u32 s5  }
0x1ae: {  	s8 =	sadd.s32 $0x1100, s5;
	s0 =	sshra.s32 s0, $0x2;
	s15 =	sadd.s32 $0x5900, s6  }
0x1af: {  	[hbm4b:s2+s3] =	stream.linear.scatter [tilespmem:s15], [sflag:$0x3], $0x80, $0x38;
	[tilespmem:$0xAB00] =	vst v63  }
0x1b0: {  	p0 =	sne.s32 s5, $0x7700;
	s5 =	sadd.s32 $0x5988, s6;
	s15 =	sadd.s32 $0x10, s2  }
0x1b1: {  	[hbm4b:s15+s3] =	stream.linear.scatter [tilespmem:s5], [sflag:$0x3], $0x80, $0x38;
	[tilespmem:$0xAB00] =	vst v63  }
0x1b2: {  	s5 =	sadd.s32 $0x5A10, s6;
	s15 =	sadd.s32 $0x20, s2  }
0x1b3: {  	[hbm4b:s15+s3] =	stream.linear.scatter [tilespmem:s5], [sflag:$0x3], $0x80, $0x38;
	[tilespmem:$0xAB00] =	vst v63  }
0x1b4: {  	s5 =	sadd.s32 $0x5A98, s6;
	s15 =	sadd.s32 $0x30, s2  }
0x1b5: {  	[hbm4b:s15+s3] =	stream.linear.scatter [tilespmem:s5], [sflag:$0x3], $0x80, $0x38;
	[tilespmem:$0xAB00] =	vst v63  }
0x1b6: {  	s5 =	sadd.s32 $0x5B20, s6;
	s15 =	sadd.s32 $0x40, s2  }
0x1b7: {  	[hbm4b:s15+s3] =	stream.linear.scatter [tilespmem:s5], [sflag:$0x3], $0x80, $0x38;
	[tilespmem:$0xAB00] =	vst v63  }
0x1b8: {  	s5 =	sadd.s32 $0x5BA8, s6;
	s15 =	sadd.s32 $0x50, s2  }
0x1b9: {  	[hbm4b:s15+s3] =	stream.linear.scatter [tilespmem:s5], [sflag:$0x3], $0x80, $0x38;
	[tilespmem:$0xAB00] =	vst v63  }
.Ltmp6:
0x1ba: {  	_ = 	snop;
	(pc) =	sbr.rel @p0 .LBB2_15-.Ltmp6, $4  }
0x1bb: {  	s5 =	sadd.s32 $0x5C30, s6;
	s15 =	sadd.s32 $0x60, s2  }
0x1bc: {  	[hbm4b:s15+s3] =	stream.linear.scatter [tilespmem:s5], [sflag:$0x3], $0x80, $0x38;
	[tilespmem:$0xAB00] =	vst v63  }
0x1bd: {  	s15 =	sadd.s32 $0x5CB8, s6  }
0x1be: {  	s6 =	sadd.s32 $0x70, s2;
	s2 =	sadd.s32 $0x4000, s2;
	s5 =	smov.u32 s8  }
0x1bf: {  	[hbm4b:s6+s3] =	stream.linear.scatter [tilespmem:s15], [sflag:$0x3], $0x80, $0x38;
	[tilespmem:$0xAB00] =	vst v63  }
0x1c0: {  	s5 =	sadd.s32 $0x5900, s0  }
0x1c1: {  	[hbm4b:s2+s3] =	stream.linear.scatter [tilespmem:s5], [sflag:$0x3], $0x80, $0x38;
	[tilespmem:$0xAB00] =	vst v63  }
0x1c2: {  	s8 =	sadd.s32 $0x5988, s0;
	s15 =	sadd.s32 $0x10, s2  }
0x1c3: {  	[hbm4b:s15+s3] =	stream.linear.scatter [tilespmem:s8], [sflag:$0x3], $0x80, $0x38;
	[tilespmem:$0xAB00] =	vst v63  }
0x1c4: {  	s8 =	sadd.s32 $0x5A10, s0;
	s15 =	sadd.s32 $0x20, s2  }
0x1c5: {  	[hbm4b:s15+s3] =	stream.linear.scatter [tilespmem:s8], [sflag:$0x3], $0x80, $0x38;
	[tilespmem:$0xAB00] =	vst v63  }
0x1c6: {  	s8 =	sadd.s32 $0x5A98, s0;
	s15 =	sadd.s32 $0x30, s2  }
0x1c7: {  	[hbm4b:s15+s3] =	stream.linear.scatter [tilespmem:s8], [sflag:$0x3], $0x80, $0x38;
	[tilespmem:$0xAB00] =	vst v63  }
0x1c8: {  	s8 =	sadd.s32 $0x5B20, s0;
	s15 =	sadd.s32 $0x40, s2  }
0x1c9: {  	[hbm4b:s15+s3] =	stream.linear.scatter [tilespmem:s8], [sflag:$0x3], $0x80, $0x38;
	[tilespmem:$0xAB00] =	vst v63  }
0x1ca: {  	s8 =	sadd.s32 $0x5BA8, s0;
	s15 =	sadd.s32 $0x50, s2  }
0x1cb: {  	[hbm4b:s15+s3] =	stream.linear.scatter [tilespmem:s8], [sflag:$0x3], $0x80, $0x38;
	[tilespmem:$0xAB00] =	vst v63  }
0x1cc: {  	p0 =	seq.s32 s30, $0x18;
	s8 =	sadd.s32 $0x5C30, s0;
	s15 =	sadd.s32 $0x60, s2  }
0x1cd: {  	[hbm4b:s15+s3] =	stream.linear.scatter [tilespmem:s8], [sflag:$0x3], $0x80, $0x38;
	[tilespmem:$0xAB00] =	vst v63  }
0x1ce: {  	s6 =	sadd.s32 $0x70, s2;
	s5 =	sadd.s32 $0x5CB8, s0;
	s0 =	simm.s32 @!p0 $0x3  }
0x1cf: {  	[hbm4b:s6+s3] =	stream.linear.scatter [tilespmem:s5], [sflag:$0x3], $0x80, $0x38;
	[tilespmem:$0xAB00] =	vst v63  }
0x1d0: {  	_ =	swait.ge @!p0 [sflag:s0], $0x2000  }
0x1d1: {  	s2 =	sshll.u32 @!p0 s30, $0x8;
	[sflag:s0] =	ssyncset.done @!p0 $0x0  }
0x1d2: {  	[sflag:s0] =	ssyncadd.s32 @!p0 $0xFFFFE000;
	s0 =	sand.u32 @!p0 $0x3FFFFF00, s2  }
0x1d3: {  	s5 =	simm.s32 @!p0 $0x1900;
	s2 =	simm.s32 @!p0 $0x80;
	s0 =	sadd.s32 @!p0 $0x100, s0  }
0x1d4: {  	[tilespmem:s5], [sflag:$0x1] =	stream.indirect.gather @!p0 [hbm4b:s4+s2], $0x40, s0, s2, $0xb8;
	[tilespmem:$0xAB00] =	vst v63  }
0x1d5: {  	_ =	swait.ge [sflag:s23], $0x2000  }
0x1d6: {  	s8 =	sshll.u32 s31, $0x6;
	[sflag:s23] =	ssyncset.done $0x0  }
0x1d7: {  	s0 =	sand.u32 $0x3FFFFFC0, s8;
	[sflag:s23] =	ssyncadd.s32 $0xFFFFE000  }
0x1d8: {  	s15 =	simm.s32 $0x3;
	s5 =	simm.s32 $0x39F0;
	v9 =	vld [tilespmem:s0+$0x9D00]  }
0x1d9: {  	v4 =	vmov s15;
	v7 =	vld [tilespmem:s5+$0xFFFFFFD0]  }
0x1da: {  	v13 =	vand.u32 $0x7F, v4  }
0x1db: {  	s6 =	simm.s32 $0x0;
	v8 =	vadd.s32 v0, v13;
	v6 =	vld [tilespmem:s0+$0x9D10]  }
0x1dc: {  	s15 =	simm.s32 $0x2;
	v4 =	vmov s6;
	s8 =	simm.s32 $0x1;
	v10 =	vld [tilespmem:s5+$0xFFFFFF10]  }
0x1dd: {  	v14 =	vmov s15;
	v12 =	vand.u32 $0x7C, v4;
	v4 =	vmov s8;
	v11 =	vld [tilespmem:s5+$0xFFFFFF50]  }
0x1de: {  	v15 =	vadd.s32 v0, v12;
	v19 =	vand.u32 $0x7D, v4;
	v16 =	vld [tilespmem:s5+$0xFFFFFF90];
	v7 =	vadd.f32 v7, v9  }
0x1df: {  	v20 =	vand.u32 $0x7E, v14;
	v17 =	vadd.s32 v0, v19;
	v5 =	vld [tilespmem:s0+$0x9D20]  }
0x1e0: {  	v14 =	vadd.s32 v0, v20;
	v4 =	vld [tilespmem:s0+$0x9D30];
	[tilespmem:v8+s24+$0x0] =	vst.idx.msk $0xffff, v7  }
0x1e1: {  	v7 =	vadd.f32 v10, v9;
	v8 =	vld [tilespmem:s5+$0xFFFFFFE0]  }
0x1e2: {  	v10 =	vadd.f32 v11, v9  }
0x1e3: {  	v11 =	vadd.s32 v1, v13;
	[tilespmem:v15+s24+$0x0] =	vst.idx.msk $0xffff, v7;
	v7 =	vadd.f32 v16, v9  }
0x1e4: {  	[tilespmem:v17+s24+$0x0] =	vst.idx.msk $0xffff, v10;
	v15 =	vld [tilespmem:s5+$0xFFFFFF20]  }
0x1e5: {  	v10 =	vld [tilespmem:s5+$0xFFFFFF60];
	[tilespmem:v14+s24+$0x0] =	vst.idx.msk $0xffff, v7  }
0x1e6: {  	v14 =	vld [tilespmem:s5+$0xFFFFFFA0];
	v7 =	vadd.f32 v8, v6  }
0x1e7: {  	s8 =	simm.s32 $0x7;
	s0 =	simm.s32 $0x3AF0;
	v16 =	vadd.s32 v1, v19  }
0x1e8: {  	s6 =	simm.s32 $0x4;
	v26 =	vadd.s32 v2, v13;
	v18 =	vld [tilespmem:s0+$0xFFFFFFD0];
	v17 =	vadd.s32 v1, v20;
	[tilespmem:v11+s24+$0x0] =	vst.idx.msk $0xffff, v7;
	v7 =	vmov s8  }
0x1e9: {  	v21 =	vadd.s32 v1, v12;
	v8 =	vmov s6;
	v7 =	vand.u32 $0x7F, v7;
	v22 =	vld [tilespmem:s5+$0xFFFFFFF0]  }
0x1ea: {  	s15 =	simm.s32 $0x5;
	v23 =	vld [tilespmem:s0+$0xFFFFFF10];
	v8 =	vand.u32 $0x7C, v8;
	v10 =	vadd.f32 v10, v6;
	v24 =	vadd.s32 v0, v7  }
0x1eb: {  	v25 =	vld [tilespmem:s0+$0xFFFFFF50];
	s6 =	simm.s32 $0x6;
	v15 =	vadd.f32 v15, v6;
	v11 =	vadd.f32 v14, v6;
	v14 =	vmov s15  }
0x1ec: {  	v27 =	vadd.s32 v0, v8;
	[tilespmem:v16+s24+$0x0] =	vst.idx.msk $0xffff, v10;
	v16 =	vmov s6;
	v10 =	vand.u32 $0x7D, v14;
	v14 =	vld [tilespmem:s0+$0xFFFFFF90]  }
0x1ed: {  	[tilespmem:v17+s24+$0x0] =	vst.idx.msk $0xffff, v11;
	v17 =	vadd.s32 v0, v10;
	v11 =	vand.u32 $0x7E, v16;
	v16 =	vadd.f32 v18, v9;
	v18 =	vld [tilespmem:s5+$0xFFFFFF70]  }
0x1ee: {  	[tilespmem:v21+s24+$0x0] =	vst.idx.msk $0xffff, v15;
	v15 =	vadd.s32 v0, v11;
	v21 =	vld [tilespmem:s5+$0xFFFFFFB0];
	v22 =	vadd.f32 v22, v5  }
0x1ef: {  	v23 =	vadd.f32 v23, v9;
	[tilespmem:v24+s24+$0x0] =	vst.idx.msk $0xffff, v16;
	v16 =	vld [tilespmem:s5+$0xFFFFFF30];
	v24 =	vadd.s32 v2, v19  }
0x1f0: {  	v29 =	vadd.s32 v2, v20;
	v25 =	vadd.f32 v25, v9;
	v28 =	vld [tilespmem:s0+$0xFFFFFFE0];
	[tilespmem:v26+s24+$0x0] =	vst.idx.msk $0xffff, v22  }
0x1f1: {  	[tilespmem:v27+s24+$0x0] =	vst.idx.msk $0xffff, v23;
	v23 =	vadd.s32 v2, v12;
	v14 =	vadd.f32 v14, v9;
	v26 =	vld [tilespmem:s5+$0x0]  }
0x1f2: {  	v27 =	vld [tilespmem:s0+$0xFFFFFF20];
	[tilespmem:v17+s24+$0x0] =	vst.idx.msk $0xffff, v25;
	v25 =	vadd.s32 v1, v7;
	v18 =	vadd.f32 v18, v5  }
0x1f3: {  	v31 =	vadd.s32 v3, v13;
	v30 =	vld [tilespmem:s0+$0xFFFFFF60];
	[tilespmem:v15+s24+$0x0] =	vst.idx.msk $0xffff, v14;
	v14 =	vadd.f32 v21, v5  }
0x1f4: {  	v22 =	vadd.s32 v1, v8;
	v17 =	vld [tilespmem:s0+$0xFFFFFFA0];
	v13 =	vadd.f32 v16, v5;
	[tilespmem:v24+s24+$0x0] =	vst.idx.msk $0xffff, v18  }
0x1f5: {  	s15 =	simm.s32 $0x8;
	v21 =	vadd.s32 v1, v10;
	[tilespmem:v29+s24+$0x0] =	vst.idx.msk $0xffff, v14;
	v18 =	vadd.f32 v28, v6;
	v16 =	vld [tilespmem:s5+$0xFFFFFF80]  }
0x1f6: {  	v24 =	vmov s15;
	v14 =	vadd.s32 v1, v11;
	v15 =	vld [tilespmem:s5+$0xFFFFFFC0];
	[tilespmem:v23+s24+$0x0] =	vst.idx.msk $0xffff, v13;
	v63 =	vadd.f32 v26, v4  }
0x1f7: {  	s2 =	simm.s32 $0x3BF0;
	s8 =	simm.s32 $0xB;
	v19 =	vadd.s32 v3, v19;
	v13 =	vand.u32 $0x7C, v24;
	v24 =	vadd.f32 v27, v6;
	[tilespmem:v25+s24+$0x0] =	vst.idx.msk $0xffff, v18;
	v18 =	vld [tilespmem:s5+$0xFFFFFF40]  }
0x1f8: {  	v20 =	vadd.s32 v3, v20;
	v26 =	vmov s8;
	v23 =	vld [tilespmem:s2+$0xFFFFFFD0];
	s5 =	simm.s32 $0xC;
	v25 =	vadd.f32 v30, v6;
	[tilespmem:v31+s24+$0x0] =	vst.idx.msk $0xffff, v63  }
.LBB2_17:
0x1f9: {  	p0 =	slt.u32 s5, $0x7C;
	s6 =	sadd.s32 $0x1, s15;
	v26 =	vand.u32 $0x7F, v26;
	[tilespmem:v22+s24+$0x0] =	vst.idx.msk $0xffff, v24;
	v17 =	vadd.f32 v17, v6;
	v22 =	vld [tilespmem:s0+$0xFFFFFFF0];
	v24 =	vadd.s32 v3, v12  }
0x1fa: {  	v30 =	vmovc v11;
	v27 =	vld [tilespmem:s2+$0xFFFFFF10];
	v28 =	vmov s6;
	s6 =	sadd.s32 $0x2, s15;
	v29 =	vadd.s32 v0, v26;
	[tilespmem:v21+s24+$0x0] =	vst.idx.msk $0xffff, v25;
	v16 =	vadd.f32 v16, v4;
	s15 =	smov.u32 s5  }
0x1fb: {  	v12 =	vmovc v8;
	v21 =	vld [tilespmem:s2+$0xFFFFFF50];
	v11 =	vmov s6;
	[tilespmem:v14+s24+$0x0] =	vst.idx.msk $0xffff, v17;
	v14 =	vadd.s32 v2, v7;
	v15 =	vadd.f32 v15, v4  }
0x1fc: {  	v17 =	vadd.s32 v0, v13;
	v28 =	vand.u32 $0x7D, v28;
	v25 =	vld [tilespmem:s2+$0xFFFFFF90];
	v31 =	vadd.f32 v18, v4;
	[tilespmem:v19+s24+$0x0] =	vst.idx.msk $0xffff, v16  }
0x1fd: {  	v16 =	vadd.s32 v0, v28;
	v11 =	vand.u32 $0x7E, v11;
	v18 =	vadd.f32 v23, v9;
	v19 =	vld [tilespmem:s0+$0xFFFFFF70];
	[tilespmem:v20+s24+$0x0] =	vst.idx.msk $0xffff, v15  }
0x1fe: {  	v8 =	vmov v13;
	v15 =	vadd.s32 v0, v11;
	v20 =	vld [tilespmem:s0+$0xFFFFFFB0];
	v22 =	vadd.f32 v22, v5;
	[tilespmem:v24+s24+$0x0] =	vst.idx.msk $0xffff, v31  }
0x1ff: {  	v23 =	vadd.s32 v2, v10;
	v13 =	vadd.f32 v27, v9;
	[tilespmem:v29+s24+$0x0] =	vst.idx.msk $0xffff, v18;
	v18 =	vld [tilespmem:s0+$0xFFFFFF30]  }
0x200: {  	v27 =	vadd.s32 v2, v30;
	v21 =	vadd.f32 v21, v9;
	v24 =	vld [tilespmem:s2+$0xFFFFFFE0];
	[tilespmem:v14+s24+$0x0] =	vst.idx.msk $0xffff, v22  }
0x201: {  	[tilespmem:v17+s24+$0x0] =	vst.idx.msk $0xffff, v13;
	v13 =	vadd.f32 v25, v9;
	v25 =	vadd.s32 v2, v12;
	v29 =	vld [tilespmem:s0+$0x0]  }
0x202: {  	v32 =	vadd.s32 v1, v26;
	v31 =	vld [tilespmem:s2+$0xFFFFFF20];
	[tilespmem:v16+s24+$0x0] =	vst.idx.msk $0xffff, v21;
	v14 =	vadd.f32 v19, v5  }
0x203: {  	v34 =	vadd.s32 v3, v7;
	v7 =	vmov v26;
	v33 =	vld [tilespmem:s2+$0xFFFFFF60];
	[tilespmem:v15+s24+$0x0] =	vst.idx.msk $0xffff, v13;
	v13 =	vadd.f32 v20, v5  }
.Ltmp7:
0x204: {  	v22 =	vadd.s32 v1, v8;
	v17 =	vld [tilespmem:s2+$0xFFFFFFA0];
	v15 =	vadd.f32 v18, v5;
	[tilespmem:v23+s24+$0x0] =	vst.idx.msk $0xffff, v14;
	(pc) =	sbr.rel @p0 .LBB2_17-.Ltmp7, $4  }
0x205: {  	v21 =	vadd.s32 v1, v28;
	v18 =	vadd.f32 v24, v6;
	v16 =	vld [tilespmem:s0+$0xFFFFFF80];
	[tilespmem:v27+s24+$0x0] =	vst.idx.msk $0xffff, v13  }
0x206: {  	v14 =	vadd.s32 v1, v11;
	v13 =	vmov s5;
	[tilespmem:v25+s24+$0x0] =	vst.idx.msk $0xffff, v15;
	v15 =	vld [tilespmem:s0+$0xFFFFFFC0];
	v27 =	vadd.f32 v29, v4  }
0x207: {  	s6 =	sadd.s32 $0x3, s5;
	v19 =	vadd.s32 v3, v10;
	v13 =	vand.u32 $0x7C, v13;
	v24 =	vadd.f32 v31, v6;
	[tilespmem:v32+s24+$0x0] =	vst.idx.msk $0xffff, v18;
	v18 =	vld [tilespmem:s0+$0xFFFFFF40];
	s0 =	smov.u32 s2;
	s2 =	sadd.s32 $0x100, s2  }
0x208: {  	v26 =	vmov s6;
	v10 =	vmovc v28;
	v20 =	vadd.s32 v3, v30;
	s5 =	sadd.s32 $0x4, s5;
	v23 =	vld [tilespmem:s2+$0xFFFFFFD0];
	v25 =	vadd.f32 v33, v6;
	[tilespmem:v34+s24+$0x0] =	vst.idx.msk $0xffff, v27  }
0x209: {  	s5 =	sadd.s32 $0x1, s15  }
0x20a: {  	v26 =	vand.u32 $0x7F, v26;
	s15 =	sadd.s32 $0x2, s15;
	v28 =	vld [tilespmem:s2+$0xFFFFFF50];
	v27 =	vmov s5  }
0x20b: {  	v31 =	vld [tilespmem:s2+$0xFFFFFF90];
	v29 =	vadd.s32 v0, v26;
	v30 =	vmov s15;
	v27 =	vand.u32 $0x7D, v27  }
0x20c: {  	v32 =	vld [tilespmem:s2+$0xFFFFFF10];
	v30 =	vand.u32 $0x7E, v30;
	v33 =	vadd.s32 v0, v27  }
0x20d: {  	v34 =	vadd.s32 v0, v30  }
0x20e: {  	[tilespmem:v22+s24+$0x0] =	vst.idx.msk $0xffff, v24;
	v44 =	vadd.s32 v0, v13;
	v23 =	vadd.f32 v23, v9  }
0x20f: {  	[tilespmem:v21+s24+$0x0] =	vst.idx.msk $0xffff, v25;
	v45 =	vadd.f32 v28, v9  }
0x210: {  	v46 =	vadd.f32 v31, v9;
	[tilespmem:v29+s24+$0x0] =	vst.idx.msk $0xffff, v23  }
0x211: {  	v47 =	vadd.f32 v32, v9;
	v48 =	vld [tilespmem:s2+$0xFFFFFFE0];
	[tilespmem:v33+s24+$0x0] =	vst.idx.msk $0xffff, v45  }
0x212: {  	v17 =	vadd.f32 v17, v6;
	v12 =	vadd.s32 v3, v12;
	[tilespmem:v34+s24+$0x0] =	vst.idx.msk $0xffff, v46;
	v21 =	vld [tilespmem:s2+$0xFFFFFF60]  }
0x213: {  	v16 =	vadd.f32 v16, v4;
	v49 =	vadd.s32 v1, v26;
	[tilespmem:v44+s24+$0x0] =	vst.idx.msk $0xffff, v47;
	v50 =	vld [tilespmem:s2+$0xFFFFFFA0]  }
0x214: {  	[tilespmem:v14+s24+$0x0] =	vst.idx.msk $0xffff, v17;
	v51 =	vadd.f32 v15, v4;
	v53 =	vadd.s32 v1, v27;
	v52 =	vld [tilespmem:s2+$0xFFFFFF20]  }
0x215: {  	v54 =	vld [tilespmem:s0+$0xFFFFFFF0];
	v18 =	vadd.f32 v18, v4;
	[tilespmem:v19+s24+$0x0] =	vst.idx.msk $0xffff, v16;
	v55 =	vadd.s32 v1, v30  }
0x216: {  	v57 =	vadd.s32 v1, v13;
	v60 =	vld [tilespmem:s0+$0xFFFFFFB0];
	[tilespmem:v20+s24+$0x0] =	vst.idx.msk $0xffff, v51;
	v58 =	vadd.f32 v48, v6  }
0x217: {  	v59 =	vadd.s32 v2, v7;
	v56 =	vld [tilespmem:s0+$0xFFFFFF70];
	[tilespmem:v12+s24+$0x0] =	vst.idx.msk $0xffff, v18;
	v61 =	vadd.f32 v21, v6  }
0x218: {  	v62 =	vld [tilespmem:s0+$0xFFFFFF30];
	v29 =	vadd.s32 v2, v11;
	[tilespmem:v49+s24+$0x0] =	vst.idx.msk $0xffff, v58;
	v28 =	vadd.f32 v50, v6  }
0x219: {  	v63 =	vadd.s32 v2, v10;
	v31 =	vadd.f32 v52, v6;
	v32 =	vld [tilespmem:s2+$0xFFFFFFF0];
	[tilespmem:v53+s24+$0x0] =	vst.idx.msk $0xffff, v61  }
0x21a: {  	v33 =	vadd.f32 v54, v5;
	v34 =	vadd.s32 v2, v8;
	[tilespmem:v55+s24+$0x0] =	vst.idx.msk $0xffff, v28;
	v35 =	vld [tilespmem:s2+$0xFFFFFF70]  }
0x21b: {  	v37 =	vadd.s32 v2, v26;
	v39 =	vadd.f32 v60, v5;
	[tilespmem:v57+s24+$0x0] =	vst.idx.msk $0xffff, v31;
	v38 =	vld [tilespmem:s2+$0xFFFFFFB0]  }
0x21c: {  	v41 =	vadd.s32 v2, v27;
	v36 =	vadd.f32 v56, v5;
	[tilespmem:v59+s24+$0x0] =	vst.idx.msk $0xffff, v33;
	v40 =	vld [tilespmem:s2+$0xFFFFFF30]  }
0x21d: {  	v43 =	vadd.s32 v2, v30;
	v18 =	vadd.f32 v62, v5;
	v42 =	vld [tilespmem:s0+$0x0];
	[tilespmem:v29+s24+$0x0] =	vst.idx.msk $0xffff, v39  }
0x21e: {  	v45 =	vadd.s32 v2, v13;
	[tilespmem:v63+s24+$0x0] =	vst.idx.msk $0xffff, v36;
	v47 =	vld [tilespmem:s0+$0xFFFFFFC0];
	v44 =	vadd.f32 v32, v5  }
0x21f: {  	v46 =	vadd.s32 v3, v7;
	[tilespmem:v34+s24+$0x0] =	vst.idx.msk $0xffff, v18;
	v21 =	vld [tilespmem:s0+$0xFFFFFF80];
	v9 =	vadd.f32 v35, v5  }
0x220: {  	v18 =	vld [tilespmem:s0+$0xFFFFFF40];
	v50 =	vadd.s32 v3, v11;
	[tilespmem:v37+s24+$0x0] =	vst.idx.msk $0xffff, v44;
	v49 =	vadd.f32 v38, v5  }
0x221: {  	v48 =	vadd.s32 v3, v10;
	v5 =	vadd.f32 v40, v5;
	v12 =	vld [tilespmem:s2+$0x0];
	[tilespmem:v41+s24+$0x0] =	vst.idx.msk $0xffff, v9  }
0x222: {  	v52 =	vadd.s32 v3, v8;
	v51 =	vadd.f32 v42, v4;
	[tilespmem:v43+s24+$0x0] =	vst.idx.msk $0xffff, v49;
	v53 =	vld [tilespmem:s2+$0xFFFFFF80]  }
0x223: {  	v55 =	vadd.s32 v3, v26;
	v56 =	vadd.f32 v47, v4;
	[tilespmem:v45+s24+$0x0] =	vst.idx.msk $0xffff, v5;
	v5 =	vld [tilespmem:s2+$0xFFFFFFC0]  }
0x224: {  	v58 =	vadd.s32 v3, v27;
	[tilespmem:v46+s24+$0x0] =	vst.idx.msk $0xffff, v51;
	v54 =	vadd.f32 v21, v4;
	v57 =	vld [tilespmem:s2+$0xFFFFFF40]  }
0x225: {  	v60 =	vadd.s32 v3, v30;
	v59 =	vadd.f32 v18, v4;
	[tilespmem:v50+s24+$0x0] =	vst.idx.msk $0xffff, v56  }
0x226: {  	v62 =	vadd.s32 v3, v13;
	[tilespmem:v48+s24+$0x0] =	vst.idx.msk $0xffff, v54;
	v61 =	vadd.f32 v12, v4  }
0x227: {  	[tilespmem:v52+s24+$0x0] =	vst.idx.msk $0xffff, v59;
	v63 =	vadd.f32 v53, v4  }
0x228: {  	s2 =	sshll.u32 s31, $0x14;
	[tilespmem:v55+s24+$0x0] =	vst.idx.msk $0xffff, v61;
	v5 =	vadd.f32 v5, v4  }
0x229: {  	s0 =	sor.u32 s9, s2;
	v4 =	vadd.f32 v57, v4;
	[tilespmem:v58+s24+$0x0] =	vst.idx.msk $0xffff, v63  }
0x22a: {  	s0 =	sshrl.u32 s0, $0x3;
	[tilespmem:v60+s24+$0x0] =	vst.idx.msk $0xffff, v5  }
0x22b: {  	s5 =	simm.s32 $0x7B00;
	s2 =	sadd.s32 s1, s0;
	[tilespmem:v62+s24+$0x0] =	vst.idx.msk $0xffff, v4  }
0x22c: {  	[hbm4b:s2+s3] =	stream.linear.scatter [tilespmem:s5], [sflag:$0x4], $0x80, $0x38;
	[tilespmem:$0xAB00] =	vst v63  }
0x22d: {  	s6 =	simm.s32 $0x7B88;
	s8 =	sadd.s32 $0x10, s2  }
0x22e: {  	[hbm4b:s8+s3] =	stream.linear.scatter [tilespmem:s6], [sflag:$0x4], $0x80, $0x38;
	[tilespmem:$0xAB00] =	vst v63  }
0x22f: {  	s15 =	simm.s32 $0x7C10;
	s31 =	sadd.s32 $0x20, s2  }
0x230: {  	[hbm4b:s31+s3] =	stream.linear.scatter [tilespmem:s15], [sflag:$0x4], $0x80, $0x38;
	[tilespmem:$0xAB00] =	vst v63  }
0x231: {  	s6 =	simm.s32 $0x7C98;
	s8 =	sadd.s32 $0x30, s2  }
0x232: {  	[hbm4b:s8+s3] =	stream.linear.scatter [tilespmem:s6], [sflag:$0x4], $0x80, $0x38;
	[tilespmem:$0xAB00] =	vst v63  }
0x233: {  	s15 =	simm.s32 $0x7D20;
	s31 =	sadd.s32 $0x40, s2  }
0x234: {  	[hbm4b:s31+s3] =	stream.linear.scatter [tilespmem:s15], [sflag:$0x4], $0x80, $0x38;
	[tilespmem:$0xAB00] =	vst v63  }
0x235: {  	s0 =	simm.s32 $0x440;
	s6 =	simm.s32 $0x7DA8;
	s8 =	sadd.s32 $0x50, s2  }
0x236: {  	[hbm4b:s8+s3] =	stream.linear.scatter [tilespmem:s6], [sflag:$0x4], $0x80, $0x38;
	[tilespmem:$0xAB00] =	vst v63  }
0x237: {  	s5 =	simm.s32 $0x2200;
	s15 =	simm.s32 $0x7E30;
	s31 =	sadd.s32 $0x60, s2  }
0x238: {  	[hbm4b:s31+s3] =	stream.linear.scatter [tilespmem:s15], [sflag:$0x4], $0x80, $0x38;
	[tilespmem:$0xAB00] =	vst v63  }
0x239: {  	s6 =	sadd.s32 $0x70, s2;
	s2 =	sadd.s32 $0x4000, s2;
	s15 =	simm.s32 $0x7EB8  }
.LBB2_19:
0x23a: {  	[hbm4b:s6+s3] =	stream.linear.scatter [tilespmem:s15], [sflag:$0x4], $0x80, $0x38;
	[tilespmem:$0xAB00] =	vst v63  }
0x23b: {  	s6 =	smov.u32 s0;
	s0 =	smov.u32 s5  }
0x23c: {  	s8 =	sadd.s32 $0x1100, s5;
	s0 =	sshra.s32 s0, $0x2;
	s15 =	sadd.s32 $0x7B00, s6  }
0x23d: {  	[hbm4b:s2+s3] =	stream.linear.scatter [tilespmem:s15], [sflag:$0x4], $0x80, $0x38;
	[tilespmem:$0xAB00] =	vst v63  }
0x23e: {  	p0 =	sne.s32 s5, $0x7700;
	s5 =	sadd.s32 $0x7B88, s6;
	s15 =	sadd.s32 $0x10, s2  }
0x23f: {  	[hbm4b:s15+s3] =	stream.linear.scatter [tilespmem:s5], [sflag:$0x4], $0x80, $0x38;
	[tilespmem:$0xAB00] =	vst v63  }
0x240: {  	s5 =	sadd.s32 $0x7C10, s6;
	s15 =	sadd.s32 $0x20, s2  }
0x241: {  	[hbm4b:s15+s3] =	stream.linear.scatter [tilespmem:s5], [sflag:$0x4], $0x80, $0x38;
	[tilespmem:$0xAB00] =	vst v63  }
0x242: {  	s5 =	sadd.s32 $0x7C98, s6;
	s15 =	sadd.s32 $0x30, s2  }
0x243: {  	[hbm4b:s15+s3] =	stream.linear.scatter [tilespmem:s5], [sflag:$0x4], $0x80, $0x38;
	[tilespmem:$0xAB00] =	vst v63  }
0x244: {  	s5 =	sadd.s32 $0x7D20, s6;
	s15 =	sadd.s32 $0x40, s2  }
0x245: {  	[hbm4b:s15+s3] =	stream.linear.scatter [tilespmem:s5], [sflag:$0x4], $0x80, $0x38;
	[tilespmem:$0xAB00] =	vst v63  }
0x246: {  	s5 =	sadd.s32 $0x7DA8, s6;
	s15 =	sadd.s32 $0x50, s2  }
0x247: {  	[hbm4b:s15+s3] =	stream.linear.scatter [tilespmem:s5], [sflag:$0x4], $0x80, $0x38;
	[tilespmem:$0xAB00] =	vst v63  }
.Ltmp8:
0x248: {  	_ = 	snop;
	(pc) =	sbr.rel @p0 .LBB2_19-.Ltmp8, $4  }
0x249: {  	s5 =	sadd.s32 $0x7E30, s6;
	s15 =	sadd.s32 $0x60, s2  }
0x24a: {  	[hbm4b:s15+s3] =	stream.linear.scatter [tilespmem:s5], [sflag:$0x4], $0x80, $0x38;
	[tilespmem:$0xAB00] =	vst v63  }
0x24b: {  	s15 =	sadd.s32 $0x7EB8, s6  }
0x24c: {  	s6 =	sadd.s32 $0x70, s2;
	s2 =	sadd.s32 $0x4000, s2;
	s5 =	smov.u32 s8  }
0x24d: {  	[hbm4b:s6+s3] =	stream.linear.scatter [tilespmem:s15], [sflag:$0x4], $0x80, $0x38;
	[tilespmem:$0xAB00] =	vst v63  }
0x24e: {  	s5 =	sadd.s32 $0x7B00, s0  }
0x24f: {  	[hbm4b:s2+s3] =	stream.linear.scatter [tilespmem:s5], [sflag:$0x4], $0x80, $0x38;
	[tilespmem:$0xAB00] =	vst v63  }
0x250: {  	s15 =	sadd.s32 $0x7B88, s0;
	s31 =	sadd.s32 $0x10, s2  }
0x251: {  	[hbm4b:s31+s3] =	stream.linear.scatter [tilespmem:s15], [sflag:$0x4], $0x80, $0x38;
	[tilespmem:$0xAB00] =	vst v63  }
0x252: {  	s6 =	sadd.s32 $0x7C10, s0;
	s8 =	sadd.s32 $0x20, s2  }
0x253: {  	[hbm4b:s8+s3] =	stream.linear.scatter [tilespmem:s6], [sflag:$0x4], $0x80, $0x38;
	[tilespmem:$0xAB00] =	vst v63  }
0x254: {  	s15 =	sadd.s32 $0x7C98, s0;
	s31 =	sadd.s32 $0x30, s2  }
0x255: {  	[hbm4b:s31+s3] =	stream.linear.scatter [tilespmem:s15], [sflag:$0x4], $0x80, $0x38;
	[tilespmem:$0xAB00] =	vst v63  }
0x256: {  	s30 =	sadd.s32 $0x1, s30;
	s6 =	sadd.s32 $0x7D20, s0;
	s8 =	sadd.s32 $0x40, s2  }
0x257: {  	[hbm4b:s8+s3] =	stream.linear.scatter [tilespmem:s6], [sflag:$0x4], $0x80, $0x38;
	[tilespmem:$0xAB00] =	vst v63  }
0x258: {  	p0 =	sne.s32 s30, $0x19;
	s15 =	sadd.s32 $0x7DA8, s0;
	s31 =	sadd.s32 $0x50, s2  }
0x259: {  	[hbm4b:s31+s3] =	stream.linear.scatter [tilespmem:s15], [sflag:$0x4], $0x80, $0x38;
	[tilespmem:$0xAB00] =	vst v63  }
.Ltmp9:
0x25a: {  	_ = 	snop;
	(pc) =	sbr.rel @p0 .LBB2_12-.Ltmp9, $4  }
0x25b: {  	s6 =	sadd.s32 $0x7E30, s0;
	s8 =	sadd.s32 $0x60, s2  }
0x25c: {  	[hbm4b:s8+s3] =	stream.linear.scatter [tilespmem:s6], [sflag:$0x4], $0x80, $0x38;
	[tilespmem:$0xAB00] =	vst v63  }
0x25d: {  	s15 =	sadd.s32 $0x7EB8, s0;
	s31 =	sadd.s32 $0x70, s2  }
0x25e: {  	[hbm4b:s31+s3] =	stream.linear.scatter [tilespmem:s15], [sflag:$0x4], $0x80, $0x38;
	[tilespmem:$0xAB00] =	vst v63  }
0x25f: {  	_ =	swait.ge [sflag:s25], $0x2000  }
0x260: {  	[sflag:s25] =	ssyncset.done $0x0  }
0x261: {  	[sflag:s25] =	ssyncadd.s32 $0xFFFFE000  }
0x262: {  	_ =	swait.ge [sflag:s26], $0x2000  }
0x263: {  	[sflag:s26] =	ssyncset.done $0x0  }
0x264: {  	s29 =	simm.s32 $0x0;
	[sflag:s26] =	ssyncadd.s32 $0xFFFFE000  }
0x265: {  	[tilespmem:s29], [sflag:$0x5] =	stream.strided.gather [hbm4b:s10+s17], $0x1900, s18, s17, $0x38;
	[tilespmem:$0xAB00] =	vst v63  }
0x266: {  	_ =	swait.ge [sflag:s16], $0x1900  }
0x267: {  	[sflag:s16] =	ssyncset.done $0x0  }
0x268: {  	s30 =	simm.s32 $0x0;
	[sflag:s16] =	ssyncadd.s32 $0xFFFFE700  }
0x269: {  	[tilespmem:s19], [sflag:$0x1] =	stream.indirect.gather [hbm4b:s4+s17], $0x40, s29, s17, $0xb8;
	[tilespmem:$0xAB00] =	vst v63  }
.LBB2_22:
0x26a: {  	p0 =	seq.s32 s30, $0x0  }
0x26b: {  	s0 =	simm.s32 @!p0 $0x4  }
0x26c: {  	s31 =	sshllo.u32 s30, $0x1;
	_ =	swait.ge @!p0 [sflag:s0], $0x2000  }
0x26d: {  	s2 =	sshll.u32 s31, $0x7;
	[sflag:s0] =	ssyncset.done @!p0 $0x0  }
0x26e: {  	s5 =	sand.u32 $0x3FFFFF80, s2;
	[sflag:s0] =	ssyncadd.s32 @!p0 $0xFFFFE000  }
0x26f: {  	[tilespmem:s20], [sflag:$0x2] =	stream.indirect.gather [hbm4b:s4+s17], $0x40, s5, s17, $0xb8;
	[tilespmem:$0xAB00] =	vst v63  }
0x270: {  	_ =	swait.ge [sflag:s21], $0x2000  }
0x271: {  	s6 =	sshll.u32 s30, $0x7;
	[sflag:s21] =	ssyncset.done $0x0  }
0x272: {  	s0 =	sand.u32 $0x3FFFFF80, s6;
	[sflag:s21] =	ssyncadd.s32 $0xFFFFE000  }
0x273: {  	s8 =	simm.s32 $0x3;
	s5 =	simm.s32 $0x1980;
	v9 =	vld [tilespmem:s0+$0x9D00]  }
0x274: {  	v4 =	vmov s8;
	v7 =	vld [tilespmem:s5+$0x40]  }
0x275: {  	v13 =	vand.u32 $0x7F, v4  }
0x276: {  	v4 =	vmov s29;
	v8 =	vadd.s32 v0, v13;
	v6 =	vld [tilespmem:s0+$0x9D10]  }
0x277: {  	s15 =	simm.s32 $0x1;
	v12 =	vand.u32 $0x7C, v4;
	v10 =	vld [tilespmem:s5+$0xFFFFFF80]  }
0x278: {  	v4 =	vmov s15;
	s6 =	simm.s32 $0x2;
	v15 =	vadd.s32 v0, v12;
	v11 =	vld [tilespmem:s5+$0xFFFFFFC0]  }
0x279: {  	v19 =	vand.u32 $0x7D, v4;
	v14 =	vmov s6;
	v16 =	vld [tilespmem:s5+$0x0];
	v7 =	vadd.f32 v7, v9  }
0x27a: {  	v17 =	vadd.s32 v0, v19;
	v20 =	vand.u32 $0x7E, v14;
	v5 =	vld [tilespmem:s0+$0x9D20]  }
0x27b: {  	v14 =	vadd.s32 v0, v20;
	v4 =	vld [tilespmem:s0+$0x9D30];
	[tilespmem:v8+s22+$0x0] =	vst.idx.msk $0xffff, v7  }
0x27c: {  	v7 =	vadd.f32 v10, v9;
	v8 =	vld [tilespmem:s5+$0x50]  }
0x27d: {  	v10 =	vadd.f32 v11, v9  }
0x27e: {  	v11 =	vadd.s32 v1, v13;
	[tilespmem:v15+s22+$0x0] =	vst.idx.msk $0xffff, v7;
	v7 =	vadd.f32 v16, v9  }
0x27f: {  	[tilespmem:v17+s22+$0x0] =	vst.idx.msk $0xffff, v10;
	v15 =	vld [tilespmem:s5+$0xFFFFFF90]  }
0x280: {  	v10 =	vld [tilespmem:s5+$0xFFFFFFD0];
	[tilespmem:v14+s22+$0x0] =	vst.idx.msk $0xffff, v7  }
0x281: {  	v14 =	vld [tilespmem:s5+$0x10];
	v7 =	vadd.f32 v8, v6  }
0x282: {  	s8 =	simm.s32 $0x7;
	s0 =	simm.s32 $0x1A80;
	v16 =	vadd.s32 v1, v19  }
0x283: {  	v26 =	vadd.s32 v2, v13;
	s6 =	simm.s32 $0x4;
	v18 =	vld [tilespmem:s0+$0x40];
	v17 =	vadd.s32 v1, v20;
	[tilespmem:v11+s22+$0x0] =	vst.idx.msk $0xffff, v7;
	v7 =	vmov s8  }
0x284: {  	v21 =	vadd.s32 v1, v12;
	v8 =	vmov s6;
	v7 =	vand.u32 $0x7F, v7;
	v22 =	vld [tilespmem:s5+$0x60]  }
0x285: {  	s15 =	simm.s32 $0x5;
	v23 =	vld [tilespmem:s0+$0xFFFFFF80];
	v8 =	vand.u32 $0x7C, v8;
	v10 =	vadd.f32 v10, v6;
	v24 =	vadd.s32 v0, v7  }
0x286: {  	v25 =	vld [tilespmem:s0+$0xFFFFFFC0];
	s6 =	simm.s32 $0x6;
	v15 =	vadd.f32 v15, v6;
	v11 =	vadd.f32 v14, v6;
	v14 =	vmov s15  }
0x287: {  	v27 =	vadd.s32 v0, v8;
	[tilespmem:v16+s22+$0x0] =	vst.idx.msk $0xffff, v10;
	v16 =	vmov s6;
	v10 =	vand.u32 $0x7D, v14;
	v14 =	vld [tilespmem:s0+$0x0]  }
0x288: {  	[tilespmem:v17+s22+$0x0] =	vst.idx.msk $0xffff, v11;
	v17 =	vadd.s32 v0, v10;
	v11 =	vand.u32 $0x7E, v16;
	v16 =	vadd.f32 v18, v9;
	v18 =	vld [tilespmem:s5+$0xFFFFFFE0]  }
0x289: {  	[tilespmem:v21+s22+$0x0] =	vst.idx.msk $0xffff, v15;
	v15 =	vadd.s32 v0, v11;
	v21 =	vld [tilespmem:s5+$0x20];
	v22 =	vadd.f32 v22, v5  }
0x28a: {  	v23 =	vadd.f32 v23, v9;
	[tilespmem:v24+s22+$0x0] =	vst.idx.msk $0xffff, v16;
	v16 =	vld [tilespmem:s5+$0xFFFFFFA0];
	v24 =	vadd.s32 v2, v19  }
0x28b: {  	v29 =	vadd.s32 v2, v20;
	v25 =	vadd.f32 v25, v9;
	v28 =	vld [tilespmem:s0+$0x50];
	[tilespmem:v26+s22+$0x0] =	vst.idx.msk $0xffff, v22  }
0x28c: {  	[tilespmem:v27+s22+$0x0] =	vst.idx.msk $0xffff, v23;
	v23 =	vadd.s32 v2, v12;
	v14 =	vadd.f32 v14, v9;
	v26 =	vld [tilespmem:s5+$0x70]  }
0x28d: {  	v27 =	vld [tilespmem:s0+$0xFFFFFF90];
	[tilespmem:v17+s22+$0x0] =	vst.idx.msk $0xffff, v25;
	v25 =	vadd.s32 v1, v7;
	v18 =	vadd.f32 v18, v5  }
0x28e: {  	v31 =	vadd.s32 v3, v13;
	v30 =	vld [tilespmem:s0+$0xFFFFFFD0];
	[tilespmem:v15+s22+$0x0] =	vst.idx.msk $0xffff, v14;
	v14 =	vadd.f32 v21, v5  }
0x28f: {  	v22 =	vadd.s32 v1, v8;
	v17 =	vld [tilespmem:s0+$0x10];
	v13 =	vadd.f32 v16, v5;
	[tilespmem:v24+s22+$0x0] =	vst.idx.msk $0xffff, v18  }
0x290: {  	s15 =	simm.s32 $0x8;
	v21 =	vadd.s32 v1, v10;
	[tilespmem:v29+s22+$0x0] =	vst.idx.msk $0xffff, v14;
	v18 =	vadd.f32 v28, v6;
	v16 =	vld [tilespmem:s5+$0xFFFFFFF0]  }
0x291: {  	v24 =	vmov s15;
	v14 =	vadd.s32 v1, v11;
	v15 =	vld [tilespmem:s5+$0x30];
	[tilespmem:v23+s22+$0x0] =	vst.idx.msk $0xffff, v13;
	v63 =	vadd.f32 v26, v4  }
0x292: {  	s2 =	simm.s32 $0x1B80;
	s8 =	simm.s32 $0xB;
	v19 =	vadd.s32 v3, v19;
	v13 =	vand.u32 $0x7C, v24;
	v24 =	vadd.f32 v27, v6;
	[tilespmem:v25+s22+$0x0] =	vst.idx.msk $0xffff, v18;
	v18 =	vld [tilespmem:s5+$0xFFFFFFB0]  }
0x293: {  	v20 =	vadd.s32 v3, v20;
	v26 =	vmov s8;
	v23 =	vld [tilespmem:s2+$0x40];
	s5 =	simm.s32 $0xC;
	v25 =	vadd.f32 v30, v6;
	[tilespmem:v31+s22+$0x0] =	vst.idx.msk $0xffff, v63  }
.LBB2_23:
0x294: {  	p0 =	slt.u32 s5, $0x7C;
	s6 =	sadd.s32 $0x1, s15;
	v26 =	vand.u32 $0x7F, v26;
	[tilespmem:v22+s22+$0x0] =	vst.idx.msk $0xffff, v24;
	v17 =	vadd.f32 v17, v6;
	v22 =	vld [tilespmem:s0+$0x60];
	v24 =	vadd.s32 v3, v12  }
0x295: {  	v30 =	vmovc v11;
	v27 =	vld [tilespmem:s2+$0xFFFFFF80];
	v28 =	vmov s6;
	s6 =	sadd.s32 $0x2, s15;
	v29 =	vadd.s32 v0, v26;
	[tilespmem:v21+s22+$0x0] =	vst.idx.msk $0xffff, v25;
	v16 =	vadd.f32 v16, v4;
	s15 =	smov.u32 s5  }
0x296: {  	v12 =	vmovc v8;
	v21 =	vld [tilespmem:s2+$0xFFFFFFC0];
	v11 =	vmov s6;
	[tilespmem:v14+s22+$0x0] =	vst.idx.msk $0xffff, v17;
	v14 =	vadd.s32 v2, v7;
	v15 =	vadd.f32 v15, v4  }
0x297: {  	v17 =	vadd.s32 v0, v13;
	v28 =	vand.u32 $0x7D, v28;
	v25 =	vld [tilespmem:s2+$0x0];
	v31 =	vadd.f32 v18, v4;
	[tilespmem:v19+s22+$0x0] =	vst.idx.msk $0xffff, v16  }
0x298: {  	v16 =	vadd.s32 v0, v28;
	v11 =	vand.u32 $0x7E, v11;
	v18 =	vadd.f32 v23, v9;
	v19 =	vld [tilespmem:s0+$0xFFFFFFE0];
	[tilespmem:v20+s22+$0x0] =	vst.idx.msk $0xffff, v15  }
0x299: {  	v8 =	vmov v13;
	v15 =	vadd.s32 v0, v11;
	v20 =	vld [tilespmem:s0+$0x20];
	v22 =	vadd.f32 v22, v5;
	[tilespmem:v24+s22+$0x0] =	vst.idx.msk $0xffff, v31  }
0x29a: {  	v23 =	vadd.s32 v2, v10;
	v13 =	vadd.f32 v27, v9;
	[tilespmem:v29+s22+$0x0] =	vst.idx.msk $0xffff, v18;
	v18 =	vld [tilespmem:s0+$0xFFFFFFA0]  }
0x29b: {  	v27 =	vadd.s32 v2, v30;
	v21 =	vadd.f32 v21, v9;
	v24 =	vld [tilespmem:s2+$0x50];
	[tilespmem:v14+s22+$0x0] =	vst.idx.msk $0xffff, v22  }
0x29c: {  	[tilespmem:v17+s22+$0x0] =	vst.idx.msk $0xffff, v13;
	v13 =	vadd.f32 v25, v9;
	v25 =	vadd.s32 v2, v12;
	v29 =	vld [tilespmem:s0+$0x70]  }
0x29d: {  	v32 =	vadd.s32 v1, v26;
	v31 =	vld [tilespmem:s2+$0xFFFFFF90];
	[tilespmem:v16+s22+$0x0] =	vst.idx.msk $0xffff, v21;
	v14 =	vadd.f32 v19, v5  }
0x29e: {  	v34 =	vadd.s32 v3, v7;
	v7 =	vmov v26;
	v33 =	vld [tilespmem:s2+$0xFFFFFFD0];
	[tilespmem:v15+s22+$0x0] =	vst.idx.msk $0xffff, v13;
	v13 =	vadd.f32 v20, v5  }
.Ltmp10:
0x29f: {  	v22 =	vadd.s32 v1, v8;
	v17 =	vld [tilespmem:s2+$0x10];
	v15 =	vadd.f32 v18, v5;
	[tilespmem:v23+s22+$0x0] =	vst.idx.msk $0xffff, v14;
	(pc) =	sbr.rel @p0 .LBB2_23-.Ltmp10, $4  }
0x2a0: {  	v21 =	vadd.s32 v1, v28;
	v18 =	vadd.f32 v24, v6;
	v16 =	vld [tilespmem:s0+$0xFFFFFFF0];
	[tilespmem:v27+s22+$0x0] =	vst.idx.msk $0xffff, v13  }
0x2a1: {  	v14 =	vadd.s32 v1, v11;
	v13 =	vmov s5;
	[tilespmem:v25+s22+$0x0] =	vst.idx.msk $0xffff, v15;
	v15 =	vld [tilespmem:s0+$0x30];
	v27 =	vadd.f32 v29, v4  }
0x2a2: {  	s6 =	sadd.s32 $0x3, s5;
	v19 =	vadd.s32 v3, v10;
	v13 =	vand.u32 $0x7C, v13;
	v24 =	vadd.f32 v31, v6;
	[tilespmem:v32+s22+$0x0] =	vst.idx.msk $0xffff, v18;
	v18 =	vld [tilespmem:s0+$0xFFFFFFB0];
	s0 =	smov.u32 s2;
	s2 =	sadd.s32 $0x100, s2  }
0x2a3: {  	v26 =	vmov s6;
	v10 =	vmovc v28;
	v20 =	vadd.s32 v3, v30;
	s5 =	sadd.s32 $0x4, s5;
	v23 =	vld [tilespmem:s2+$0x40];
	v25 =	vadd.f32 v33, v6;
	[tilespmem:v34+s22+$0x0] =	vst.idx.msk $0xffff, v27  }
0x2a4: {  	s5 =	sadd.s32 $0x1, s15  }
0x2a5: {  	v26 =	vand.u32 $0x7F, v26;
	s6 =	sadd.s32 $0x2, s15;
	v28 =	vld [tilespmem:s2+$0xFFFFFFC0];
	v27 =	vmov s5  }
0x2a6: {  	v31 =	vld [tilespmem:s2+$0x0];
	v29 =	vadd.s32 v0, v26;
	v30 =	vmov s6;
	v27 =	vand.u32 $0x7D, v27  }
0x2a7: {  	v32 =	vld [tilespmem:s2+$0xFFFFFF80];
	v30 =	vand.u32 $0x7E, v30;
	v33 =	vadd.s32 v0, v27  }
0x2a8: {  	v34 =	vadd.s32 v0, v30  }
0x2a9: {  	[tilespmem:v22+s22+$0x0] =	vst.idx.msk $0xffff, v24;
	v44 =	vadd.s32 v0, v13;
	v23 =	vadd.f32 v23, v9  }
0x2aa: {  	[tilespmem:v21+s22+$0x0] =	vst.idx.msk $0xffff, v25;
	v45 =	vadd.f32 v28, v9  }
0x2ab: {  	v46 =	vadd.f32 v31, v9;
	[tilespmem:v29+s22+$0x0] =	vst.idx.msk $0xffff, v23  }
0x2ac: {  	v47 =	vadd.f32 v32, v9;
	v48 =	vld [tilespmem:s2+$0x50];
	[tilespmem:v33+s22+$0x0] =	vst.idx.msk $0xffff, v45  }
0x2ad: {  	v17 =	vadd.f32 v17, v6;
	v12 =	vadd.s32 v3, v12;
	[tilespmem:v34+s22+$0x0] =	vst.idx.msk $0xffff, v46;
	v21 =	vld [tilespmem:s2+$0xFFFFFFD0]  }
0x2ae: {  	v16 =	vadd.f32 v16, v4;
	v49 =	vadd.s32 v1, v26;
	[tilespmem:v44+s22+$0x0] =	vst.idx.msk $0xffff, v47;
	v50 =	vld [tilespmem:s2+$0x10]  }
0x2af: {  	[tilespmem:v14+s22+$0x0] =	vst.idx.msk $0xffff, v17;
	v51 =	vadd.f32 v15, v4;
	v53 =	vadd.s32 v1, v27;
	v52 =	vld [tilespmem:s2+$0xFFFFFF90]  }
0x2b0: {  	v54 =	vld [tilespmem:s0+$0x60];
	v18 =	vadd.f32 v18, v4;
	[tilespmem:v19+s22+$0x0] =	vst.idx.msk $0xffff, v16;
	v55 =	vadd.s32 v1, v30  }
0x2b1: {  	v57 =	vadd.s32 v1, v13;
	v60 =	vld [tilespmem:s0+$0x20];
	[tilespmem:v20+s22+$0x0] =	vst.idx.msk $0xffff, v51;
	v58 =	vadd.f32 v48, v6  }
0x2b2: {  	v59 =	vadd.s32 v2, v7;
	v56 =	vld [tilespmem:s0+$0xFFFFFFE0];
	[tilespmem:v12+s22+$0x0] =	vst.idx.msk $0xffff, v18;
	v61 =	vadd.f32 v21, v6  }
0x2b3: {  	v62 =	vld [tilespmem:s0+$0xFFFFFFA0];
	v29 =	vadd.s32 v2, v11;
	[tilespmem:v49+s22+$0x0] =	vst.idx.msk $0xffff, v58;
	v28 =	vadd.f32 v50, v6  }
0x2b4: {  	v63 =	vadd.s32 v2, v10;
	v31 =	vadd.f32 v52, v6;
	v32 =	vld [tilespmem:s2+$0x60];
	[tilespmem:v53+s22+$0x0] =	vst.idx.msk $0xffff, v61  }
0x2b5: {  	v33 =	vadd.f32 v54, v5;
	v34 =	vadd.s32 v2, v8;
	[tilespmem:v55+s22+$0x0] =	vst.idx.msk $0xffff, v28;
	v35 =	vld [tilespmem:s2+$0xFFFFFFE0]  }
0x2b6: {  	v37 =	vadd.s32 v2, v26;
	v39 =	vadd.f32 v60, v5;
	[tilespmem:v57+s22+$0x0] =	vst.idx.msk $0xffff, v31;
	v38 =	vld [tilespmem:s2+$0x20]  }
0x2b7: {  	v41 =	vadd.s32 v2, v27;
	v36 =	vadd.f32 v56, v5;
	[tilespmem:v59+s22+$0x0] =	vst.idx.msk $0xffff, v33;
	v40 =	vld [tilespmem:s2+$0xFFFFFFA0]  }
0x2b8: {  	v43 =	vadd.s32 v2, v30;
	v18 =	vadd.f32 v62, v5;
	v42 =	vld [tilespmem:s0+$0x70];
	[tilespmem:v29+s22+$0x0] =	vst.idx.msk $0xffff, v39  }
0x2b9: {  	v45 =	vadd.s32 v2, v13;
	[tilespmem:v63+s22+$0x0] =	vst.idx.msk $0xffff, v36;
	v47 =	vld [tilespmem:s0+$0x30];
	v44 =	vadd.f32 v32, v5  }
0x2ba: {  	v46 =	vadd.s32 v3, v7;
	[tilespmem:v34+s22+$0x0] =	vst.idx.msk $0xffff, v18;
	v21 =	vld [tilespmem:s0+$0xFFFFFFF0];
	v9 =	vadd.f32 v35, v5  }
0x2bb: {  	v18 =	vld [tilespmem:s0+$0xFFFFFFB0];
	v50 =	vadd.s32 v3, v11;
	[tilespmem:v37+s22+$0x0] =	vst.idx.msk $0xffff, v44;
	v49 =	vadd.f32 v38, v5  }
0x2bc: {  	v48 =	vadd.s32 v3, v10;
	v5 =	vadd.f32 v40, v5;
	v12 =	vld [tilespmem:s2+$0x70];
	[tilespmem:v41+s22+$0x0] =	vst.idx.msk $0xffff, v9  }
0x2bd: {  	v52 =	vadd.s32 v3, v8;
	v51 =	vadd.f32 v42, v4;
	[tilespmem:v43+s22+$0x0] =	vst.idx.msk $0xffff, v49;
	v53 =	vld [tilespmem:s2+$0xFFFFFFF0]  }
0x2be: {  	v55 =	vadd.s32 v3, v26;
	v56 =	vadd.f32 v47, v4;
	[tilespmem:v45+s22+$0x0] =	vst.idx.msk $0xffff, v5;
	v5 =	vld [tilespmem:s2+$0x30]  }
0x2bf: {  	v58 =	vadd.s32 v3, v27;
	[tilespmem:v46+s22+$0x0] =	vst.idx.msk $0xffff, v51;
	v54 =	vadd.f32 v21, v4;
	v57 =	vld [tilespmem:s2+$0xFFFFFFB0]  }
0x2c0: {  	v60 =	vadd.s32 v3, v30;
	v59 =	vadd.f32 v18, v4;
	[tilespmem:v50+s22+$0x0] =	vst.idx.msk $0xffff, v56  }
0x2c1: {  	v62 =	vadd.s32 v3, v13;
	[tilespmem:v48+s22+$0x0] =	vst.idx.msk $0xffff, v54;
	v61 =	vadd.f32 v12, v4  }
0x2c2: {  	[tilespmem:v52+s22+$0x0] =	vst.idx.msk $0xffff, v59;
	v63 =	vadd.f32 v53, v4  }
0x2c3: {  	s8 =	sshll.u32 s30, $0x15;
	[tilespmem:v55+s22+$0x0] =	vst.idx.msk $0xffff, v61;
	v5 =	vadd.f32 v5, v4  }
0x2c4: {  	s0 =	sor.u32 s11, s8;
	v4 =	vadd.f32 v57, v4;
	[tilespmem:v58+s22+$0x0] =	vst.idx.msk $0xffff, v63  }
0x2c5: {  	s0 =	sshrl.u32 s0, $0x3;
	[tilespmem:v60+s22+$0x0] =	vst.idx.msk $0xffff, v5  }
0x2c6: {  	s15 =	simm.s32 $0x5900;
	s2 =	sadd.s32 s1, s0;
	[tilespmem:v62+s22+$0x0] =	vst.idx.msk $0xffff, v4  }
0x2c7: {  	[hbm4b:s2+s3] =	stream.linear.scatter [tilespmem:s15], [sflag:$0x3], $0x80, $0x38;
	[tilespmem:$0xAB00] =	vst v63  }
0x2c8: {  	s5 =	simm.s32 $0x5988;
	s6 =	sadd.s32 $0x10, s2  }
0x2c9: {  	[hbm4b:s6+s3] =	stream.linear.scatter [tilespmem:s5], [sflag:$0x3], $0x80, $0x38;
	[tilespmem:$0xAB00] =	vst v63  }
0x2ca: {  	s8 =	simm.s32 $0x5A10;
	s15 =	sadd.s32 $0x20, s2  }
0x2cb: {  	[hbm4b:s15+s3] =	stream.linear.scatter [tilespmem:s8], [sflag:$0x3], $0x80, $0x38;
	[tilespmem:$0xAB00] =	vst v63  }
0x2cc: {  	s5 =	simm.s32 $0x5A98;
	s6 =	sadd.s32 $0x30, s2  }
0x2cd: {  	[hbm4b:s6+s3] =	stream.linear.scatter [tilespmem:s5], [sflag:$0x3], $0x80, $0x38;
	[tilespmem:$0xAB00] =	vst v63  }
0x2ce: {  	s8 =	simm.s32 $0x5B20;
	s15 =	sadd.s32 $0x40, s2  }
0x2cf: {  	[hbm4b:s15+s3] =	stream.linear.scatter [tilespmem:s8], [sflag:$0x3], $0x80, $0x38;
	[tilespmem:$0xAB00] =	vst v63  }
0x2d0: {  	s0 =	simm.s32 $0x440;
	s5 =	simm.s32 $0x5BA8;
	s6 =	sadd.s32 $0x50, s2  }
0x2d1: {  	[hbm4b:s6+s3] =	stream.linear.scatter [tilespmem:s5], [sflag:$0x3], $0x80, $0x38;
	[tilespmem:$0xAB00] =	vst v63  }
0x2d2: {  	s8 =	simm.s32 $0x5C30;
	s15 =	sadd.s32 $0x60, s2;
	s5 =	simm.s32 $0x2200  }
0x2d3: {  	[hbm4b:s15+s3] =	stream.linear.scatter [tilespmem:s8], [sflag:$0x3], $0x80, $0x38;
	[tilespmem:$0xAB00] =	vst v63  }
0x2d4: {  	s6 =	sadd.s32 $0x70, s2;
	s2 =	sadd.s32 $0x4000, s2;
	s15 =	simm.s32 $0x5CB8  }
.LBB2_25:
0x2d5: {  	[hbm4b:s6+s3] =	stream.linear.scatter [tilespmem:s15], [sflag:$0x3], $0x80, $0x38;
	[tilespmem:$0xAB00] =	vst v63  }
0x2d6: {  	s6 =	smov.u32 s0;
	s0 =	smov.u32 s5  }
0x2d7: {  	s8 =	sadd.s32 $0x1100, s5;
	s0 =	sshra.s32 s0, $0x2;
	s15 =	sadd.s32 $0x5900, s6  }
0x2d8: {  	[hbm4b:s2+s3] =	stream.linear.scatter [tilespmem:s15], [sflag:$0x3], $0x80, $0x38;
	[tilespmem:$0xAB00] =	vst v63  }
0x2d9: {  	p0 =	sne.s32 s5, $0x7700;
	s5 =	sadd.s32 $0x5988, s6;
	s15 =	sadd.s32 $0x10, s2  }
0x2da: {  	[hbm4b:s15+s3] =	stream.linear.scatter [tilespmem:s5], [sflag:$0x3], $0x80, $0x38;
	[tilespmem:$0xAB00] =	vst v63  }
0x2db: {  	s5 =	sadd.s32 $0x5A10, s6;
	s15 =	sadd.s32 $0x20, s2  }
0x2dc: {  	[hbm4b:s15+s3] =	stream.linear.scatter [tilespmem:s5], [sflag:$0x3], $0x80, $0x38;
	[tilespmem:$0xAB00] =	vst v63  }
0x2dd: {  	s5 =	sadd.s32 $0x5A98, s6;
	s15 =	sadd.s32 $0x30, s2  }
0x2de: {  	[hbm4b:s15+s3] =	stream.linear.scatter [tilespmem:s5], [sflag:$0x3], $0x80, $0x38;
	[tilespmem:$0xAB00] =	vst v63  }
0x2df: {  	s5 =	sadd.s32 $0x5B20, s6;
	s15 =	sadd.s32 $0x40, s2  }
0x2e0: {  	[hbm4b:s15+s3] =	stream.linear.scatter [tilespmem:s5], [sflag:$0x3], $0x80, $0x38;
	[tilespmem:$0xAB00] =	vst v63  }
0x2e1: {  	s5 =	sadd.s32 $0x5BA8, s6;
	s15 =	sadd.s32 $0x50, s2  }
0x2e2: {  	[hbm4b:s15+s3] =	stream.linear.scatter [tilespmem:s5], [sflag:$0x3], $0x80, $0x38;
	[tilespmem:$0xAB00] =	vst v63  }
.Ltmp11:
0x2e3: {  	_ = 	snop;
	(pc) =	sbr.rel @p0 .LBB2_25-.Ltmp11, $4  }
0x2e4: {  	s5 =	sadd.s32 $0x5C30, s6;
	s15 =	sadd.s32 $0x60, s2  }
0x2e5: {  	[hbm4b:s15+s3] =	stream.linear.scatter [tilespmem:s5], [sflag:$0x3], $0x80, $0x38;
	[tilespmem:$0xAB00] =	vst v63  }
0x2e6: {  	s15 =	sadd.s32 $0x5CB8, s6  }
0x2e7: {  	s6 =	sadd.s32 $0x70, s2;
	s2 =	sadd.s32 $0x4000, s2;
	s5 =	smov.u32 s8  }
0x2e8: {  	[hbm4b:s6+s3] =	stream.linear.scatter [tilespmem:s15], [sflag:$0x3], $0x80, $0x38;
	[tilespmem:$0xAB00] =	vst v63  }
0x2e9: {  	s5 =	sadd.s32 $0x5900, s0  }
0x2ea: {  	[hbm4b:s2+s3] =	stream.linear.scatter [tilespmem:s5], [sflag:$0x3], $0x80, $0x38;
	[tilespmem:$0xAB00] =	vst v63  }
0x2eb: {  	s8 =	sadd.s32 $0x5988, s0;
	s15 =	sadd.s32 $0x10, s2  }
0x2ec: {  	[hbm4b:s15+s3] =	stream.linear.scatter [tilespmem:s8], [sflag:$0x3], $0x80, $0x38;
	[tilespmem:$0xAB00] =	vst v63  }
0x2ed: {  	s8 =	sadd.s32 $0x5A10, s0;
	s15 =	sadd.s32 $0x20, s2  }
0x2ee: {  	[hbm4b:s15+s3] =	stream.linear.scatter [tilespmem:s8], [sflag:$0x3], $0x80, $0x38;
	[tilespmem:$0xAB00] =	vst v63  }
0x2ef: {  	s8 =	sadd.s32 $0x5A98, s0;
	s15 =	sadd.s32 $0x30, s2  }
0x2f0: {  	[hbm4b:s15+s3] =	stream.linear.scatter [tilespmem:s8], [sflag:$0x3], $0x80, $0x38;
	[tilespmem:$0xAB00] =	vst v63  }
0x2f1: {  	s8 =	sadd.s32 $0x5B20, s0;
	s15 =	sadd.s32 $0x40, s2  }
0x2f2: {  	[hbm4b:s15+s3] =	stream.linear.scatter [tilespmem:s8], [sflag:$0x3], $0x80, $0x38;
	[tilespmem:$0xAB00] =	vst v63  }
0x2f3: {  	s8 =	sadd.s32 $0x5BA8, s0;
	s15 =	sadd.s32 $0x50, s2  }
0x2f4: {  	[hbm4b:s15+s3] =	stream.linear.scatter [tilespmem:s8], [sflag:$0x3], $0x80, $0x38;
	[tilespmem:$0xAB00] =	vst v63  }
0x2f5: {  	p0 =	seq.s32 s30, $0x18;
	s8 =	sadd.s32 $0x5C30, s0;
	s15 =	sadd.s32 $0x60, s2  }
0x2f6: {  	[hbm4b:s15+s3] =	stream.linear.scatter [tilespmem:s8], [sflag:$0x3], $0x80, $0x38;
	[tilespmem:$0xAB00] =	vst v63  }
0x2f7: {  	s6 =	sadd.s32 $0x70, s2;
	s5 =	sadd.s32 $0x5CB8, s0;
	s0 =	simm.s32 @!p0 $0x3  }
0x2f8: {  	[hbm4b:s6+s3] =	stream.linear.scatter [tilespmem:s5], [sflag:$0x3], $0x80, $0x38;
	[tilespmem:$0xAB00] =	vst v63  }
0x2f9: {  	_ =	swait.ge @!p0 [sflag:s0], $0x2000  }
0x2fa: {  	s2 =	sshll.u32 @!p0 s30, $0x8;
	[sflag:s0] =	ssyncset.done @!p0 $0x0  }
0x2fb: {  	[sflag:s0] =	ssyncadd.s32 @!p0 $0xFFFFE000;
	s0 =	sand.u32 @!p0 $0x3FFFFF00, s2  }
0x2fc: {  	s5 =	simm.s32 @!p0 $0x1900;
	s2 =	simm.s32 @!p0 $0x80;
	s0 =	sadd.s32 @!p0 $0x100, s0  }
0x2fd: {  	[tilespmem:s5], [sflag:$0x1] =	stream.indirect.gather @!p0 [hbm4b:s4+s2], $0x40, s0, s2, $0xb8;
	[tilespmem:$0xAB00] =	vst v63  }
0x2fe: {  	_ =	swait.ge [sflag:s23], $0x2000  }
0x2ff: {  	s8 =	sshll.u32 s31, $0x6;
	[sflag:s23] =	ssyncset.done $0x0  }
0x300: {  	s0 =	sand.u32 $0x3FFFFFC0, s8;
	[sflag:s23] =	ssyncadd.s32 $0xFFFFE000  }
0x301: {  	s15 =	simm.s32 $0x3;
	s5 =	simm.s32 $0x39F0;
	v9 =	vld [tilespmem:s0+$0x9D00]  }
0x302: {  	v4 =	vmov s15;
	v7 =	vld [tilespmem:s5+$0xFFFFFFD0]  }
0x303: {  	v13 =	vand.u32 $0x7F, v4  }
0x304: {  	s6 =	simm.s32 $0x0;
	v8 =	vadd.s32 v0, v13;
	v6 =	vld [tilespmem:s0+$0x9D10]  }
0x305: {  	s15 =	simm.s32 $0x2;
	v4 =	vmov s6;
	s8 =	simm.s32 $0x1;
	v10 =	vld [tilespmem:s5+$0xFFFFFF10]  }
0x306: {  	v14 =	vmov s15;
	v12 =	vand.u32 $0x7C, v4;
	v4 =	vmov s8;
	v11 =	vld [tilespmem:s5+$0xFFFFFF50]  }
0x307: {  	v15 =	vadd.s32 v0, v12;
	v19 =	vand.u32 $0x7D, v4;
	v16 =	vld [tilespmem:s5+$0xFFFFFF90];
	v7 =	vadd.f32 v7, v9  }
0x308: {  	v20 =	vand.u32 $0x7E, v14;
	v17 =	vadd.s32 v0, v19;
	v5 =	vld [tilespmem:s0+$0x9D20]  }
0x309: {  	v14 =	vadd.s32 v0, v20;
	v4 =	vld [tilespmem:s0+$0x9D30];
	[tilespmem:v8+s24+$0x0] =	vst.idx.msk $0xffff, v7  }
0x30a: {  	v7 =	vadd.f32 v10, v9;
	v8 =	vld [tilespmem:s5+$0xFFFFFFE0]  }
0x30b: {  	v10 =	vadd.f32 v11, v9  }
0x30c: {  	v11 =	vadd.s32 v1, v13;
	[tilespmem:v15+s24+$0x0] =	vst.idx.msk $0xffff, v7;
	v7 =	vadd.f32 v16, v9  }
0x30d: {  	[tilespmem:v17+s24+$0x0] =	vst.idx.msk $0xffff, v10;
	v15 =	vld [tilespmem:s5+$0xFFFFFF20]  }
0x30e: {  	v10 =	vld [tilespmem:s5+$0xFFFFFF60];
	[tilespmem:v14+s24+$0x0] =	vst.idx.msk $0xffff, v7  }
0x30f: {  	v14 =	vld [tilespmem:s5+$0xFFFFFFA0];
	v7 =	vadd.f32 v8, v6  }
0x310: {  	s8 =	simm.s32 $0x7;
	s0 =	simm.s32 $0x3AF0;
	v16 =	vadd.s32 v1, v19  }
0x311: {  	s6 =	simm.s32 $0x4;
	v26 =	vadd.s32 v2, v13;
	v18 =	vld [tilespmem:s0+$0xFFFFFFD0];
	v17 =	vadd.s32 v1, v20;
	[tilespmem:v11+s24+$0x0] =	vst.idx.msk $0xffff, v7;
	v7 =	vmov s8  }
0x312: {  	v21 =	vadd.s32 v1, v12;
	v8 =	vmov s6;
	v7 =	vand.u32 $0x7F, v7;
	v22 =	vld [tilespmem:s5+$0xFFFFFFF0]  }
0x313: {  	s15 =	simm.s32 $0x5;
	v23 =	vld [tilespmem:s0+$0xFFFFFF10];
	v8 =	vand.u32 $0x7C, v8;
	v10 =	vadd.f32 v10, v6;
	v24 =	vadd.s32 v0, v7  }
0x314: {  	v25 =	vld [tilespmem:s0+$0xFFFFFF50];
	s6 =	simm.s32 $0x6;
	v15 =	vadd.f32 v15, v6;
	v11 =	vadd.f32 v14, v6;
	v14 =	vmov s15  }
0x315: {  	v27 =	vadd.s32 v0, v8;
	[tilespmem:v16+s24+$0x0] =	vst.idx.msk $0xffff, v10;
	v16 =	vmov s6;
	v10 =	vand.u32 $0x7D, v14;
	v14 =	vld [tilespmem:s0+$0xFFFFFF90]  }
0x316: {  	[tilespmem:v17+s24+$0x0] =	vst.idx.msk $0xffff, v11;
	v17 =	vadd.s32 v0, v10;
	v11 =	vand.u32 $0x7E, v16;
	v16 =	vadd.f32 v18, v9;
	v18 =	vld [tilespmem:s5+$0xFFFFFF70]  }
0x317: {  	[tilespmem:v21+s24+$0x0] =	vst.idx.msk $0xffff, v15;
	v15 =	vadd.s32 v0, v11;
	v21 =	vld [tilespmem:s5+$0xFFFFFFB0];
	v22 =	vadd.f32 v22, v5  }
0x318: {  	v23 =	vadd.f32 v23, v9;
	[tilespmem:v24+s24+$0x0] =	vst.idx.msk $0xffff, v16;
	v16 =	vld [tilespmem:s5+$0xFFFFFF30];
	v24 =	vadd.s32 v2, v19  }
0x319: {  	v29 =	vadd.s32 v2, v20;
	v25 =	vadd.f32 v25, v9;
	v28 =	vld [tilespmem:s0+$0xFFFFFFE0];
	[tilespmem:v26+s24+$0x0] =	vst.idx.msk $0xffff, v22  }
0x31a: {  	[tilespmem:v27+s24+$0x0] =	vst.idx.msk $0xffff, v23;
	v23 =	vadd.s32 v2, v12;
	v14 =	vadd.f32 v14, v9;
	v26 =	vld [tilespmem:s5+$0x0]  }
0x31b: {  	v27 =	vld [tilespmem:s0+$0xFFFFFF20];
	[tilespmem:v17+s24+$0x0] =	vst.idx.msk $0xffff, v25;
	v25 =	vadd.s32 v1, v7;
	v18 =	vadd.f32 v18, v5  }
0x31c: {  	v31 =	vadd.s32 v3, v13;
	v30 =	vld [tilespmem:s0+$0xFFFFFF60];
	[tilespmem:v15+s24+$0x0] =	vst.idx.msk $0xffff, v14;
	v14 =	vadd.f32 v21, v5  }
0x31d: {  	v22 =	vadd.s32 v1, v8;
	v17 =	vld [tilespmem:s0+$0xFFFFFFA0];
	v13 =	vadd.f32 v16, v5;
	[tilespmem:v24+s24+$0x0] =	vst.idx.msk $0xffff, v18  }
0x31e: {  	s15 =	simm.s32 $0x8;
	v21 =	vadd.s32 v1, v10;
	[tilespmem:v29+s24+$0x0] =	vst.idx.msk $0xffff, v14;
	v18 =	vadd.f32 v28, v6;
	v16 =	vld [tilespmem:s5+$0xFFFFFF80]  }
0x31f: {  	v24 =	vmov s15;
	v14 =	vadd.s32 v1, v11;
	v15 =	vld [tilespmem:s5+$0xFFFFFFC0];
	[tilespmem:v23+s24+$0x0] =	vst.idx.msk $0xffff, v13;
	v63 =	vadd.f32 v26, v4  }
0x320: {  	s2 =	simm.s32 $0x3BF0;
	s8 =	simm.s32 $0xB;
	v19 =	vadd.s32 v3, v19;
	v13 =	vand.u32 $0x7C, v24;
	v24 =	vadd.f32 v27, v6;
	[tilespmem:v25+s24+$0x0] =	vst.idx.msk $0xffff, v18;
	v18 =	vld [tilespmem:s5+$0xFFFFFF40]  }
0x321: {  	v20 =	vadd.s32 v3, v20;
	v26 =	vmov s8;
	v23 =	vld [tilespmem:s2+$0xFFFFFFD0];
	s5 =	simm.s32 $0xC;
	v25 =	vadd.f32 v30, v6;
	[tilespmem:v31+s24+$0x0] =	vst.idx.msk $0xffff, v63  }
.LBB2_27:
0x322: {  	p0 =	slt.u32 s5, $0x7C;
	s6 =	sadd.s32 $0x1, s15;
	v26 =	vand.u32 $0x7F, v26;
	[tilespmem:v22+s24+$0x0] =	vst.idx.msk $0xffff, v24;
	v17 =	vadd.f32 v17, v6;
	v22 =	vld [tilespmem:s0+$0xFFFFFFF0];
	v24 =	vadd.s32 v3, v12  }
0x323: {  	v30 =	vmovc v11;
	v27 =	vld [tilespmem:s2+$0xFFFFFF10];
	v28 =	vmov s6;
	s6 =	sadd.s32 $0x2, s15;
	v29 =	vadd.s32 v0, v26;
	[tilespmem:v21+s24+$0x0] =	vst.idx.msk $0xffff, v25;
	v16 =	vadd.f32 v16, v4;
	s15 =	smov.u32 s5  }
0x324: {  	v12 =	vmovc v8;
	v21 =	vld [tilespmem:s2+$0xFFFFFF50];
	v11 =	vmov s6;
	[tilespmem:v14+s24+$0x0] =	vst.idx.msk $0xffff, v17;
	v14 =	vadd.s32 v2, v7;
	v15 =	vadd.f32 v15, v4  }
0x325: {  	v17 =	vadd.s32 v0, v13;
	v28 =	vand.u32 $0x7D, v28;
	v25 =	vld [tilespmem:s2+$0xFFFFFF90];
	v31 =	vadd.f32 v18, v4;
	[tilespmem:v19+s24+$0x0] =	vst.idx.msk $0xffff, v16  }
0x326: {  	v16 =	vadd.s32 v0, v28;
	v11 =	vand.u32 $0x7E, v11;
	v18 =	vadd.f32 v23, v9;
	v19 =	vld [tilespmem:s0+$0xFFFFFF70];
	[tilespmem:v20+s24+$0x0] =	vst.idx.msk $0xffff, v15  }
0x327: {  	v8 =	vmov v13;
	v15 =	vadd.s32 v0, v11;
	v20 =	vld [tilespmem:s0+$0xFFFFFFB0];
	v22 =	vadd.f32 v22, v5;
	[tilespmem:v24+s24+$0x0] =	vst.idx.msk $0xffff, v31  }
0x328: {  	v23 =	vadd.s32 v2, v10;
	v13 =	vadd.f32 v27, v9;
	[tilespmem:v29+s24+$0x0] =	vst.idx.msk $0xffff, v18;
	v18 =	vld [tilespmem:s0+$0xFFFFFF30]  }
0x329: {  	v27 =	vadd.s32 v2, v30;
	v21 =	vadd.f32 v21, v9;
	v24 =	vld [tilespmem:s2+$0xFFFFFFE0];
	[tilespmem:v14+s24+$0x0] =	vst.idx.msk $0xffff, v22  }
0x32a: {  	[tilespmem:v17+s24+$0x0] =	vst.idx.msk $0xffff, v13;
	v13 =	vadd.f32 v25, v9;
	v25 =	vadd.s32 v2, v12;
	v29 =	vld [tilespmem:s0+$0x0]  }
0x32b: {  	v32 =	vadd.s32 v1, v26;
	v31 =	vld [tilespmem:s2+$0xFFFFFF20];
	[tilespmem:v16+s24+$0x0] =	vst.idx.msk $0xffff, v21;
	v14 =	vadd.f32 v19, v5  }
0x32c: {  	v34 =	vadd.s32 v3, v7;
	v7 =	vmov v26;
	v33 =	vld [tilespmem:s2+$0xFFFFFF60];
	[tilespmem:v15+s24+$0x0] =	vst.idx.msk $0xffff, v13;
	v13 =	vadd.f32 v20, v5  }
.Ltmp12:
0x32d: {  	v22 =	vadd.s32 v1, v8;
	v17 =	vld [tilespmem:s2+$0xFFFFFFA0];
	v15 =	vadd.f32 v18, v5;
	[tilespmem:v23+s24+$0x0] =	vst.idx.msk $0xffff, v14;
	(pc) =	sbr.rel @p0 .LBB2_27-.Ltmp12, $4  }
0x32e: {  	v21 =	vadd.s32 v1, v28;
	v18 =	vadd.f32 v24, v6;
	v16 =	vld [tilespmem:s0+$0xFFFFFF80];
	[tilespmem:v27+s24+$0x0] =	vst.idx.msk $0xffff, v13  }
0x32f: {  	v14 =	vadd.s32 v1, v11;
	v13 =	vmov s5;
	[tilespmem:v25+s24+$0x0] =	vst.idx.msk $0xffff, v15;
	v15 =	vld [tilespmem:s0+$0xFFFFFFC0];
	v27 =	vadd.f32 v29, v4  }
0x330: {  	s6 =	sadd.s32 $0x3, s5;
	v19 =	vadd.s32 v3, v10;
	v13 =	vand.u32 $0x7C, v13;
	v24 =	vadd.f32 v31, v6;
	[tilespmem:v32+s24+$0x0] =	vst.idx.msk $0xffff, v18;
	v18 =	vld [tilespmem:s0+$0xFFFFFF40];
	s0 =	smov.u32 s2;
	s2 =	sadd.s32 $0x100, s2  }
0x331: {  	v26 =	vmov s6;
	v10 =	vmovc v28;
	v20 =	vadd.s32 v3, v30;
	s5 =	sadd.s32 $0x4, s5;
	v23 =	vld [tilespmem:s2+$0xFFFFFFD0];
	v25 =	vadd.f32 v33, v6;
	[tilespmem:v34+s24+$0x0] =	vst.idx.msk $0xffff, v27  }
0x332: {  	s5 =	sadd.s32 $0x1, s15  }
0x333: {  	v26 =	vand.u32 $0x7F, v26;
	s15 =	sadd.s32 $0x2, s15;
	v28 =	vld [tilespmem:s2+$0xFFFFFF50];
	v27 =	vmov s5  }
0x334: {  	v31 =	vld [tilespmem:s2+$0xFFFFFF90];
	v29 =	vadd.s32 v0, v26;
	v30 =	vmov s15;
	v27 =	vand.u32 $0x7D, v27  }
0x335: {  	v32 =	vld [tilespmem:s2+$0xFFFFFF10];
	v30 =	vand.u32 $0x7E, v30;
	v33 =	vadd.s32 v0, v27  }
0x336: {  	v34 =	vadd.s32 v0, v30  }
0x337: {  	[tilespmem:v22+s24+$0x0] =	vst.idx.msk $0xffff, v24;
	v44 =	vadd.s32 v0, v13;
	v23 =	vadd.f32 v23, v9  }
0x338: {  	[tilespmem:v21+s24+$0x0] =	vst.idx.msk $0xffff, v25;
	v45 =	vadd.f32 v28, v9  }
0x339: {  	v46 =	vadd.f32 v31, v9;
	[tilespmem:v29+s24+$0x0] =	vst.idx.msk $0xffff, v23  }
0x33a: {  	v47 =	vadd.f32 v32, v9;
	v48 =	vld [tilespmem:s2+$0xFFFFFFE0];
	[tilespmem:v33+s24+$0x0] =	vst.idx.msk $0xffff, v45  }
0x33b: {  	v17 =	vadd.f32 v17, v6;
	v12 =	vadd.s32 v3, v12;
	[tilespmem:v34+s24+$0x0] =	vst.idx.msk $0xffff, v46;
	v21 =	vld [tilespmem:s2+$0xFFFFFF60]  }
0x33c: {  	v16 =	vadd.f32 v16, v4;
	v49 =	vadd.s32 v1, v26;
	[tilespmem:v44+s24+$0x0] =	vst.idx.msk $0xffff, v47;
	v50 =	vld [tilespmem:s2+$0xFFFFFFA0]  }
0x33d: {  	[tilespmem:v14+s24+$0x0] =	vst.idx.msk $0xffff, v17;
	v51 =	vadd.f32 v15, v4;
	v53 =	vadd.s32 v1, v27;
	v52 =	vld [tilespmem:s2+$0xFFFFFF20]  }
0x33e: {  	v54 =	vld [tilespmem:s0+$0xFFFFFFF0];
	v18 =	vadd.f32 v18, v4;
	[tilespmem:v19+s24+$0x0] =	vst.idx.msk $0xffff, v16;
	v55 =	vadd.s32 v1, v30  }
0x33f: {  	v57 =	vadd.s32 v1, v13;
	v60 =	vld [tilespmem:s0+$0xFFFFFFB0];
	[tilespmem:v20+s24+$0x0] =	vst.idx.msk $0xffff, v51;
	v58 =	vadd.f32 v48, v6  }
0x340: {  	v59 =	vadd.s32 v2, v7;
	v56 =	vld [tilespmem:s0+$0xFFFFFF70];
	[tilespmem:v12+s24+$0x0] =	vst.idx.msk $0xffff, v18;
	v61 =	vadd.f32 v21, v6  }
0x341: {  	v62 =	vld [tilespmem:s0+$0xFFFFFF30];
	v29 =	vadd.s32 v2, v11;
	[tilespmem:v49+s24+$0x0] =	vst.idx.msk $0xffff, v58;
	v28 =	vadd.f32 v50, v6  }
0x342: {  	v63 =	vadd.s32 v2, v10;
	v31 =	vadd.f32 v52, v6;
	v32 =	vld [tilespmem:s2+$0xFFFFFFF0];
	[tilespmem:v53+s24+$0x0] =	vst.idx.msk $0xffff, v61  }
0x343: {  	v33 =	vadd.f32 v54, v5;
	v34 =	vadd.s32 v2, v8;
	[tilespmem:v55+s24+$0x0] =	vst.idx.msk $0xffff, v28;
	v35 =	vld [tilespmem:s2+$0xFFFFFF70]  }
0x344: {  	v37 =	vadd.s32 v2, v26;
	v39 =	vadd.f32 v60, v5;
	[tilespmem:v57+s24+$0x0] =	vst.idx.msk $0xffff, v31;
	v38 =	vld [tilespmem:s2+$0xFFFFFFB0]  }
0x345: {  	v41 =	vadd.s32 v2, v27;
	v36 =	vadd.f32 v56, v5;
	[tilespmem:v59+s24+$0x0] =	vst.idx.msk $0xffff, v33;
	v40 =	vld [tilespmem:s2+$0xFFFFFF30]  }
0x346: {  	v43 =	vadd.s32 v2, v30;
	v18 =	vadd.f32 v62, v5;
	v42 =	vld [tilespmem:s0+$0x0];
	[tilespmem:v29+s24+$0x0] =	vst.idx.msk $0xffff, v39  }
0x347: {  	v45 =	vadd.s32 v2, v13;
	[tilespmem:v63+s24+$0x0] =	vst.idx.msk $0xffff, v36;
	v47 =	vld [tilespmem:s0+$0xFFFFFFC0];
	v44 =	vadd.f32 v32, v5  }
0x348: {  	v46 =	vadd.s32 v3, v7;
	[tilespmem:v34+s24+$0x0] =	vst.idx.msk $0xffff, v18;
	v21 =	vld [tilespmem:s0+$0xFFFFFF80];
	v9 =	vadd.f32 v35, v5  }
0x349: {  	v18 =	vld [tilespmem:s0+$0xFFFFFF40];
	v50 =	vadd.s32 v3, v11;
	[tilespmem:v37+s24+$0x0] =	vst.idx.msk $0xffff, v44;
	v49 =	vadd.f32 v38, v5  }
0x34a: {  	v48 =	vadd.s32 v3, v10;
	v5 =	vadd.f32 v40, v5;
	v12 =	vld [tilespmem:s2+$0x0];
	[tilespmem:v41+s24+$0x0] =	vst.idx.msk $0xffff, v9  }
0x34b: {  	v52 =	vadd.s32 v3, v8;
	v51 =	vadd.f32 v42, v4;
	[tilespmem:v43+s24+$0x0] =	vst.idx.msk $0xffff, v49;
	v53 =	vld [tilespmem:s2+$0xFFFFFF80]  }
0x34c: {  	v55 =	vadd.s32 v3, v26;
	v56 =	vadd.f32 v47, v4;
	[tilespmem:v45+s24+$0x0] =	vst.idx.msk $0xffff, v5;
	v5 =	vld [tilespmem:s2+$0xFFFFFFC0]  }
0x34d: {  	v58 =	vadd.s32 v3, v27;
	[tilespmem:v46+s24+$0x0] =	vst.idx.msk $0xffff, v51;
	v54 =	vadd.f32 v21, v4;
	v57 =	vld [tilespmem:s2+$0xFFFFFF40]  }
0x34e: {  	v60 =	vadd.s32 v3, v30;
	v59 =	vadd.f32 v18, v4;
	[tilespmem:v50+s24+$0x0] =	vst.idx.msk $0xffff, v56  }
0x34f: {  	v62 =	vadd.s32 v3, v13;
	[tilespmem:v48+s24+$0x0] =	vst.idx.msk $0xffff, v54;
	v61 =	vadd.f32 v12, v4  }
0x350: {  	[tilespmem:v52+s24+$0x0] =	vst.idx.msk $0xffff, v59;
	v63 =	vadd.f32 v53, v4  }
0x351: {  	s2 =	sshll.u32 s31, $0x14;
	[tilespmem:v55+s24+$0x0] =	vst.idx.msk $0xffff, v61;
	v5 =	vadd.f32 v5, v4  }
0x352: {  	s0 =	sor.u32 s11, s2;
	v4 =	vadd.f32 v57, v4;
	[tilespmem:v58+s24+$0x0] =	vst.idx.msk $0xffff, v63  }
0x353: {  	s0 =	sshrl.u32 s0, $0x3;
	[tilespmem:v60+s24+$0x0] =	vst.idx.msk $0xffff, v5  }
0x354: {  	s5 =	simm.s32 $0x7B00;
	s2 =	sadd.s32 s1, s0;
	[tilespmem:v62+s24+$0x0] =	vst.idx.msk $0xffff, v4  }
0x355: {  	[hbm4b:s2+s3] =	stream.linear.scatter [tilespmem:s5], [sflag:$0x4], $0x80, $0x38;
	[tilespmem:$0xAB00] =	vst v63  }
0x356: {  	s6 =	simm.s32 $0x7B88;
	s8 =	sadd.s32 $0x10, s2  }
0x357: {  	[hbm4b:s8+s3] =	stream.linear.scatter [tilespmem:s6], [sflag:$0x4], $0x80, $0x38;
	[tilespmem:$0xAB00] =	vst v63  }
0x358: {  	s15 =	simm.s32 $0x7C10;
	s31 =	sadd.s32 $0x20, s2  }
0x359: {  	[hbm4b:s31+s3] =	stream.linear.scatter [tilespmem:s15], [sflag:$0x4], $0x80, $0x38;
	[tilespmem:$0xAB00] =	vst v63  }
0x35a: {  	s6 =	simm.s32 $0x7C98;
	s8 =	sadd.s32 $0x30, s2  }
0x35b: {  	[hbm4b:s8+s3] =	stream.linear.scatter [tilespmem:s6], [sflag:$0x4], $0x80, $0x38;
	[tilespmem:$0xAB00] =	vst v63  }
0x35c: {  	s15 =	simm.s32 $0x7D20;
	s31 =	sadd.s32 $0x40, s2  }
0x35d: {  	[hbm4b:s31+s3] =	stream.linear.scatter [tilespmem:s15], [sflag:$0x4], $0x80, $0x38;
	[tilespmem:$0xAB00] =	vst v63  }
0x35e: {  	s0 =	simm.s32 $0x440;
	s6 =	simm.s32 $0x7DA8;
	s8 =	sadd.s32 $0x50, s2  }
0x35f: {  	[hbm4b:s8+s3] =	stream.linear.scatter [tilespmem:s6], [sflag:$0x4], $0x80, $0x38;
	[tilespmem:$0xAB00] =	vst v63  }
0x360: {  	s5 =	simm.s32 $0x2200;
	s15 =	simm.s32 $0x7E30;
	s31 =	sadd.s32 $0x60, s2  }
0x361: {  	[hbm4b:s31+s3] =	stream.linear.scatter [tilespmem:s15], [sflag:$0x4], $0x80, $0x38;
	[tilespmem:$0xAB00] =	vst v63  }
0x362: {  	s6 =	sadd.s32 $0x70, s2;
	s2 =	sadd.s32 $0x4000, s2;
	s15 =	simm.s32 $0x7EB8  }
.LBB2_29:
0x363: {  	[hbm4b:s6+s3] =	stream.linear.scatter [tilespmem:s15], [sflag:$0x4], $0x80, $0x38;
	[tilespmem:$0xAB00] =	vst v63  }
0x364: {  	s6 =	smov.u32 s0;
	s0 =	smov.u32 s5  }
0x365: {  	s8 =	sadd.s32 $0x1100, s5;
	s0 =	sshra.s32 s0, $0x2;
	s15 =	sadd.s32 $0x7B00, s6  }
0x366: {  	[hbm4b:s2+s3] =	stream.linear.scatter [tilespmem:s15], [sflag:$0x4], $0x80, $0x38;
	[tilespmem:$0xAB00] =	vst v63  }
0x367: {  	p0 =	sne.s32 s5, $0x7700;
	s5 =	sadd.s32 $0x7B88, s6;
	s15 =	sadd.s32 $0x10, s2  }
0x368: {  	[hbm4b:s15+s3] =	stream.linear.scatter [tilespmem:s5], [sflag:$0x4], $0x80, $0x38;
	[tilespmem:$0xAB00] =	vst v63  }
0x369: {  	s5 =	sadd.s32 $0x7C10, s6;
	s15 =	sadd.s32 $0x20, s2  }
0x36a: {  	[hbm4b:s15+s3] =	stream.linear.scatter [tilespmem:s5], [sflag:$0x4], $0x80, $0x38;
	[tilespmem:$0xAB00] =	vst v63  }
0x36b: {  	s5 =	sadd.s32 $0x7C98, s6;
	s15 =	sadd.s32 $0x30, s2  }
0x36c: {  	[hbm4b:s15+s3] =	stream.linear.scatter [tilespmem:s5], [sflag:$0x4], $0x80, $0x38;
	[tilespmem:$0xAB00] =	vst v63  }
0x36d: {  	s5 =	sadd.s32 $0x7D20, s6;
	s15 =	sadd.s32 $0x40, s2  }
0x36e: {  	[hbm4b:s15+s3] =	stream.linear.scatter [tilespmem:s5], [sflag:$0x4], $0x80, $0x38;
	[tilespmem:$0xAB00] =	vst v63  }
0x36f: {  	s5 =	sadd.s32 $0x7DA8, s6;
	s15 =	sadd.s32 $0x50, s2  }
0x370: {  	[hbm4b:s15+s3] =	stream.linear.scatter [tilespmem:s5], [sflag:$0x4], $0x80, $0x38;
	[tilespmem:$0xAB00] =	vst v63  }
.Ltmp13:
0x371: {  	_ = 	snop;
	(pc) =	sbr.rel @p0 .LBB2_29-.Ltmp13, $4  }
0x372: {  	s5 =	sadd.s32 $0x7E30, s6;
	s15 =	sadd.s32 $0x60, s2  }
0x373: {  	[hbm4b:s15+s3] =	stream.linear.scatter [tilespmem:s5], [sflag:$0x4], $0x80, $0x38;
	[tilespmem:$0xAB00] =	vst v63  }
0x374: {  	s15 =	sadd.s32 $0x7EB8, s6  }
0x375: {  	s6 =	sadd.s32 $0x70, s2;
	s2 =	sadd.s32 $0x4000, s2;
	s5 =	smov.u32 s8  }
0x376: {  	[hbm4b:s6+s3] =	stream.linear.scatter [tilespmem:s15], [sflag:$0x4], $0x80, $0x38;
	[tilespmem:$0xAB00] =	vst v63  }
0x377: {  	s5 =	sadd.s32 $0x7B00, s0  }
0x378: {  	[hbm4b:s2+s3] =	stream.linear.scatter [tilespmem:s5], [sflag:$0x4], $0x80, $0x38;
	[tilespmem:$0xAB00] =	vst v63  }
0x379: {  	s15 =	sadd.s32 $0x7B88, s0;
	s31 =	sadd.s32 $0x10, s2  }
0x37a: {  	[hbm4b:s31+s3] =	stream.linear.scatter [tilespmem:s15], [sflag:$0x4], $0x80, $0x38;
	[tilespmem:$0xAB00] =	vst v63  }
0x37b: {  	s6 =	sadd.s32 $0x7C10, s0;
	s8 =	sadd.s32 $0x20, s2  }
0x37c: {  	[hbm4b:s8+s3] =	stream.linear.scatter [tilespmem:s6], [sflag:$0x4], $0x80, $0x38;
	[tilespmem:$0xAB00] =	vst v63  }
0x37d: {  	s15 =	sadd.s32 $0x7C98, s0;
	s31 =	sadd.s32 $0x30, s2  }
0x37e: {  	[hbm4b:s31+s3] =	stream.linear.scatter [tilespmem:s15], [sflag:$0x4], $0x80, $0x38;
	[tilespmem:$0xAB00] =	vst v63  }
0x37f: {  	s30 =	sadd.s32 $0x1, s30;
	s6 =	sadd.s32 $0x7D20, s0;
	s8 =	sadd.s32 $0x40, s2  }
0x380: {  	[hbm4b:s8+s3] =	stream.linear.scatter [tilespmem:s6], [sflag:$0x4], $0x80, $0x38;
	[tilespmem:$0xAB00] =	vst v63  }
0x381: {  	p0 =	sne.s32 s30, $0x19;
	s15 =	sadd.s32 $0x7DA8, s0;
	s31 =	sadd.s32 $0x50, s2  }
0x382: {  	[hbm4b:s31+s3] =	stream.linear.scatter [tilespmem:s15], [sflag:$0x4], $0x80, $0x38;
	[tilespmem:$0xAB00] =	vst v63  }
.Ltmp14:
0x383: {  	_ = 	snop;
	(pc) =	sbr.rel @p0 .LBB2_22-.Ltmp14, $4  }
0x384: {  	s6 =	sadd.s32 $0x7E30, s0;
	s8 =	sadd.s32 $0x60, s2  }
0x385: {  	[hbm4b:s8+s3] =	stream.linear.scatter [tilespmem:s6], [sflag:$0x4], $0x80, $0x38;
	[tilespmem:$0xAB00] =	vst v63  }
0x386: {  	s15 =	sadd.s32 $0x7EB8, s0;
	s31 =	sadd.s32 $0x70, s2  }
0x387: {  	[hbm4b:s31+s3] =	stream.linear.scatter [tilespmem:s15], [sflag:$0x4], $0x80, $0x38;
	[tilespmem:$0xAB00] =	vst v63  }
0x388: {  	_ =	swait.ge [sflag:s25], $0x2000  }
0x389: {  	[sflag:s25] =	ssyncset.done $0x0  }
0x38a: {  	[sflag:s25] =	ssyncadd.s32 $0xFFFFE000  }
0x38b: {  	_ =	swait.ge [sflag:s26], $0x2000  }
0x38c: {  	[sflag:s26] =	ssyncset.done $0x0  }
0x38d: {  	s29 =	simm.s32 $0x0;
	[sflag:s26] =	ssyncadd.s32 $0xFFFFE000  }
0x38e: {  	[tilespmem:s29], [sflag:$0x5] =	stream.strided.gather [hbm4b:s12+s17], $0x1900, s18, s17, $0x38;
	[tilespmem:$0xAB00] =	vst v63  }
0x38f: {  	_ =	swait.ge [sflag:s16], $0x1900  }
0x390: {  	[sflag:s16] =	ssyncset.done $0x0  }
0x391: {  	s30 =	simm.s32 $0x0;
	[sflag:s16] =	ssyncadd.s32 $0xFFFFE700  }
0x392: {  	[tilespmem:s19], [sflag:$0x1] =	stream.indirect.gather [hbm4b:s4+s17], $0x40, s29, s17, $0xb8;
	[tilespmem:$0xAB00] =	vst v63  }
.LBB2_32:
0x393: {  	p0 =	seq.s32 s30, $0x0  }
0x394: {  	s0 =	simm.s32 @!p0 $0x4  }
0x395: {  	s31 =	sshllo.u32 s30, $0x1;
	_ =	swait.ge @!p0 [sflag:s0], $0x2000  }
0x396: {  	s2 =	sshll.u32 s31, $0x7;
	[sflag:s0] =	ssyncset.done @!p0 $0x0  }
0x397: {  	s5 =	sand.u32 $0x3FFFFF80, s2;
	[sflag:s0] =	ssyncadd.s32 @!p0 $0xFFFFE000  }
0x398: {  	[tilespmem:s20], [sflag:$0x2] =	stream.indirect.gather [hbm4b:s4+s17], $0x40, s5, s17, $0xb8;
	[tilespmem:$0xAB00] =	vst v63  }
0x399: {  	_ =	swait.ge [sflag:s21], $0x2000  }
0x39a: {  	s6 =	sshll.u32 s30, $0x7;
	[sflag:s21] =	ssyncset.done $0x0  }
0x39b: {  	s0 =	sand.u32 $0x3FFFFF80, s6;
	[sflag:s21] =	ssyncadd.s32 $0xFFFFE000  }
0x39c: {  	s8 =	simm.s32 $0x3;
	s5 =	simm.s32 $0x1980;
	v9 =	vld [tilespmem:s0+$0x9D00]  }
0x39d: {  	v4 =	vmov s8;
	v7 =	vld [tilespmem:s5+$0x40]  }
0x39e: {  	v13 =	vand.u32 $0x7F, v4  }
0x39f: {  	v4 =	vmov s29;
	v8 =	vadd.s32 v0, v13;
	v6 =	vld [tilespmem:s0+$0x9D10]  }
0x3a0: {  	s15 =	simm.s32 $0x1;
	v12 =	vand.u32 $0x7C, v4;
	v10 =	vld [tilespmem:s5+$0xFFFFFF80]  }
0x3a1: {  	v4 =	vmov s15;
	s6 =	simm.s32 $0x2;
	v15 =	vadd.s32 v0, v12;
	v11 =	vld [tilespmem:s5+$0xFFFFFFC0]  }
0x3a2: {  	v19 =	vand.u32 $0x7D, v4;
	v14 =	vmov s6;
	v16 =	vld [tilespmem:s5+$0x0];
	v7 =	vadd.f32 v7, v9  }
0x3a3: {  	v17 =	vadd.s32 v0, v19;
	v20 =	vand.u32 $0x7E, v14;
	v5 =	vld [tilespmem:s0+$0x9D20]  }
0x3a4: {  	v14 =	vadd.s32 v0, v20;
	v4 =	vld [tilespmem:s0+$0x9D30];
	[tilespmem:v8+s22+$0x0] =	vst.idx.msk $0xffff, v7  }
0x3a5: {  	v7 =	vadd.f32 v10, v9;
	v8 =	vld [tilespmem:s5+$0x50]  }
0x3a6: {  	v10 =	vadd.f32 v11, v9  }
0x3a7: {  	v11 =	vadd.s32 v1, v13;
	[tilespmem:v15+s22+$0x0] =	vst.idx.msk $0xffff, v7;
	v7 =	vadd.f32 v16, v9  }
0x3a8: {  	[tilespmem:v17+s22+$0x0] =	vst.idx.msk $0xffff, v10;
	v15 =	vld [tilespmem:s5+$0xFFFFFF90]  }
0x3a9: {  	v10 =	vld [tilespmem:s5+$0xFFFFFFD0];
	[tilespmem:v14+s22+$0x0] =	vst.idx.msk $0xffff, v7  }
0x3aa: {  	v14 =	vld [tilespmem:s5+$0x10];
	v7 =	vadd.f32 v8, v6  }
0x3ab: {  	s8 =	simm.s32 $0x7;
	s0 =	simm.s32 $0x1A80;
	v16 =	vadd.s32 v1, v19  }
0x3ac: {  	v26 =	vadd.s32 v2, v13;
	s6 =	simm.s32 $0x4;
	v18 =	vld [tilespmem:s0+$0x40];
	v17 =	vadd.s32 v1, v20;
	[tilespmem:v11+s22+$0x0] =	vst.idx.msk $0xffff, v7;
	v7 =	vmov s8  }
0x3ad: {  	v21 =	vadd.s32 v1, v12;
	v8 =	vmov s6;
	v7 =	vand.u32 $0x7F, v7;
	v22 =	vld [tilespmem:s5+$0x60]  }
0x3ae: {  	s15 =	simm.s32 $0x5;
	v23 =	vld [tilespmem:s0+$0xFFFFFF80];
	v8 =	vand.u32 $0x7C, v8;
	v10 =	vadd.f32 v10, v6;
	v24 =	vadd.s32 v0, v7  }
0x3af: {  	v25 =	vld [tilespmem:s0+$0xFFFFFFC0];
	s6 =	simm.s32 $0x6;
	v15 =	vadd.f32 v15, v6;
	v11 =	vadd.f32 v14, v6;
	v14 =	vmov s15  }
0x3b0: {  	v27 =	vadd.s32 v0, v8;
	[tilespmem:v16+s22+$0x0] =	vst.idx.msk $0xffff, v10;
	v16 =	vmov s6;
	v10 =	vand.u32 $0x7D, v14;
	v14 =	vld [tilespmem:s0+$0x0]  }
0x3b1: {  	[tilespmem:v17+s22+$0x0] =	vst.idx.msk $0xffff, v11;
	v17 =	vadd.s32 v0, v10;
	v11 =	vand.u32 $0x7E, v16;
	v16 =	vadd.f32 v18, v9;
	v18 =	vld [tilespmem:s5+$0xFFFFFFE0]  }
0x3b2: {  	[tilespmem:v21+s22+$0x0] =	vst.idx.msk $0xffff, v15;
	v15 =	vadd.s32 v0, v11;
	v21 =	vld [tilespmem:s5+$0x20];
	v22 =	vadd.f32 v22, v5  }
0x3b3: {  	v23 =	vadd.f32 v23, v9;
	[tilespmem:v24+s22+$0x0] =	vst.idx.msk $0xffff, v16;
	v16 =	vld [tilespmem:s5+$0xFFFFFFA0];
	v24 =	vadd.s32 v2, v19  }
0x3b4: {  	v29 =	vadd.s32 v2, v20;
	v25 =	vadd.f32 v25, v9;
	v28 =	vld [tilespmem:s0+$0x50];
	[tilespmem:v26+s22+$0x0] =	vst.idx.msk $0xffff, v22  }
0x3b5: {  	[tilespmem:v27+s22+$0x0] =	vst.idx.msk $0xffff, v23;
	v23 =	vadd.s32 v2, v12;
	v14 =	vadd.f32 v14, v9;
	v26 =	vld [tilespmem:s5+$0x70]  }
0x3b6: {  	v27 =	vld [tilespmem:s0+$0xFFFFFF90];
	[tilespmem:v17+s22+$0x0] =	vst.idx.msk $0xffff, v25;
	v25 =	vadd.s32 v1, v7;
	v18 =	vadd.f32 v18, v5  }
0x3b7: {  	v31 =	vadd.s32 v3, v13;
	v30 =	vld [tilespmem:s0+$0xFFFFFFD0];
	[tilespmem:v15+s22+$0x0] =	vst.idx.msk $0xffff, v14;
	v14 =	vadd.f32 v21, v5  }
0x3b8: {  	v22 =	vadd.s32 v1, v8;
	v17 =	vld [tilespmem:s0+$0x10];
	v13 =	vadd.f32 v16, v5;
	[tilespmem:v24+s22+$0x0] =	vst.idx.msk $0xffff, v18  }
0x3b9: {  	s15 =	simm.s32 $0x8;
	v21 =	vadd.s32 v1, v10;
	[tilespmem:v29+s22+$0x0] =	vst.idx.msk $0xffff, v14;
	v18 =	vadd.f32 v28, v6;
	v16 =	vld [tilespmem:s5+$0xFFFFFFF0]  }
0x3ba: {  	v24 =	vmov s15;
	v14 =	vadd.s32 v1, v11;
	v15 =	vld [tilespmem:s5+$0x30];
	[tilespmem:v23+s22+$0x0] =	vst.idx.msk $0xffff, v13;
	v63 =	vadd.f32 v26, v4  }
0x3bb: {  	s2 =	simm.s32 $0x1B80;
	s8 =	simm.s32 $0xB;
	v19 =	vadd.s32 v3, v19;
	v13 =	vand.u32 $0x7C, v24;
	v24 =	vadd.f32 v27, v6;
	[tilespmem:v25+s22+$0x0] =	vst.idx.msk $0xffff, v18;
	v18 =	vld [tilespmem:s5+$0xFFFFFFB0]  }
0x3bc: {  	v20 =	vadd.s32 v3, v20;
	v26 =	vmov s8;
	v23 =	vld [tilespmem:s2+$0x40];
	s5 =	simm.s32 $0xC;
	v25 =	vadd.f32 v30, v6;
	[tilespmem:v31+s22+$0x0] =	vst.idx.msk $0xffff, v63  }
.LBB2_33:
0x3bd: {  	p0 =	slt.u32 s5, $0x7C;
	s6 =	sadd.s32 $0x1, s15;
	v26 =	vand.u32 $0x7F, v26;
	[tilespmem:v22+s22+$0x0] =	vst.idx.msk $0xffff, v24;
	v17 =	vadd.f32 v17, v6;
	v22 =	vld [tilespmem:s0+$0x60];
	v24 =	vadd.s32 v3, v12  }
0x3be: {  	v30 =	vmovc v11;
	v27 =	vld [tilespmem:s2+$0xFFFFFF80];
	v28 =	vmov s6;
	s6 =	sadd.s32 $0x2, s15;
	v29 =	vadd.s32 v0, v26;
	[tilespmem:v21+s22+$0x0] =	vst.idx.msk $0xffff, v25;
	v16 =	vadd.f32 v16, v4;
	s15 =	smov.u32 s5  }
0x3bf: {  	v12 =	vmovc v8;
	v21 =	vld [tilespmem:s2+$0xFFFFFFC0];
	v11 =	vmov s6;
	[tilespmem:v14+s22+$0x0] =	vst.idx.msk $0xffff, v17;
	v14 =	vadd.s32 v2, v7;
	v15 =	vadd.f32 v15, v4  }
0x3c0: {  	v17 =	vadd.s32 v0, v13;
	v28 =	vand.u32 $0x7D, v28;
	v25 =	vld [tilespmem:s2+$0x0];
	v31 =	vadd.f32 v18, v4;
	[tilespmem:v19+s22+$0x0] =	vst.idx.msk $0xffff, v16  }
0x3c1: {  	v16 =	vadd.s32 v0, v28;
	v11 =	vand.u32 $0x7E, v11;
	v18 =	vadd.f32 v23, v9;
	v19 =	vld [tilespmem:s0+$0xFFFFFFE0];
	[tilespmem:v20+s22+$0x0] =	vst.idx.msk $0xffff, v15  }
0x3c2: {  	v8 =	vmov v13;
	v15 =	vadd.s32 v0, v11;
	v20 =	vld [tilespmem:s0+$0x20];
	v22 =	vadd.f32 v22, v5;
	[tilespmem:v24+s22+$0x0] =	vst.idx.msk $0xffff, v31  }
0x3c3: {  	v23 =	vadd.s32 v2, v10;
	v13 =	vadd.f32 v27, v9;
	[tilespmem:v29+s22+$0x0] =	vst.idx.msk $0xffff, v18;
	v18 =	vld [tilespmem:s0+$0xFFFFFFA0]  }
0x3c4: {  	v27 =	vadd.s32 v2, v30;
	v21 =	vadd.f32 v21, v9;
	v24 =	vld [tilespmem:s2+$0x50];
	[tilespmem:v14+s22+$0x0] =	vst.idx.msk $0xffff, v22  }
0x3c5: {  	[tilespmem:v17+s22+$0x0] =	vst.idx.msk $0xffff, v13;
	v13 =	vadd.f32 v25, v9;
	v25 =	vadd.s32 v2, v12;
	v29 =	vld [tilespmem:s0+$0x70]  }
0x3c6: {  	v32 =	vadd.s32 v1, v26;
	v31 =	vld [tilespmem:s2+$0xFFFFFF90];
	[tilespmem:v16+s22+$0x0] =	vst.idx.msk $0xffff, v21;
	v14 =	vadd.f32 v19, v5  }
0x3c7: {  	v34 =	vadd.s32 v3, v7;
	v7 =	vmov v26;
	v33 =	vld [tilespmem:s2+$0xFFFFFFD0];
	[tilespmem:v15+s22+$0x0] =	vst.idx.msk $0xffff, v13;
	v13 =	vadd.f32 v20, v5  }
.Ltmp15:
0x3c8: {  	v22 =	vadd.s32 v1, v8;
	v17 =	vld [tilespmem:s2+$0x10];
	v15 =	vadd.f32 v18, v5;
	[tilespmem:v23+s22+$0x0] =	vst.idx.msk $0xffff, v14;
	(pc) =	sbr.rel @p0 .LBB2_33-.Ltmp15, $4  }
0x3c9: {  	v21 =	vadd.s32 v1, v28;
	v18 =	vadd.f32 v24, v6;
	v16 =	vld [tilespmem:s0+$0xFFFFFFF0];
	[tilespmem:v27+s22+$0x0] =	vst.idx.msk $0xffff, v13  }
0x3ca: {  	v14 =	vadd.s32 v1, v11;
	v13 =	vmov s5;
	[tilespmem:v25+s22+$0x0] =	vst.idx.msk $0xffff, v15;
	v15 =	vld [tilespmem:s0+$0x30];
	v27 =	vadd.f32 v29, v4  }
0x3cb: {  	s6 =	sadd.s32 $0x3, s5;
	v19 =	vadd.s32 v3, v10;
	v13 =	vand.u32 $0x7C, v13;
	v24 =	vadd.f32 v31, v6;
	[tilespmem:v32+s22+$0x0] =	vst.idx.msk $0xffff, v18;
	v18 =	vld [tilespmem:s0+$0xFFFFFFB0];
	s0 =	smov.u32 s2;
	s2 =	sadd.s32 $0x100, s2  }
0x3cc: {  	v26 =	vmov s6;
	v10 =	vmovc v28;
	v20 =	vadd.s32 v3, v30;
	s5 =	sadd.s32 $0x4, s5;
	v23 =	vld [tilespmem:s2+$0x40];
	v25 =	vadd.f32 v33, v6;
	[tilespmem:v34+s22+$0x0] =	vst.idx.msk $0xffff, v27  }
0x3cd: {  	s5 =	sadd.s32 $0x1, s15  }
0x3ce: {  	v26 =	vand.u32 $0x7F, v26;
	s6 =	sadd.s32 $0x2, s15;
	v28 =	vld [tilespmem:s2+$0xFFFFFFC0];
	v27 =	vmov s5  }
0x3cf: {  	v31 =	vld [tilespmem:s2+$0x0];
	v29 =	vadd.s32 v0, v26;
	v30 =	vmov s6;
	v27 =	vand.u32 $0x7D, v27  }
0x3d0: {  	v32 =	vld [tilespmem:s2+$0xFFFFFF80];
	v30 =	vand.u32 $0x7E, v30;
	v33 =	vadd.s32 v0, v27  }
0x3d1: {  	v34 =	vadd.s32 v0, v30  }
0x3d2: {  	[tilespmem:v22+s22+$0x0] =	vst.idx.msk $0xffff, v24;
	v44 =	vadd.s32 v0, v13;
	v23 =	vadd.f32 v23, v9  }
0x3d3: {  	[tilespmem:v21+s22+$0x0] =	vst.idx.msk $0xffff, v25;
	v45 =	vadd.f32 v28, v9  }
0x3d4: {  	v46 =	vadd.f32 v31, v9;
	[tilespmem:v29+s22+$0x0] =	vst.idx.msk $0xffff, v23  }
0x3d5: {  	v47 =	vadd.f32 v32, v9;
	v48 =	vld [tilespmem:s2+$0x50];
	[tilespmem:v33+s22+$0x0] =	vst.idx.msk $0xffff, v45  }
0x3d6: {  	v17 =	vadd.f32 v17, v6;
	v12 =	vadd.s32 v3, v12;
	[tilespmem:v34+s22+$0x0] =	vst.idx.msk $0xffff, v46;
	v21 =	vld [tilespmem:s2+$0xFFFFFFD0]  }
0x3d7: {  	v16 =	vadd.f32 v16, v4;
	v49 =	vadd.s32 v1, v26;
	[tilespmem:v44+s22+$0x0] =	vst.idx.msk $0xffff, v47;
	v50 =	vld [tilespmem:s2+$0x10]  }
0x3d8: {  	[tilespmem:v14+s22+$0x0] =	vst.idx.msk $0xffff, v17;
	v51 =	vadd.f32 v15, v4;
	v53 =	vadd.s32 v1, v27;
	v52 =	vld [tilespmem:s2+$0xFFFFFF90]  }
0x3d9: {  	v54 =	vld [tilespmem:s0+$0x60];
	v18 =	vadd.f32 v18, v4;
	[tilespmem:v19+s22+$0x0] =	vst.idx.msk $0xffff, v16;
	v55 =	vadd.s32 v1, v30  }
0x3da: {  	v57 =	vadd.s32 v1, v13;
	v60 =	vld [tilespmem:s0+$0x20];
	[tilespmem:v20+s22+$0x0] =	vst.idx.msk $0xffff, v51;
	v58 =	vadd.f32 v48, v6  }
0x3db: {  	v59 =	vadd.s32 v2, v7;
	v56 =	vld [tilespmem:s0+$0xFFFFFFE0];
	[tilespmem:v12+s22+$0x0] =	vst.idx.msk $0xffff, v18;
	v61 =	vadd.f32 v21, v6  }
0x3dc: {  	v62 =	vld [tilespmem:s0+$0xFFFFFFA0];
	v29 =	vadd.s32 v2, v11;
	[tilespmem:v49+s22+$0x0] =	vst.idx.msk $0xffff, v58;
	v28 =	vadd.f32 v50, v6  }
0x3dd: {  	v63 =	vadd.s32 v2, v10;
	v31 =	vadd.f32 v52, v6;
	v32 =	vld [tilespmem:s2+$0x60];
	[tilespmem:v53+s22+$0x0] =	vst.idx.msk $0xffff, v61  }
0x3de: {  	v33 =	vadd.f32 v54, v5;
	v34 =	vadd.s32 v2, v8;
	[tilespmem:v55+s22+$0x0] =	vst.idx.msk $0xffff, v28;
	v35 =	vld [tilespmem:s2+$0xFFFFFFE0]  }
0x3df: {  	v37 =	vadd.s32 v2, v26;
	v39 =	vadd.f32 v60, v5;
	[tilespmem:v57+s22+$0x0] =	vst.idx.msk $0xffff, v31;
	v38 =	vld [tilespmem:s2+$0x20]  }
0x3e0: {  	v41 =	vadd.s32 v2, v27;
	v36 =	vadd.f32 v56, v5;
	[tilespmem:v59+s22+$0x0] =	vst.idx.msk $0xffff, v33;
	v40 =	vld [tilespmem:s2+$0xFFFFFFA0]  }
0x3e1: {  	v43 =	vadd.s32 v2, v30;
	v18 =	vadd.f32 v62, v5;
	v42 =	vld [tilespmem:s0+$0x70];
	[tilespmem:v29+s22+$0x0] =	vst.idx.msk $0xffff, v39  }
0x3e2: {  	v45 =	vadd.s32 v2, v13;
	[tilespmem:v63+s22+$0x0] =	vst.idx.msk $0xffff, v36;
	v47 =	vld [tilespmem:s0+$0x30];
	v44 =	vadd.f32 v32, v5  }
0x3e3: {  	v46 =	vadd.s32 v3, v7;
	[tilespmem:v34+s22+$0x0] =	vst.idx.msk $0xffff, v18;
	v21 =	vld [tilespmem:s0+$0xFFFFFFF0];
	v9 =	vadd.f32 v35, v5  }
0x3e4: {  	v18 =	vld [tilespmem:s0+$0xFFFFFFB0];
	v50 =	vadd.s32 v3, v11;
	[tilespmem:v37+s22+$0x0] =	vst.idx.msk $0xffff, v44;
	v49 =	vadd.f32 v38, v5  }
0x3e5: {  	v48 =	vadd.s32 v3, v10;
	v5 =	vadd.f32 v40, v5;
	v12 =	vld [tilespmem:s2+$0x70];
	[tilespmem:v41+s22+$0x0] =	vst.idx.msk $0xffff, v9  }
0x3e6: {  	v52 =	vadd.s32 v3, v8;
	v51 =	vadd.f32 v42, v4;
	[tilespmem:v43+s22+$0x0] =	vst.idx.msk $0xffff, v49;
	v53 =	vld [tilespmem:s2+$0xFFFFFFF0]  }
0x3e7: {  	v55 =	vadd.s32 v3, v26;
	v56 =	vadd.f32 v47, v4;
	[tilespmem:v45+s22+$0x0] =	vst.idx.msk $0xffff, v5;
	v5 =	vld [tilespmem:s2+$0x30]  }
0x3e8: {  	v58 =	vadd.s32 v3, v27;
	[tilespmem:v46+s22+$0x0] =	vst.idx.msk $0xffff, v51;
	v54 =	vadd.f32 v21, v4;
	v57 =	vld [tilespmem:s2+$0xFFFFFFB0]  }
0x3e9: {  	v60 =	vadd.s32 v3, v30;
	v59 =	vadd.f32 v18, v4;
	[tilespmem:v50+s22+$0x0] =	vst.idx.msk $0xffff, v56  }
0x3ea: {  	v62 =	vadd.s32 v3, v13;
	[tilespmem:v48+s22+$0x0] =	vst.idx.msk $0xffff, v54;
	v61 =	vadd.f32 v12, v4  }
0x3eb: {  	[tilespmem:v52+s22+$0x0] =	vst.idx.msk $0xffff, v59;
	v63 =	vadd.f32 v53, v4  }
0x3ec: {  	s8 =	sshll.u32 s30, $0x15;
	[tilespmem:v55+s22+$0x0] =	vst.idx.msk $0xffff, v61;
	v5 =	vadd.f32 v5, v4  }
0x3ed: {  	s0 =	sor.u32 s13, s8;
	v4 =	vadd.f32 v57, v4;
	[tilespmem:v58+s22+$0x0] =	vst.idx.msk $0xffff, v63  }
0x3ee: {  	s0 =	sshrl.u32 s0, $0x3;
	[tilespmem:v60+s22+$0x0] =	vst.idx.msk $0xffff, v5  }
0x3ef: {  	s15 =	simm.s32 $0x5900;
	s2 =	sadd.s32 s1, s0;
	[tilespmem:v62+s22+$0x0] =	vst.idx.msk $0xffff, v4  }
0x3f0: {  	[hbm4b:s2+s3] =	stream.linear.scatter [tilespmem:s15], [sflag:$0x3], $0x80, $0x38;
	[tilespmem:$0xAB00] =	vst v63  }
0x3f1: {  	s5 =	simm.s32 $0x5988;
	s6 =	sadd.s32 $0x10, s2  }
0x3f2: {  	[hbm4b:s6+s3] =	stream.linear.scatter [tilespmem:s5], [sflag:$0x3], $0x80, $0x38;
	[tilespmem:$0xAB00] =	vst v63  }
0x3f3: {  	s8 =	simm.s32 $0x5A10;
	s15 =	sadd.s32 $0x20, s2  }
0x3f4: {  	[hbm4b:s15+s3] =	stream.linear.scatter [tilespmem:s8], [sflag:$0x3], $0x80, $0x38;
	[tilespmem:$0xAB00] =	vst v63  }
0x3f5: {  	s5 =	simm.s32 $0x5A98;
	s6 =	sadd.s32 $0x30, s2  }
0x3f6: {  	[hbm4b:s6+s3] =	stream.linear.scatter [tilespmem:s5], [sflag:$0x3], $0x80, $0x38;
	[tilespmem:$0xAB00] =	vst v63  }
0x3f7: {  	s8 =	simm.s32 $0x5B20;
	s15 =	sadd.s32 $0x40, s2  }
0x3f8: {  	[hbm4b:s15+s3] =	stream.linear.scatter [tilespmem:s8], [sflag:$0x3], $0x80, $0x38;
	[tilespmem:$0xAB00] =	vst v63  }
0x3f9: {  	s0 =	simm.s32 $0x440;
	s5 =	simm.s32 $0x5BA8;
	s6 =	sadd.s32 $0x50, s2  }
0x3fa: {  	[hbm4b:s6+s3] =	stream.linear.scatter [tilespmem:s5], [sflag:$0x3], $0x80, $0x38;
	[tilespmem:$0xAB00] =	vst v63  }
0x3fb: {  	s8 =	simm.s32 $0x5C30;
	s15 =	sadd.s32 $0x60, s2;
	s5 =	simm.s32 $0x2200  }
0x3fc: {  	[hbm4b:s15+s3] =	stream.linear.scatter [tilespmem:s8], [sflag:$0x3], $0x80, $0x38;
	[tilespmem:$0xAB00] =	vst v63  }
0x3fd: {  	s6 =	sadd.s32 $0x70, s2;
	s2 =	sadd.s32 $0x4000, s2;
	s15 =	simm.s32 $0x5CB8  }
.LBB2_35:
0x3fe: {  	[hbm4b:s6+s3] =	stream.linear.scatter [tilespmem:s15], [sflag:$0x3], $0x80, $0x38;
	[tilespmem:$0xAB00] =	vst v63  }
0x3ff: {  	s6 =	smov.u32 s0;
	s0 =	smov.u32 s5  }
0x400: {  	s8 =	sadd.s32 $0x1100, s5;
	s0 =	sshra.s32 s0, $0x2;
	s15 =	sadd.s32 $0x5900, s6  }
0x401: {  	[hbm4b:s2+s3] =	stream.linear.scatter [tilespmem:s15], [sflag:$0x3], $0x80, $0x38;
	[tilespmem:$0xAB00] =	vst v63  }
0x402: {  	p0 =	sne.s32 s5, $0x7700;
	s5 =	sadd.s32 $0x5988, s6;
	s15 =	sadd.s32 $0x10, s2  }
0x403: {  	[hbm4b:s15+s3] =	stream.linear.scatter [tilespmem:s5], [sflag:$0x3], $0x80, $0x38;
	[tilespmem:$0xAB00] =	vst v63  }
0x404: {  	s5 =	sadd.s32 $0x5A10, s6;
	s15 =	sadd.s32 $0x20, s2  }
0x405: {  	[hbm4b:s15+s3] =	stream.linear.scatter [tilespmem:s5], [sflag:$0x3], $0x80, $0x38;
	[tilespmem:$0xAB00] =	vst v63  }
0x406: {  	s5 =	sadd.s32 $0x5A98, s6;
	s15 =	sadd.s32 $0x30, s2  }
0x407: {  	[hbm4b:s15+s3] =	stream.linear.scatter [tilespmem:s5], [sflag:$0x3], $0x80, $0x38;
	[tilespmem:$0xAB00] =	vst v63  }
0x408: {  	s5 =	sadd.s32 $0x5B20, s6;
	s15 =	sadd.s32 $0x40, s2  }
0x409: {  	[hbm4b:s15+s3] =	stream.linear.scatter [tilespmem:s5], [sflag:$0x3], $0x80, $0x38;
	[tilespmem:$0xAB00] =	vst v63  }
0x40a: {  	s5 =	sadd.s32 $0x5BA8, s6;
	s15 =	sadd.s32 $0x50, s2  }
0x40b: {  	[hbm4b:s15+s3] =	stream.linear.scatter [tilespmem:s5], [sflag:$0x3], $0x80, $0x38;
	[tilespmem:$0xAB00] =	vst v63  }
.Ltmp16:
0x40c: {  	_ = 	snop;
	(pc) =	sbr.rel @p0 .LBB2_35-.Ltmp16, $4  }
0x40d: {  	s5 =	sadd.s32 $0x5C30, s6;
	s15 =	sadd.s32 $0x60, s2  }
0x40e: {  	[hbm4b:s15+s3] =	stream.linear.scatter [tilespmem:s5], [sflag:$0x3], $0x80, $0x38;
	[tilespmem:$0xAB00] =	vst v63  }
0x40f: {  	s15 =	sadd.s32 $0x5CB8, s6  }
0x410: {  	s6 =	sadd.s32 $0x70, s2;
	s2 =	sadd.s32 $0x4000, s2;
	s5 =	smov.u32 s8  }
0x411: {  	[hbm4b:s6+s3] =	stream.linear.scatter [tilespmem:s15], [sflag:$0x3], $0x80, $0x38;
	[tilespmem:$0xAB00] =	vst v63  }
0x412: {  	s5 =	sadd.s32 $0x5900, s0  }
0x413: {  	[hbm4b:s2+s3] =	stream.linear.scatter [tilespmem:s5], [sflag:$0x3], $0x80, $0x38;
	[tilespmem:$0xAB00] =	vst v63  }
0x414: {  	s8 =	sadd.s32 $0x5988, s0;
	s15 =	sadd.s32 $0x10, s2  }
0x415: {  	[hbm4b:s15+s3] =	stream.linear.scatter [tilespmem:s8], [sflag:$0x3], $0x80, $0x38;
	[tilespmem:$0xAB00] =	vst v63  }
0x416: {  	s8 =	sadd.s32 $0x5A10, s0;
	s15 =	sadd.s32 $0x20, s2  }
0x417: {  	[hbm4b:s15+s3] =	stream.linear.scatter [tilespmem:s8], [sflag:$0x3], $0x80, $0x38;
	[tilespmem:$0xAB00] =	vst v63  }
0x418: {  	s8 =	sadd.s32 $0x5A98, s0;
	s15 =	sadd.s32 $0x30, s2  }
0x419: {  	[hbm4b:s15+s3] =	stream.linear.scatter [tilespmem:s8], [sflag:$0x3], $0x80, $0x38;
	[tilespmem:$0xAB00] =	vst v63  }
0x41a: {  	s8 =	sadd.s32 $0x5B20, s0;
	s15 =	sadd.s32 $0x40, s2  }
0x41b: {  	[hbm4b:s15+s3] =	stream.linear.scatter [tilespmem:s8], [sflag:$0x3], $0x80, $0x38;
	[tilespmem:$0xAB00] =	vst v63  }
0x41c: {  	s8 =	sadd.s32 $0x5BA8, s0;
	s15 =	sadd.s32 $0x50, s2  }
0x41d: {  	[hbm4b:s15+s3] =	stream.linear.scatter [tilespmem:s8], [sflag:$0x3], $0x80, $0x38;
	[tilespmem:$0xAB00] =	vst v63  }
0x41e: {  	p0 =	seq.s32 s30, $0x18;
	s8 =	sadd.s32 $0x5C30, s0;
	s15 =	sadd.s32 $0x60, s2  }
0x41f: {  	[hbm4b:s15+s3] =	stream.linear.scatter [tilespmem:s8], [sflag:$0x3], $0x80, $0x38;
	[tilespmem:$0xAB00] =	vst v63  }
0x420: {  	s6 =	sadd.s32 $0x70, s2;
	s5 =	sadd.s32 $0x5CB8, s0;
	s0 =	simm.s32 @!p0 $0x3  }
0x421: {  	[hbm4b:s6+s3] =	stream.linear.scatter [tilespmem:s5], [sflag:$0x3], $0x80, $0x38;
	[tilespmem:$0xAB00] =	vst v63  }
0x422: {  	_ =	swait.ge @!p0 [sflag:s0], $0x2000  }
0x423: {  	s2 =	sshll.u32 @!p0 s30, $0x8;
	[sflag:s0] =	ssyncset.done @!p0 $0x0  }
0x424: {  	[sflag:s0] =	ssyncadd.s32 @!p0 $0xFFFFE000;
	s0 =	sand.u32 @!p0 $0x3FFFFF00, s2  }
0x425: {  	s5 =	simm.s32 @!p0 $0x1900;
	s2 =	simm.s32 @!p0 $0x80;
	s0 =	sadd.s32 @!p0 $0x100, s0  }
0x426: {  	[tilespmem:s5], [sflag:$0x1] =	stream.indirect.gather @!p0 [hbm4b:s4+s2], $0x40, s0, s2, $0xb8;
	[tilespmem:$0xAB00] =	vst v63  }
0x427: {  	_ =	swait.ge [sflag:s23], $0x2000  }
0x428: {  	s8 =	sshll.u32 s31, $0x6;
	[sflag:s23] =	ssyncset.done $0x0  }
0x429: {  	s0 =	sand.u32 $0x3FFFFFC0, s8;
	[sflag:s23] =	ssyncadd.s32 $0xFFFFE000  }
0x42a: {  	s15 =	simm.s32 $0x3;
	s5 =	simm.s32 $0x39F0;
	v9 =	vld [tilespmem:s0+$0x9D00]  }
0x42b: {  	v4 =	vmov s15;
	v7 =	vld [tilespmem:s5+$0xFFFFFFD0]  }
0x42c: {  	v13 =	vand.u32 $0x7F, v4  }
0x42d: {  	s6 =	simm.s32 $0x0;
	v8 =	vadd.s32 v0, v13;
	v6 =	vld [tilespmem:s0+$0x9D10]  }
0x42e: {  	s15 =	simm.s32 $0x2;
	v4 =	vmov s6;
	s8 =	simm.s32 $0x1;
	v10 =	vld [tilespmem:s5+$0xFFFFFF10]  }
0x42f: {  	v14 =	vmov s15;
	v12 =	vand.u32 $0x7C, v4;
	v4 =	vmov s8;
	v11 =	vld [tilespmem:s5+$0xFFFFFF50]  }
0x430: {  	v15 =	vadd.s32 v0, v12;
	v19 =	vand.u32 $0x7D, v4;
	v16 =	vld [tilespmem:s5+$0xFFFFFF90];
	v7 =	vadd.f32 v7, v9  }
0x431: {  	v20 =	vand.u32 $0x7E, v14;
	v17 =	vadd.s32 v0, v19;
	v5 =	vld [tilespmem:s0+$0x9D20]  }
0x432: {  	v14 =	vadd.s32 v0, v20;
	v4 =	vld [tilespmem:s0+$0x9D30];
	[tilespmem:v8+s24+$0x0] =	vst.idx.msk $0xffff, v7  }
0x433: {  	v7 =	vadd.f32 v10, v9;
	v8 =	vld [tilespmem:s5+$0xFFFFFFE0]  }
0x434: {  	v10 =	vadd.f32 v11, v9  }
0x435: {  	v11 =	vadd.s32 v1, v13;
	[tilespmem:v15+s24+$0x0] =	vst.idx.msk $0xffff, v7;
	v7 =	vadd.f32 v16, v9  }
0x436: {  	[tilespmem:v17+s24+$0x0] =	vst.idx.msk $0xffff, v10;
	v15 =	vld [tilespmem:s5+$0xFFFFFF20]  }
0x437: {  	v10 =	vld [tilespmem:s5+$0xFFFFFF60];
	[tilespmem:v14+s24+$0x0] =	vst.idx.msk $0xffff, v7  }
0x438: {  	v14 =	vld [tilespmem:s5+$0xFFFFFFA0];
	v7 =	vadd.f32 v8, v6  }
0x439: {  	s8 =	simm.s32 $0x7;
	s0 =	simm.s32 $0x3AF0;
	v16 =	vadd.s32 v1, v19  }
0x43a: {  	s6 =	simm.s32 $0x4;
	v26 =	vadd.s32 v2, v13;
	v18 =	vld [tilespmem:s0+$0xFFFFFFD0];
	v17 =	vadd.s32 v1, v20;
	[tilespmem:v11+s24+$0x0] =	vst.idx.msk $0xffff, v7;
	v7 =	vmov s8  }
0x43b: {  	v21 =	vadd.s32 v1, v12;
	v8 =	vmov s6;
	v7 =	vand.u32 $0x7F, v7;
	v22 =	vld [tilespmem:s5+$0xFFFFFFF0]  }
0x43c: {  	s15 =	simm.s32 $0x5;
	v23 =	vld [tilespmem:s0+$0xFFFFFF10];
	v8 =	vand.u32 $0x7C, v8;
	v10 =	vadd.f32 v10, v6;
	v24 =	vadd.s32 v0, v7  }
0x43d: {  	v25 =	vld [tilespmem:s0+$0xFFFFFF50];
	s6 =	simm.s32 $0x6;
	v15 =	vadd.f32 v15, v6;
	v11 =	vadd.f32 v14, v6;
	v14 =	vmov s15  }
0x43e: {  	v27 =	vadd.s32 v0, v8;
	[tilespmem:v16+s24+$0x0] =	vst.idx.msk $0xffff, v10;
	v16 =	vmov s6;
	v10 =	vand.u32 $0x7D, v14;
	v14 =	vld [tilespmem:s0+$0xFFFFFF90]  }
0x43f: {  	[tilespmem:v17+s24+$0x0] =	vst.idx.msk $0xffff, v11;
	v17 =	vadd.s32 v0, v10;
	v11 =	vand.u32 $0x7E, v16;
	v16 =	vadd.f32 v18, v9;
	v18 =	vld [tilespmem:s5+$0xFFFFFF70]  }
0x440: {  	[tilespmem:v21+s24+$0x0] =	vst.idx.msk $0xffff, v15;
	v15 =	vadd.s32 v0, v11;
	v21 =	vld [tilespmem:s5+$0xFFFFFFB0];
	v22 =	vadd.f32 v22, v5  }
0x441: {  	v23 =	vadd.f32 v23, v9;
	[tilespmem:v24+s24+$0x0] =	vst.idx.msk $0xffff, v16;
	v16 =	vld [tilespmem:s5+$0xFFFFFF30];
	v24 =	vadd.s32 v2, v19  }
0x442: {  	v29 =	vadd.s32 v2, v20;
	v25 =	vadd.f32 v25, v9;
	v28 =	vld [tilespmem:s0+$0xFFFFFFE0];
	[tilespmem:v26+s24+$0x0] =	vst.idx.msk $0xffff, v22  }
0x443: {  	[tilespmem:v27+s24+$0x0] =	vst.idx.msk $0xffff, v23;
	v23 =	vadd.s32 v2, v12;
	v14 =	vadd.f32 v14, v9;
	v26 =	vld [tilespmem:s5+$0x0]  }
0x444: {  	v27 =	vld [tilespmem:s0+$0xFFFFFF20];
	[tilespmem:v17+s24+$0x0] =	vst.idx.msk $0xffff, v25;
	v25 =	vadd.s32 v1, v7;
	v18 =	vadd.f32 v18, v5  }
0x445: {  	v31 =	vadd.s32 v3, v13;
	v30 =	vld [tilespmem:s0+$0xFFFFFF60];
	[tilespmem:v15+s24+$0x0] =	vst.idx.msk $0xffff, v14;
	v14 =	vadd.f32 v21, v5  }
0x446: {  	v22 =	vadd.s32 v1, v8;
	v17 =	vld [tilespmem:s0+$0xFFFFFFA0];
	v13 =	vadd.f32 v16, v5;
	[tilespmem:v24+s24+$0x0] =	vst.idx.msk $0xffff, v18  }
0x447: {  	s15 =	simm.s32 $0x8;
	v21 =	vadd.s32 v1, v10;
	[tilespmem:v29+s24+$0x0] =	vst.idx.msk $0xffff, v14;
	v18 =	vadd.f32 v28, v6;
	v16 =	vld [tilespmem:s5+$0xFFFFFF80]  }
0x448: {  	v24 =	vmov s15;
	v14 =	vadd.s32 v1, v11;
	v15 =	vld [tilespmem:s5+$0xFFFFFFC0];
	[tilespmem:v23+s24+$0x0] =	vst.idx.msk $0xffff, v13;
	v63 =	vadd.f32 v26, v4  }
0x449: {  	s2 =	simm.s32 $0x3BF0;
	s8 =	simm.s32 $0xB;
	v19 =	vadd.s32 v3, v19;
	v13 =	vand.u32 $0x7C, v24;
	v24 =	vadd.f32 v27, v6;
	[tilespmem:v25+s24+$0x0] =	vst.idx.msk $0xffff, v18;
	v18 =	vld [tilespmem:s5+$0xFFFFFF40]  }
0x44a: {  	v20 =	vadd.s32 v3, v20;
	v26 =	vmov s8;
	v23 =	vld [tilespmem:s2+$0xFFFFFFD0];
	s5 =	simm.s32 $0xC;
	v25 =	vadd.f32 v30, v6;
	[tilespmem:v31+s24+$0x0] =	vst.idx.msk $0xffff, v63  }
.LBB2_37:
0x44b: {  	p0 =	slt.u32 s5, $0x7C;
	s6 =	sadd.s32 $0x1, s15;
	v26 =	vand.u32 $0x7F, v26;
	[tilespmem:v22+s24+$0x0] =	vst.idx.msk $0xffff, v24;
	v17 =	vadd.f32 v17, v6;
	v22 =	vld [tilespmem:s0+$0xFFFFFFF0];
	v24 =	vadd.s32 v3, v12  }
0x44c: {  	v30 =	vmovc v11;
	v27 =	vld [tilespmem:s2+$0xFFFFFF10];
	v28 =	vmov s6;
	s6 =	sadd.s32 $0x2, s15;
	v29 =	vadd.s32 v0, v26;
	[tilespmem:v21+s24+$0x0] =	vst.idx.msk $0xffff, v25;
	v16 =	vadd.f32 v16, v4;
	s15 =	smov.u32 s5  }
0x44d: {  	v12 =	vmovc v8;
	v21 =	vld [tilespmem:s2+$0xFFFFFF50];
	v11 =	vmov s6;
	[tilespmem:v14+s24+$0x0] =	vst.idx.msk $0xffff, v17;
	v14 =	vadd.s32 v2, v7;
	v15 =	vadd.f32 v15, v4  }
0x44e: {  	v17 =	vadd.s32 v0, v13;
	v28 =	vand.u32 $0x7D, v28;
	v25 =	vld [tilespmem:s2+$0xFFFFFF90];
	v31 =	vadd.f32 v18, v4;
	[tilespmem:v19+s24+$0x0] =	vst.idx.msk $0xffff, v16  }
0x44f: {  	v16 =	vadd.s32 v0, v28;
	v11 =	vand.u32 $0x7E, v11;
	v18 =	vadd.f32 v23, v9;
	v19 =	vld [tilespmem:s0+$0xFFFFFF70];
	[tilespmem:v20+s24+$0x0] =	vst.idx.msk $0xffff, v15  }
0x450: {  	v8 =	vmov v13;
	v15 =	vadd.s32 v0, v11;
	v20 =	vld [tilespmem:s0+$0xFFFFFFB0];
	v22 =	vadd.f32 v22, v5;
	[tilespmem:v24+s24+$0x0] =	vst.idx.msk $0xffff, v31  }
0x451: {  	v23 =	vadd.s32 v2, v10;
	v13 =	vadd.f32 v27, v9;
	[tilespmem:v29+s24+$0x0] =	vst.idx.msk $0xffff, v18;
	v18 =	vld [tilespmem:s0+$0xFFFFFF30]  }
0x452: {  	v27 =	vadd.s32 v2, v30;
	v21 =	vadd.f32 v21, v9;
	v24 =	vld [tilespmem:s2+$0xFFFFFFE0];
	[tilespmem:v14+s24+$0x0] =	vst.idx.msk $0xffff, v22  }
0x453: {  	[tilespmem:v17+s24+$0x0] =	vst.idx.msk $0xffff, v13;
	v13 =	vadd.f32 v25, v9;
	v25 =	vadd.s32 v2, v12;
	v29 =	vld [tilespmem:s0+$0x0]  }
0x454: {  	v32 =	vadd.s32 v1, v26;
	v31 =	vld [tilespmem:s2+$0xFFFFFF20];
	[tilespmem:v16+s24+$0x0] =	vst.idx.msk $0xffff, v21;
	v14 =	vadd.f32 v19, v5  }
0x455: {  	v34 =	vadd.s32 v3, v7;
	v7 =	vmov v26;
	v33 =	vld [tilespmem:s2+$0xFFFFFF60];
	[tilespmem:v15+s24+$0x0] =	vst.idx.msk $0xffff, v13;
	v13 =	vadd.f32 v20, v5  }
.Ltmp17:
0x456: {  	v22 =	vadd.s32 v1, v8;
	v17 =	vld [tilespmem:s2+$0xFFFFFFA0];
	v15 =	vadd.f32 v18, v5;
	[tilespmem:v23+s24+$0x0] =	vst.idx.msk $0xffff, v14;
	(pc) =	sbr.rel @p0 .LBB2_37-.Ltmp17, $4  }
0x457: {  	v21 =	vadd.s32 v1, v28;
	v18 =	vadd.f32 v24, v6;
	v16 =	vld [tilespmem:s0+$0xFFFFFF80];
	[tilespmem:v27+s24+$0x0] =	vst.idx.msk $0xffff, v13  }
0x458: {  	v14 =	vadd.s32 v1, v11;
	v13 =	vmov s5;
	[tilespmem:v25+s24+$0x0] =	vst.idx.msk $0xffff, v15;
	v15 =	vld [tilespmem:s0+$0xFFFFFFC0];
	v27 =	vadd.f32 v29, v4  }
0x459: {  	s6 =	sadd.s32 $0x3, s5;
	v19 =	vadd.s32 v3, v10;
	v13 =	vand.u32 $0x7C, v13;
	v24 =	vadd.f32 v31, v6;
	[tilespmem:v32+s24+$0x0] =	vst.idx.msk $0xffff, v18;
	v18 =	vld [tilespmem:s0+$0xFFFFFF40];
	s0 =	smov.u32 s2;
	s2 =	sadd.s32 $0x100, s2  }
0x45a: {  	v26 =	vmov s6;
	v10 =	vmovc v28;
	v20 =	vadd.s32 v3, v30;
	s5 =	sadd.s32 $0x4, s5;
	v23 =	vld [tilespmem:s2+$0xFFFFFFD0];
	v25 =	vadd.f32 v33, v6;
	[tilespmem:v34+s24+$0x0] =	vst.idx.msk $0xffff, v27  }
0x45b: {  	s5 =	sadd.s32 $0x1, s15  }
0x45c: {  	v26 =	vand.u32 $0x7F, v26;
	s15 =	sadd.s32 $0x2, s15;
	v28 =	vld [tilespmem:s2+$0xFFFFFF50];
	v27 =	vmov s5  }
0x45d: {  	v31 =	vld [tilespmem:s2+$0xFFFFFF90];
	v29 =	vadd.s32 v0, v26;
	v30 =	vmov s15;
	v27 =	vand.u32 $0x7D, v27  }
0x45e: {  	v32 =	vld [tilespmem:s2+$0xFFFFFF10];
	v30 =	vand.u32 $0x7E, v30;
	v33 =	vadd.s32 v0, v27  }
0x45f: {  	v34 =	vadd.s32 v0, v30  }
0x460: {  	[tilespmem:v22+s24+$0x0] =	vst.idx.msk $0xffff, v24;
	v44 =	vadd.s32 v0, v13;
	v23 =	vadd.f32 v23, v9  }
0x461: {  	[tilespmem:v21+s24+$0x0] =	vst.idx.msk $0xffff, v25;
	v45 =	vadd.f32 v28, v9  }
0x462: {  	v46 =	vadd.f32 v31, v9;
	[tilespmem:v29+s24+$0x0] =	vst.idx.msk $0xffff, v23  }
0x463: {  	v47 =	vadd.f32 v32, v9;
	v48 =	vld [tilespmem:s2+$0xFFFFFFE0];
	[tilespmem:v33+s24+$0x0] =	vst.idx.msk $0xffff, v45  }
0x464: {  	v17 =	vadd.f32 v17, v6;
	v12 =	vadd.s32 v3, v12;
	[tilespmem:v34+s24+$0x0] =	vst.idx.msk $0xffff, v46;
	v21 =	vld [tilespmem:s2+$0xFFFFFF60]  }
0x465: {  	v16 =	vadd.f32 v16, v4;
	v49 =	vadd.s32 v1, v26;
	[tilespmem:v44+s24+$0x0] =	vst.idx.msk $0xffff, v47;
	v50 =	vld [tilespmem:s2+$0xFFFFFFA0]  }
0x466: {  	[tilespmem:v14+s24+$0x0] =	vst.idx.msk $0xffff, v17;
	v51 =	vadd.f32 v15, v4;
	v53 =	vadd.s32 v1, v27;
	v52 =	vld [tilespmem:s2+$0xFFFFFF20]  }
0x467: {  	v54 =	vld [tilespmem:s0+$0xFFFFFFF0];
	v18 =	vadd.f32 v18, v4;
	[tilespmem:v19+s24+$0x0] =	vst.idx.msk $0xffff, v16;
	v55 =	vadd.s32 v1, v30  }
0x468: {  	v57 =	vadd.s32 v1, v13;
	v60 =	vld [tilespmem:s0+$0xFFFFFFB0];
	[tilespmem:v20+s24+$0x0] =	vst.idx.msk $0xffff, v51;
	v58 =	vadd.f32 v48, v6  }
0x469: {  	v59 =	vadd.s32 v2, v7;
	v56 =	vld [tilespmem:s0+$0xFFFFFF70];
	[tilespmem:v12+s24+$0x0] =	vst.idx.msk $0xffff, v18;
	v61 =	vadd.f32 v21, v6  }
0x46a: {  	v62 =	vld [tilespmem:s0+$0xFFFFFF30];
	v29 =	vadd.s32 v2, v11;
	[tilespmem:v49+s24+$0x0] =	vst.idx.msk $0xffff, v58;
	v28 =	vadd.f32 v50, v6  }
0x46b: {  	v63 =	vadd.s32 v2, v10;
	v31 =	vadd.f32 v52, v6;
	v32 =	vld [tilespmem:s2+$0xFFFFFFF0];
	[tilespmem:v53+s24+$0x0] =	vst.idx.msk $0xffff, v61  }
0x46c: {  	v33 =	vadd.f32 v54, v5;
	v34 =	vadd.s32 v2, v8;
	[tilespmem:v55+s24+$0x0] =	vst.idx.msk $0xffff, v28;
	v35 =	vld [tilespmem:s2+$0xFFFFFF70]  }
0x46d: {  	v37 =	vadd.s32 v2, v26;
	v39 =	vadd.f32 v60, v5;
	[tilespmem:v57+s24+$0x0] =	vst.idx.msk $0xffff, v31;
	v38 =	vld [tilespmem:s2+$0xFFFFFFB0]  }
0x46e: {  	v41 =	vadd.s32 v2, v27;
	v36 =	vadd.f32 v56, v5;
	[tilespmem:v59+s24+$0x0] =	vst.idx.msk $0xffff, v33;
	v40 =	vld [tilespmem:s2+$0xFFFFFF30]  }
0x46f: {  	v43 =	vadd.s32 v2, v30;
	v18 =	vadd.f32 v62, v5;
	v42 =	vld [tilespmem:s0+$0x0];
	[tilespmem:v29+s24+$0x0] =	vst.idx.msk $0xffff, v39  }
0x470: {  	v45 =	vadd.s32 v2, v13;
	[tilespmem:v63+s24+$0x0] =	vst.idx.msk $0xffff, v36;
	v47 =	vld [tilespmem:s0+$0xFFFFFFC0];
	v44 =	vadd.f32 v32, v5  }
0x471: {  	v46 =	vadd.s32 v3, v7;
	[tilespmem:v34+s24+$0x0] =	vst.idx.msk $0xffff, v18;
	v21 =	vld [tilespmem:s0+$0xFFFFFF80];
	v9 =	vadd.f32 v35, v5  }
0x472: {  	v18 =	vld [tilespmem:s0+$0xFFFFFF40];
	v50 =	vadd.s32 v3, v11;
	[tilespmem:v37+s24+$0x0] =	vst.idx.msk $0xffff, v44;
	v49 =	vadd.f32 v38, v5  }
0x473: {  	v48 =	vadd.s32 v3, v10;
	v5 =	vadd.f32 v40, v5;
	v12 =	vld [tilespmem:s2+$0x0];
	[tilespmem:v41+s24+$0x0] =	vst.idx.msk $0xffff, v9  }
0x474: {  	v52 =	vadd.s32 v3, v8;
	v51 =	vadd.f32 v42, v4;
	[tilespmem:v43+s24+$0x0] =	vst.idx.msk $0xffff, v49;
	v53 =	vld [tilespmem:s2+$0xFFFFFF80]  }
0x475: {  	v55 =	vadd.s32 v3, v26;
	v56 =	vadd.f32 v47, v4;
	[tilespmem:v45+s24+$0x0] =	vst.idx.msk $0xffff, v5;
	v5 =	vld [tilespmem:s2+$0xFFFFFFC0]  }
0x476: {  	v58 =	vadd.s32 v3, v27;
	[tilespmem:v46+s24+$0x0] =	vst.idx.msk $0xffff, v51;
	v54 =	vadd.f32 v21, v4;
	v57 =	vld [tilespmem:s2+$0xFFFFFF40]  }
0x477: {  	v60 =	vadd.s32 v3, v30;
	v59 =	vadd.f32 v18, v4;
	[tilespmem:v50+s24+$0x0] =	vst.idx.msk $0xffff, v56  }
0x478: {  	v62 =	vadd.s32 v3, v13;
	[tilespmem:v48+s24+$0x0] =	vst.idx.msk $0xffff, v54;
	v61 =	vadd.f32 v12, v4  }
0x479: {  	[tilespmem:v52+s24+$0x0] =	vst.idx.msk $0xffff, v59;
	v63 =	vadd.f32 v53, v4  }
0x47a: {  	s2 =	sshll.u32 s31, $0x14;
	[tilespmem:v55+s24+$0x0] =	vst.idx.msk $0xffff, v61;
	v5 =	vadd.f32 v5, v4  }
0x47b: {  	s0 =	sor.u32 s13, s2;
	v4 =	vadd.f32 v57, v4;
	[tilespmem:v58+s24+$0x0] =	vst.idx.msk $0xffff, v63  }
0x47c: {  	s0 =	sshrl.u32 s0, $0x3;
	[tilespmem:v60+s24+$0x0] =	vst.idx.msk $0xffff, v5  }
0x47d: {  	s5 =	simm.s32 $0x7B00;
	s2 =	sadd.s32 s1, s0;
	[tilespmem:v62+s24+$0x0] =	vst.idx.msk $0xffff, v4  }
0x47e: {  	[hbm4b:s2+s3] =	stream.linear.scatter [tilespmem:s5], [sflag:$0x4], $0x80, $0x38;
	[tilespmem:$0xAB00] =	vst v63  }
0x47f: {  	s6 =	simm.s32 $0x7B88;
	s8 =	sadd.s32 $0x10, s2  }
0x480: {  	[hbm4b:s8+s3] =	stream.linear.scatter [tilespmem:s6], [sflag:$0x4], $0x80, $0x38;
	[tilespmem:$0xAB00] =	vst v63  }
0x481: {  	s15 =	simm.s32 $0x7C10;
	s31 =	sadd.s32 $0x20, s2  }
0x482: {  	[hbm4b:s31+s3] =	stream.linear.scatter [tilespmem:s15], [sflag:$0x4], $0x80, $0x38;
	[tilespmem:$0xAB00] =	vst v63  }
0x483: {  	s6 =	simm.s32 $0x7C98;
	s8 =	sadd.s32 $0x30, s2  }
0x484: {  	[hbm4b:s8+s3] =	stream.linear.scatter [tilespmem:s6], [sflag:$0x4], $0x80, $0x38;
	[tilespmem:$0xAB00] =	vst v63  }
0x485: {  	s15 =	simm.s32 $0x7D20;
	s31 =	sadd.s32 $0x40, s2  }
0x486: {  	[hbm4b:s31+s3] =	stream.linear.scatter [tilespmem:s15], [sflag:$0x4], $0x80, $0x38;
	[tilespmem:$0xAB00] =	vst v63  }
0x487: {  	s0 =	simm.s32 $0x440;
	s6 =	simm.s32 $0x7DA8;
	s8 =	sadd.s32 $0x50, s2  }
0x488: {  	[hbm4b:s8+s3] =	stream.linear.scatter [tilespmem:s6], [sflag:$0x4], $0x80, $0x38;
	[tilespmem:$0xAB00] =	vst v63  }
0x489: {  	s5 =	simm.s32 $0x2200;
	s15 =	simm.s32 $0x7E30;
	s31 =	sadd.s32 $0x60, s2  }
0x48a: {  	[hbm4b:s31+s3] =	stream.linear.scatter [tilespmem:s15], [sflag:$0x4], $0x80, $0x38;
	[tilespmem:$0xAB00] =	vst v63  }
0x48b: {  	s6 =	sadd.s32 $0x70, s2;
	s2 =	sadd.s32 $0x4000, s2;
	s15 =	simm.s32 $0x7EB8  }
.LBB2_39:
0x48c: {  	[hbm4b:s6+s3] =	stream.linear.scatter [tilespmem:s15], [sflag:$0x4], $0x80, $0x38;
	[tilespmem:$0xAB00] =	vst v63  }
0x48d: {  	s6 =	smov.u32 s0;
	s0 =	smov.u32 s5  }
0x48e: {  	s8 =	sadd.s32 $0x1100, s5;
	s0 =	sshra.s32 s0, $0x2;
	s15 =	sadd.s32 $0x7B00, s6  }
0x48f: {  	[hbm4b:s2+s3] =	stream.linear.scatter [tilespmem:s15], [sflag:$0x4], $0x80, $0x38;
	[tilespmem:$0xAB00] =	vst v63  }
0x490: {  	p0 =	sne.s32 s5, $0x7700;
	s5 =	sadd.s32 $0x7B88, s6;
	s15 =	sadd.s32 $0x10, s2  }
0x491: {  	[hbm4b:s15+s3] =	stream.linear.scatter [tilespmem:s5], [sflag:$0x4], $0x80, $0x38;
	[tilespmem:$0xAB00] =	vst v63  }
0x492: {  	s5 =	sadd.s32 $0x7C10, s6;
	s15 =	sadd.s32 $0x20, s2  }
0x493: {  	[hbm4b:s15+s3] =	stream.linear.scatter [tilespmem:s5], [sflag:$0x4], $0x80, $0x38;
	[tilespmem:$0xAB00] =	vst v63  }
0x494: {  	s5 =	sadd.s32 $0x7C98, s6;
	s15 =	sadd.s32 $0x30, s2  }
0x495: {  	[hbm4b:s15+s3] =	stream.linear.scatter [tilespmem:s5], [sflag:$0x4], $0x80, $0x38;
	[tilespmem:$0xAB00] =	vst v63  }
0x496: {  	s5 =	sadd.s32 $0x7D20, s6;
	s15 =	sadd.s32 $0x40, s2  }
0x497: {  	[hbm4b:s15+s3] =	stream.linear.scatter [tilespmem:s5], [sflag:$0x4], $0x80, $0x38;
	[tilespmem:$0xAB00] =	vst v63  }
0x498: {  	s5 =	sadd.s32 $0x7DA8, s6;
	s15 =	sadd.s32 $0x50, s2  }
0x499: {  	[hbm4b:s15+s3] =	stream.linear.scatter [tilespmem:s5], [sflag:$0x4], $0x80, $0x38;
	[tilespmem:$0xAB00] =	vst v63  }
.Ltmp18:
0x49a: {  	_ = 	snop;
	(pc) =	sbr.rel @p0 .LBB2_39-.Ltmp18, $4  }
0x49b: {  	s5 =	sadd.s32 $0x7E30, s6;
	s15 =	sadd.s32 $0x60, s2  }
0x49c: {  	[hbm4b:s15+s3] =	stream.linear.scatter [tilespmem:s5], [sflag:$0x4], $0x80, $0x38;
	[tilespmem:$0xAB00] =	vst v63  }
0x49d: {  	s15 =	sadd.s32 $0x7EB8, s6  }
0x49e: {  	s6 =	sadd.s32 $0x70, s2;
	s2 =	sadd.s32 $0x4000, s2;
	s5 =	smov.u32 s8  }
0x49f: {  	[hbm4b:s6+s3] =	stream.linear.scatter [tilespmem:s15], [sflag:$0x4], $0x80, $0x38;
	[tilespmem:$0xAB00] =	vst v63  }
0x4a0: {  	s5 =	sadd.s32 $0x7B00, s0  }
0x4a1: {  	[hbm4b:s2+s3] =	stream.linear.scatter [tilespmem:s5], [sflag:$0x4], $0x80, $0x38;
	[tilespmem:$0xAB00] =	vst v63  }
0x4a2: {  	s15 =	sadd.s32 $0x7B88, s0;
	s31 =	sadd.s32 $0x10, s2  }
0x4a3: {  	[hbm4b:s31+s3] =	stream.linear.scatter [tilespmem:s15], [sflag:$0x4], $0x80, $0x38;
	[tilespmem:$0xAB00] =	vst v63  }
0x4a4: {  	s6 =	sadd.s32 $0x7C10, s0;
	s8 =	sadd.s32 $0x20, s2  }
0x4a5: {  	[hbm4b:s8+s3] =	stream.linear.scatter [tilespmem:s6], [sflag:$0x4], $0x80, $0x38;
	[tilespmem:$0xAB00] =	vst v63  }
0x4a6: {  	s15 =	sadd.s32 $0x7C98, s0;
	s31 =	sadd.s32 $0x30, s2  }
0x4a7: {  	[hbm4b:s31+s3] =	stream.linear.scatter [tilespmem:s15], [sflag:$0x4], $0x80, $0x38;
	[tilespmem:$0xAB00] =	vst v63  }
0x4a8: {  	s30 =	sadd.s32 $0x1, s30;
	s6 =	sadd.s32 $0x7D20, s0;
	s8 =	sadd.s32 $0x40, s2  }
0x4a9: {  	[hbm4b:s8+s3] =	stream.linear.scatter [tilespmem:s6], [sflag:$0x4], $0x80, $0x38;
	[tilespmem:$0xAB00] =	vst v63  }
0x4aa: {  	p0 =	sne.s32 s30, $0x19;
	s15 =	sadd.s32 $0x7DA8, s0;
	s31 =	sadd.s32 $0x50, s2  }
0x4ab: {  	[hbm4b:s31+s3] =	stream.linear.scatter [tilespmem:s15], [sflag:$0x4], $0x80, $0x38;
	[tilespmem:$0xAB00] =	vst v63  }
.Ltmp19:
0x4ac: {  	_ = 	snop;
	(pc) =	sbr.rel @p0 .LBB2_32-.Ltmp19, $4  }
0x4ad: {  	s6 =	sadd.s32 $0x7E30, s0;
	s8 =	sadd.s32 $0x60, s2  }
0x4ae: {  	[hbm4b:s8+s3] =	stream.linear.scatter [tilespmem:s6], [sflag:$0x4], $0x80, $0x38;
	[tilespmem:$0xAB00] =	vst v63  }
0x4af: {  	s15 =	sadd.s32 $0x7EB8, s0;
	s31 =	sadd.s32 $0x70, s2  }
0x4b0: {  	[hbm4b:s31+s3] =	stream.linear.scatter [tilespmem:s15], [sflag:$0x4], $0x80, $0x38;
	[tilespmem:$0xAB00] =	vst v63  }
0x4b1: {  	s28 =	sadd.s32 $0x1, s28  }
0x4b2: {  	_ =	swait.ge [sflag:s25], $0x2000;
	p0 =	sne.s32 s28, s14  }
.Ltmp20:
0x4b3: {  	[sflag:s25] =	ssyncset.done $0x0;
	(pc) =	sbr.rel @p0 .LBB2_1-.Ltmp20, $4  }
0x4b4: {  	[sflag:s25] =	ssyncadd.s32 $0xFFFFE000  }
0x4b5: {  	_ =	swait.ge [sflag:s26], $0x2000  }
0x4b6: {  	[sflag:s26] =	ssyncset.done $0x0  }
0x4b7: {  	[sflag:s26] =	ssyncadd.s32 $0xFFFFE000  }
0x4b8: {  	_ =	sfence.sel $0x180000  }
0x4b9: {  	[bflag:$0x0] =	sbarrier.arrive $0xFFFF  }
0x4ba: {  	_ =	strace $0x90000047  }
0x4bb: {  	s0 =	stileid.u32;
	[bflag:$0x2] =	sbarrier.arrive $0xFFFF  }
0x4bc: {  	p0 =	sne.s32 s0, $0x0;
	s0 =	rddreg [dreg:$0x2]  }
0x4bd: {  	s0 =	sadd.s32 @!p0 $0x100000, s0  }
0x4be: {  	[sflag:s0] =	ssyncadd.tile.s32 @!p0 $0x1;
	_ =	shalt  }
.Lfunc_end2:
_tile_overlayer_lowered:
.L_overlay_start_2:
0x4bf: {  	(tag) =	ssettag $0x2  }
0x4c0: {  	s0 =	rddreg [dreg:$0x0];
	s2 =	stileid.u32  }
0x4c1: {  	s1 =	rddreg [dreg:$0x1];
	p0 =	sne.s32 s2, $0x0  }
0x4c2: {  	s3 =	rddreg [dreg:$0x2];
	[bflag:$0x3] =	sbarrier.arrive $0xFFFF;
	s2 =	simm.s32 @!p0 $0x1C05  }
0x4c3: {  	[timem:s3], [sflag:s2] =	dma.local @!p0 [hbm:s0], s1  }
0x4c4: {  	s0 =	simm.s32 @!p0 $0x5  }
0x4c5: {  	_ =	swait.ge @!p0 [sflag:s0], s1  }
0x4c6: {  	s1 =	ssub.s32 @!p0 $0x0, s1;
	[sflag:s0] =	ssyncset.done @!p0 $0x0  }
0x4c7: {  	[sflag:s0] =	ssyncadd.s32 @!p0 s1  }
0x4c8: {  	[bflag:$0x3] =	sbarrier.arrive $0xFFFF  }
0x4c9: {  	_ =	shalt  }

</sc_bundles>
